<compile_context>
chip_gen: v7x
topology: tpu7x:2x2x1
jax: 0.10.2.dev20260603
libtpu: 0.0.44.dev20260713+nightly
codegen_flags: <defaults>
</compile_context>

<pallas_src>
import functools

import numpy as np

import jax
import jax.numpy as jnp
from jax import lax
from jax.experimental import pallas as pl
from jax.experimental.pallas import tpu as pltpu
from jax.experimental.pallas import tpu_sc as plsc

N = 10000
E = 320000
D_IN, D_H, D_OUT = 128, 64, 128
EPS = 1e-5

NC = 2
NS = 16
TILES = NC * NS
CH = 128
CPT = 80
EPT = CPT * CH
E_PAD = TILES * EPT
RPT = 640
ACC_ROWS = NS * RPT

_mesh = plsc.VectorSubcoreMesh(core_axis_name="c", subcore_axis_name="s")



def _deg_body(dstf_hbm, out_hbm, dst_v, deg_v, red_v, sum_v, shared):
    cid = lax.axis_index("c")
    sid = lax.axis_index("s")
    wid = cid * NS + sid
    pltpu.sync_copy(dstf_hbm.at[wid], dst_v)

    zeros16 = jnp.zeros((16,), jnp.float32)
    ones16 = jnp.ones((16,), jnp.float32)

    def zero_body(i, c):
        deg_v[pl.ds(i * 16, 16)] = zeros16
        return c

    lax.fori_loop(0, ACC_ROWS // 16, zero_body, 0)

    def acc_body(i, c):
        idx = dst_v[pl.ds(i * 16, 16)]
        plsc.addupdate_scatter(deg_v, [idx], ones16)
        return c

    lax.fori_loop(0, EPT // 16, acc_body, 0)

    pltpu.sync_copy(deg_v, shared.at[sid])
    plsc.subcore_barrier()
    for t in range(NS):
        pltpu.sync_copy(shared.at[t, pl.ds(sid * RPT, RPT)], red_v.at[t])

    def red_body(v, c):
        a = red_v[0, pl.ds(v * 16, 16)]
        for t in range(1, NS):
            a = a + red_v[t, pl.ds(v * 16, 16)]
        sum_v[pl.ds(v * 16, 16)] = a
        return c

    lax.fori_loop(0, RPT // 16, red_body, 0)
    pltpu.sync_copy(sum_v, out_hbm.at[cid, pl.ds(sid * RPT, RPT)])


_deg_kernel = functools.partial(
    pl.kernel,
    out_type=jax.ShapeDtypeStruct((NC, ACC_ROWS), jnp.float32),
    mesh=_mesh,
    compiler_params=pltpu.CompilerParams(needs_layout_passes=False),
    scratch_types=[
        pltpu.VMEM((EPT,), jnp.int32),
        pltpu.VMEM((ACC_ROWS,), jnp.float32),
        pltpu.VMEM((NS, RPT), jnp.float32),
        pltpu.VMEM((RPT,), jnp.float32),
        pltpu.VMEM_SHARED((NS, ACC_ROWS), jnp.float32),
    ],
)(_deg_body)


NBUF = 4
NCHUNKS = E_PAD // CH


def _scat_body(src_hbm, dst_hbm, y_hbm, out_hbm,
               src_v, dst_v, rows0, rows1, rows2, rows3,
               acc, g0, g1, g2, g3):
    cid = lax.axis_index("c")
    sid = lax.axis_index("s")
    rows = (rows0, rows1, rows2, rows3)
    gsem = (g0, g1, g2, g3)

    zeros16 = jnp.zeros((16,), jnp.float32)

    def zero_body(r, c):
        for k in range(D_H // 16):
            rows0[r, pl.ds(k * 16, 16)] = zeros16
        return c

    lax.fori_loop(0, CH, zero_body, 0)
    for q in range(RPT // CH):
        pltpu.sync_copy(rows0, acc.at[pl.ds(sid * RPT + q * CH, CH)])

    base = (cid * NS + sid) * CPT
    pltpu.sync_copy(src_hbm.at[pl.ds(base, CPT)], src_v)
    pltpu.sync_copy(dst_hbm.at[pl.ds(base, CPT)], dst_v)

    plsc.subcore_barrier()

    for b in range(NBUF):
        pltpu.async_copy(y_hbm.at[src_v.at[b]], rows[b], gsem[b])

    def body(i, c):
        jb = i * NBUF
        for b in range(NBUF):
            pltpu.make_async_copy(y_hbm.at[src_v.at[jb + b]],
                                  rows[b], gsem[b]).wait()
            pltpu.sync_copy(rows[b], acc.at[dst_v.at[jb + b]], add=True)

            @pl.when(jb + b + NBUF < CPT)
            def _():
                pltpu.async_copy(y_hbm.at[src_v.at[jb + b + NBUF]],
                                 rows[b], gsem[b])
        return c

    lax.fori_loop(0, CPT // NBUF, body, 0)
    plsc.subcore_barrier()
    pltpu.sync_copy(acc.at[pl.ds(sid * RPT, RPT)],
                    out_hbm.at[cid, pl.ds(sid * RPT, RPT), pl.ds(0, D_H)])


_scatter = functools.partial(
    pl.kernel,
    out_type=jax.ShapeDtypeStruct((NC, ACC_ROWS, 2 * D_H), jnp.float32),
    mesh=_mesh,
    compiler_params=pltpu.CompilerParams(use_tc_tiling_on_sc=False),
    scratch_types=[
        pltpu.VMEM((CPT, CH), jnp.int32),
        pltpu.VMEM((CPT, CH), jnp.int32),
        pltpu.VMEM((CH, D_H), jnp.float32),
        pltpu.VMEM((CH, D_H), jnp.float32),
        pltpu.VMEM((CH, D_H), jnp.float32),
        pltpu.VMEM((CH, D_H), jnp.float32),
        pltpu.VMEM_SHARED((ACC_ROWS, D_H), jnp.float32),
        pltpu.SemaphoreType.DMA,
        pltpu.SemaphoreType.DMA,
        pltpu.SemaphoreType.DMA,
        pltpu.SemaphoreType.DMA,
    ],
)(_scat_body)


CPT3 = NCHUNKS // NS


def _scat3_body(srca_hbm, srcb_hbm, dst_hbm, y_hbm, out_hbm,
                src_v, dst_v, rows0, rows1, rows2, rows3,
                acc, g0, g1, g2, g3):
    cid = lax.axis_index("c")
    sid = lax.axis_index("s")
    rows = (rows0, rows1, rows2, rows3)
    gsem = (g0, g1, g2, g3)

    zeros16 = jnp.zeros((16,), jnp.float32)

    def zero_body(r, c):
        for k in range(D_H // 16):
            rows0[r, pl.ds(k * 16, 16)] = zeros16
        return c

    lax.fori_loop(0, CH, zero_body, 0)
    for q in range(RPT // CH):
        pltpu.sync_copy(rows0, acc.at[pl.ds(sid * RPT + q * CH, CH)])

    base = sid * CPT3

    @pl.when(cid == 0)
    def _():
        pltpu.sync_copy(srca_hbm.at[pl.ds(base, CPT3)], src_v)

    @pl.when(cid == 1)
    def _():
        pltpu.sync_copy(srcb_hbm.at[pl.ds(base, CPT3)], src_v)

    pltpu.sync_copy(dst_hbm.at[pl.ds(base, CPT3)], dst_v)
    plsc.subcore_barrier()

    for b in range(NBUF):
        pltpu.async_copy(y_hbm.at[src_v.at[b]], rows[b], gsem[b])

    def body(i, c):
        jb = i * NBUF
        for b in range(NBUF):
            pltpu.make_async_copy(y_hbm.at[src_v.at[jb + b]],
                                  rows[b], gsem[b]).wait()
            pltpu.sync_copy(rows[b], acc.at[dst_v.at[jb + b]], add=True)

            @pl.when(jb + b + NBUF < CPT3)
            def _():
                pltpu.async_copy(y_hbm.at[src_v.at[jb + b + NBUF]],
                                 rows[b], gsem[b])
        return c

    lax.fori_loop(0, CPT3 // NBUF, body, 0)
    plsc.subcore_barrier()
    pltpu.sync_copy(acc.at[pl.ds(sid * RPT, RPT)],
                    out_hbm.at[cid, pl.ds(sid * RPT, RPT), pl.ds(0, D_H)])


_scatter3 = functools.partial(
    pl.kernel,
    out_type=jax.ShapeDtypeStruct((NC, ACC_ROWS, 2 * D_H), jnp.float32),
    mesh=_mesh,
    compiler_params=pltpu.CompilerParams(use_tc_tiling_on_sc=False),
    scratch_types=[
        pltpu.VMEM((CPT3, CH), jnp.int32),
        pltpu.VMEM((CPT3, CH), jnp.int32),
        pltpu.VMEM((CH, D_H), jnp.float32),
        pltpu.VMEM((CH, D_H), jnp.float32),
        pltpu.VMEM((CH, D_H), jnp.float32),
        pltpu.VMEM((CH, D_H), jnp.float32),
        pltpu.VMEM_SHARED((ACC_ROWS, D_H), jnp.float32),
        pltpu.SemaphoreType.DMA,
        pltpu.SemaphoreType.DMA,
        pltpu.SemaphoreType.DMA,
        pltpu.SemaphoreType.DMA,
    ],
)(_scat3_body)



def _tc1_body(x_ref, wr_ref, br_ref, w1_ref, degp_ref,
              res_ref, y1_ref, dis_ref):
    x = x_ref[...]
    deg = degp_ref[:N, 0:1] + degp_ref[:N, 1:2] + 1.0
    dis = lax.rsqrt(deg)
    res_ref[...] = jnp.dot(x, wr_ref[...],
                           preferred_element_type=jnp.float32) + br_ref[...]
    y1 = jnp.dot(x, w1_ref[...], preferred_element_type=jnp.float32) * dis
    y1_ref[:, :D_H] = y1
    y1_ref[:, D_H:] = y1
    dis_ref[...] = dis


def _bn(h, g, be):
    mean = jnp.mean(h, axis=0, keepdims=True)
    d = h - mean
    var = jnp.mean(d * d, axis=0, keepdims=True)
    return d * lax.rsqrt(var + EPS) * g + be


def _tc2_body(p_ref, y_ref, dis_ref, b_ref, g_ref, be_ref, res_ref, w2_ref,
              h1_ref, y2_ref):
    dis = dis_ref[...]
    s = p_ref[0, :N, :D_H] + p_ref[1, :N, :D_H] + y_ref[:, :D_H]
    h = dis * s + b_ref[...]
    h1 = jnp.maximum(res_ref[...] + _bn(h, g_ref[...], be_ref[...]), 0.0)
    h1_ref[...] = h1
    y2 = jnp.dot(h1, w2_ref[...], preferred_element_type=jnp.float32) * dis
    y2_ref[:, :D_H] = y2
    y2_ref[:, D_H:] = y2


def _tc3_body(p_ref, y_ref, dis_ref, b_ref, g_ref, be_ref, res_ref,
              wr2_ref, br2_ref, w3_ref, res2_ref, y3_ref):
    dis = dis_ref[...]
    s = p_ref[0, :N, :D_H] + p_ref[1, :N, :D_H] + y_ref[:, :D_H]
    h = dis * s + b_ref[...]
    h2 = jnp.maximum(res_ref[...] + _bn(h, g_ref[...], be_ref[...]), 0.0)
    res2_ref[...] = jnp.dot(h2, wr2_ref[...],
                            preferred_element_type=jnp.float32) + br2_ref[...]
    y3_ref[...] = jnp.dot(h2, w3_ref[...],
                          preferred_element_type=jnp.float32) * dis


def _tc4_body(p_ref, y_ref, dis_ref, b_ref, g_ref, be_ref,
              res2_ref, out_ref):
    dis = dis_ref[...]
    sa = p_ref[0, :N, :D_H] + y_ref[:, :D_H]
    sb = p_ref[1, :N, :D_H] + y_ref[:, D_H:]
    s = jnp.concatenate([sa, sb], axis=1)
    h = dis * s + b_ref[...]
    z = res2_ref[...] + _bn(h, g_ref[...], be_ref[...])
    m = jnp.max(z, axis=1, keepdims=True)
    zs = z - m
    lse = jnp.log(jnp.sum(jnp.exp(zs), axis=1, keepdims=True))
    out_ref[...] = zs - lse


def _sds(shape):
    return jax.ShapeDtypeStruct(shape, jnp.float32)


_tc1 = pl.pallas_call(
    _tc1_body, out_shape=[_sds((N, D_H)), _sds((N, 2 * D_H)), _sds((N, 1))])
_tc2 = pl.pallas_call(
    _tc2_body, out_shape=[_sds((N, D_H)), _sds((N, 2 * D_H))])
_tc3 = pl.pallas_call(
    _tc3_body, out_shape=[_sds((N, D_OUT)), _sds((N, D_OUT))])
_tc4 = pl.pallas_call(_tc4_body, out_shape=_sds((N, D_OUT)))



def kernel(x, edge_index, W1, b1, W2, b2, W3, b3,
           g1, be1, g2, be2, g3, be3, Wr, br, Wr2, br2):
    src = edge_index[0]
    dst = edge_index[1]
    pad = E_PAD - E
    pad_src = jnp.asarray(np.arange(pad) % N, jnp.int32)
    pad_dst = jnp.asarray(N + np.arange(pad) % (ACC_ROWS - N), jnp.int32)
    src_f = jnp.concatenate([src, pad_src])
    srca_p = (2 * src_f).reshape(NCHUNKS, CH)
    srcb_p = (2 * src_f + 1).reshape(NCHUNKS, CH)
    dst_pf = jnp.concatenate([dst, pad_dst]).reshape(TILES, EPT)
    dst_p = dst_pf.reshape(NCHUNKS, CH)

    degp = jnp.transpose(_deg_kernel(dst_pf))

    res, y1, dis = _tc1(x, Wr, br.reshape(1, D_H), W1, degp)

    p1 = _scatter(srca_p, dst_p, y1.reshape(2 * N, D_H))
    h1, y2 = _tc2(p1, y1, dis, b1.reshape(1, D_H), g1.reshape(1, D_H),
                  be1.reshape(1, D_H), res, W2)

    p2 = _scatter(srca_p, dst_p, y2.reshape(2 * N, D_H))
    res2, y3 = _tc3(p2, y2, dis, b2.reshape(1, D_H), g2.reshape(1, D_H),
                    be2.reshape(1, D_H), h1, Wr2,
                    br2.reshape(1, D_OUT), W3)

    p3 = _scatter3(srca_p, srcb_p, dst_p, y3.reshape(2 * N, D_H))
    out = _tc4(p3, y3, dis, b3.reshape(1, D_OUT),
               g3.reshape(1, D_OUT), be3.reshape(1, D_OUT), res2)
    return out

# --- scband reference (transcript-rebuilt; emitter-appended) ---
"""Pipeline reference for scband-gcn-80075370267113 (READ-ONLY COPY).

The authoritative reference and input builder live on the scoring server;
editing this copy changes nothing except your own understanding.
"""

import jax, jax.numpy as jnp
import numpy as np

N = 10000
E = 320000
D_IN, D_H, D_OUT = 128, 64, 128
EPS = 1e-5


def gcn_conv(x, edge_index, W, b, n_nodes):
    # PyG GCNConv: linear transform, add self-loops, symmetric normalization, scatter-add
    xw = x @ W
    loop = jnp.arange(n_nodes, dtype=edge_index.dtype)
    src = jnp.concatenate([edge_index[0], loop])
    dst = jnp.concatenate([edge_index[1], loop])
    ones = jnp.ones(src.shape[0], dtype=x.dtype)
    deg = jax.ops.segment_sum(ones, dst, num_segments=n_nodes)
    dis = jnp.where(deg > 0, deg ** -0.5, 0.0)
    norm = dis[src] * dis[dst]
    msg = xw[src] * norm[:, None]
    out = jax.ops.segment_sum(msg, dst, num_segments=n_nodes)
    return out + b


def batch_norm(x, gamma, beta):
    # training-mode BatchNorm1d (batch statistics, biased variance)
    mean = jnp.mean(x, axis=0)
    var = jnp.var(x, axis=0)
    return (x - mean) / jnp.sqrt(var + EPS) * gamma + beta


def setup_inputs(seed: int = 0):
    key = jax.random.key(seed)
    ks = jax.random.split(key, 16)
    inp = {}
    inp["x"] = jax.random.normal(ks[0], (N, D_IN), dtype=jnp.float32)
    inp["edge_index"] = jax.random.randint(ks[1], (2, E), 0, N, dtype=jnp.int32)
    s_in = 1.0 / np.sqrt(D_IN)
    s_h = 1.0 / np.sqrt(D_H)
    inp["W1"] = jax.random.normal(ks[2], (D_IN, D_H), jnp.float32) * s_in
    inp["b1"] = jnp.zeros((D_H,), jnp.float32)
    inp["W2"] = jax.random.normal(ks[3], (D_H, D_H), jnp.float32) * s_h
    inp["b2"] = jnp.zeros((D_H,), jnp.float32)
    inp["W3"] = jax.random.normal(ks[4], (D_H, D_OUT), jnp.float32) * s_h
    inp["b3"] = jnp.zeros((D_OUT,), jnp.float32)
    inp["g1"] = jnp.ones((D_H,), jnp.float32)
    inp["be1"] = jnp.zeros((D_H,), jnp.float32)
    inp["g2"] = jnp.ones((D_H,), jnp.float32)
    inp["be2"] = jnp.zeros((D_H,), jnp.float32)
    inp["g3"] = jnp.ones((D_OUT,), jnp.float32)
    inp["be3"] = jnp.zeros((D_OUT,), jnp.float32)
    inp["Wr"] = jax.random.normal(ks[5], (D_IN, D_H), jnp.float32) * s_in
    inp["br"] = jnp.zeros((D_H,), jnp.float32)
    inp["Wr2"] = jax.random.normal(ks[6], (D_H, D_OUT), jnp.float32) * s_h
    inp["br2"] = jnp.zeros((D_OUT,), jnp.float32)
    return inp


def reference(x, edge_index, W1, b1, W2, b2, W3, b3, g1, be1, g2, be2, g3, be3, Wr, br, Wr2, br2):
    # dropout is identity (eval); batchnorm uses batch stats (training-mode math)
    res = x @ Wr + br
    h = gcn_conv(x, edge_index, W1, b1, N)
    h = batch_norm(h, g1, be1)
    h = jax.nn.relu(res + h)
    res = h
    h = gcn_conv(h, edge_index, W2, b2, N)
    h = batch_norm(h, g2, be2)
    h = jax.nn.relu(res + h)
    res2 = h @ Wr2 + br2
    h = gcn_conv(h, edge_index, W3, b3, N)
    h = batch_norm(h, g3, be3)
    return jax.nn.log_softmax(res2 + h, axis=1)

if __name__ == "__main__":
    import jax
    _d = setup_inputs()
    print(jax.jit(kernel)(*tuple(_d.values())))

</pallas_src>

<mosaic_0001>
#map = affine_map<(d0, d1) -> (0, 0)>
module attributes {stable_mosaic.version = 14 : i64} {
  func.func @_deg_body(%arg0: i32, %arg1: i32, %arg2: memref<32x10240xi32, #tpu.memory_space<hbm>>, %arg3: memref<2x10240xf32, #tpu.memory_space<hbm>>, %arg4: memref<10240xi32, #tpu.memory_space<vmem>>, %arg5: memref<10240xf32, #tpu.memory_space<vmem>>, %arg6: memref<16x640xf32, #tpu.memory_space<vmem>>, %arg7: memref<640xf32, #tpu.memory_space<vmem>>, %arg8: memref<16x10240xf32, #tpu.memory_space<vmem_shared>>) attributes {dimension_semantics = [#tpu.dimension_semantics<core_parallel>, #tpu.dimension_semantics<subcore_parallel>], iteration_bounds = array<i64: 2, 16>, scalar_prefetch = 0 : i64, scratch_operands = 5 : i64, tpu.core_type = #tpu.core_type<sc_vector_subcore>, window_params = [{transform_indices = #map}, {transform_indices = #map}]} {
    %mul3A = arith.constant 16 : i32
    %mul3A_0 = arith.muli %arg0, %mul3A : i32
    %add3A = arith.addi %mul3A_0, %arg1 : i32
    "tpu.region"() ({
      %run_scoped3A_86 = tpu.sem_alloc : memref<!tpu.dma_semaphore, #tpu.memory_space<semaphore_mem>>
      %dma_start3A = arith.constant 0 : i32
      %dma_start3A_87 = tpu.memref_slice %arg2[%add3A, %dma_start3A] : memref<32x10240xi32, #tpu.memory_space<hbm>> -> memref<1x10240xi32, #tpu.memory_space<hbm>>
      %dma_start3A_88 = tpu.memref_squeeze %dma_start3A_87 : memref<1x10240xi32, #tpu.memory_space<hbm>> -> memref<10240xi32, #tpu.memory_space<hbm>>
      %dma_start3A_89 = arith.constant 0 : i32
      %dma_start3A_90 = tpu.memref_slice %arg2[%add3A, %dma_start3A_89] : memref<32x10240xi32, #tpu.memory_space<hbm>> -> memref<1x10240xi32, #tpu.memory_space<hbm>>
      %dma_start3A_91 = tpu.memref_squeeze %dma_start3A_90 : memref<1x10240xi32, #tpu.memory_space<hbm>> -> memref<10240xi32, #tpu.memory_space<hbm>>
      tpu.enqueue_dma source(%dma_start3A_91 : memref<10240xi32, #tpu.memory_space<hbm>>) target(%arg4 : memref<10240xi32, #tpu.memory_space<vmem>>) target_semaphore(%run_scoped3A_86 : memref<!tpu.dma_semaphore, #tpu.memory_space<semaphore_mem>>)
      %dma_wait3A = arith.constant 0 : i32
      %dma_wait3A_92 = tpu.memref_slice %arg2[%add3A, %dma_wait3A] : memref<32x10240xi32, #tpu.memory_space<hbm>> -> memref<1x10240xi32, #tpu.memory_space<hbm>>
      %dma_wait3A_93 = tpu.memref_squeeze %dma_wait3A_92 : memref<1x10240xi32, #tpu.memory_space<hbm>> -> memref<10240xi32, #tpu.memory_space<hbm>>
      %dma_wait3A_94 = arith.constant 0 : i32
      %dma_wait3A_95 = tpu.memref_slice %arg2[%add3A, %dma_wait3A_94] : memref<32x10240xi32, #tpu.memory_space<hbm>> -> memref<1x10240xi32, #tpu.memory_space<hbm>>
      %dma_wait3A_96 = tpu.memref_squeeze %dma_wait3A_95 : memref<1x10240xi32, #tpu.memory_space<hbm>> -> memref<10240xi32, #tpu.memory_space<hbm>>
      tpu.wait_dma2 semaphore(%run_scoped3A_86 : memref<!tpu.dma_semaphore, #tpu.memory_space<semaphore_mem>>) src(%dma_wait3A_96 : memref<10240xi32, #tpu.memory_space<hbm>>) dst(%arg4 : memref<10240xi32, #tpu.memory_space<vmem>>)
      tpu.yield
    }) : () -> ()
    %broadcast_in_dim3A = arith.constant 0.000000e+00 : f32
    %broadcast_in_dim3A_1 = vector.broadcast %broadcast_in_dim3A : f32 to vector<16xf32>
    %broadcast_in_dim3A_2 = arith.constant 1.000000e+00 : f32
    %broadcast_in_dim3A_3 = vector.broadcast %broadcast_in_dim3A_2 : f32 to vector<16xf32>
    %scan3A = arith.constant 0 : i32
    %scan3A_4 = arith.constant 0 : i32
    %scan3A_5 = arith.constant 640 : i32
    %scan3A_6 = arith.addi %scan3A_4, %scan3A_5 : i32
    %scan3A_7 = arith.constant 1 : i32
    scf.for %scan3A_86 = %scan3A_4 to %scan3A_6 step %scan3A_7  : i32 {
      %mul3A_87 = arith.constant 16 : i32
      %mul3A_88 = arith.muli %scan3A_86, %mul3A_87 : i32
      %swap3A = arith.index_cast %mul3A_88 : i32 to index
      %swap3A_89 = tpu.vector_load %arg5[%swap3A] {strides = array<i32>} : memref<10240xf32, #tpu.memory_space<vmem>>, vector<16xf32>,
      tpu.vector_store %arg5[%swap3A], %broadcast_in_dim3A_1 {strides = array<i32>} : memref<10240xf32, #tpu.memory_space<vmem>>, vector<16xf32>,
    }
    %scan3A_8 = arith.constant 640 : i32
    %scan3A_9 = arith.constant 0 : i32
    %scan3A_10 = arith.constant 0 : i32
    %scan3A_11 = arith.constant 640 : i32
    %scan3A_12 = arith.addi %scan3A_10, %scan3A_11 : i32
    %scan3A_13 = arith.constant 1 : i32
    scf.for %scan3A_86 = %scan3A_10 to %scan3A_12 step %scan3A_13  : i32 {
      %mul3A_87 = arith.constant 16 : i32
      %mul3A_88 = arith.muli %scan3A_86, %mul3A_87 : i32
      %get3A = arith.index_cast %mul3A_88 : i32 to index
      %get3A_89 = tpu.vector_load %arg4[%get3A] {strides = array<i32>} : memref<10240xi32, #tpu.memory_space<vmem>>, vector<16xi32>,
      tpu.vector_store_idx %arg5[%get3A_89], %broadcast_in_dim3A_3 {add = true} : memref<10240xf32, #tpu.memory_space<vmem>>[vector<16xi32>], vector<16xf32>,
    }
    %scan3A_14 = arith.constant 640 : i32
    "tpu.region"() ({
      %run_scoped3A_86 = tpu.sem_alloc : memref<!tpu.dma_semaphore, #tpu.memory_space<semaphore_mem>>
      %dma_start3A = arith.constant 0 : i32
      %dma_start3A_87 = tpu.memref_slice %arg8[%arg1, %dma_start3A] : memref<16x10240xf32, #tpu.memory_space<vmem_shared>> -> memref<1x10240xf32, #tpu.memory_space<vmem_shared>>
      %dma_start3A_88 = tpu.memref_squeeze %dma_start3A_87 : memref<1x10240xf32, #tpu.memory_space<vmem_shared>> -> memref<10240xf32, #tpu.memory_space<vmem_shared>>
      %dma_start3A_89 = arith.constant 0 : i32
      %dma_start3A_90 = tpu.memref_slice %arg8[%arg1, %dma_start3A_89] : memref<16x10240xf32, #tpu.memory_space<vmem_shared>> -> memref<1x10240xf32, #tpu.memory_space<vmem_shared>>
      %dma_start3A_91 = tpu.memref_squeeze %dma_start3A_90 : memref<1x10240xf32, #tpu.memory_space<vmem_shared>> -> memref<10240xf32, #tpu.memory_space<vmem_shared>>
      tpu.enqueue_dma source(%arg5 : memref<10240xf32, #tpu.memory_space<vmem>>) target(%dma_start3A_91 : memref<10240xf32, #tpu.memory_space<vmem_shared>>) target_semaphore(%run_scoped3A_86 : memref<!tpu.dma_semaphore, #tpu.memory_space<semaphore_mem>>)
      %dma_wait3A = arith.constant 0 : i32
      %dma_wait3A_92 = tpu.memref_slice %arg8[%arg1, %dma_wait3A] : memref<16x10240xf32, #tpu.memory_space<vmem_shared>> -> memref<1x10240xf32, #tpu.memory_space<vmem_shared>>
      %dma_wait3A_93 = tpu.memref_squeeze %dma_wait3A_92 : memref<1x10240xf32, #tpu.memory_space<vmem_shared>> -> memref<10240xf32, #tpu.memory_space<vmem_shared>>
      %dma_wait3A_94 = arith.constant 0 : i32
      %dma_wait3A_95 = tpu.memref_slice %arg8[%arg1, %dma_wait3A_94] : memref<16x10240xf32, #tpu.memory_space<vmem_shared>> -> memref<1x10240xf32, #tpu.memory_space<vmem_shared>>
      %dma_wait3A_96 = tpu.memref_squeeze %dma_wait3A_95 : memref<1x10240xf32, #tpu.memory_space<vmem_shared>> -> memref<10240xf32, #tpu.memory_space<vmem_shared>>
      tpu.wait_dma2 semaphore(%run_scoped3A_86 : memref<!tpu.dma_semaphore, #tpu.memory_space<semaphore_mem>>) src(%arg5 : memref<10240xf32, #tpu.memory_space<vmem>>) dst(%dma_wait3A_96 : memref<10240xf32, #tpu.memory_space<vmem_shared>>)
      tpu.yield
    }) : () -> ()
    %barrier3A = arith.constant 0 : index
    tpu.barrier barrier_id(%barrier3A)
    %mul3A_15 = arith.constant 640 : i32
    %mul3A_16 = arith.muli %arg1, %mul3A_15 : i32
    %run_scoped3A = arith.constant 0 : i32
    %run_scoped3A_17 = arith.constant 0 : i32
    "tpu.region"() ({
      %run_scoped3A_86 = tpu.sem_alloc : memref<!tpu.dma_semaphore, #tpu.memory_space<semaphore_mem>>
      %dma_start3A = arith.constant 0 : i32
      %dma_start3A_87 = tpu.memref_slice %arg6[%run_scoped3A_17, %dma_start3A] : memref<16x640xf32, #tpu.memory_space<vmem>> -> memref<1x640xf32, #tpu.memory_space<vmem>>
      %dma_start3A_88 = tpu.memref_squeeze %dma_start3A_87 : memref<1x640xf32, #tpu.memory_space<vmem>> -> memref<640xf32, #tpu.memory_space<vmem>>
      %dma_start3A_89 = tpu.memref_slice %arg8[%run_scoped3A, %mul3A_16] : memref<16x10240xf32, #tpu.memory_space<vmem_shared>> -> memref<1x640xf32, #tpu.memory_space<vmem_shared>>
      %dma_start3A_90 = tpu.memref_squeeze %dma_start3A_89 : memref<1x640xf32, #tpu.memory_space<vmem_shared>> -> memref<640xf32, #tpu.memory_space<vmem_shared>>
      %dma_start3A_91 = arith.constant 0 : i32
      %dma_start3A_92 = tpu.memref_slice %arg6[%run_scoped3A_17, %dma_start3A_91] : memref<16x640xf32, #tpu.memory_space<vmem>> -> memref<1x640xf32, #tpu.memory_space<vmem>>
      %dma_start3A_93 = tpu.memref_squeeze %dma_start3A_92 : memref<1x640xf32, #tpu.memory_space<vmem>> -> memref<640xf32, #tpu.memory_space<vmem>>
      %dma_start3A_94 = tpu.memref_slice %arg8[%run_scoped3A, %mul3A_16] : memref<16x10240xf32, #tpu.memory_space<vmem_shared>> -> memref<1x640xf32, #tpu.memory_space<vmem_shared>>
      %dma_start3A_95 = tpu.memref_squeeze %dma_start3A_94 : memref<1x640xf32, #tpu.memory_space<vmem_shared>> -> memref<640xf32, #tpu.memory_space<vmem_shared>>
      tpu.enqueue_dma source(%dma_start3A_95 : memref<640xf32, #tpu.memory_space<vmem_shared>>) target(%dma_start3A_93 : memref<640xf32, #tpu.memory_space<vmem>>) target_semaphore(%run_scoped3A_86 : memref<!tpu.dma_semaphore, #tpu.memory_space<semaphore_mem>>)
      %dma_wait3A = arith.constant 0 : i32
      %dma_wait3A_96 = tpu.memref_slice %arg6[%run_scoped3A_17, %dma_wait3A] : memref<16x640xf32, #tpu.memory_space<vmem>> -> memref<1x640xf32, #tpu.memory_space<vmem>>
      %dma_wait3A_97 = tpu.memref_squeeze %dma_wait3A_96 : memref<1x640xf32, #tpu.memory_space<vmem>> -> memref<640xf32, #tpu.memory_space<vmem>>
      %dma_wait3A_98 = tpu.memref_slice %arg8[%run_scoped3A, %mul3A_16] : memref<16x10240xf32, #tpu.memory_space<vmem_shared>> -> memref<1x640xf32, #tpu.memory_space<vmem_shared>>
      %dma_wait3A_99 = tpu.memref_squeeze %dma_wait3A_98 : memref<1x640xf32, #tpu.memory_space<vmem_shared>> -> memref<640xf32, #tpu.memory_space<vmem_shared>>
      %dma_wait3A_100 = arith.constant 0 : i32
      %dma_wait3A_101 = tpu.memref_slice %arg6[%run_scoped3A_17, %dma_wait3A_100] : memref<16x640xf32, #tpu.memory_space<vmem>> -> memref<1x640xf32, #tpu.memory_space<vmem>>
      %dma_wait3A_102 = tpu.memref_squeeze %dma_wait3A_101 : memref<1x640xf32, #tpu.memory_space<vmem>> -> memref<640xf32, #tpu.memory_space<vmem>>
      %dma_wait3A_103 = tpu.memref_slice %arg8[%run_scoped3A, %mul3A_16] : memref<16x10240xf32, #tpu.memory_space<vmem_shared>> -> memref<1x640xf32, #tpu.memory_space<vmem_shared>>
      %dma_wait3A_104 = tpu.memref_squeeze %dma_wait3A_103 : memref<1x640xf32, #tpu.memory_space<vmem_shared>> -> memref<640xf32, #tpu.memory_space<vmem_shared>>
      tpu.wait_dma2 semaphore(%run_scoped3A_86 : memref<!tpu.dma_semaphore, #tpu.memory_space<semaphore_mem>>) src(%dma_wait3A_104 : memref<640xf32, #tpu.memory_space<vmem_shared>>) dst(%dma_wait3A_102 : memref<640xf32, #tpu.memory_space<vmem>>)
      tpu.yield
    }) : () -> ()
    %mul3A_18 = arith.constant 640 : i32
    %mul3A_19 = arith.muli %arg1, %mul3A_18 : i32
    %run_scoped3A_20 = arith.constant 1 : i32
    %run_scoped3A_21 = arith.constant 1 : i32
    "tpu.region"() ({
      %run_scoped3A_86 = tpu.sem_alloc : memref<!tpu.dma_semaphore, #tpu.memory_space<semaphore_mem>>
      %dma_start3A = arith.constant 0 : i32
      %dma_start3A_87 = tpu.memref_slice %arg6[%run_scoped3A_21, %dma_start3A] : memref<16x640xf32, #tpu.memory_space<vmem>> -> memref<1x640xf32, #tpu.memory_space<vmem>>
      %dma_start3A_88 = tpu.memref_squeeze %dma_start3A_87 : memref<1x640xf32, #tpu.memory_space<vmem>> -> memref<640xf32, #tpu.memory_space<vmem>>
      %dma_start3A_89 = tpu.memref_slice %arg8[%run_scoped3A_20, %mul3A_19] : memref<16x10240xf32, #tpu.memory_space<vmem_shared>> -> memref<1x640xf32, #tpu.memory_space<vmem_shared>>
      %dma_start3A_90 = tpu.memref_squeeze %dma_start3A_89 : memref<1x640xf32, #tpu.memory_space<vmem_shared>> -> memref<640xf32, #tpu.memory_space<vmem_shared>>
      %dma_start3A_91 = arith.constant 0 : i32
      %dma_start3A_92 = tpu.memref_slice %arg6[%run_scoped3A_21, %dma_start3A_91] : memref<16x640xf32, #tpu.memory_space<vmem>> -> memref<1x640xf32, #tpu.memory_space<vmem>>
      %dma_start3A_93 = tpu.memref_squeeze %dma_start3A_92 : memref<1x640xf32, #tpu.memory_space<vmem>> -> memref<640xf32, #tpu.memory_space<vmem>>
      %dma_start3A_94 = tpu.memref_slice %arg8[%run_scoped3A_20, %mul3A_19] : memref<16x10240xf32, #tpu.memory_space<vmem_shared>> -> memref<1x640xf32, #tpu.memory_space<vmem_shared>>
      %dma_start3A_95 = tpu.memref_squeeze %dma_start3A_94 : memref<1x640xf32, #tpu.memory_space<vmem_shared>> -> memref<640xf32, #tpu.memory_space<vmem_shared>>
      tpu.enqueue_dma source(%dma_start3A_95 : memref<640xf32, #tpu.memory_space<vmem_shared>>) target(%dma_start3A_93 : memref<640xf32, #tpu.memory_space<vmem>>) target_semaphore(%run_scoped3A_86 : memref<!tpu.dma_semaphore, #tpu.memory_space<semaphore_mem>>)
      %dma_wait3A = arith.constant 0 : i32
      %dma_wait3A_96 = tpu.memref_slice %arg6[%run_scoped3A_21, %dma_wait3A] : memref<16x640xf32, #tpu.memory_space<vmem>> -> memref<1x640xf32, #tpu.memory_space<vmem>>
      %dma_wait3A_97 = tpu.memref_squeeze %dma_wait3A_96 : memref<1x640xf32, #tpu.memory_space<vmem>> -> memref<640xf32, #tpu.memory_space<vmem>>
      %dma_wait3A_98 = tpu.memref_slice %arg8[%run_scoped3A_20, %mul3A_19] : memref<16x10240xf32, #tpu.memory_space<vmem_shared>> -> memref<1x640xf32, #tpu.memory_space<vmem_shared>>
      %dma_wait3A_99 = tpu.memref_squeeze %dma_wait3A_98 : memref<1x640xf32, #tpu.memory_space<vmem_shared>> -> memref<640xf32, #tpu.memory_space<vmem_shared>>
      %dma_wait3A_100 = arith.constant 0 : i32
      %dma_wait3A_101 = tpu.memref_slice %arg6[%run_scoped3A_21, %dma_wait3A_100] : memref<16x640xf32, #tpu.memory_space<vmem>> -> memref<1x640xf32, #tpu.memory_space<vmem>>
      %dma_wait3A_102 = tpu.memref_squeeze %dma_wait3A_101 : memref<1x640xf32, #tpu.memory_space<vmem>> -> memref<640xf32, #tpu.memory_space<vmem>>
      %dma_wait3A_103 = tpu.memref_slice %arg8[%run_scoped3A_20, %mul3A_19] : memref<16x10240xf32, #tpu.memory_space<vmem_shared>> -> memref<1x640xf32, #tpu.memory_space<vmem_shared>>
      %dma_wait3A_104 = tpu.memref_squeeze %dma_wait3A_103 : memref<1x640xf32, #tpu.memory_space<vmem_shared>> -> memref<640xf32, #tpu.memory_space<vmem_shared>>
      tpu.wait_dma2 semaphore(%run_scoped3A_86 : memref<!tpu.dma_semaphore, #tpu.memory_space<semaphore_mem>>) src(%dma_wait3A_104 : memref<640xf32, #tpu.memory_space<vmem_shared>>) dst(%dma_wait3A_102 : memref<640xf32, #tpu.memory_space<vmem>>)
      tpu.yield
    }) : () -> ()
    %mul3A_22 = arith.constant 640 : i32
    %mul3A_23 = arith.muli %arg1, %mul3A_22 : i32
    %run_scoped3A_24 = arith.constant 2 : i32
    %run_scoped3A_25 = arith.constant 2 : i32
    "tpu.region"() ({
      %run_scoped3A_86 = tpu.sem_alloc : memref<!tpu.dma_semaphore, #tpu.memory_space<semaphore_mem>>
      %dma_start3A = arith.constant 0 : i32
      %dma_start3A_87 = tpu.memref_slice %arg6[%run_scoped3A_25, %dma_start3A] : memref<16x640xf32, #tpu.memory_space<vmem>> -> memref<1x640xf32, #tpu.memory_space<vmem>>
      %dma_start3A_88 = tpu.memref_squeeze %dma_start3A_87 : memref<1x640xf32, #tpu.memory_space<vmem>> -> memref<640xf32, #tpu.memory_space<vmem>>
      %dma_start3A_89 = tpu.memref_slice %arg8[%run_scoped3A_24, %mul3A_23] : memref<16x10240xf32, #tpu.memory_space<vmem_shared>> -> memref<1x640xf32, #tpu.memory_space<vmem_shared>>
      %dma_start3A_90 = tpu.memref_squeeze %dma_start3A_89 : memref<1x640xf32, #tpu.memory_space<vmem_shared>> -> memref<640xf32, #tpu.memory_space<vmem_shared>>
      %dma_start3A_91 = arith.constant 0 : i32
      %dma_start3A_92 = tpu.memref_slice %arg6[%run_scoped3A_25, %dma_start3A_91] : memref<16x640xf32, #tpu.memory_space<vmem>> -> memref<1x640xf32, #tpu.memory_space<vmem>>
      %dma_start3A_93 = tpu.memref_squeeze %dma_start3A_92 : memref<1x640xf32, #tpu.memory_space<vmem>> -> memref<640xf32, #tpu.memory_space<vmem>>
      %dma_start3A_94 = tpu.memref_slice %arg8[%run_scoped3A_24, %mul3A_23] : memref<16x10240xf32, #tpu.memory_space<vmem_shared>> -> memref<1x640xf32, #tpu.memory_space<vmem_shared>>
      %dma_start3A_95 = tpu.memref_squeeze %dma_start3A_94 : memref<1x640xf32, #tpu.memory_space<vmem_shared>> -> memref<640xf32, #tpu.memory_space<vmem_shared>>
      tpu.enqueue_dma source(%dma_start3A_95 : memref<640xf32, #tpu.memory_space<vmem_shared>>) target(%dma_start3A_93 : memref<640xf32, #tpu.memory_space<vmem>>) target_semaphore(%run_scoped3A_86 : memref<!tpu.dma_semaphore, #tpu.memory_space<semaphore_mem>>)
      %dma_wait3A = arith.constant 0 : i32
      %dma_wait3A_96 = tpu.memref_slice %arg6[%run_scoped3A_25, %dma_wait3A] : memref<16x640xf32, #tpu.memory_space<vmem>> -> memref<1x640xf32, #tpu.memory_space<vmem>>
      %dma_wait3A_97 = tpu.memref_squeeze %dma_wait3A_96 : memref<1x640xf32, #tpu.memory_space<vmem>> -> memref<640xf32, #tpu.memory_space<vmem>>
      %dma_wait3A_98 = tpu.memref_slice %arg8[%run_scoped3A_24, %mul3A_23] : memref<16x10240xf32, #tpu.memory_space<vmem_shared>> -> memref<1x640xf32, #tpu.memory_space<vmem_shared>>
      %dma_wait3A_99 = tpu.memref_squeeze %dma_wait3A_98 : memref<1x640xf32, #tpu.memory_space<vmem_shared>> -> memref<640xf32, #tpu.memory_space<vmem_shared>>
      %dma_wait3A_100 = arith.constant 0 : i32
      %dma_wait3A_101 = tpu.memref_slice %arg6[%run_scoped3A_25, %dma_wait3A_100] : memref<16x640xf32, #tpu.memory_space<vmem>> -> memref<1x640xf32, #tpu.memory_space<vmem>>
      %dma_wait3A_102 = tpu.memref_squeeze %dma_wait3A_101 : memref<1x640xf32, #tpu.memory_space<vmem>> -> memref<640xf32, #tpu.memory_space<vmem>>
      %dma_wait3A_103 = tpu.memref_slice %arg8[%run_scoped3A_24, %mul3A_23] : memref<16x10240xf32, #tpu.memory_space<vmem_shared>> -> memref<1x640xf32, #tpu.memory_space<vmem_shared>>
      %dma_wait3A_104 = tpu.memref_squeeze %dma_wait3A_103 : memref<1x640xf32, #tpu.memory_space<vmem_shared>> -> memref<640xf32, #tpu.memory_space<vmem_shared>>
      tpu.wait_dma2 semaphore(%run_scoped3A_86 : memref<!tpu.dma_semaphore, #tpu.memory_space<semaphore_mem>>) src(%dma_wait3A_104 : memref<640xf32, #tpu.memory_space<vmem_shared>>) dst(%dma_wait3A_102 : memref<640xf32, #tpu.memory_space<vmem>>)
      tpu.yield
    }) : () -> ()
    %mul3A_26 = arith.constant 640 : i32
    %mul3A_27 = arith.muli %arg1, %mul3A_26 : i32
    %run_scoped3A_28 = arith.constant 3 : i32
    %run_scoped3A_29 = arith.constant 3 : i32
    "tpu.region"() ({
      %run_scoped3A_86 = tpu.sem_alloc : memref<!tpu.dma_semaphore, #tpu.memory_space<semaphore_mem>>
      %dma_start3A = arith.constant 0 : i32
      %dma_start3A_87 = tpu.memref_slice %arg6[%run_scoped3A_29, %dma_start3A] : memref<16x640xf32, #tpu.memory_space<vmem>> -> memref<1x640xf32, #tpu.memory_space<vmem>>
      %dma_start3A_88 = tpu.memref_squeeze %dma_start3A_87 : memref<1x640xf32, #tpu.memory_space<vmem>> -> memref<640xf32, #tpu.memory_space<vmem>>
      %dma_start3A_89 = tpu.memref_slice %arg8[%run_scoped3A_28, %mul3A_27] : memref<16x10240xf32, #tpu.memory_space<vmem_shared>> -> memref<1x640xf32, #tpu.memory_space<vmem_shared>>
      %dma_start3A_90 = tpu.memref_squeeze %dma_start3A_89 : memref<1x640xf32, #tpu.memory_space<vmem_shared>> -> memref<640xf32, #tpu.memory_space<vmem_shared>>
      %dma_start3A_91 = arith.constant 0 : i32
      %dma_start3A_92 = tpu.memref_slice %arg6[%run_scoped3A_29, %dma_start3A_91] : memref<16x640xf32, #tpu.memory_space<vmem>> -> memref<1x640xf32, #tpu.memory_space<vmem>>
      %dma_start3A_93 = tpu.memref_squeeze %dma_start3A_92 : memref<1x640xf32, #tpu.memory_space<vmem>> -> memref<640xf32, #tpu.memory_space<vmem>>
      %dma_start3A_94 = tpu.memref_slice %arg8[%run_scoped3A_28, %mul3A_27] : memref<16x10240xf32, #tpu.memory_space<vmem_shared>> -> memref<1x640xf32, #tpu.memory_space<vmem_shared>>
      %dma_start3A_95 = tpu.memref_squeeze %dma_start3A_94 : memref<1x640xf32, #tpu.memory_space<vmem_shared>> -> memref<640xf32, #tpu.memory_space<vmem_shared>>
      tpu.enqueue_dma source(%dma_start3A_95 : memref<640xf32, #tpu.memory_space<vmem_shared>>) target(%dma_start3A_93 : memref<640xf32, #tpu.memory_space<vmem>>) target_semaphore(%run_scoped3A_86 : memref<!tpu.dma_semaphore, #tpu.memory_space<semaphore_mem>>)
      %dma_wait3A = arith.constant 0 : i32
      %dma_wait3A_96 = tpu.memref_slice %arg6[%run_scoped3A_29, %dma_wait3A] : memref<16x640xf32, #tpu.memory_space<vmem>> -> memref<1x640xf32, #tpu.memory_space<vmem>>
      %dma_wait3A_97 = tpu.memref_squeeze %dma_wait3A_96 : memref<1x640xf32, #tpu.memory_space<vmem>> -> memref<640xf32, #tpu.memory_space<vmem>>
      %dma_wait3A_98 = tpu.memref_slice %arg8[%run_scoped3A_28, %mul3A_27] : memref<16x10240xf32, #tpu.memory_space<vmem_shared>> -> memref<1x640xf32, #tpu.memory_space<vmem_shared>>
      %dma_wait3A_99 = tpu.memref_squeeze %dma_wait3A_98 : memref<1x640xf32, #tpu.memory_space<vmem_shared>> -> memref<640xf32, #tpu.memory_space<vmem_shared>>
      %dma_wait3A_100 = arith.constant 0 : i32
      %dma_wait3A_101 = tpu.memref_slice %arg6[%run_scoped3A_29, %dma_wait3A_100] : memref<16x640xf32, #tpu.memory_space<vmem>> -> memref<1x640xf32, #tpu.memory_space<vmem>>
      %dma_wait3A_102 = tpu.memref_squeeze %dma_wait3A_101 : memref<1x640xf32, #tpu.memory_space<vmem>> -> memref<640xf32, #tpu.memory_space<vmem>>
      %dma_wait3A_103 = tpu.memref_slice %arg8[%run_scoped3A_28, %mul3A_27] : memref<16x10240xf32, #tpu.memory_space<vmem_shared>> -> memref<1x640xf32, #tpu.memory_space<vmem_shared>>
      %dma_wait3A_104 = tpu.memref_squeeze %dma_wait3A_103 : memref<1x640xf32, #tpu.memory_space<vmem_shared>> -> memref<640xf32, #tpu.memory_space<vmem_shared>>
      tpu.wait_dma2 semaphore(%run_scoped3A_86 : memref<!tpu.dma_semaphore, #tpu.memory_space<semaphore_mem>>) src(%dma_wait3A_104 : memref<640xf32, #tpu.memory_space<vmem_shared>>) dst(%dma_wait3A_102 : memref<640xf32, #tpu.memory_space<vmem>>)
      tpu.yield
    }) : () -> ()
    %mul3A_30 = arith.constant 640 : i32
    %mul3A_31 = arith.muli %arg1, %mul3A_30 : i32
    %run_scoped3A_32 = arith.constant 4 : i32
    %run_scoped3A_33 = arith.constant 4 : i32
    "tpu.region"() ({
      %run_scoped3A_86 = tpu.sem_alloc : memref<!tpu.dma_semaphore, #tpu.memory_space<semaphore_mem>>
      %dma_start3A = arith.constant 0 : i32
      %dma_start3A_87 = tpu.memref_slice %arg6[%run_scoped3A_33, %dma_start3A] : memref<16x640xf32, #tpu.memory_space<vmem>> -> memref<1x640xf32, #tpu.memory_space<vmem>>
      %dma_start3A_88 = tpu.memref_squeeze %dma_start3A_87 : memref<1x640xf32, #tpu.memory_space<vmem>> -> memref<640xf32, #tpu.memory_space<vmem>>
      %dma_start3A_89 = tpu.memref_slice %arg8[%run_scoped3A_32, %mul3A_31] : memref<16x10240xf32, #tpu.memory_space<vmem_shared>> -> memref<1x640xf32, #tpu.memory_space<vmem_shared>>
      %dma_start3A_90 = tpu.memref_squeeze %dma_start3A_89 : memref<1x640xf32, #tpu.memory_space<vmem_shared>> -> memref<640xf32, #tpu.memory_space<vmem_shared>>
      %dma_start3A_91 = arith.constant 0 : i32
      %dma_start3A_92 = tpu.memref_slice %arg6[%run_scoped3A_33, %dma_start3A_91] : memref<16x640xf32, #tpu.memory_space<vmem>> -> memref<1x640xf32, #tpu.memory_space<vmem>>
      %dma_start3A_93 = tpu.memref_squeeze %dma_start3A_92 : memref<1x640xf32, #tpu.memory_space<vmem>> -> memref<640xf32, #tpu.memory_space<vmem>>
      %dma_start3A_94 = tpu.memref_slice %arg8[%run_scoped3A_32, %mul3A_31] : memref<16x10240xf32, #tpu.memory_space<vmem_shared>> -> memref<1x640xf32, #tpu.memory_space<vmem_shared>>
      %dma_start3A_95 = tpu.memref_squeeze %dma_start3A_94 : memref<1x640xf32, #tpu.memory_space<vmem_shared>> -> memref<640xf32, #tpu.memory_space<vmem_shared>>
      tpu.enqueue_dma source(%dma_start3A_95 : memref<640xf32, #tpu.memory_space<vmem_shared>>) target(%dma_start3A_93 : memref<640xf32, #tpu.memory_space<vmem>>) target_semaphore(%run_scoped3A_86 : memref<!tpu.dma_semaphore, #tpu.memory_space<semaphore_mem>>)
      %dma_wait3A = arith.constant 0 : i32
      %dma_wait3A_96 = tpu.memref_slice %arg6[%run_scoped3A_33, %dma_wait3A] : memref<16x640xf32, #tpu.memory_space<vmem>> -> memref<1x640xf32, #tpu.memory_space<vmem>>
      %dma_wait3A_97 = tpu.memref_squeeze %dma_wait3A_96 : memref<1x640xf32, #tpu.memory_space<vmem>> -> memref<640xf32, #tpu.memory_space<vmem>>
      %dma_wait3A_98 = tpu.memref_slice %arg8[%run_scoped3A_32, %mul3A_31] : memref<16x10240xf32, #tpu.memory_space<vmem_shared>> -> memref<1x640xf32, #tpu.memory_space<vmem_shared>>
      %dma_wait3A_99 = tpu.memref_squeeze %dma_wait3A_98 : memref<1x640xf32, #tpu.memory_space<vmem_shared>> -> memref<640xf32, #tpu.memory_space<vmem_shared>>
      %dma_wait3A_100 = arith.constant 0 : i32
      %dma_wait3A_101 = tpu.memref_slice %arg6[%run_scoped3A_33, %dma_wait3A_100] : memref<16x640xf32, #tpu.memory_space<vmem>> -> memref<1x640xf32, #tpu.memory_space<vmem>>
      %dma_wait3A_102 = tpu.memref_squeeze %dma_wait3A_101 : memref<1x640xf32, #tpu.memory_space<vmem>> -> memref<640xf32, #tpu.memory_space<vmem>>
      %dma_wait3A_103 = tpu.memref_slice %arg8[%run_scoped3A_32, %mul3A_31] : memref<16x10240xf32, #tpu.memory_space<vmem_shared>> -> memref<1x640xf32, #tpu.memory_space<vmem_shared>>
      %dma_wait3A_104 = tpu.memref_squeeze %dma_wait3A_103 : memref<1x640xf32, #tpu.memory_space<vmem_shared>> -> memref<640xf32, #tpu.memory_space<vmem_shared>>
      tpu.wait_dma2 semaphore(%run_scoped3A_86 : memref<!tpu.dma_semaphore, #tpu.memory_space<semaphore_mem>>) src(%dma_wait3A_104 : memref<640xf32, #tpu.memory_space<vmem_shared>>) dst(%dma_wait3A_102 : memref<640xf32, #tpu.memory_space<vmem>>)
      tpu.yield
    }) : () -> ()
    %mul3A_34 = arith.constant 640 : i32
    %mul3A_35 = arith.muli %arg1, %mul3A_34 : i32
    %run_scoped3A_36 = arith.constant 5 : i32
    %run_scoped3A_37 = arith.constant 5 : i32
    "tpu.region"() ({
      %run_scoped3A_86 = tpu.sem_alloc : memref<!tpu.dma_semaphore, #tpu.memory_space<semaphore_mem>>
      %dma_start3A = arith.constant 0 : i32
      %dma_start3A_87 = tpu.memref_slice %arg6[%run_scoped3A_37, %dma_start3A] : memref<16x640xf32, #tpu.memory_space<vmem>> -> memref<1x640xf32, #tpu.memory_space<vmem>>
      %dma_start3A_88 = tpu.memref_squeeze %dma_start3A_87 : memref<1x640xf32, #tpu.memory_space<vmem>> -> memref<640xf32, #tpu.memory_space<vmem>>
      %dma_start3A_89 = tpu.memref_slice %arg8[%run_scoped3A_36, %mul3A_35] : memref<16x10240xf32, #tpu.memory_space<vmem_shared>> -> memref<1x640xf32, #tpu.memory_space<vmem_shared>>
      %dma_start3A_90 = tpu.memref_squeeze %dma_start3A_89 : memref<1x640xf32, #tpu.memory_space<vmem_shared>> -> memref<640xf32, #tpu.memory_space<vmem_shared>>
      %dma_start3A_91 = arith.constant 0 : i32
      %dma_start3A_92 = tpu.memref_slice %arg6[%run_scoped3A_37, %dma_start3A_91] : memref<16x640xf32, #tpu.memory_space<vmem>> -> memref<1x640xf32, #tpu.memory_space<vmem>>
      %dma_start3A_93 = tpu.memref_squeeze %dma_start3A_92 : memref<1x640xf32, #tpu.memory_space<vmem>> -> memref<640xf32, #tpu.memory_space<vmem>>
      %dma_start3A_94 = tpu.memref_slice %arg8[%run_scoped3A_36, %mul3A_35] : memref<16x10240xf32, #tpu.memory_space<vmem_shared>> -> memref<1x640xf32, #tpu.memory_space<vmem_shared>>
      %dma_start3A_95 = tpu.memref_squeeze %dma_start3A_94 : memref<1x640xf32, #tpu.memory_space<vmem_shared>> -> memref<640xf32, #tpu.memory_space<vmem_shared>>
      tpu.enqueue_dma source(%dma_start3A_95 : memref<640xf32, #tpu.memory_space<vmem_shared>>) target(%dma_start3A_93 : memref<640xf32, #tpu.memory_space<vmem>>) target_semaphore(%run_scoped3A_86 : memref<!tpu.dma_semaphore, #tpu.memory_space<semaphore_mem>>)
      %dma_wait3A = arith.constant 0 : i32
      %dma_wait3A_96 = tpu.memref_slice %arg6[%run_scoped3A_37, %dma_wait3A] : memref<16x640xf32, #tpu.memory_space<vmem>> -> memref<1x640xf32, #tpu.memory_space<vmem>>
      %dma_wait3A_97 = tpu.memref_squeeze %dma_wait3A_96 : memref<1x640xf32, #tpu.memory_space<vmem>> -> memref<640xf32, #tpu.memory_space<vmem>>
      %dma_wait3A_98 = tpu.memref_slice %arg8[%run_scoped3A_36, %mul3A_35] : memref<16x10240xf32, #tpu.memory_space<vmem_shared>> -> memref<1x640xf32, #tpu.memory_space<vmem_shared>>
      %dma_wait3A_99 = tpu.memref_squeeze %dma_wait3A_98 : memref<1x640xf32, #tpu.memory_space<vmem_shared>> -> memref<640xf32, #tpu.memory_space<vmem_shared>>
      %dma_wait3A_100 = arith.constant 0 : i32
      %dma_wait3A_101 = tpu.memref_slice %arg6[%run_scoped3A_37, %dma_wait3A_100] : memref<16x640xf32, #tpu.memory_space<vmem>> -> memref<1x640xf32, #tpu.memory_space<vmem>>
      %dma_wait3A_102 = tpu.memref_squeeze %dma_wait3A_101 : memref<1x640xf32, #tpu.memory_space<vmem>> -> memref<640xf32, #tpu.memory_space<vmem>>
      %dma_wait3A_103 = tpu.memref_slice %arg8[%run_scoped3A_36, %mul3A_35] : memref<16x10240xf32, #tpu.memory_space<vmem_shared>> -> memref<1x640xf32, #tpu.memory_space<vmem_shared>>
      %dma_wait3A_104 = tpu.memref_squeeze %dma_wait3A_103 : memref<1x640xf32, #tpu.memory_space<vmem_shared>> -> memref<640xf32, #tpu.memory_space<vmem_shared>>
      tpu.wait_dma2 semaphore(%run_scoped3A_86 : memref<!tpu.dma_semaphore, #tpu.memory_space<semaphore_mem>>) src(%dma_wait3A_104 : memref<640xf32, #tpu.memory_space<vmem_shared>>) dst(%dma_wait3A_102 : memref<640xf32, #tpu.memory_space<vmem>>)
      tpu.yield
    }) : () -> ()
    %mul3A_38 = arith.constant 640 : i32
    %mul3A_39 = arith.muli %arg1, %mul3A_38 : i32
    %run_scoped3A_40 = arith.constant 6 : i32
    %run_scoped3A_41 = arith.constant 6 : i32
    "tpu.region"() ({
      %run_scoped3A_86 = tpu.sem_alloc : memref<!tpu.dma_semaphore, #tpu.memory_space<semaphore_mem>>
      %dma_start3A = arith.constant 0 : i32
      %dma_start3A_87 = tpu.memref_slice %arg6[%run_scoped3A_41, %dma_start3A] : memref<16x640xf32, #tpu.memory_space<vmem>> -> memref<1x640xf32, #tpu.memory_space<vmem>>
      %dma_start3A_88 = tpu.memref_squeeze %dma_start3A_87 : memref<1x640xf32, #tpu.memory_space<vmem>> -> memref<640xf32, #tpu.memory_space<vmem>>
      %dma_start3A_89 = tpu.memref_slice %arg8[%run_scoped3A_40, %mul3A_39] : memref<16x10240xf32, #tpu.memory_space<vmem_shared>> -> memref<1x640xf32, #tpu.memory_space<vmem_shared>>
      %dma_start3A_90 = tpu.memref_squeeze %dma_start3A_89 : memref<1x640xf32, #tpu.memory_space<vmem_shared>> -> memref<640xf32, #tpu.memory_space<vmem_shared>>
      %dma_start3A_91 = arith.constant 0 : i32
      %dma_start3A_92 = tpu.memref_slice %arg6[%run_scoped3A_41, %dma_start3A_91] : memref<16x640xf32, #tpu.memory_space<vmem>> -> memref<1x640xf32, #tpu.memory_space<vmem>>
      %dma_start3A_93 = tpu.memref_squeeze %dma_start3A_92 : memref<1x640xf32, #tpu.memory_space<vmem>> -> memref<640xf32, #tpu.memory_space<vmem>>
      %dma_start3A_94 = tpu.memref_slice %arg8[%run_scoped3A_40, %mul3A_39] : memref<16x10240xf32, #tpu.memory_space<vmem_shared>> -> memref<1x640xf32, #tpu.memory_space<vmem_shared>>
      %dma_start3A_95 = tpu.memref_squeeze %dma_start3A_94 : memref<1x640xf32, #tpu.memory_space<vmem_shared>> -> memref<640xf32, #tpu.memory_space<vmem_shared>>
      tpu.enqueue_dma source(%dma_start3A_95 : memref<640xf32, #tpu.memory_space<vmem_shared>>) target(%dma_start3A_93 : memref<640xf32, #tpu.memory_space<vmem>>) target_semaphore(%run_scoped3A_86 : memref<!tpu.dma_semaphore, #tpu.memory_space<semaphore_mem>>)
      %dma_wait3A = arith.constant 0 : i32
      %dma_wait3A_96 = tpu.memref_slice %arg6[%run_scoped3A_41, %dma_wait3A] : memref<16x640xf32, #tpu.memory_space<vmem>> -> memref<1x640xf32, #tpu.memory_space<vmem>>
      %dma_wait3A_97 = tpu.memref_squeeze %dma_wait3A_96 : memref<1x640xf32, #tpu.memory_space<vmem>> -> memref<640xf32, #tpu.memory_space<vmem>>
      %dma_wait3A_98 = tpu.memref_slice %arg8[%run_scoped3A_40, %mul3A_39] : memref<16x10240xf32, #tpu.memory_space<vmem_shared>> -> memref<1x640xf32, #tpu.memory_space<vmem_shared>>
      %dma_wait3A_99 = tpu.memref_squeeze %dma_wait3A_98 : memref<1x640xf32, #tpu.memory_space<vmem_shared>> -> memref<640xf32, #tpu.memory_space<vmem_shared>>
      %dma_wait3A_100 = arith.constant 0 : i32
      %dma_wait3A_101 = tpu.memref_slice %arg6[%run_scoped3A_41, %dma_wait3A_100] : memref<16x640xf32, #tpu.memory_space<vmem>> -> memref<1x640xf32, #tpu.memory_space<vmem>>
      %dma_wait3A_102 = tpu.memref_squeeze %dma_wait3A_101 : memref<1x640xf32, #tpu.memory_space<vmem>> -> memref<640xf32, #tpu.memory_space<vmem>>
      %dma_wait3A_103 = tpu.memref_slice %arg8[%run_scoped3A_40, %mul3A_39] : memref<16x10240xf32, #tpu.memory_space<vmem_shared>> -> memref<1x640xf32, #tpu.memory_space<vmem_shared>>
      %dma_wait3A_104 = tpu.memref_squeeze %dma_wait3A_103 : memref<1x640xf32, #tpu.memory_space<vmem_shared>> -> memref<640xf32, #tpu.memory_space<vmem_shared>>
      tpu.wait_dma2 semaphore(%run_scoped3A_86 : memref<!tpu.dma_semaphore, #tpu.memory_space<semaphore_mem>>) src(%dma_wait3A_104 : memref<640xf32, #tpu.memory_space<vmem_shared>>) dst(%dma_wait3A_102 : memref<640xf32, #tpu.memory_space<vmem>>)
      tpu.yield
    }) : () -> ()
    %mul3A_42 = arith.constant 640 : i32
    %mul3A_43 = arith.muli %arg1, %mul3A_42 : i32
    %run_scoped3A_44 = arith.constant 7 : i32
    %run_scoped3A_45 = arith.constant 7 : i32
    "tpu.region"() ({
      %run_scoped3A_86 = tpu.sem_alloc : memref<!tpu.dma_semaphore, #tpu.memory_space<semaphore_mem>>
      %dma_start3A = arith.constant 0 : i32
      %dma_start3A_87 = tpu.memref_slice %arg6[%run_scoped3A_45, %dma_start3A] : memref<16x640xf32, #tpu.memory_space<vmem>> -> memref<1x640xf32, #tpu.memory_space<vmem>>
      %dma_start3A_88 = tpu.memref_squeeze %dma_start3A_87 : memref<1x640xf32, #tpu.memory_space<vmem>> -> memref<640xf32, #tpu.memory_space<vmem>>
      %dma_start3A_89 = tpu.memref_slice %arg8[%run_scoped3A_44, %mul3A_43] : memref<16x10240xf32, #tpu.memory_space<vmem_shared>> -> memref<1x640xf32, #tpu.memory_space<vmem_shared>>
      %dma_start3A_90 = tpu.memref_squeeze %dma_start3A_89 : memref<1x640xf32, #tpu.memory_space<vmem_shared>> -> memref<640xf32, #tpu.memory_space<vmem_shared>>
      %dma_start3A_91 = arith.constant 0 : i32
      %dma_start3A_92 = tpu.memref_slice %arg6[%run_scoped3A_45, %dma_start3A_91] : memref<16x640xf32, #tpu.memory_space<vmem>> -> memref<1x640xf32, #tpu.memory_space<vmem>>
      %dma_start3A_93 = tpu.memref_squeeze %dma_start3A_92 : memref<1x640xf32, #tpu.memory_space<vmem>> -> memref<640xf32, #tpu.memory_space<vmem>>
      %dma_start3A_94 = tpu.memref_slice %arg8[%run_scoped3A_44, %mul3A_43] : memref<16x10240xf32, #tpu.memory_space<vmem_shared>> -> memref<1x640xf32, #tpu.memory_space<vmem_shared>>
      %dma_start3A_95 = tpu.memref_squeeze %dma_start3A_94 : memref<1x640xf32, #tpu.memory_space<vmem_shared>> -> memref<640xf32, #tpu.memory_space<vmem_shared>>
      tpu.enqueue_dma source(%dma_start3A_95 : memref<640xf32, #tpu.memory_space<vmem_shared>>) target(%dma_start3A_93 : memref<640xf32, #tpu.memory_space<vmem>>) target_semaphore(%run_scoped3A_86 : memref<!tpu.dma_semaphore, #tpu.memory_space<semaphore_mem>>)
      %dma_wait3A = arith.constant 0 : i32
      %dma_wait3A_96 = tpu.memref_slice %arg6[%run_scoped3A_45, %dma_wait3A] : memref<16x640xf32, #tpu.memory_space<vmem>> -> memref<1x640xf32, #tpu.memory_space<vmem>>
      %dma_wait3A_97 = tpu.memref_squeeze %dma_wait3A_96 : memref<1x640xf32, #tpu.memory_space<vmem>> -> memref<640xf32, #tpu.memory_space<vmem>>
      %dma_wait3A_98 = tpu.memref_slice %arg8[%run_scoped3A_44, %mul3A_43] : memref<16x10240xf32, #tpu.memory_space<vmem_shared>> -> memref<1x640xf32, #tpu.memory_space<vmem_shared>>
      %dma_wait3A_99 = tpu.memref_squeeze %dma_wait3A_98 : memref<1x640xf32, #tpu.memory_space<vmem_shared>> -> memref<640xf32, #tpu.memory_space<vmem_shared>>
      %dma_wait3A_100 = arith.constant 0 : i32
      %dma_wait3A_101 = tpu.memref_slice %arg6[%run_scoped3A_45, %dma_wait3A_100] : memref<16x640xf32, #tpu.memory_space<vmem>> -> memref<1x640xf32, #tpu.memory_space<vmem>>
      %dma_wait3A_102 = tpu.memref_squeeze %dma_wait3A_101 : memref<1x640xf32, #tpu.memory_space<vmem>> -> memref<640xf32, #tpu.memory_space<vmem>>
      %dma_wait3A_103 = tpu.memref_slice %arg8[%run_scoped3A_44, %mul3A_43] : memref<16x10240xf32, #tpu.memory_space<vmem_shared>> -> memref<1x640xf32, #tpu.memory_space<vmem_shared>>
      %dma_wait3A_104 = tpu.memref_squeeze %dma_wait3A_103 : memref<1x640xf32, #tpu.memory_space<vmem_shared>> -> memref<640xf32, #tpu.memory_space<vmem_shared>>
      tpu.wait_dma2 semaphore(%run_scoped3A_86 : memref<!tpu.dma_semaphore, #tpu.memory_space<semaphore_mem>>) src(%dma_wait3A_104 : memref<640xf32, #tpu.memory_space<vmem_shared>>) dst(%dma_wait3A_102 : memref<640xf32, #tpu.memory_space<vmem>>)
      tpu.yield
    }) : () -> ()
    %mul3A_46 = arith.constant 640 : i32
    %mul3A_47 = arith.muli %arg1, %mul3A_46 : i32
    %run_scoped3A_48 = arith.constant 8 : i32
    %run_scoped3A_49 = arith.constant 8 : i32
    "tpu.region"() ({
      %run_scoped3A_86 = tpu.sem_alloc : memref<!tpu.dma_semaphore, #tpu.memory_space<semaphore_mem>>
      %dma_start3A = arith.constant 0 : i32
      %dma_start3A_87 = tpu.memref_slice %arg6[%run_scoped3A_49, %dma_start3A] : memref<16x640xf32, #tpu.memory_space<vmem>> -> memref<1x640xf32, #tpu.memory_space<vmem>>
      %dma_start3A_88 = tpu.memref_squeeze %dma_start3A_87 : memref<1x640xf32, #tpu.memory_space<vmem>> -> memref<640xf32, #tpu.memory_space<vmem>>
      %dma_start3A_89 = tpu.memref_slice %arg8[%run_scoped3A_48, %mul3A_47] : memref<16x10240xf32, #tpu.memory_space<vmem_shared>> -> memref<1x640xf32, #tpu.memory_space<vmem_shared>>
      %dma_start3A_90 = tpu.memref_squeeze %dma_start3A_89 : memref<1x640xf32, #tpu.memory_space<vmem_shared>> -> memref<640xf32, #tpu.memory_space<vmem_shared>>
      %dma_start3A_91 = arith.constant 0 : i32
      %dma_start3A_92 = tpu.memref_slice %arg6[%run_scoped3A_49, %dma_start3A_91] : memref<16x640xf32, #tpu.memory_space<vmem>> -> memref<1x640xf32, #tpu.memory_space<vmem>>
      %dma_start3A_93 = tpu.memref_squeeze %dma_start3A_92 : memref<1x640xf32, #tpu.memory_space<vmem>> -> memref<640xf32, #tpu.memory_space<vmem>>
      %dma_start3A_94 = tpu.memref_slice %arg8[%run_scoped3A_48, %mul3A_47] : memref<16x10240xf32, #tpu.memory_space<vmem_shared>> -> memref<1x640xf32, #tpu.memory_space<vmem_shared>>
      %dma_start3A_95 = tpu.memref_squeeze %dma_start3A_94 : memref<1x640xf32, #tpu.memory_space<vmem_shared>> -> memref<640xf32, #tpu.memory_space<vmem_shared>>
      tpu.enqueue_dma source(%dma_start3A_95 : memref<640xf32, #tpu.memory_space<vmem_shared>>) target(%dma_start3A_93 : memref<640xf32, #tpu.memory_space<vmem>>) target_semaphore(%run_scoped3A_86 : memref<!tpu.dma_semaphore, #tpu.memory_space<semaphore_mem>>)
      %dma_wait3A = arith.constant 0 : i32
      %dma_wait3A_96 = tpu.memref_slice %arg6[%run_scoped3A_49, %dma_wait3A] : memref<16x640xf32, #tpu.memory_space<vmem>> -> memref<1x640xf32, #tpu.memory_space<vmem>>
      %dma_wait3A_97 = tpu.memref_squeeze %dma_wait3A_96 : memref<1x640xf32, #tpu.memory_space<vmem>> -> memref<640xf32, #tpu.memory_space<vmem>>
      %dma_wait3A_98 = tpu.memref_slice %arg8[%run_scoped3A_48, %mul3A_47] : memref<16x10240xf32, #tpu.memory_space<vmem_shared>> -> memref<1x640xf32, #tpu.memory_space<vmem_shared>>
      %dma_wait3A_99 = tpu.memref_squeeze %dma_wait3A_98 : memref<1x640xf32, #tpu.memory_space<vmem_shared>> -> memref<640xf32, #tpu.memory_space<vmem_shared>>
      %dma_wait3A_100 = arith.constant 0 : i32
      %dma_wait3A_101 = tpu.memref_slice %arg6[%run_scoped3A_49, %dma_wait3A_100] : memref<16x640xf32, #tpu.memory_space<vmem>> -> memref<1x640xf32, #tpu.memory_space<vmem>>
      %dma_wait3A_102 = tpu.memref_squeeze %dma_wait3A_101 : memref<1x640xf32, #tpu.memory_space<vmem>> -> memref<640xf32, #tpu.memory_space<vmem>>
      %dma_wait3A_103 = tpu.memref_slice %arg8[%run_scoped3A_48, %mul3A_47] : memref<16x10240xf32, #tpu.memory_space<vmem_shared>> -> memref<1x640xf32, #tpu.memory_space<vmem_shared>>
      %dma_wait3A_104 = tpu.memref_squeeze %dma_wait3A_103 : memref<1x640xf32, #tpu.memory_space<vmem_shared>> -> memref<640xf32, #tpu.memory_space<vmem_shared>>
      tpu.wait_dma2 semaphore(%run_scoped3A_86 : memref<!tpu.dma_semaphore, #tpu.memory_space<semaphore_mem>>) src(%dma_wait3A_104 : memref<640xf32, #tpu.memory_space<vmem_shared>>) dst(%dma_wait3A_102 : memref<640xf32, #tpu.memory_space<vmem>>)
      tpu.yield
    }) : () -> ()
    %mul3A_50 = arith.constant 640 : i32
    %mul3A_51 = arith.muli %arg1, %mul3A_50 : i32
    %run_scoped3A_52 = arith.constant 9 : i32
    %run_scoped3A_53 = arith.constant 9 : i32
    "tpu.region"() ({
      %run_scoped3A_86 = tpu.sem_alloc : memref<!tpu.dma_semaphore, #tpu.memory_space<semaphore_mem>>
      %dma_start3A = arith.constant 0 : i32
      %dma_start3A_87 = tpu.memref_slice %arg6[%run_scoped3A_53, %dma_start3A] : memref<16x640xf32, #tpu.memory_space<vmem>> -> memref<1x640xf32, #tpu.memory_space<vmem>>
      %dma_start3A_88 = tpu.memref_squeeze %dma_start3A_87 : memref<1x640xf32, #tpu.memory_space<vmem>> -> memref<640xf32, #tpu.memory_space<vmem>>
      %dma_start3A_89 = tpu.memref_slice %arg8[%run_scoped3A_52, %mul3A_51] : memref<16x10240xf32, #tpu.memory_space<vmem_shared>> -> memref<1x640xf32, #tpu.memory_space<vmem_shared>>
      %dma_start3A_90 = tpu.memref_squeeze %dma_start3A_89 : memref<1x640xf32, #tpu.memory_space<vmem_shared>> -> memref<640xf32, #tpu.memory_space<vmem_shared>>
      %dma_start3A_91 = arith.constant 0 : i32
      %dma_start3A_92 = tpu.memref_slice %arg6[%run_scoped3A_53, %dma_start3A_91] : memref<16x640xf32, #tpu.memory_space<vmem>> -> memref<1x640xf32, #tpu.memory_space<vmem>>
      %dma_start3A_93 = tpu.memref_squeeze %dma_start3A_92 : memref<1x640xf32, #tpu.memory_space<vmem>> -> memref<640xf32, #tpu.memory_space<vmem>>
      %dma_start3A_94 = tpu.memref_slice %arg8[%run_scoped3A_52, %mul3A_51] : memref<16x10240xf32, #tpu.memory_space<vmem_shared>> -> memref<1x640xf32, #tpu.memory_space<vmem_shared>>
      %dma_start3A_95 = tpu.memref_squeeze %dma_start3A_94 : memref<1x640xf32, #tpu.memory_space<vmem_shared>> -> memref<640xf32, #tpu.memory_space<vmem_shared>>
      tpu.enqueue_dma source(%dma_start3A_95 : memref<640xf32, #tpu.memory_space<vmem_shared>>) target(%dma_start3A_93 : memref<640xf32, #tpu.memory_space<vmem>>) target_semaphore(%run_scoped3A_86 : memref<!tpu.dma_semaphore, #tpu.memory_space<semaphore_mem>>)
      %dma_wait3A = arith.constant 0 : i32
      %dma_wait3A_96 = tpu.memref_slice %arg6[%run_scoped3A_53, %dma_wait3A] : memref<16x640xf32, #tpu.memory_space<vmem>> -> memref<1x640xf32, #tpu.memory_space<vmem>>
      %dma_wait3A_97 = tpu.memref_squeeze %dma_wait3A_96 : memref<1x640xf32, #tpu.memory_space<vmem>> -> memref<640xf32, #tpu.memory_space<vmem>>
      %dma_wait3A_98 = tpu.memref_slice %arg8[%run_scoped3A_52, %mul3A_51] : memref<16x10240xf32, #tpu.memory_space<vmem_shared>> -> memref<1x640xf32, #tpu.memory_space<vmem_shared>>
      %dma_wait3A_99 = tpu.memref_squeeze %dma_wait3A_98 : memref<1x640xf32, #tpu.memory_space<vmem_shared>> -> memref<640xf32, #tpu.memory_space<vmem_shared>>
      %dma_wait3A_100 = arith.constant 0 : i32
      %dma_wait3A_101 = tpu.memref_slice %arg6[%run_scoped3A_53, %dma_wait3A_100] : memref<16x640xf32, #tpu.memory_space<vmem>> -> memref<1x640xf32, #tpu.memory_space<vmem>>
      %dma_wait3A_102 = tpu.memref_squeeze %dma_wait3A_101 : memref<1x640xf32, #tpu.memory_space<vmem>> -> memref<640xf32, #tpu.memory_space<vmem>>
      %dma_wait3A_103 = tpu.memref_slice %arg8[%run_scoped3A_52, %mul3A_51] : memref<16x10240xf32, #tpu.memory_space<vmem_shared>> -> memref<1x640xf32, #tpu.memory_space<vmem_shared>>
      %dma_wait3A_104 = tpu.memref_squeeze %dma_wait3A_103 : memref<1x640xf32, #tpu.memory_space<vmem_shared>> -> memref<640xf32, #tpu.memory_space<vmem_shared>>
      tpu.wait_dma2 semaphore(%run_scoped3A_86 : memref<!tpu.dma_semaphore, #tpu.memory_space<semaphore_mem>>) src(%dma_wait3A_104 : memref<640xf32, #tpu.memory_space<vmem_shared>>) dst(%dma_wait3A_102 : memref<640xf32, #tpu.memory_space<vmem>>)
      tpu.yield
    }) : () -> ()
    %mul3A_54 = arith.constant 640 : i32
    %mul3A_55 = arith.muli %arg1, %mul3A_54 : i32
    %run_scoped3A_56 = arith.constant 10 : i32
    %run_scoped3A_57 = arith.constant 10 : i32
    "tpu.region"() ({
      %run_scoped3A_86 = tpu.sem_alloc : memref<!tpu.dma_semaphore, #tpu.memory_space<semaphore_mem>>
      %dma_start3A = arith.constant 0 : i32
      %dma_start3A_87 = tpu.memref_slice %arg6[%run_scoped3A_57, %dma_start3A] : memref<16x640xf32, #tpu.memory_space<vmem>> -> memref<1x640xf32, #tpu.memory_space<vmem>>
      %dma_start3A_88 = tpu.memref_squeeze %dma_start3A_87 : memref<1x640xf32, #tpu.memory_space<vmem>> -> memref<640xf32, #tpu.memory_space<vmem>>
      %dma_start3A_89 = tpu.memref_slice %arg8[%run_scoped3A_56, %mul3A_55] : memref<16x10240xf32, #tpu.memory_space<vmem_shared>> -> memref<1x640xf32, #tpu.memory_space<vmem_shared>>
      %dma_start3A_90 = tpu.memref_squeeze %dma_start3A_89 : memref<1x640xf32, #tpu.memory_space<vmem_shared>> -> memref<640xf32, #tpu.memory_space<vmem_shared>>
      %dma_start3A_91 = arith.constant 0 : i32
      %dma_start3A_92 = tpu.memref_slice %arg6[%run_scoped3A_57, %dma_start3A_91] : memref<16x640xf32, #tpu.memory_space<vmem>> -> memref<1x640xf32, #tpu.memory_space<vmem>>
      %dma_start3A_93 = tpu.memref_squeeze %dma_start3A_92 : memref<1x640xf32, #tpu.memory_space<vmem>> -> memref<640xf32, #tpu.memory_space<vmem>>
      %dma_start3A_94 = tpu.memref_slice %arg8[%run_scoped3A_56, %mul3A_55] : memref<16x10240xf32, #tpu.memory_space<vmem_shared>> -> memref<1x640xf32, #tpu.memory_space<vmem_shared>>
      %dma_start3A_95 = tpu.memref_squeeze %dma_start3A_94 : memref<1x640xf32, #tpu.memory_space<vmem_shared>> -> memref<640xf32, #tpu.memory_space<vmem_shared>>
      tpu.enqueue_dma source(%dma_start3A_95 : memref<640xf32, #tpu.memory_space<vmem_shared>>) target(%dma_start3A_93 : memref<640xf32, #tpu.memory_space<vmem>>) target_semaphore(%run_scoped3A_86 : memref<!tpu.dma_semaphore, #tpu.memory_space<semaphore_mem>>)
      %dma_wait3A = arith.constant 0 : i32
      %dma_wait3A_96 = tpu.memref_slice %arg6[%run_scoped3A_57, %dma_wait3A] : memref<16x640xf32, #tpu.memory_space<vmem>> -> memref<1x640xf32, #tpu.memory_space<vmem>>
      %dma_wait3A_97 = tpu.memref_squeeze %dma_wait3A_96 : memref<1x640xf32, #tpu.memory_space<vmem>> -> memref<640xf32, #tpu.memory_space<vmem>>
      %dma_wait3A_98 = tpu.memref_slice %arg8[%run_scoped3A_56, %mul3A_55] : memref<16x10240xf32, #tpu.memory_space<vmem_shared>> -> memref<1x640xf32, #tpu.memory_space<vmem_shared>>
      %dma_wait3A_99 = tpu.memref_squeeze %dma_wait3A_98 : memref<1x640xf32, #tpu.memory_space<vmem_shared>> -> memref<640xf32, #tpu.memory_space<vmem_shared>>
      %dma_wait3A_100 = arith.constant 0 : i32
      %dma_wait3A_101 = tpu.memref_slice %arg6[%run_scoped3A_57, %dma_wait3A_100] : memref<16x640xf32, #tpu.memory_space<vmem>> -> memref<1x640xf32, #tpu.memory_space<vmem>>
      %dma_wait3A_102 = tpu.memref_squeeze %dma_wait3A_101 : memref<1x640xf32, #tpu.memory_space<vmem>> -> memref<640xf32, #tpu.memory_space<vmem>>
      %dma_wait3A_103 = tpu.memref_slice %arg8[%run_scoped3A_56, %mul3A_55] : memref<16x10240xf32, #tpu.memory_space<vmem_shared>> -> memref<1x640xf32, #tpu.memory_space<vmem_shared>>
      %dma_wait3A_104 = tpu.memref_squeeze %dma_wait3A_103 : memref<1x640xf32, #tpu.memory_space<vmem_shared>> -> memref<640xf32, #tpu.memory_space<vmem_shared>>
      tpu.wait_dma2 semaphore(%run_scoped3A_86 : memref<!tpu.dma_semaphore, #tpu.memory_space<semaphore_mem>>) src(%dma_wait3A_104 : memref<640xf32, #tpu.memory_space<vmem_shared>>) dst(%dma_wait3A_102 : memref<640xf32, #tpu.memory_space<vmem>>)
      tpu.yield
    }) : () -> ()
    %mul3A_58 = arith.constant 640 : i32
    %mul3A_59 = arith.muli %arg1, %mul3A_58 : i32
    %run_scoped3A_60 = arith.constant 11 : i32
    %run_scoped3A_61 = arith.constant 11 : i32
    "tpu.region"() ({
      %run_scoped3A_86 = tpu.sem_alloc : memref<!tpu.dma_semaphore, #tpu.memory_space<semaphore_mem>>
      %dma_start3A = arith.constant 0 : i32
      %dma_start3A_87 = tpu.memref_slice %arg6[%run_scoped3A_61, %dma_start3A] : memref<16x640xf32, #tpu.memory_space<vmem>> -> memref<1x640xf32, #tpu.memory_space<vmem>>
      %dma_start3A_88 = tpu.memref_squeeze %dma_start3A_87 : memref<1x640xf32, #tpu.memory_space<vmem>> -> memref<640xf32, #tpu.memory_space<vmem>>
      %dma_start3A_89 = tpu.memref_slice %arg8[%run_scoped3A_60, %mul3A_59] : memref<16x10240xf32, #tpu.memory_space<vmem_shared>> -> memref<1x640xf32, #tpu.memory_space<vmem_shared>>
      %dma_start3A_90 = tpu.memref_squeeze %dma_start3A_89 : memref<1x640xf32, #tpu.memory_space<vmem_shared>> -> memref<640xf32, #tpu.memory_space<vmem_shared>>
      %dma_start3A_91 = arith.constant 0 : i32
      %dma_start3A_92 = tpu.memref_slice %arg6[%run_scoped3A_61, %dma_start3A_91] : memref<16x640xf32, #tpu.memory_space<vmem>> -> memref<1x640xf32, #tpu.memory_space<vmem>>
      %dma_start3A_93 = tpu.memref_squeeze %dma_start3A_92 : memref<1x640xf32, #tpu.memory_space<vmem>> -> memref<640xf32, #tpu.memory_space<vmem>>
      %dma_start3A_94 = tpu.memref_slice %arg8[%run_scoped3A_60, %mul3A_59] : memref<16x10240xf32, #tpu.memory_space<vmem_shared>> -> memref<1x640xf32, #tpu.memory_space<vmem_shared>>
      %dma_start3A_95 = tpu.memref_squeeze %dma_start3A_94 : memref<1x640xf32, #tpu.memory_space<vmem_shared>> -> memref<640xf32, #tpu.memory_space<vmem_shared>>
      tpu.enqueue_dma source(%dma_start3A_95 : memref<640xf32, #tpu.memory_space<vmem_shared>>) target(%dma_start3A_93 : memref<640xf32, #tpu.memory_space<vmem>>) target_semaphore(%run_scoped3A_86 : memref<!tpu.dma_semaphore, #tpu.memory_space<semaphore_mem>>)
      %dma_wait3A = arith.constant 0 : i32
      %dma_wait3A_96 = tpu.memref_slice %arg6[%run_scoped3A_61, %dma_wait3A] : memref<16x640xf32, #tpu.memory_space<vmem>> -> memref<1x640xf32, #tpu.memory_space<vmem>>
      %dma_wait3A_97 = tpu.memref_squeeze %dma_wait3A_96 : memref<1x640xf32, #tpu.memory_space<vmem>> -> memref<640xf32, #tpu.memory_space<vmem>>
      %dma_wait3A_98 = tpu.memref_slice %arg8[%run_scoped3A_60, %mul3A_59] : memref<16x10240xf32, #tpu.memory_space<vmem_shared>> -> memref<1x640xf32, #tpu.memory_space<vmem_shared>>
      %dma_wait3A_99 = tpu.memref_squeeze %dma_wait3A_98 : memref<1x640xf32, #tpu.memory_space<vmem_shared>> -> memref<640xf32, #tpu.memory_space<vmem_shared>>
      %dma_wait3A_100 = arith.constant 0 : i32
      %dma_wait3A_101 = tpu.memref_slice %arg6[%run_scoped3A_61, %dma_wait3A_100] : memref<16x640xf32, #tpu.memory_space<vmem>> -> memref<1x640xf32, #tpu.memory_space<vmem>>
      %dma_wait3A_102 = tpu.memref_squeeze %dma_wait3A_101 : memref<1x640xf32, #tpu.memory_space<vmem>> -> memref<640xf32, #tpu.memory_space<vmem>>
      %dma_wait3A_103 = tpu.memref_slice %arg8[%run_scoped3A_60, %mul3A_59] : memref<16x10240xf32, #tpu.memory_space<vmem_shared>> -> memref<1x640xf32, #tpu.memory_space<vmem_shared>>
      %dma_wait3A_104 = tpu.memref_squeeze %dma_wait3A_103 : memref<1x640xf32, #tpu.memory_space<vmem_shared>> -> memref<640xf32, #tpu.memory_space<vmem_shared>>
      tpu.wait_dma2 semaphore(%run_scoped3A_86 : memref<!tpu.dma_semaphore, #tpu.memory_space<semaphore_mem>>) src(%dma_wait3A_104 : memref<640xf32, #tpu.memory_space<vmem_shared>>) dst(%dma_wait3A_102 : memref<640xf32, #tpu.memory_space<vmem>>)
      tpu.yield
    }) : () -> ()
    %mul3A_62 = arith.constant 640 : i32
    %mul3A_63 = arith.muli %arg1, %mul3A_62 : i32
    %run_scoped3A_64 = arith.constant 12 : i32
    %run_scoped3A_65 = arith.constant 12 : i32
    "tpu.region"() ({
      %run_scoped3A_86 = tpu.sem_alloc : memref<!tpu.dma_semaphore, #tpu.memory_space<semaphore_mem>>
      %dma_start3A = arith.constant 0 : i32
      %dma_start3A_87 = tpu.memref_slice %arg6[%run_scoped3A_65, %dma_start3A] : memref<16x640xf32, #tpu.memory_space<vmem>> -> memref<1x640xf32, #tpu.memory_space<vmem>>
      %dma_start3A_88 = tpu.memref_squeeze %dma_start3A_87 : memref<1x640xf32, #tpu.memory_space<vmem>> -> memref<640xf32, #tpu.memory_space<vmem>>
      %dma_start3A_89 = tpu.memref_slice %arg8[%run_scoped3A_64, %mul3A_63] : memref<16x10240xf32, #tpu.memory_space<vmem_shared>> -> memref<1x640xf32, #tpu.memory_space<vmem_shared>>
      %dma_start3A_90 = tpu.memref_squeeze %dma_start3A_89 : memref<1x640xf32, #tpu.memory_space<vmem_shared>> -> memref<640xf32, #tpu.memory_space<vmem_shared>>
      %dma_start3A_91 = arith.constant 0 : i32
      %dma_start3A_92 = tpu.memref_slice %arg6[%run_scoped3A_65, %dma_start3A_91] : memref<16x640xf32, #tpu.memory_space<vmem>> -> memref<1x640xf32, #tpu.memory_space<vmem>>
      %dma_start3A_93 = tpu.memref_squeeze %dma_start3A_92 : memref<1x640xf32, #tpu.memory_space<vmem>> -> memref<640xf32, #tpu.memory_space<vmem>>
      %dma_start3A_94 = tpu.memref_slice %arg8[%run_scoped3A_64, %mul3A_63] : memref<16x10240xf32, #tpu.memory_space<vmem_shared>> -> memref<1x640xf32, #tpu.memory_space<vmem_shared>>
      %dma_start3A_95 = tpu.memref_squeeze %dma_start3A_94 : memref<1x640xf32, #tpu.memory_space<vmem_shared>> -> memref<640xf32, #tpu.memory_space<vmem_shared>>
      tpu.enqueue_dma source(%dma_start3A_95 : memref<640xf32, #tpu.memory_space<vmem_shared>>) target(%dma_start3A_93 : memref<640xf32, #tpu.memory_space<vmem>>) target_semaphore(%run_scoped3A_86 : memref<!tpu.dma_semaphore, #tpu.memory_space<semaphore_mem>>)
      %dma_wait3A = arith.constant 0 : i32
      %dma_wait3A_96 = tpu.memref_slice %arg6[%run_scoped3A_65, %dma_wait3A] : memref<16x640xf32, #tpu.memory_space<vmem>> -> memref<1x640xf32, #tpu.memory_space<vmem>>
      %dma_wait3A_97 = tpu.memref_squeeze %dma_wait3A_96 : memref<1x640xf32, #tpu.memory_space<vmem>> -> memref<640xf32, #tpu.memory_space<vmem>>
      %dma_wait3A_98 = tpu.memref_slice %arg8[%run_scoped3A_64, %mul3A_63] : memref<16x10240xf32, #tpu.memory_space<vmem_shared>> -> memref<1x640xf32, #tpu.memory_space<vmem_shared>>
      %dma_wait3A_99 = tpu.memref_squeeze %dma_wait3A_98 : memref<1x640xf32, #tpu.memory_space<vmem_shared>> -> memref<640xf32, #tpu.memory_space<vmem_shared>>
      %dma_wait3A_100 = arith.constant 0 : i32
      %dma_wait3A_101 = tpu.memref_slice %arg6[%run_scoped3A_65, %dma_wait3A_100] : memref<16x640xf32, #tpu.memory_space<vmem>> -> memref<1x640xf32, #tpu.memory_space<vmem>>
      %dma_wait3A_102 = tpu.memref_squeeze %dma_wait3A_101 : memref<1x640xf32, #tpu.memory_space<vmem>> -> memref<640xf32, #tpu.memory_space<vmem>>
      %dma_wait3A_103 = tpu.memref_slice %arg8[%run_scoped3A_64, %mul3A_63] : memref<16x10240xf32, #tpu.memory_space<vmem_shared>> -> memref<1x640xf32, #tpu.memory_space<vmem_shared>>
      %dma_wait3A_104 = tpu.memref_squeeze %dma_wait3A_103 : memref<1x640xf32, #tpu.memory_space<vmem_shared>> -> memref<640xf32, #tpu.memory_space<vmem_shared>>
      tpu.wait_dma2 semaphore(%run_scoped3A_86 : memref<!tpu.dma_semaphore, #tpu.memory_space<semaphore_mem>>) src(%dma_wait3A_104 : memref<640xf32, #tpu.memory_space<vmem_shared>>) dst(%dma_wait3A_102 : memref<640xf32, #tpu.memory_space<vmem>>)
      tpu.yield
    }) : () -> ()
    %mul3A_66 = arith.constant 640 : i32
    %mul3A_67 = arith.muli %arg1, %mul3A_66 : i32
    %run_scoped3A_68 = arith.constant 13 : i32
    %run_scoped3A_69 = arith.constant 13 : i32
    "tpu.region"() ({
      %run_scoped3A_86 = tpu.sem_alloc : memref<!tpu.dma_semaphore, #tpu.memory_space<semaphore_mem>>
      %dma_start3A = arith.constant 0 : i32
      %dma_start3A_87 = tpu.memref_slice %arg6[%run_scoped3A_69, %dma_start3A] : memref<16x640xf32, #tpu.memory_space<vmem>> -> memref<1x640xf32, #tpu.memory_space<vmem>>
      %dma_start3A_88 = tpu.memref_squeeze %dma_start3A_87 : memref<1x640xf32, #tpu.memory_space<vmem>> -> memref<640xf32, #tpu.memory_space<vmem>>
      %dma_start3A_89 = tpu.memref_slice %arg8[%run_scoped3A_68, %mul3A_67] : memref<16x10240xf32, #tpu.memory_space<vmem_shared>> -> memref<1x640xf32, #tpu.memory_space<vmem_shared>>
      %dma_start3A_90 = tpu.memref_squeeze %dma_start3A_89 : memref<1x640xf32, #tpu.memory_space<vmem_shared>> -> memref<640xf32, #tpu.memory_space<vmem_shared>>
      %dma_start3A_91 = arith.constant 0 : i32
      %dma_start3A_92 = tpu.memref_slice %arg6[%run_scoped3A_69, %dma_start3A_91] : memref<16x640xf32, #tpu.memory_space<vmem>> -> memref<1x640xf32, #tpu.memory_space<vmem>>
      %dma_start3A_93 = tpu.memref_squeeze %dma_start3A_92 : memref<1x640xf32, #tpu.memory_space<vmem>> -> memref<640xf32, #tpu.memory_space<vmem>>
      %dma_start3A_94 = tpu.memref_slice %arg8[%run_scoped3A_68, %mul3A_67] : memref<16x10240xf32, #tpu.memory_space<vmem_shared>> -> memref<1x640xf32, #tpu.memory_space<vmem_shared>>
      %dma_start3A_95 = tpu.memref_squeeze %dma_start3A_94 : memref<1x640xf32, #tpu.memory_space<vmem_shared>> -> memref<640xf32, #tpu.memory_space<vmem_shared>>
      tpu.enqueue_dma source(%dma_start3A_95 : memref<640xf32, #tpu.memory_space<vmem_shared>>) target(%dma_start3A_93 : memref<640xf32, #tpu.memory_space<vmem>>) target_semaphore(%run_scoped3A_86 : memref<!tpu.dma_semaphore, #tpu.memory_space<semaphore_mem>>)
      %dma_wait3A = arith.constant 0 : i32
      %dma_wait3A_96 = tpu.memref_slice %arg6[%run_scoped3A_69, %dma_wait3A] : memref<16x640xf32, #tpu.memory_space<vmem>> -> memref<1x640xf32, #tpu.memory_space<vmem>>
      %dma_wait3A_97 = tpu.memref_squeeze %dma_wait3A_96 : memref<1x640xf32, #tpu.memory_space<vmem>> -> memref<640xf32, #tpu.memory_space<vmem>>
      %dma_wait3A_98 = tpu.memref_slice %arg8[%run_scoped3A_68, %mul3A_67] : memref<16x10240xf32, #tpu.memory_space<vmem_shared>> -> memref<1x640xf32, #tpu.memory_space<vmem_shared>>
      %dma_wait3A_99 = tpu.memref_squeeze %dma_wait3A_98 : memref<1x640xf32, #tpu.memory_space<vmem_shared>> -> memref<640xf32, #tpu.memory_space<vmem_shared>>
      %dma_wait3A_100 = arith.constant 0 : i32
      %dma_wait3A_101 = tpu.memref_slice %arg6[%run_scoped3A_69, %dma_wait3A_100] : memref<16x640xf32, #tpu.memory_space<vmem>> -> memref<1x640xf32, #tpu.memory_space<vmem>>
      %dma_wait3A_102 = tpu.memref_squeeze %dma_wait3A_101 : memref<1x640xf32, #tpu.memory_space<vmem>> -> memref<640xf32, #tpu.memory_space<vmem>>
      %dma_wait3A_103 = tpu.memref_slice %arg8[%run_scoped3A_68, %mul3A_67] : memref<16x10240xf32, #tpu.memory_space<vmem_shared>> -> memref<1x640xf32, #tpu.memory_space<vmem_shared>>
      %dma_wait3A_104 = tpu.memref_squeeze %dma_wait3A_103 : memref<1x640xf32, #tpu.memory_space<vmem_shared>> -> memref<640xf32, #tpu.memory_space<vmem_shared>>
      tpu.wait_dma2 semaphore(%run_scoped3A_86 : memref<!tpu.dma_semaphore, #tpu.memory_space<semaphore_mem>>) src(%dma_wait3A_104 : memref<640xf32, #tpu.memory_space<vmem_shared>>) dst(%dma_wait3A_102 : memref<640xf32, #tpu.memory_space<vmem>>)
      tpu.yield
    }) : () -> ()
    %mul3A_70 = arith.constant 640 : i32
    %mul3A_71 = arith.muli %arg1, %mul3A_70 : i32
    %run_scoped3A_72 = arith.constant 14 : i32
    %run_scoped3A_73 = arith.constant 14 : i32
    "tpu.region"() ({
      %run_scoped3A_86 = tpu.sem_alloc : memref<!tpu.dma_semaphore, #tpu.memory_space<semaphore_mem>>
      %dma_start3A = arith.constant 0 : i32
      %dma_start3A_87 = tpu.memref_slice %arg6[%run_scoped3A_73, %dma_start3A] : memref<16x640xf32, #tpu.memory_space<vmem>> -> memref<1x640xf32, #tpu.memory_space<vmem>>
      %dma_start3A_88 = tpu.memref_squeeze %dma_start3A_87 : memref<1x640xf32, #tpu.memory_space<vmem>> -> memref<640xf32, #tpu.memory_space<vmem>>
      %dma_start3A_89 = tpu.memref_slice %arg8[%run_scoped3A_72, %mul3A_71] : memref<16x10240xf32, #tpu.memory_space<vmem_shared>> -> memref<1x640xf32, #tpu.memory_space<vmem_shared>>
      %dma_start3A_90 = tpu.memref_squeeze %dma_start3A_89 : memref<1x640xf32, #tpu.memory_space<vmem_shared>> -> memref<640xf32, #tpu.memory_space<vmem_shared>>
      %dma_start3A_91 = arith.constant 0 : i32
      %dma_start3A_92 = tpu.memref_slice %arg6[%run_scoped3A_73, %dma_start3A_91] : memref<16x640xf32, #tpu.memory_space<vmem>> -> memref<1x640xf32, #tpu.memory_space<vmem>>
      %dma_start3A_93 = tpu.memref_squeeze %dma_start3A_92 : memref<1x640xf32, #tpu.memory_space<vmem>> -> memref<640xf32, #tpu.memory_space<vmem>>
      %dma_start3A_94 = tpu.memref_slice %arg8[%run_scoped3A_72, %mul3A_71] : memref<16x10240xf32, #tpu.memory_space<vmem_shared>> -> memref<1x640xf32, #tpu.memory_space<vmem_shared>>
      %dma_start3A_95 = tpu.memref_squeeze %dma_start3A_94 : memref<1x640xf32, #tpu.memory_space<vmem_shared>> -> memref<640xf32, #tpu.memory_space<vmem_shared>>
      tpu.enqueue_dma source(%dma_start3A_95 : memref<640xf32, #tpu.memory_space<vmem_shared>>) target(%dma_start3A_93 : memref<640xf32, #tpu.memory_space<vmem>>) target_semaphore(%run_scoped3A_86 : memref<!tpu.dma_semaphore, #tpu.memory_space<semaphore_mem>>)
      %dma_wait3A = arith.constant 0 : i32
      %dma_wait3A_96 = tpu.memref_slice %arg6[%run_scoped3A_73, %dma_wait3A] : memref<16x640xf32, #tpu.memory_space<vmem>> -> memref<1x640xf32, #tpu.memory_space<vmem>>
      %dma_wait3A_97 = tpu.memref_squeeze %dma_wait3A_96 : memref<1x640xf32, #tpu.memory_space<vmem>> -> memref<640xf32, #tpu.memory_space<vmem>>
      %dma_wait3A_98 = tpu.memref_slice %arg8[%run_scoped3A_72, %mul3A_71] : memref<16x10240xf32, #tpu.memory_space<vmem_shared>> -> memref<1x640xf32, #tpu.memory_space<vmem_shared>>
      %dma_wait3A_99 = tpu.memref_squeeze %dma_wait3A_98 : memref<1x640xf32, #tpu.memory_space<vmem_shared>> -> memref<640xf32, #tpu.memory_space<vmem_shared>>
      %dma_wait3A_100 = arith.constant 0 : i32
      %dma_wait3A_101 = tpu.memref_slice %arg6[%run_scoped3A_73, %dma_wait3A_100] : memref<16x640xf32, #tpu.memory_space<vmem>> -> memref<1x640xf32, #tpu.memory_space<vmem>>
      %dma_wait3A_102 = tpu.memref_squeeze %dma_wait3A_101 : memref<1x640xf32, #tpu.memory_space<vmem>> -> memref<640xf32, #tpu.memory_space<vmem>>
      %dma_wait3A_103 = tpu.memref_slice %arg8[%run_scoped3A_72, %mul3A_71] : memref<16x10240xf32, #tpu.memory_space<vmem_shared>> -> memref<1x640xf32, #tpu.memory_space<vmem_shared>>
      %dma_wait3A_104 = tpu.memref_squeeze %dma_wait3A_103 : memref<1x640xf32, #tpu.memory_space<vmem_shared>> -> memref<640xf32, #tpu.memory_space<vmem_shared>>
      tpu.wait_dma2 semaphore(%run_scoped3A_86 : memref<!tpu.dma_semaphore, #tpu.memory_space<semaphore_mem>>) src(%dma_wait3A_104 : memref<640xf32, #tpu.memory_space<vmem_shared>>) dst(%dma_wait3A_102 : memref<640xf32, #tpu.memory_space<vmem>>)
      tpu.yield
    }) : () -> ()
    %mul3A_74 = arith.constant 640 : i32
    %mul3A_75 = arith.muli %arg1, %mul3A_74 : i32
    %run_scoped3A_76 = arith.constant 15 : i32
    %run_scoped3A_77 = arith.constant 15 : i32
    "tpu.region"() ({
      %run_scoped3A_86 = tpu.sem_alloc : memref<!tpu.dma_semaphore, #tpu.memory_space<semaphore_mem>>
      %dma_start3A = arith.constant 0 : i32
      %dma_start3A_87 = tpu.memref_slice %arg6[%run_scoped3A_77, %dma_start3A] : memref<16x640xf32, #tpu.memory_space<vmem>> -> memref<1x640xf32, #tpu.memory_space<vmem>>
      %dma_start3A_88 = tpu.memref_squeeze %dma_start3A_87 : memref<1x640xf32, #tpu.memory_space<vmem>> -> memref<640xf32, #tpu.memory_space<vmem>>
      %dma_start3A_89 = tpu.memref_slice %arg8[%run_scoped3A_76, %mul3A_75] : memref<16x10240xf32, #tpu.memory_space<vmem_shared>> -> memref<1x640xf32, #tpu.memory_space<vmem_shared>>
      %dma_start3A_90 = tpu.memref_squeeze %dma_start3A_89 : memref<1x640xf32, #tpu.memory_space<vmem_shared>> -> memref<640xf32, #tpu.memory_space<vmem_shared>>
      %dma_start3A_91 = arith.constant 0 : i32
      %dma_start3A_92 = tpu.memref_slice %arg6[%run_scoped3A_77, %dma_start3A_91] : memref<16x640xf32, #tpu.memory_space<vmem>> -> memref<1x640xf32, #tpu.memory_space<vmem>>
      %dma_start3A_93 = tpu.memref_squeeze %dma_start3A_92 : memref<1x640xf32, #tpu.memory_space<vmem>> -> memref<640xf32, #tpu.memory_space<vmem>>
      %dma_start3A_94 = tpu.memref_slice %arg8[%run_scoped3A_76, %mul3A_75] : memref<16x10240xf32, #tpu.memory_space<vmem_shared>> -> memref<1x640xf32, #tpu.memory_space<vmem_shared>>
      %dma_start3A_95 = tpu.memref_squeeze %dma_start3A_94 : memref<1x640xf32, #tpu.memory_space<vmem_shared>> -> memref<640xf32, #tpu.memory_space<vmem_shared>>
      tpu.enqueue_dma source(%dma_start3A_95 : memref<640xf32, #tpu.memory_space<vmem_shared>>) target(%dma_start3A_93 : memref<640xf32, #tpu.memory_space<vmem>>) target_semaphore(%run_scoped3A_86 : memref<!tpu.dma_semaphore, #tpu.memory_space<semaphore_mem>>)
      %dma_wait3A = arith.constant 0 : i32
      %dma_wait3A_96 = tpu.memref_slice %arg6[%run_scoped3A_77, %dma_wait3A] : memref<16x640xf32, #tpu.memory_space<vmem>> -> memref<1x640xf32, #tpu.memory_space<vmem>>
      %dma_wait3A_97 = tpu.memref_squeeze %dma_wait3A_96 : memref<1x640xf32, #tpu.memory_space<vmem>> -> memref<640xf32, #tpu.memory_space<vmem>>
      %dma_wait3A_98 = tpu.memref_slice %arg8[%run_scoped3A_76, %mul3A_75] : memref<16x10240xf32, #tpu.memory_space<vmem_shared>> -> memref<1x640xf32, #tpu.memory_space<vmem_shared>>
      %dma_wait3A_99 = tpu.memref_squeeze %dma_wait3A_98 : memref<1x640xf32, #tpu.memory_space<vmem_shared>> -> memref<640xf32, #tpu.memory_space<vmem_shared>>
      %dma_wait3A_100 = arith.constant 0 : i32
      %dma_wait3A_101 = tpu.memref_slice %arg6[%run_scoped3A_77, %dma_wait3A_100] : memref<16x640xf32, #tpu.memory_space<vmem>> -> memref<1x640xf32, #tpu.memory_space<vmem>>
      %dma_wait3A_102 = tpu.memref_squeeze %dma_wait3A_101 : memref<1x640xf32, #tpu.memory_space<vmem>> -> memref<640xf32, #tpu.memory_space<vmem>>
      %dma_wait3A_103 = tpu.memref_slice %arg8[%run_scoped3A_76, %mul3A_75] : memref<16x10240xf32, #tpu.memory_space<vmem_shared>> -> memref<1x640xf32, #tpu.memory_space<vmem_shared>>
      %dma_wait3A_104 = tpu.memref_squeeze %dma_wait3A_103 : memref<1x640xf32, #tpu.memory_space<vmem_shared>> -> memref<640xf32, #tpu.memory_space<vmem_shared>>
      tpu.wait_dma2 semaphore(%run_scoped3A_86 : memref<!tpu.dma_semaphore, #tpu.memory_space<semaphore_mem>>) src(%dma_wait3A_104 : memref<640xf32, #tpu.memory_space<vmem_shared>>) dst(%dma_wait3A_102 : memref<640xf32, #tpu.memory_space<vmem>>)
      tpu.yield
    }) : () -> ()
    %scan3A_78 = arith.constant 0 : i32
    %scan3A_79 = arith.constant 0 : i32
    %scan3A_80 = arith.constant 40 : i32
    %scan3A_81 = arith.addi %scan3A_79, %scan3A_80 : i32
    %scan3A_82 = arith.constant 1 : i32
    scf.for %scan3A_86 = %scan3A_79 to %scan3A_81 step %scan3A_82  : i32 {
      %mul3A_87 = arith.constant 16 : i32
      %mul3A_88 = arith.muli %scan3A_86, %mul3A_87 : i32
      %get3A = arith.constant 0 : i32
      %get3A_89 = arith.index_cast %get3A : i32 to index
      %get3A_90 = arith.index_cast %mul3A_88 : i32 to index
      %get3A_91 = tpu.vector_load %arg6[%get3A_89, %get3A_90] {strides = array<i32>} : memref<16x640xf32, #tpu.memory_space<vmem>>, vector<16xf32>,
      %mul3A_92 = arith.constant 16 : i32
      %mul3A_93 = arith.muli %scan3A_86, %mul3A_92 : i32
      %get3A_94 = arith.constant 1 : i32
      %get3A_95 = arith.index_cast %get3A_94 : i32 to index
      %get3A_96 = arith.index_cast %mul3A_93 : i32 to index
      %get3A_97 = tpu.vector_load %arg6[%get3A_95, %get3A_96] {strides = array<i32>} : memref<16x640xf32, #tpu.memory_space<vmem>>, vector<16xf32>,
      %add3A_98 = arith.addf %get3A_91, %get3A_97 : vector<16xf32>
      %mul3A_99 = arith.constant 16 : i32
      %mul3A_100 = arith.muli %scan3A_86, %mul3A_99 : i32
      %get3A_101 = arith.constant 2 : i32
      %get3A_102 = arith.index_cast %get3A_101 : i32 to index
      %get3A_103 = arith.index_cast %mul3A_100 : i32 to index
      %get3A_104 = tpu.vector_load %arg6[%get3A_102, %get3A_103] {strides = array<i32>} : memref<16x640xf32, #tpu.memory_space<vmem>>, vector<16xf32>,
      %add3A_105 = arith.addf %add3A_98, %get3A_104 : vector<16xf32>
      %mul3A_106 = arith.constant 16 : i32
      %mul3A_107 = arith.muli %scan3A_86, %mul3A_106 : i32
      %get3A_108 = arith.constant 3 : i32
      %get3A_109 = arith.index_cast %get3A_108 : i32 to index
      %get3A_110 = arith.index_cast %mul3A_107 : i32 to index
      %get3A_111 = tpu.vector_load %arg6[%get3A_109, %get3A_110] {strides = array<i32>} : memref<16x640xf32, #tpu.memory_space<vmem>>, vector<16xf32>,
      %add3A_112 = arith.addf %add3A_105, %get3A_111 : vector<16xf32>
      %mul3A_113 = arith.constant 16 : i32
      %mul3A_114 = arith.muli %scan3A_86, %mul3A_113 : i32
      %get3A_115 = arith.constant 4 : i32
      %get3A_116 = arith.index_cast %get3A_115 : i32 to index
      %get3A_117 = arith.index_cast %mul3A_114 : i32 to index
      %get3A_118 = tpu.vector_load %arg6[%get3A_116, %get3A_117] {strides = array<i32>} : memref<16x640xf32, #tpu.memory_space<vmem>>, vector<16xf32>,
      %add3A_119 = arith.addf %add3A_112, %get3A_118 : vector<16xf32>
      %mul3A_120 = arith.constant 16 : i32
      %mul3A_121 = arith.muli %scan3A_86, %mul3A_120 : i32
      %get3A_122 = arith.constant 5 : i32
      %get3A_123 = arith.index_cast %get3A_122 : i32 to index
      %get3A_124 = arith.index_cast %mul3A_121 : i32 to index
      %get3A_125 = tpu.vector_load %arg6[%get3A_123, %get3A_124] {strides = array<i32>} : memref<16x640xf32, #tpu.memory_space<vmem>>, vector<16xf32>,
      %add3A_126 = arith.addf %add3A_119, %get3A_125 : vector<16xf32>
      %mul3A_127 = arith.constant 16 : i32
      %mul3A_128 = arith.muli %scan3A_86, %mul3A_127 : i32
      %get3A_129 = arith.constant 6 : i32
      %get3A_130 = arith.index_cast %get3A_129 : i32 to index
      %get3A_131 = arith.index_cast %mul3A_128 : i32 to index
      %get3A_132 = tpu.vector_load %arg6[%get3A_130, %get3A_131] {strides = array<i32>} : memref<16x640xf32, #tpu.memory_space<vmem>>, vector<16xf32>,
      %add3A_133 = arith.addf %add3A_126, %get3A_132 : vector<16xf32>
      %mul3A_134 = arith.constant 16 : i32
      %mul3A_135 = arith.muli %scan3A_86, %mul3A_134 : i32
      %get3A_136 = arith.constant 7 : i32
      %get3A_137 = arith.index_cast %get3A_136 : i32 to index
      %get3A_138 = arith.index_cast %mul3A_135 : i32 to index
      %get3A_139 = tpu.vector_load %arg6[%get3A_137, %get3A_138] {strides = array<i32>} : memref<16x640xf32, #tpu.memory_space<vmem>>, vector<16xf32>,
      %add3A_140 = arith.addf %add3A_133, %get3A_139 : vector<16xf32>
      %mul3A_141 = arith.constant 16 : i32
      %mul3A_142 = arith.muli %scan3A_86, %mul3A_141 : i32
      %get3A_143 = arith.constant 8 : i32
      %get3A_144 = arith.index_cast %get3A_143 : i32 to index
      %get3A_145 = arith.index_cast %mul3A_142 : i32 to index
      %get3A_146 = tpu.vector_load %arg6[%get3A_144, %get3A_145] {strides = array<i32>} : memref<16x640xf32, #tpu.memory_space<vmem>>, vector<16xf32>,
      %add3A_147 = arith.addf %add3A_140, %get3A_146 : vector<16xf32>
      %mul3A_148 = arith.constant 16 : i32
      %mul3A_149 = arith.muli %scan3A_86, %mul3A_148 : i32
      %get3A_150 = arith.constant 9 : i32
      %get3A_151 = arith.index_cast %get3A_150 : i32 to index
      %get3A_152 = arith.index_cast %mul3A_149 : i32 to index
      %get3A_153 = tpu.vector_load %arg6[%get3A_151, %get3A_152] {strides = array<i32>} : memref<16x640xf32, #tpu.memory_space<vmem>>, vector<16xf32>,
      %add3A_154 = arith.addf %add3A_147, %get3A_153 : vector<16xf32>
      %mul3A_155 = arith.constant 16 : i32
      %mul3A_156 = arith.muli %scan3A_86, %mul3A_155 : i32
      %get3A_157 = arith.constant 10 : i32
      %get3A_158 = arith.index_cast %get3A_157 : i32 to index
      %get3A_159 = arith.index_cast %mul3A_156 : i32 to index
      %get3A_160 = tpu.vector_load %arg6[%get3A_158, %get3A_159] {strides = array<i32>} : memref<16x640xf32, #tpu.memory_space<vmem>>, vector<16xf32>,
      %add3A_161 = arith.addf %add3A_154, %get3A_160 : vector<16xf32>
      %mul3A_162 = arith.constant 16 : i32
      %mul3A_163 = arith.muli %scan3A_86, %mul3A_162 : i32
      %get3A_164 = arith.constant 11 : i32
      %get3A_165 = arith.index_cast %get3A_164 : i32 to index
      %get3A_166 = arith.index_cast %mul3A_163 : i32 to index
      %get3A_167 = tpu.vector_load %arg6[%get3A_165, %get3A_166] {strides = array<i32>} : memref<16x640xf32, #tpu.memory_space<vmem>>, vector<16xf32>,
      %add3A_168 = arith.addf %add3A_161, %get3A_167 : vector<16xf32>
      %mul3A_169 = arith.constant 16 : i32
      %mul3A_170 = arith.muli %scan3A_86, %mul3A_169 : i32
      %get3A_171 = arith.constant 12 : i32
      %get3A_172 = arith.index_cast %get3A_171 : i32 to index
      %get3A_173 = arith.index_cast %mul3A_170 : i32 to index
      %get3A_174 = tpu.vector_load %arg6[%get3A_172, %get3A_173] {strides = array<i32>} : memref<16x640xf32, #tpu.memory_space<vmem>>, vector<16xf32>,
      %add3A_175 = arith.addf %add3A_168, %get3A_174 : vector<16xf32>
      %mul3A_176 = arith.constant 16 : i32
      %mul3A_177 = arith.muli %scan3A_86, %mul3A_176 : i32
      %get3A_178 = arith.constant 13 : i32
      %get3A_179 = arith.index_cast %get3A_178 : i32 to index
      %get3A_180 = arith.index_cast %mul3A_177 : i32 to index
      %get3A_181 = tpu.vector_load %arg6[%get3A_179, %get3A_180] {strides = array<i32>} : memref<16x640xf32, #tpu.memory_space<vmem>>, vector<16xf32>,
      %add3A_182 = arith.addf %add3A_175, %get3A_181 : vector<16xf32>
      %mul3A_183 = arith.constant 16 : i32
      %mul3A_184 = arith.muli %scan3A_86, %mul3A_183 : i32
      %get3A_185 = arith.constant 14 : i32
      %get3A_186 = arith.index_cast %get3A_185 : i32 to index
      %get3A_187 = arith.index_cast %mul3A_184 : i32 to index
      %get3A_188 = tpu.vector_load %arg6[%get3A_186, %get3A_187] {strides = array<i32>} : memref<16x640xf32, #tpu.memory_space<vmem>>, vector<16xf32>,
      %add3A_189 = arith.addf %add3A_182, %get3A_188 : vector<16xf32>
      %mul3A_190 = arith.constant 16 : i32
      %mul3A_191 = arith.muli %scan3A_86, %mul3A_190 : i32
      %get3A_192 = arith.constant 15 : i32
      %get3A_193 = arith.index_cast %get3A_192 : i32 to index
      %get3A_194 = arith.index_cast %mul3A_191 : i32 to index
      %get3A_195 = tpu.vector_load %arg6[%get3A_193, %get3A_194] {strides = array<i32>} : memref<16x640xf32, #tpu.memory_space<vmem>>, vector<16xf32>,
      %add3A_196 = arith.addf %add3A_189, %get3A_195 : vector<16xf32>
      %mul3A_197 = arith.constant 16 : i32
      %mul3A_198 = arith.muli %scan3A_86, %mul3A_197 : i32
      %swap3A = arith.index_cast %mul3A_198 : i32 to index
      %swap3A_199 = tpu.vector_load %arg7[%swap3A] {strides = array<i32>} : memref<640xf32, #tpu.memory_space<vmem>>, vector<16xf32>,
      tpu.vector_store %arg7[%swap3A], %add3A_196 {strides = array<i32>} : memref<640xf32, #tpu.memory_space<vmem>>, vector<16xf32>,
    }
    %scan3A_83 = arith.constant 40 : i32
    %mul3A_84 = arith.constant 640 : i32
    %mul3A_85 = arith.muli %arg1, %mul3A_84 : i32
    "tpu.region"() ({
      %run_scoped3A_86 = tpu.sem_alloc : memref<!tpu.dma_semaphore, #tpu.memory_space<semaphore_mem>>
      %dma_start3A = tpu.memref_slice %arg3[%arg0, %mul3A_85] : memref<2x10240xf32, #tpu.memory_space<hbm>> -> memref<1x640xf32, #tpu.memory_space<hbm>>
      %dma_start3A_87 = tpu.memref_squeeze %dma_start3A : memref<1x640xf32, #tpu.memory_space<hbm>> -> memref<640xf32, #tpu.memory_space<hbm>>
      %dma_start3A_88 = tpu.memref_slice %arg3[%arg0, %mul3A_85] : memref<2x10240xf32, #tpu.memory_space<hbm>> -> memref<1x640xf32, #tpu.memory_space<hbm>>
      %dma_start3A_89 = tpu.memref_squeeze %dma_start3A_88 : memref<1x640xf32, #tpu.memory_space<hbm>> -> memref<640xf32, #tpu.memory_space<hbm>>
      tpu.enqueue_dma source(%arg7 : memref<640xf32, #tpu.memory_space<vmem>>) target(%dma_start3A_89 : memref<640xf32, #tpu.memory_space<hbm>>) target_semaphore(%run_scoped3A_86 : memref<!tpu.dma_semaphore, #tpu.memory_space<semaphore_mem>>)
      %dma_wait3A = tpu.memref_slice %arg3[%arg0, %mul3A_85] : memref<2x10240xf32, #tpu.memory_space<hbm>> -> memref<1x640xf32, #tpu.memory_space<hbm>>
      %dma_wait3A_90 = tpu.memref_squeeze %dma_wait3A : memref<1x640xf32, #tpu.memory_space<hbm>> -> memref<640xf32, #tpu.memory_space<hbm>>
      %dma_wait3A_91 = tpu.memref_slice %arg3[%arg0, %mul3A_85] : memref<2x10240xf32, #tpu.memory_space<hbm>> -> memref<1x640xf32, #tpu.memory_space<hbm>>
      %dma_wait3A_92 = tpu.memref_squeeze %dma_wait3A_91 : memref<1x640xf32, #tpu.memory_space<hbm>> -> memref<640xf32, #tpu.memory_space<hbm>>
      tpu.wait_dma2 semaphore(%run_scoped3A_86 : memref<!tpu.dma_semaphore, #tpu.memory_space<semaphore_mem>>) src(%arg7 : memref<640xf32, #tpu.memory_space<vmem>>) dst(%dma_wait3A_92 : memref<640xf32, #tpu.memory_space<hbm>>)
      tpu.yield
    }) : () -> ()
    return
  }
}

#map = affine_map<(d0, d1) -> (0, 0)>
#map1 = affine_map<(d0, d1) -> (0, 0, 0)>
module attributes {stable_mosaic.version = 14 : i64} {
  func.func @_scat3_body(%arg0: i32, %arg1: i32, %arg2: memref<2560x128xi32, #tpu.memory_space<hbm>>, %arg3: memref<2560x128xi32, #tpu.memory_space<hbm>>, %arg4: memref<2560x128xi32, #tpu.memory_space<hbm>>, %arg5: memref<20000x64xf32, #tpu.memory_space<hbm>>, %arg6: memref<2x10240x128xf32, #tpu.memory_space<hbm>>, %arg7: memref<160x128xi32, #tpu.memory_space<vmem>>, %arg8: memref<160x128xi32, #tpu.memory_space<vmem>>, %arg9: memref<128x64xf32, #tpu.memory_space<vmem>>, %arg10: memref<128x64xf32, #tpu.memory_space<vmem>>, %arg11: memref<128x64xf32, #tpu.memory_space<vmem>>, %arg12: memref<128x64xf32, #tpu.memory_space<vmem>>, %arg13: memref<10240x64xf32, #tpu.memory_space<vmem_shared>>, %arg14: memref<!tpu.dma_semaphore, #tpu.memory_space<semaphore_mem>>, %arg15: memref<!tpu.dma_semaphore, #tpu.memory_space<semaphore_mem>>, %arg16: memref<!tpu.dma_semaphore, #tpu.memory_space<semaphore_mem>>, %arg17: memref<!tpu.dma_semaphore, #tpu.memory_space<semaphore_mem>>) attributes {dimension_semantics = [#tpu.dimension_semantics<core_parallel>, #tpu.dimension_semantics<subcore_parallel>], iteration_bounds = array<i64: 2, 16>, scalar_prefetch = 0 : i64, scratch_operands = 11 : i64, tpu.core_type = #tpu.core_type<sc_vector_subcore>, window_params = [{transform_indices = #map}, {transform_indices = #map}, {transform_indices = #map}, {transform_indices = #map}, {transform_indices = #map1}]} {
    %broadcast_in_dim3A = arith.constant 0.000000e+00 : f32
    %broadcast_in_dim3A_0 = vector.broadcast %broadcast_in_dim3A : f32 to vector<16xf32>
    %scan3A = arith.constant 0 : i32
    %scan3A_1 = arith.constant 0 : i32
    %scan3A_2 = arith.constant 128 : i32
    %scan3A_3 = arith.addi %scan3A_1, %scan3A_2 : i32
    %scan3A_4 = arith.constant 1 : i32
    scf.for %scan3A_71 = %scan3A_1 to %scan3A_3 step %scan3A_4  : i32 {
      %swap3A = arith.index_cast %scan3A_71 : i32 to index
      %swap3A_72 = arith.constant 0 : index
      %swap3A_73 = tpu.vector_load %arg9[%swap3A, %swap3A_72] {strides = array<i32>} : memref<128x64xf32, #tpu.memory_space<vmem>>, vector<1x16xf32>,
      %swap3A_74 = vector.shape_cast %swap3A_73 : vector<1x16xf32> to vector<16xf32>
      %swap3A_75 = vector.shape_cast %broadcast_in_dim3A_0 : vector<16xf32> to vector<1x16xf32>
      tpu.vector_store %arg9[%swap3A, %swap3A_72], %swap3A_75 {strides = array<i32>} : memref<128x64xf32, #tpu.memory_space<vmem>>, vector<1x16xf32>,
      %swap3A_76 = arith.index_cast %scan3A_71 : i32 to index
      %swap3A_77 = arith.constant 16 : index
      %swap3A_78 = tpu.vector_load %arg9[%swap3A_76, %swap3A_77] {strides = array<i32>} : memref<128x64xf32, #tpu.memory_space<vmem>>, vector<1x16xf32>,
      %swap3A_79 = vector.shape_cast %swap3A_78 : vector<1x16xf32> to vector<16xf32>
      %swap3A_80 = vector.shape_cast %broadcast_in_dim3A_0 : vector<16xf32> to vector<1x16xf32>
      tpu.vector_store %arg9[%swap3A_76, %swap3A_77], %swap3A_80 {strides = array<i32>} : memref<128x64xf32, #tpu.memory_space<vmem>>, vector<1x16xf32>,
      %swap3A_81 = arith.index_cast %scan3A_71 : i32 to index
      %swap3A_82 = arith.constant 32 : index
      %swap3A_83 = tpu.vector_load %arg9[%swap3A_81, %swap3A_82] {strides = array<i32>} : memref<128x64xf32, #tpu.memory_space<vmem>>, vector<1x16xf32>,
      %swap3A_84 = vector.shape_cast %swap3A_83 : vector<1x16xf32> to vector<16xf32>
      %swap3A_85 = vector.shape_cast %broadcast_in_dim3A_0 : vector<16xf32> to vector<1x16xf32>
      tpu.vector_store %arg9[%swap3A_81, %swap3A_82], %swap3A_85 {strides = array<i32>} : memref<128x64xf32, #tpu.memory_space<vmem>>, vector<1x16xf32>,
      %swap3A_86 = arith.index_cast %scan3A_71 : i32 to index
      %swap3A_87 = arith.constant 48 : index
      %swap3A_88 = tpu.vector_load %arg9[%swap3A_86, %swap3A_87] {strides = array<i32>} : memref<128x64xf32, #tpu.memory_space<vmem>>, vector<1x16xf32>,
      %swap3A_89 = vector.shape_cast %swap3A_88 : vector<1x16xf32> to vector<16xf32>
      %swap3A_90 = vector.shape_cast %broadcast_in_dim3A_0 : vector<16xf32> to vector<1x16xf32>
      tpu.vector_store %arg9[%swap3A_86, %swap3A_87], %swap3A_90 {strides = array<i32>} : memref<128x64xf32, #tpu.memory_space<vmem>>, vector<1x16xf32>,
    }
    %scan3A_5 = arith.constant 128 : i32
    %mul3A = arith.constant 640 : i32
    %mul3A_6 = arith.muli %arg1, %mul3A : i32
    %add3A = arith.constant 0 : i32
    %add3A_7 = arith.addi %mul3A_6, %add3A : i32
    "tpu.region"() ({
      %run_scoped3A = tpu.sem_alloc : memref<!tpu.dma_semaphore, #tpu.memory_space<semaphore_mem>>
      %dma_start3A_71 = arith.constant 0 : i32
      %dma_start3A_72 = tpu.memref_slice %arg13[%add3A_7, %dma_start3A_71] : memref<10240x64xf32, #tpu.memory_space<vmem_shared>> -> memref<128x64xf32, #tpu.memory_space<vmem_shared>>
      %dma_start3A_73 = arith.constant 0 : i32
      %dma_start3A_74 = tpu.memref_slice %arg13[%add3A_7, %dma_start3A_73] : memref<10240x64xf32, #tpu.memory_space<vmem_shared>> -> memref<128x64xf32, #tpu.memory_space<vmem_shared>>
      tpu.enqueue_dma source(%arg9 : memref<128x64xf32, #tpu.memory_space<vmem>>) target(%dma_start3A_74 : memref<128x64xf32, #tpu.memory_space<vmem_shared>>) target_semaphore(%run_scoped3A : memref<!tpu.dma_semaphore, #tpu.memory_space<semaphore_mem>>)
      %dma_wait3A = arith.constant 0 : i32
      %dma_wait3A_75 = tpu.memref_slice %arg13[%add3A_7, %dma_wait3A] : memref<10240x64xf32, #tpu.memory_space<vmem_shared>> -> memref<128x64xf32, #tpu.memory_space<vmem_shared>>
      %dma_wait3A_76 = arith.constant 0 : i32
      %dma_wait3A_77 = tpu.memref_slice %arg13[%add3A_7, %dma_wait3A_76] : memref<10240x64xf32, #tpu.memory_space<vmem_shared>> -> memref<128x64xf32, #tpu.memory_space<vmem_shared>>
      tpu.wait_dma2 semaphore(%run_scoped3A : memref<!tpu.dma_semaphore, #tpu.memory_space<semaphore_mem>>) src(%arg9 : memref<128x64xf32, #tpu.memory_space<vmem>>) dst(%dma_wait3A_77 : memref<128x64xf32, #tpu.memory_space<vmem_shared>>)
      tpu.yield
    }) : () -> ()
    %mul3A_8 = arith.constant 640 : i32
    %mul3A_9 = arith.muli %arg1, %mul3A_8 : i32
    %add3A_10 = arith.constant 128 : i32
    %add3A_11 = arith.addi %mul3A_9, %add3A_10 : i32
    "tpu.region"() ({
      %run_scoped3A = tpu.sem_alloc : memref<!tpu.dma_semaphore, #tpu.memory_space<semaphore_mem>>
      %dma_start3A_71 = arith.constant 0 : i32
      %dma_start3A_72 = tpu.memref_slice %arg13[%add3A_11, %dma_start3A_71] : memref<10240x64xf32, #tpu.memory_space<vmem_shared>> -> memref<128x64xf32, #tpu.memory_space<vmem_shared>>
      %dma_start3A_73 = arith.constant 0 : i32
      %dma_start3A_74 = tpu.memref_slice %arg13[%add3A_11, %dma_start3A_73] : memref<10240x64xf32, #tpu.memory_space<vmem_shared>> -> memref<128x64xf32, #tpu.memory_space<vmem_shared>>
      tpu.enqueue_dma source(%arg9 : memref<128x64xf32, #tpu.memory_space<vmem>>) target(%dma_start3A_74 : memref<128x64xf32, #tpu.memory_space<vmem_shared>>) target_semaphore(%run_scoped3A : memref<!tpu.dma_semaphore, #tpu.memory_space<semaphore_mem>>)
      %dma_wait3A = arith.constant 0 : i32
      %dma_wait3A_75 = tpu.memref_slice %arg13[%add3A_11, %dma_wait3A] : memref<10240x64xf32, #tpu.memory_space<vmem_shared>> -> memref<128x64xf32, #tpu.memory_space<vmem_shared>>
      %dma_wait3A_76 = arith.constant 0 : i32
      %dma_wait3A_77 = tpu.memref_slice %arg13[%add3A_11, %dma_wait3A_76] : memref<10240x64xf32, #tpu.memory_space<vmem_shared>> -> memref<128x64xf32, #tpu.memory_space<vmem_shared>>
      tpu.wait_dma2 semaphore(%run_scoped3A : memref<!tpu.dma_semaphore, #tpu.memory_space<semaphore_mem>>) src(%arg9 : memref<128x64xf32, #tpu.memory_space<vmem>>) dst(%dma_wait3A_77 : memref<128x64xf32, #tpu.memory_space<vmem_shared>>)
      tpu.yield
    }) : () -> ()
    %mul3A_12 = arith.constant 640 : i32
    %mul3A_13 = arith.muli %arg1, %mul3A_12 : i32
    %add3A_14 = arith.constant 256 : i32
    %add3A_15 = arith.addi %mul3A_13, %add3A_14 : i32
    "tpu.region"() ({
      %run_scoped3A = tpu.sem_alloc : memref<!tpu.dma_semaphore, #tpu.memory_space<semaphore_mem>>
      %dma_start3A_71 = arith.constant 0 : i32
      %dma_start3A_72 = tpu.memref_slice %arg13[%add3A_15, %dma_start3A_71] : memref<10240x64xf32, #tpu.memory_space<vmem_shared>> -> memref<128x64xf32, #tpu.memory_space<vmem_shared>>
      %dma_start3A_73 = arith.constant 0 : i32
      %dma_start3A_74 = tpu.memref_slice %arg13[%add3A_15, %dma_start3A_73] : memref<10240x64xf32, #tpu.memory_space<vmem_shared>> -> memref<128x64xf32, #tpu.memory_space<vmem_shared>>
      tpu.enqueue_dma source(%arg9 : memref<128x64xf32, #tpu.memory_space<vmem>>) target(%dma_start3A_74 : memref<128x64xf32, #tpu.memory_space<vmem_shared>>) target_semaphore(%run_scoped3A : memref<!tpu.dma_semaphore, #tpu.memory_space<semaphore_mem>>)
      %dma_wait3A = arith.constant 0 : i32
      %dma_wait3A_75 = tpu.memref_slice %arg13[%add3A_15, %dma_wait3A] : memref<10240x64xf32, #tpu.memory_space<vmem_shared>> -> memref<128x64xf32, #tpu.memory_space<vmem_shared>>
      %dma_wait3A_76 = arith.constant 0 : i32
      %dma_wait3A_77 = tpu.memref_slice %arg13[%add3A_15, %dma_wait3A_76] : memref<10240x64xf32, #tpu.memory_space<vmem_shared>> -> memref<128x64xf32, #tpu.memory_space<vmem_shared>>
      tpu.wait_dma2 semaphore(%run_scoped3A : memref<!tpu.dma_semaphore, #tpu.memory_space<semaphore_mem>>) src(%arg9 : memref<128x64xf32, #tpu.memory_space<vmem>>) dst(%dma_wait3A_77 : memref<128x64xf32, #tpu.memory_space<vmem_shared>>)
      tpu.yield
    }) : () -> ()
    %mul3A_16 = arith.constant 640 : i32
    %mul3A_17 = arith.muli %arg1, %mul3A_16 : i32
    %add3A_18 = arith.constant 384 : i32
    %add3A_19 = arith.addi %mul3A_17, %add3A_18 : i32
    "tpu.region"() ({
      %run_scoped3A = tpu.sem_alloc : memref<!tpu.dma_semaphore, #tpu.memory_space<semaphore_mem>>
      %dma_start3A_71 = arith.constant 0 : i32
      %dma_start3A_72 = tpu.memref_slice %arg13[%add3A_19, %dma_start3A_71] : memref<10240x64xf32, #tpu.memory_space<vmem_shared>> -> memref<128x64xf32, #tpu.memory_space<vmem_shared>>
      %dma_start3A_73 = arith.constant 0 : i32
      %dma_start3A_74 = tpu.memref_slice %arg13[%add3A_19, %dma_start3A_73] : memref<10240x64xf32, #tpu.memory_space<vmem_shared>> -> memref<128x64xf32, #tpu.memory_space<vmem_shared>>
      tpu.enqueue_dma source(%arg9 : memref<128x64xf32, #tpu.memory_space<vmem>>) target(%dma_start3A_74 : memref<128x64xf32, #tpu.memory_space<vmem_shared>>) target_semaphore(%run_scoped3A : memref<!tpu.dma_semaphore, #tpu.memory_space<semaphore_mem>>)
      %dma_wait3A = arith.constant 0 : i32
      %dma_wait3A_75 = tpu.memref_slice %arg13[%add3A_19, %dma_wait3A] : memref<10240x64xf32, #tpu.memory_space<vmem_shared>> -> memref<128x64xf32, #tpu.memory_space<vmem_shared>>
      %dma_wait3A_76 = arith.constant 0 : i32
      %dma_wait3A_77 = tpu.memref_slice %arg13[%add3A_19, %dma_wait3A_76] : memref<10240x64xf32, #tpu.memory_space<vmem_shared>> -> memref<128x64xf32, #tpu.memory_space<vmem_shared>>
      tpu.wait_dma2 semaphore(%run_scoped3A : memref<!tpu.dma_semaphore, #tpu.memory_space<semaphore_mem>>) src(%arg9 : memref<128x64xf32, #tpu.memory_space<vmem>>) dst(%dma_wait3A_77 : memref<128x64xf32, #tpu.memory_space<vmem_shared>>)
      tpu.yield
    }) : () -> ()
    %mul3A_20 = arith.constant 640 : i32
    %mul3A_21 = arith.muli %arg1, %mul3A_20 : i32
    %add3A_22 = arith.constant 512 : i32
    %add3A_23 = arith.addi %mul3A_21, %add3A_22 : i32
    "tpu.region"() ({
      %run_scoped3A = tpu.sem_alloc : memref<!tpu.dma_semaphore, #tpu.memory_space<semaphore_mem>>
      %dma_start3A_71 = arith.constant 0 : i32
      %dma_start3A_72 = tpu.memref_slice %arg13[%add3A_23, %dma_start3A_71] : memref<10240x64xf32, #tpu.memory_space<vmem_shared>> -> memref<128x64xf32, #tpu.memory_space<vmem_shared>>
      %dma_start3A_73 = arith.constant 0 : i32
      %dma_start3A_74 = tpu.memref_slice %arg13[%add3A_23, %dma_start3A_73] : memref<10240x64xf32, #tpu.memory_space<vmem_shared>> -> memref<128x64xf32, #tpu.memory_space<vmem_shared>>
      tpu.enqueue_dma source(%arg9 : memref<128x64xf32, #tpu.memory_space<vmem>>) target(%dma_start3A_74 : memref<128x64xf32, #tpu.memory_space<vmem_shared>>) target_semaphore(%run_scoped3A : memref<!tpu.dma_semaphore, #tpu.memory_space<semaphore_mem>>)
      %dma_wait3A = arith.constant 0 : i32
      %dma_wait3A_75 = tpu.memref_slice %arg13[%add3A_23, %dma_wait3A] : memref<10240x64xf32, #tpu.memory_space<vmem_shared>> -> memref<128x64xf32, #tpu.memory_space<vmem_shared>>
      %dma_wait3A_76 = arith.constant 0 : i32
      %dma_wait3A_77 = tpu.memref_slice %arg13[%add3A_23, %dma_wait3A_76] : memref<10240x64xf32, #tpu.memory_space<vmem_shared>> -> memref<128x64xf32, #tpu.memory_space<vmem_shared>>
      tpu.wait_dma2 semaphore(%run_scoped3A : memref<!tpu.dma_semaphore, #tpu.memory_space<semaphore_mem>>) src(%arg9 : memref<128x64xf32, #tpu.memory_space<vmem>>) dst(%dma_wait3A_77 : memref<128x64xf32, #tpu.memory_space<vmem_shared>>)
      tpu.yield
    }) : () -> ()
    %mul3A_24 = arith.constant 160 : i32
    %mul3A_25 = arith.muli %arg1, %mul3A_24 : i32
    %eq3A = arith.constant 0 : i32
    %eq3A_26 = arith.cmpi eq, %arg0, %eq3A : i32
    %convert_element_type3A = arith.extui %eq3A_26 : i1 to i32
    %cond3A = arith.constant 0 : i32
    %cond3A_27 = arith.cmpi ne, %convert_element_type3A, %cond3A : i32
    scf.if %cond3A_27 {
      "tpu.region"() ({
        %run_scoped3A = tpu.sem_alloc : memref<!tpu.dma_semaphore, #tpu.memory_space<semaphore_mem>>
        %dma_start3A_71 = arith.constant 0 : i32
        %dma_start3A_72 = tpu.memref_slice %arg2[%mul3A_25, %dma_start3A_71] : memref<2560x128xi32, #tpu.memory_space<hbm>> -> memref<160x128xi32, #tpu.memory_space<hbm>>
        %dma_start3A_73 = arith.constant 0 : i32
        %dma_start3A_74 = tpu.memref_slice %arg2[%mul3A_25, %dma_start3A_73] : memref<2560x128xi32, #tpu.memory_space<hbm>> -> memref<160x128xi32, #tpu.memory_space<hbm>>
        tpu.enqueue_dma source(%dma_start3A_74 : memref<160x128xi32, #tpu.memory_space<hbm>>) target(%arg7 : memref<160x128xi32, #tpu.memory_space<vmem>>) target_semaphore(%run_scoped3A : memref<!tpu.dma_semaphore, #tpu.memory_space<semaphore_mem>>)
        %dma_wait3A = arith.constant 0 : i32
        %dma_wait3A_75 = tpu.memref_slice %arg2[%mul3A_25, %dma_wait3A] : memref<2560x128xi32, #tpu.memory_space<hbm>> -> memref<160x128xi32, #tpu.memory_space<hbm>>
        %dma_wait3A_76 = arith.constant 0 : i32
        %dma_wait3A_77 = tpu.memref_slice %arg2[%mul3A_25, %dma_wait3A_76] : memref<2560x128xi32, #tpu.memory_space<hbm>> -> memref<160x128xi32, #tpu.memory_space<hbm>>
        tpu.wait_dma2 semaphore(%run_scoped3A : memref<!tpu.dma_semaphore, #tpu.memory_space<semaphore_mem>>) src(%dma_wait3A_77 : memref<160x128xi32, #tpu.memory_space<hbm>>) dst(%arg7 : memref<160x128xi32, #tpu.memory_space<vmem>>)
        tpu.yield
      }) : () -> ()
    } else {
    }
    %eq3A_28 = arith.constant 1 : i32
    %eq3A_29 = arith.cmpi eq, %arg0, %eq3A_28 : i32
    %convert_element_type3A_30 = arith.extui %eq3A_29 : i1 to i32
    %cond3A_31 = arith.constant 0 : i32
    %cond3A_32 = arith.cmpi ne, %convert_element_type3A_30, %cond3A_31 : i32
    scf.if %cond3A_32 {
      "tpu.region"() ({
        %run_scoped3A = tpu.sem_alloc : memref<!tpu.dma_semaphore, #tpu.memory_space<semaphore_mem>>
        %dma_start3A_71 = arith.constant 0 : i32
        %dma_start3A_72 = tpu.memref_slice %arg3[%mul3A_25, %dma_start3A_71] : memref<2560x128xi32, #tpu.memory_space<hbm>> -> memref<160x128xi32, #tpu.memory_space<hbm>>
        %dma_start3A_73 = arith.constant 0 : i32
        %dma_start3A_74 = tpu.memref_slice %arg3[%mul3A_25, %dma_start3A_73] : memref<2560x128xi32, #tpu.memory_space<hbm>> -> memref<160x128xi32, #tpu.memory_space<hbm>>
        tpu.enqueue_dma source(%dma_start3A_74 : memref<160x128xi32, #tpu.memory_space<hbm>>) target(%arg7 : memref<160x128xi32, #tpu.memory_space<vmem>>) target_semaphore(%run_scoped3A : memref<!tpu.dma_semaphore, #tpu.memory_space<semaphore_mem>>)
        %dma_wait3A = arith.constant 0 : i32
        %dma_wait3A_75 = tpu.memref_slice %arg3[%mul3A_25, %dma_wait3A] : memref<2560x128xi32, #tpu.memory_space<hbm>> -> memref<160x128xi32, #tpu.memory_space<hbm>>
        %dma_wait3A_76 = arith.constant 0 : i32
        %dma_wait3A_77 = tpu.memref_slice %arg3[%mul3A_25, %dma_wait3A_76] : memref<2560x128xi32, #tpu.memory_space<hbm>> -> memref<160x128xi32, #tpu.memory_space<hbm>>
        tpu.wait_dma2 semaphore(%run_scoped3A : memref<!tpu.dma_semaphore, #tpu.memory_space<semaphore_mem>>) src(%dma_wait3A_77 : memref<160x128xi32, #tpu.memory_space<hbm>>) dst(%arg7 : memref<160x128xi32, #tpu.memory_space<vmem>>)
        tpu.yield
      }) : () -> ()
    } else {
    }
    "tpu.region"() ({
      %run_scoped3A = tpu.sem_alloc : memref<!tpu.dma_semaphore, #tpu.memory_space<semaphore_mem>>
      %dma_start3A_71 = arith.constant 0 : i32
      %dma_start3A_72 = tpu.memref_slice %arg4[%mul3A_25, %dma_start3A_71] : memref<2560x128xi32, #tpu.memory_space<hbm>> -> memref<160x128xi32, #tpu.memory_space<hbm>>
      %dma_start3A_73 = arith.constant 0 : i32
      %dma_start3A_74 = tpu.memref_slice %arg4[%mul3A_25, %dma_start3A_73] : memref<2560x128xi32, #tpu.memory_space<hbm>> -> memref<160x128xi32, #tpu.memory_space<hbm>>
      tpu.enqueue_dma source(%dma_start3A_74 : memref<160x128xi32, #tpu.memory_space<hbm>>) target(%arg8 : memref<160x128xi32, #tpu.memory_space<vmem>>) target_semaphore(%run_scoped3A : memref<!tpu.dma_semaphore, #tpu.memory_space<semaphore_mem>>)
      %dma_wait3A = arith.constant 0 : i32
      %dma_wait3A_75 = tpu.memref_slice %arg4[%mul3A_25, %dma_wait3A] : memref<2560x128xi32, #tpu.memory_space<hbm>> -> memref<160x128xi32, #tpu.memory_space<hbm>>
      %dma_wait3A_76 = arith.constant 0 : i32
      %dma_wait3A_77 = tpu.memref_slice %arg4[%mul3A_25, %dma_wait3A_76] : memref<2560x128xi32, #tpu.memory_space<hbm>> -> memref<160x128xi32, #tpu.memory_space<hbm>>
      tpu.wait_dma2 semaphore(%run_scoped3A : memref<!tpu.dma_semaphore, #tpu.memory_space<semaphore_mem>>) src(%dma_wait3A_77 : memref<160x128xi32, #tpu.memory_space<hbm>>) dst(%arg8 : memref<160x128xi32, #tpu.memory_space<vmem>>)
      tpu.yield
    }) : () -> ()
    %barrier3A = arith.constant 0 : index
    tpu.barrier barrier_id(%barrier3A)
    %dma_start3A = arith.constant 0 : i32
    %dma_start3A_33 = arith.constant 0 : i32
    %dma_start3A_34 = tpu.memref_slice %arg7[%dma_start3A, %dma_start3A_33] : memref<160x128xi32, #tpu.memory_space<vmem>> -> memref<1x128xi32, #tpu.memory_space<vmem>>
    %dma_start3A_35 = tpu.memref_squeeze %dma_start3A_34 : memref<1x128xi32, #tpu.memory_space<vmem>> -> memref<128xi32, #tpu.memory_space<vmem>>
    %dma_start3A_36 = arith.constant 0 : i32
    %dma_start3A_37 = arith.constant 0 : i32
    %dma_start3A_38 = tpu.memref_slice %arg5[%dma_start3A_36, %dma_start3A_37] : memref<20000x64xf32, #tpu.memory_space<hbm>> -> memref<20000x64xf32, #tpu.memory_space<hbm>>
    tpu.enqueue_indirect_dma source(%dma_start3A_38 : memref<20000x64xf32, #tpu.memory_space<hbm>>) target(%arg9 : memref<128x64xf32, #tpu.memory_space<vmem>>) offsets(%dma_start3A_35 : memref<128xi32, #tpu.memory_space<vmem>>) semaphore(%arg14 : memref<!tpu.dma_semaphore, #tpu.memory_space<semaphore_mem>>)
    %dma_start3A_39 = arith.constant 1 : i32
    %dma_start3A_40 = arith.constant 0 : i32
    %dma_start3A_41 = tpu.memref_slice %arg7[%dma_start3A_39, %dma_start3A_40] : memref<160x128xi32, #tpu.memory_space<vmem>> -> memref<1x128xi32, #tpu.memory_space<vmem>>
    %dma_start3A_42 = tpu.memref_squeeze %dma_start3A_41 : memref<1x128xi32, #tpu.memory_space<vmem>> -> memref<128xi32, #tpu.memory_space<vmem>>
    %dma_start3A_43 = arith.constant 0 : i32
    %dma_start3A_44 = arith.constant 0 : i32
    %dma_start3A_45 = tpu.memref_slice %arg5[%dma_start3A_43, %dma_start3A_44] : memref<20000x64xf32, #tpu.memory_space<hbm>> -> memref<20000x64xf32, #tpu.memory_space<hbm>>
    tpu.enqueue_indirect_dma source(%dma_start3A_45 : memref<20000x64xf32, #tpu.memory_space<hbm>>) target(%arg10 : memref<128x64xf32, #tpu.memory_space<vmem>>) offsets(%dma_start3A_42 : memref<128xi32, #tpu.memory_space<vmem>>) semaphore(%arg15 : memref<!tpu.dma_semaphore, #tpu.memory_space<semaphore_mem>>)
    %dma_start3A_46 = arith.constant 2 : i32
    %dma_start3A_47 = arith.constant 0 : i32
    %dma_start3A_48 = tpu.memref_slice %arg7[%dma_start3A_46, %dma_start3A_47] : memref<160x128xi32, #tpu.memory_space<vmem>> -> memref<1x128xi32, #tpu.memory_space<vmem>>
    %dma_start3A_49 = tpu.memref_squeeze %dma_start3A_48 : memref<1x128xi32, #tpu.memory_space<vmem>> -> memref<128xi32, #tpu.memory_space<vmem>>
    %dma_start3A_50 = arith.constant 0 : i32
    %dma_start3A_51 = arith.constant 0 : i32
    %dma_start3A_52 = tpu.memref_slice %arg5[%dma_start3A_50, %dma_start3A_51] : memref<20000x64xf32, #tpu.memory_space<hbm>> -> memref<20000x64xf32, #tpu.memory_space<hbm>>
    tpu.enqueue_indirect_dma source(%dma_start3A_52 : memref<20000x64xf32, #tpu.memory_space<hbm>>) target(%arg11 : memref<128x64xf32, #tpu.memory_space<vmem>>) offsets(%dma_start3A_49 : memref<128xi32, #tpu.memory_space<vmem>>) semaphore(%arg16 : memref<!tpu.dma_semaphore, #tpu.memory_space<semaphore_mem>>)
    %dma_start3A_53 = arith.constant 3 : i32
    %dma_start3A_54 = arith.constant 0 : i32
    %dma_start3A_55 = tpu.memref_slice %arg7[%dma_start3A_53, %dma_start3A_54] : memref<160x128xi32, #tpu.memory_space<vmem>> -> memref<1x128xi32, #tpu.memory_space<vmem>>
    %dma_start3A_56 = tpu.memref_squeeze %dma_start3A_55 : memref<1x128xi32, #tpu.memory_space<vmem>> -> memref<128xi32, #tpu.memory_space<vmem>>
    %dma_start3A_57 = arith.constant 0 : i32
    %dma_start3A_58 = arith.constant 0 : i32
    %dma_start3A_59 = tpu.memref_slice %arg5[%dma_start3A_57, %dma_start3A_58] : memref<20000x64xf32, #tpu.memory_space<hbm>> -> memref<20000x64xf32, #tpu.memory_space<hbm>>
    tpu.enqueue_indirect_dma source(%dma_start3A_59 : memref<20000x64xf32, #tpu.memory_space<hbm>>) target(%arg12 : memref<128x64xf32, #tpu.memory_space<vmem>>) offsets(%dma_start3A_56 : memref<128xi32, #tpu.memory_space<vmem>>) semaphore(%arg17 : memref<!tpu.dma_semaphore, #tpu.memory_space<semaphore_mem>>)
    %scan3A_60 = arith.constant 0 : i32
    %scan3A_61 = arith.constant 0 : i32
    %scan3A_62 = arith.constant 40 : i32
    %scan3A_63 = arith.addi %scan3A_61, %scan3A_62 : i32
    %scan3A_64 = arith.constant 1 : i32
    scf.for %scan3A_71 = %scan3A_61 to %scan3A_63 step %scan3A_64  : i32 {
      %mul3A_72 = arith.constant 4 : i32
      %mul3A_73 = arith.muli %scan3A_71, %mul3A_72 : i32
      %add3A_74 = arith.constant 0 : i32
      %add3A_75 = arith.addi %mul3A_73, %add3A_74 : i32
      %dma_wait3A = arith.constant 0 : i32
      %dma_wait3A_76 = tpu.memref_slice %arg7[%add3A_75, %dma_wait3A] : memref<160x128xi32, #tpu.memory_space<vmem>> -> memref<1x128xi32, #tpu.memory_space<vmem>>
      %dma_wait3A_77 = tpu.memref_squeeze %dma_wait3A_76 : memref<1x128xi32, #tpu.memory_space<vmem>> -> memref<128xi32, #tpu.memory_space<vmem>>
      %dma_wait3A_78 = arith.constant 0 : i32
      %dma_wait3A_79 = arith.constant 0 : i32
      %dma_wait3A_80 = tpu.memref_slice %arg5[%dma_wait3A_78, %dma_wait3A_79] : memref<20000x64xf32, #tpu.memory_space<hbm>> -> memref<20000x64xf32, #tpu.memory_space<hbm>>
      tpu.wait_indirect_dma semaphore(%arg14 : memref<!tpu.dma_semaphore, #tpu.memory_space<semaphore_mem>>) src(%dma_wait3A_80 : memref<20000x64xf32, #tpu.memory_space<hbm>>) dst(%arg9 : memref<128x64xf32, #tpu.memory_space<vmem>>)
      %add3A_81 = arith.constant 0 : i32
      %add3A_82 = arith.addi %mul3A_73, %add3A_81 : i32
      "tpu.region"() ({
        %run_scoped3A = tpu.sem_alloc : memref<!tpu.dma_semaphore, #tpu.memory_space<semaphore_mem>>
        %dma_start3A_148 = arith.constant 0 : i32
        %dma_start3A_149 = tpu.memref_slice %arg8[%add3A_82, %dma_start3A_148] : memref<160x128xi32, #tpu.memory_space<vmem>> -> memref<1x128xi32, #tpu.memory_space<vmem>>
        %dma_start3A_150 = tpu.memref_squeeze %dma_start3A_149 : memref<1x128xi32, #tpu.memory_space<vmem>> -> memref<128xi32, #tpu.memory_space<vmem>>
        %dma_start3A_151 = arith.constant 0 : i32
        %dma_start3A_152 = arith.constant 0 : i32
        %dma_start3A_153 = tpu.memref_slice %arg13[%dma_start3A_151, %dma_start3A_152] : memref<10240x64xf32, #tpu.memory_space<vmem_shared>> -> memref<10240x64xf32, #tpu.memory_space<vmem_shared>>
        tpu.enqueue_indirect_dma source(%arg9 : memref<128x64xf32, #tpu.memory_space<vmem>>) target(%dma_start3A_153 : memref<10240x64xf32, #tpu.memory_space<vmem_shared>>) offsets(%dma_start3A_150 : memref<128xi32, #tpu.memory_space<vmem>>) semaphore(%run_scoped3A : memref<!tpu.dma_semaphore, #tpu.memory_space<semaphore_mem>>) {add = true}
        %dma_wait3A_154 = arith.constant 0 : i32
        %dma_wait3A_155 = tpu.memref_slice %arg8[%add3A_82, %dma_wait3A_154] : memref<160x128xi32, #tpu.memory_space<vmem>> -> memref<1x128xi32, #tpu.memory_space<vmem>>
        %dma_wait3A_156 = tpu.memref_squeeze %dma_wait3A_155 : memref<1x128xi32, #tpu.memory_space<vmem>> -> memref<128xi32, #tpu.memory_space<vmem>>
        %dma_wait3A_157 = arith.constant 0 : i32
        %dma_wait3A_158 = arith.constant 0 : i32
        %dma_wait3A_159 = tpu.memref_slice %arg13[%dma_wait3A_157, %dma_wait3A_158] : memref<10240x64xf32, #tpu.memory_space<vmem_shared>> -> memref<10240x64xf32, #tpu.memory_space<vmem_shared>>
        tpu.wait_indirect_dma semaphore(%run_scoped3A : memref<!tpu.dma_semaphore, #tpu.memory_space<semaphore_mem>>) src(%arg9 : memref<128x64xf32, #tpu.memory_space<vmem>>) dst(%dma_wait3A_159 : memref<10240x64xf32, #tpu.memory_space<vmem_shared>>)
        tpu.yield
      }) : () -> ()
      %add3A_83 = arith.constant 0 : i32
      %add3A_84 = arith.addi %mul3A_73, %add3A_83 : i32
      %add3A_85 = arith.constant 4 : i32
      %add3A_86 = arith.addi %add3A_84, %add3A_85 : i32
      %lt3A = arith.constant 160 : i32
      %lt3A_87 = arith.cmpi slt, %add3A_86, %lt3A : i32
      %convert_element_type3A_88 = arith.extui %lt3A_87 : i1 to i32
      %cond3A_89 = arith.constant 0 : i32
      %cond3A_90 = arith.cmpi ne, %convert_element_type3A_88, %cond3A_89 : i32
      scf.if %cond3A_90 {
        %add3A_148 = arith.constant 0 : i32
        %add3A_149 = arith.addi %mul3A_73, %add3A_148 : i32
        %add3A_150 = arith.constant 4 : i32
        %add3A_151 = arith.addi %add3A_149, %add3A_150 : i32
        %dma_start3A_152 = arith.constant 0 : i32
        %dma_start3A_153 = tpu.memref_slice %arg7[%add3A_151, %dma_start3A_152] : memref<160x128xi32, #tpu.memory_space<vmem>> -> memref<1x128xi32, #tpu.memory_space<vmem>>
        %dma_start3A_154 = tpu.memref_squeeze %dma_start3A_153 : memref<1x128xi32, #tpu.memory_space<vmem>> -> memref<128xi32, #tpu.memory_space<vmem>>
        %dma_start3A_155 = arith.constant 0 : i32
        %dma_start3A_156 = arith.constant 0 : i32
        %dma_start3A_157 = tpu.memref_slice %arg5[%dma_start3A_155, %dma_start3A_156] : memref<20000x64xf32, #tpu.memory_space<hbm>> -> memref<20000x64xf32, #tpu.memory_space<hbm>>
        tpu.enqueue_indirect_dma source(%dma_start3A_157 : memref<20000x64xf32, #tpu.memory_space<hbm>>) target(%arg9 : memref<128x64xf32, #tpu.memory_space<vmem>>) offsets(%dma_start3A_154 : memref<128xi32, #tpu.memory_space<vmem>>) semaphore(%arg14 : memref<!tpu.dma_semaphore, #tpu.memory_space<semaphore_mem>>)
      } else {
      }
      %add3A_91 = arith.constant 1 : i32
      %add3A_92 = arith.addi %mul3A_73, %add3A_91 : i32
      %dma_wait3A_93 = arith.constant 0 : i32
      %dma_wait3A_94 = tpu.memref_slice %arg7[%add3A_92, %dma_wait3A_93] : memref<160x128xi32, #tpu.memory_space<vmem>> -> memref<1x128xi32, #tpu.memory_space<vmem>>
      %dma_wait3A_95 = tpu.memref_squeeze %dma_wait3A_94 : memref<1x128xi32, #tpu.memory_space<vmem>> -> memref<128xi32, #tpu.memory_space<vmem>>
      %dma_wait3A_96 = arith.constant 0 : i32
      %dma_wait3A_97 = arith.constant 0 : i32
      %dma_wait3A_98 = tpu.memref_slice %arg5[%dma_wait3A_96, %dma_wait3A_97] : memref<20000x64xf32, #tpu.memory_space<hbm>> -> memref<20000x64xf32, #tpu.memory_space<hbm>>
      tpu.wait_indirect_dma semaphore(%arg15 : memref<!tpu.dma_semaphore, #tpu.memory_space<semaphore_mem>>) src(%dma_wait3A_98 : memref<20000x64xf32, #tpu.memory_space<hbm>>) dst(%arg10 : memref<128x64xf32, #tpu.memory_space<vmem>>)
      %add3A_99 = arith.constant 1 : i32
      %add3A_100 = arith.addi %mul3A_73, %add3A_99 : i32
      "tpu.region"() ({
        %run_scoped3A = tpu.sem_alloc : memref<!tpu.dma_semaphore, #tpu.memory_space<semaphore_mem>>
        %dma_start3A_148 = arith.constant 0 : i32
        %dma_start3A_149 = tpu.memref_slice %arg8[%add3A_100, %dma_start3A_148] : memref<160x128xi32, #tpu.memory_space<vmem>> -> memref<1x128xi32, #tpu.memory_space<vmem>>
        %dma_start3A_150 = tpu.memref_squeeze %dma_start3A_149 : memref<1x128xi32, #tpu.memory_space<vmem>> -> memref<128xi32, #tpu.memory_space<vmem>>
        %dma_start3A_151 = arith.constant 0 : i32
        %dma_start3A_152 = arith.constant 0 : i32
        %dma_start3A_153 = tpu.memref_slice %arg13[%dma_start3A_151, %dma_start3A_152] : memref<10240x64xf32, #tpu.memory_space<vmem_shared>> -> memref<10240x64xf32, #tpu.memory_space<vmem_shared>>
        tpu.enqueue_indirect_dma source(%arg10 : memref<128x64xf32, #tpu.memory_space<vmem>>) target(%dma_start3A_153 : memref<10240x64xf32, #tpu.memory_space<vmem_shared>>) offsets(%dma_start3A_150 : memref<128xi32, #tpu.memory_space<vmem>>) semaphore(%run_scoped3A : memref<!tpu.dma_semaphore, #tpu.memory_space<semaphore_mem>>) {add = true}
        %dma_wait3A_154 = arith.constant 0 : i32
        %dma_wait3A_155 = tpu.memref_slice %arg8[%add3A_100, %dma_wait3A_154] : memref<160x128xi32, #tpu.memory_space<vmem>> -> memref<1x128xi32, #tpu.memory_space<vmem>>
        %dma_wait3A_156 = tpu.memref_squeeze %dma_wait3A_155 : memref<1x128xi32, #tpu.memory_space<vmem>> -> memref<128xi32, #tpu.memory_space<vmem>>
        %dma_wait3A_157 = arith.constant 0 : i32
        %dma_wait3A_158 = arith.constant 0 : i32
        %dma_wait3A_159 = tpu.memref_slice %arg13[%dma_wait3A_157, %dma_wait3A_158] : memref<10240x64xf32, #tpu.memory_space<vmem_shared>> -> memref<10240x64xf32, #tpu.memory_space<vmem_shared>>
        tpu.wait_indirect_dma semaphore(%run_scoped3A : memref<!tpu.dma_semaphore, #tpu.memory_space<semaphore_mem>>) src(%arg10 : memref<128x64xf32, #tpu.memory_space<vmem>>) dst(%dma_wait3A_159 : memref<10240x64xf32, #tpu.memory_space<vmem_shared>>)
        tpu.yield
      }) : () -> ()
      %add3A_101 = arith.constant 1 : i32
      %add3A_102 = arith.addi %mul3A_73, %add3A_101 : i32
      %add3A_103 = arith.constant 4 : i32
      %add3A_104 = arith.addi %add3A_102, %add3A_103 : i32
      %lt3A_105 = arith.constant 160 : i32
      %lt3A_106 = arith.cmpi slt, %add3A_104, %lt3A_105 : i32
      %convert_element_type3A_107 = arith.extui %lt3A_106 : i1 to i32
      %cond3A_108 = arith.constant 0 : i32
      %cond3A_109 = arith.cmpi ne, %convert_element_type3A_107, %cond3A_108 : i32
      scf.if %cond3A_109 {
        %add3A_148 = arith.constant 1 : i32
        %add3A_149 = arith.addi %mul3A_73, %add3A_148 : i32
        %add3A_150 = arith.constant 4 : i32
        %add3A_151 = arith.addi %add3A_149, %add3A_150 : i32
        %dma_start3A_152 = arith.constant 0 : i32
        %dma_start3A_153 = tpu.memref_slice %arg7[%add3A_151, %dma_start3A_152] : memref<160x128xi32, #tpu.memory_space<vmem>> -> memref<1x128xi32, #tpu.memory_space<vmem>>
        %dma_start3A_154 = tpu.memref_squeeze %dma_start3A_153 : memref<1x128xi32, #tpu.memory_space<vmem>> -> memref<128xi32, #tpu.memory_space<vmem>>
        %dma_start3A_155 = arith.constant 0 : i32
        %dma_start3A_156 = arith.constant 0 : i32
        %dma_start3A_157 = tpu.memref_slice %arg5[%dma_start3A_155, %dma_start3A_156] : memref<20000x64xf32, #tpu.memory_space<hbm>> -> memref<20000x64xf32, #tpu.memory_space<hbm>>
        tpu.enqueue_indirect_dma source(%dma_start3A_157 : memref<20000x64xf32, #tpu.memory_space<hbm>>) target(%arg10 : memref<128x64xf32, #tpu.memory_space<vmem>>) offsets(%dma_start3A_154 : memref<128xi32, #tpu.memory_space<vmem>>) semaphore(%arg15 : memref<!tpu.dma_semaphore, #tpu.memory_space<semaphore_mem>>)
      } else {
      }
      %add3A_110 = arith.constant 2 : i32
      %add3A_111 = arith.addi %mul3A_73, %add3A_110 : i32
      %dma_wait3A_112 = arith.constant 0 : i32
      %dma_wait3A_113 = tpu.memref_slice %arg7[%add3A_111, %dma_wait3A_112] : memref<160x128xi32, #tpu.memory_space<vmem>> -> memref<1x128xi32, #tpu.memory_space<vmem>>
      %dma_wait3A_114 = tpu.memref_squeeze %dma_wait3A_113 : memref<1x128xi32, #tpu.memory_space<vmem>> -> memref<128xi32, #tpu.memory_space<vmem>>
      %dma_wait3A_115 = arith.constant 0 : i32
      %dma_wait3A_116 = arith.constant 0 : i32
      %dma_wait3A_117 = tpu.memref_slice %arg5[%dma_wait3A_115, %dma_wait3A_116] : memref<20000x64xf32, #tpu.memory_space<hbm>> -> memref<20000x64xf32, #tpu.memory_space<hbm>>
      tpu.wait_indirect_dma semaphore(%arg16 : memref<!tpu.dma_semaphore, #tpu.memory_space<semaphore_mem>>) src(%dma_wait3A_117 : memref<20000x64xf32, #tpu.memory_space<hbm>>) dst(%arg11 : memref<128x64xf32, #tpu.memory_space<vmem>>)
      %add3A_118 = arith.constant 2 : i32
      %add3A_119 = arith.addi %mul3A_73, %add3A_118 : i32
      "tpu.region"() ({
        %run_scoped3A = tpu.sem_alloc : memref<!tpu.dma_semaphore, #tpu.memory_space<semaphore_mem>>
        %dma_start3A_148 = arith.constant 0 : i32
        %dma_start3A_149 = tpu.memref_slice %arg8[%add3A_119, %dma_start3A_148] : memref<160x128xi32, #tpu.memory_space<vmem>> -> memref<1x128xi32, #tpu.memory_space<vmem>>
        %dma_start3A_150 = tpu.memref_squeeze %dma_start3A_149 : memref<1x128xi32, #tpu.memory_space<vmem>> -> memref<128xi32, #tpu.memory_space<vmem>>
        %dma_start3A_151 = arith.constant 0 : i32
        %dma_start3A_152 = arith.constant 0 : i32
        %dma_start3A_153 = tpu.memref_slice %arg13[%dma_start3A_151, %dma_start3A_152] : memref<10240x64xf32, #tpu.memory_space<vmem_shared>> -> memref<10240x64xf32, #tpu.memory_space<vmem_shared>>
        tpu.enqueue_indirect_dma source(%arg11 : memref<128x64xf32, #tpu.memory_space<vmem>>) target(%dma_start3A_153 : memref<10240x64xf32, #tpu.memory_space<vmem_shared>>) offsets(%dma_start3A_150 : memref<128xi32, #tpu.memory_space<vmem>>) semaphore(%run_scoped3A : memref<!tpu.dma_semaphore, #tpu.memory_space<semaphore_mem>>) {add = true}
        %dma_wait3A_154 = arith.constant 0 : i32
        %dma_wait3A_155 = tpu.memref_slice %arg8[%add3A_119, %dma_wait3A_154] : memref<160x128xi32, #tpu.memory_space<vmem>> -> memref<1x128xi32, #tpu.memory_space<vmem>>
        %dma_wait3A_156 = tpu.memref_squeeze %dma_wait3A_155 : memref<1x128xi32, #tpu.memory_space<vmem>> -> memref<128xi32, #tpu.memory_space<vmem>>
        %dma_wait3A_157 = arith.constant 0 : i32
        %dma_wait3A_158 = arith.constant 0 : i32
        %dma_wait3A_159 = tpu.memref_slice %arg13[%dma_wait3A_157, %dma_wait3A_158] : memref<10240x64xf32, #tpu.memory_space<vmem_shared>> -> memref<10240x64xf32, #tpu.memory_space<vmem_shared>>
        tpu.wait_indirect_dma semaphore(%run_scoped3A : memref<!tpu.dma_semaphore, #tpu.memory_space<semaphore_mem>>) src(%arg11 : memref<128x64xf32, #tpu.memory_space<vmem>>) dst(%dma_wait3A_159 : memref<10240x64xf32, #tpu.memory_space<vmem_shared>>)
        tpu.yield
      }) : () -> ()
      %add3A_120 = arith.constant 2 : i32
      %add3A_121 = arith.addi %mul3A_73, %add3A_120 : i32
      %add3A_122 = arith.constant 4 : i32
      %add3A_123 = arith.addi %add3A_121, %add3A_122 : i32
      %lt3A_124 = arith.constant 160 : i32
      %lt3A_125 = arith.cmpi slt, %add3A_123, %lt3A_124 : i32
      %convert_element_type3A_126 = arith.extui %lt3A_125 : i1 to i32
      %cond3A_127 = arith.constant 0 : i32
      %cond3A_128 = arith.cmpi ne, %convert_element_type3A_126, %cond3A_127 : i32
      scf.if %cond3A_128 {
        %add3A_148 = arith.constant 2 : i32
        %add3A_149 = arith.addi %mul3A_73, %add3A_148 : i32
        %add3A_150 = arith.constant 4 : i32
        %add3A_151 = arith.addi %add3A_149, %add3A_150 : i32
        %dma_start3A_152 = arith.constant 0 : i32
        %dma_start3A_153 = tpu.memref_slice %arg7[%add3A_151, %dma_start3A_152] : memref<160x128xi32, #tpu.memory_space<vmem>> -> memref<1x128xi32, #tpu.memory_space<vmem>>
        %dma_start3A_154 = tpu.memref_squeeze %dma_start3A_153 : memref<1x128xi32, #tpu.memory_space<vmem>> -> memref<128xi32, #tpu.memory_space<vmem>>
        %dma_start3A_155 = arith.constant 0 : i32
        %dma_start3A_156 = arith.constant 0 : i32
        %dma_start3A_157 = tpu.memref_slice %arg5[%dma_start3A_155, %dma_start3A_156] : memref<20000x64xf32, #tpu.memory_space<hbm>> -> memref<20000x64xf32, #tpu.memory_space<hbm>>
        tpu.enqueue_indirect_dma source(%dma_start3A_157 : memref<20000x64xf32, #tpu.memory_space<hbm>>) target(%arg11 : memref<128x64xf32, #tpu.memory_space<vmem>>) offsets(%dma_start3A_154 : memref<128xi32, #tpu.memory_space<vmem>>) semaphore(%arg16 : memref<!tpu.dma_semaphore, #tpu.memory_space<semaphore_mem>>)
      } else {
      }
      %add3A_129 = arith.constant 3 : i32
      %add3A_130 = arith.addi %mul3A_73, %add3A_129 : i32
      %dma_wait3A_131 = arith.constant 0 : i32
      %dma_wait3A_132 = tpu.memref_slice %arg7[%add3A_130, %dma_wait3A_131] : memref<160x128xi32, #tpu.memory_space<vmem>> -> memref<1x128xi32, #tpu.memory_space<vmem>>
      %dma_wait3A_133 = tpu.memref_squeeze %dma_wait3A_132 : memref<1x128xi32, #tpu.memory_space<vmem>> -> memref<128xi32, #tpu.memory_space<vmem>>
      %dma_wait3A_134 = arith.constant 0 : i32
      %dma_wait3A_135 = arith.constant 0 : i32
      %dma_wait3A_136 = tpu.memref_slice %arg5[%dma_wait3A_134, %dma_wait3A_135] : memref<20000x64xf32, #tpu.memory_space<hbm>> -> memref<20000x64xf32, #tpu.memory_space<hbm>>
      tpu.wait_indirect_dma semaphore(%arg17 : memref<!tpu.dma_semaphore, #tpu.memory_space<semaphore_mem>>) src(%dma_wait3A_136 : memref<20000x64xf32, #tpu.memory_space<hbm>>) dst(%arg12 : memref<128x64xf32, #tpu.memory_space<vmem>>)
      %add3A_137 = arith.constant 3 : i32
      %add3A_138 = arith.addi %mul3A_73, %add3A_137 : i32
      "tpu.region"() ({
        %run_scoped3A = tpu.sem_alloc : memref<!tpu.dma_semaphore, #tpu.memory_space<semaphore_mem>>
        %dma_start3A_148 = arith.constant 0 : i32
        %dma_start3A_149 = tpu.memref_slice %arg8[%add3A_138, %dma_start3A_148] : memref<160x128xi32, #tpu.memory_space<vmem>> -> memref<1x128xi32, #tpu.memory_space<vmem>>
        %dma_start3A_150 = tpu.memref_squeeze %dma_start3A_149 : memref<1x128xi32, #tpu.memory_space<vmem>> -> memref<128xi32, #tpu.memory_space<vmem>>
        %dma_start3A_151 = arith.constant 0 : i32
        %dma_start3A_152 = arith.constant 0 : i32
        %dma_start3A_153 = tpu.memref_slice %arg13[%dma_start3A_151, %dma_start3A_152] : memref<10240x64xf32, #tpu.memory_space<vmem_shared>> -> memref<10240x64xf32, #tpu.memory_space<vmem_shared>>
        tpu.enqueue_indirect_dma source(%arg12 : memref<128x64xf32, #tpu.memory_space<vmem>>) target(%dma_start3A_153 : memref<10240x64xf32, #tpu.memory_space<vmem_shared>>) offsets(%dma_start3A_150 : memref<128xi32, #tpu.memory_space<vmem>>) semaphore(%run_scoped3A : memref<!tpu.dma_semaphore, #tpu.memory_space<semaphore_mem>>) {add = true}
        %dma_wait3A_154 = arith.constant 0 : i32
        %dma_wait3A_155 = tpu.memref_slice %arg8[%add3A_138, %dma_wait3A_154] : memref<160x128xi32, #tpu.memory_space<vmem>> -> memref<1x128xi32, #tpu.memory_space<vmem>>
        %dma_wait3A_156 = tpu.memref_squeeze %dma_wait3A_155 : memref<1x128xi32, #tpu.memory_space<vmem>> -> memref<128xi32, #tpu.memory_space<vmem>>
        %dma_wait3A_157 = arith.constant 0 : i32
        %dma_wait3A_158 = arith.constant 0 : i32
        %dma_wait3A_159 = tpu.memref_slice %arg13[%dma_wait3A_157, %dma_wait3A_158] : memref<10240x64xf32, #tpu.memory_space<vmem_shared>> -> memref<10240x64xf32, #tpu.memory_space<vmem_shared>>
        tpu.wait_indirect_dma semaphore(%run_scoped3A : memref<!tpu.dma_semaphore, #tpu.memory_space<semaphore_mem>>) src(%arg12 : memref<128x64xf32, #tpu.memory_space<vmem>>) dst(%dma_wait3A_159 : memref<10240x64xf32, #tpu.memory_space<vmem_shared>>)
        tpu.yield
      }) : () -> ()
      %add3A_139 = arith.constant 3 : i32
      %add3A_140 = arith.addi %mul3A_73, %add3A_139 : i32
      %add3A_141 = arith.constant 4 : i32
      %add3A_142 = arith.addi %add3A_140, %add3A_141 : i32
      %lt3A_143 = arith.constant 160 : i32
      %lt3A_144 = arith.cmpi slt, %add3A_142, %lt3A_143 : i32
      %convert_element_type3A_145 = arith.extui %lt3A_144 : i1 to i32
      %cond3A_146 = arith.constant 0 : i32
      %cond3A_147 = arith.cmpi ne, %convert_element_type3A_145, %cond3A_146 : i32
      scf.if %cond3A_147 {
        %add3A_148 = arith.constant 3 : i32
        %add3A_149 = arith.addi %mul3A_73, %add3A_148 : i32
        %add3A_150 = arith.constant 4 : i32
        %add3A_151 = arith.addi %add3A_149, %add3A_150 : i32
        %dma_start3A_152 = arith.constant 0 : i32
        %dma_start3A_153 = tpu.memref_slice %arg7[%add3A_151, %dma_start3A_152] : memref<160x128xi32, #tpu.memory_space<vmem>> -> memref<1x128xi32, #tpu.memory_space<vmem>>
        %dma_start3A_154 = tpu.memref_squeeze %dma_start3A_153 : memref<1x128xi32, #tpu.memory_space<vmem>> -> memref<128xi32, #tpu.memory_space<vmem>>
        %dma_start3A_155 = arith.constant 0 : i32
        %dma_start3A_156 = arith.constant 0 : i32
        %dma_start3A_157 = tpu.memref_slice %arg5[%dma_start3A_155, %dma_start3A_156] : memref<20000x64xf32, #tpu.memory_space<hbm>> -> memref<20000x64xf32, #tpu.memory_space<hbm>>
        tpu.enqueue_indirect_dma source(%dma_start3A_157 : memref<20000x64xf32, #tpu.memory_space<hbm>>) target(%arg12 : memref<128x64xf32, #tpu.memory_space<vmem>>) offsets(%dma_start3A_154 : memref<128xi32, #tpu.memory_space<vmem>>) semaphore(%arg17 : memref<!tpu.dma_semaphore, #tpu.memory_space<semaphore_mem>>)
      } else {
      }
    }
    %scan3A_65 = arith.constant 40 : i32
    %barrier3A_66 = arith.constant 0 : index
    tpu.barrier barrier_id(%barrier3A_66)
    %mul3A_67 = arith.constant 640 : i32
    %mul3A_68 = arith.muli %arg1, %mul3A_67 : i32
    %mul3A_69 = arith.constant 640 : i32
    %mul3A_70 = arith.muli %arg1, %mul3A_69 : i32
    "tpu.region"() ({
      %run_scoped3A = tpu.sem_alloc : memref<!tpu.dma_semaphore, #tpu.memory_space<semaphore_mem>>
      %dma_start3A_71 = arith.constant 0 : i32
      %dma_start3A_72 = tpu.memref_slice %arg6[%arg0, %mul3A_70, %dma_start3A_71] : memref<2x10240x128xf32, #tpu.memory_space<hbm>> -> memref<1x640x64xf32, #tpu.memory_space<hbm>>
      %dma_start3A_73 = tpu.memref_squeeze %dma_start3A_72 : memref<1x640x64xf32, #tpu.memory_space<hbm>> -> memref<640x64xf32, #tpu.memory_space<hbm>>
      %dma_start3A_74 = arith.constant 0 : i32
      %dma_start3A_75 = tpu.memref_slice %arg13[%mul3A_68, %dma_start3A_74] : memref<10240x64xf32, #tpu.memory_space<vmem_shared>> -> memref<640x64xf32, #tpu.memory_space<vmem_shared>>
      tpu.enqueue_dma source(%dma_start3A_75 : memref<640x64xf32, #tpu.memory_space<vmem_shared>>) target(%dma_start3A_73 : memref<640x64xf32, #tpu.memory_space<hbm>>) target_semaphore(%run_scoped3A : memref<!tpu.dma_semaphore, #tpu.memory_space<semaphore_mem>>)
      %dma_wait3A = arith.constant 0 : i32
      %dma_wait3A_76 = tpu.memref_slice %arg6[%arg0, %mul3A_70, %dma_wait3A] : memref<2x10240x128xf32, #tpu.memory_space<hbm>> -> memref<1x640x64xf32, #tpu.memory_space<hbm>>
      %dma_wait3A_77 = tpu.memref_squeeze %dma_wait3A_76 : memref<1x640x64xf32, #tpu.memory_space<hbm>> -> memref<640x64xf32, #tpu.memory_space<hbm>>
      %dma_wait3A_78 = arith.constant 0 : i32
      %dma_wait3A_79 = tpu.memref_slice %arg13[%mul3A_68, %dma_wait3A_78] : memref<10240x64xf32, #tpu.memory_space<vmem_shared>> -> memref<640x64xf32, #tpu.memory_space<vmem_shared>>
      tpu.wait_dma2 semaphore(%run_scoped3A : memref<!tpu.dma_semaphore, #tpu.memory_space<semaphore_mem>>) src(%dma_wait3A_79 : memref<640x64xf32, #tpu.memory_space<vmem_shared>>) dst(%dma_wait3A_77 : memref<640x64xf32, #tpu.memory_space<hbm>>)
      tpu.yield
    }) : () -> ()
    return
  }
}

#map = affine_map<(d0, d1) -> (0, 0)>
#map1 = affine_map<(d0, d1) -> (0, 0, 0)>
module attributes {stable_mosaic.version = 14 : i64} {
  func.func @_scat_body(%arg0: i32, %arg1: i32, %arg2: memref<2560x128xi32, #tpu.memory_space<hbm>>, %arg3: memref<2560x128xi32, #tpu.memory_space<hbm>>, %arg4: memref<20000x64xf32, #tpu.memory_space<hbm>>, %arg5: memref<2x10240x128xf32, #tpu.memory_space<hbm>>, %arg6: memref<80x128xi32, #tpu.memory_space<vmem>>, %arg7: memref<80x128xi32, #tpu.memory_space<vmem>>, %arg8: memref<128x64xf32, #tpu.memory_space<vmem>>, %arg9: memref<128x64xf32, #tpu.memory_space<vmem>>, %arg10: memref<128x64xf32, #tpu.memory_space<vmem>>, %arg11: memref<128x64xf32, #tpu.memory_space<vmem>>, %arg12: memref<10240x64xf32, #tpu.memory_space<vmem_shared>>, %arg13: memref<!tpu.dma_semaphore, #tpu.memory_space<semaphore_mem>>, %arg14: memref<!tpu.dma_semaphore, #tpu.memory_space<semaphore_mem>>, %arg15: memref<!tpu.dma_semaphore, #tpu.memory_space<semaphore_mem>>, %arg16: memref<!tpu.dma_semaphore, #tpu.memory_space<semaphore_mem>>) attributes {dimension_semantics = [#tpu.dimension_semantics<core_parallel>, #tpu.dimension_semantics<subcore_parallel>], iteration_bounds = array<i64: 2, 16>, scalar_prefetch = 0 : i64, scratch_operands = 11 : i64, tpu.core_type = #tpu.core_type<sc_vector_subcore>, window_params = [{transform_indices = #map}, {transform_indices = #map}, {transform_indices = #map}, {transform_indices = #map1}]} {
    %broadcast_in_dim3A = arith.constant 0.000000e+00 : f32
    %broadcast_in_dim3A_0 = vector.broadcast %broadcast_in_dim3A : f32 to vector<16xf32>
    %scan3A = arith.constant 0 : i32
    %scan3A_1 = arith.constant 0 : i32
    %scan3A_2 = arith.constant 128 : i32
    %scan3A_3 = arith.addi %scan3A_1, %scan3A_2 : i32
    %scan3A_4 = arith.constant 1 : i32
    scf.for %scan3A_67 = %scan3A_1 to %scan3A_3 step %scan3A_4  : i32 {
      %swap3A = arith.index_cast %scan3A_67 : i32 to index
      %swap3A_68 = arith.constant 0 : index
      %swap3A_69 = tpu.vector_load %arg8[%swap3A, %swap3A_68] {strides = array<i32>} : memref<128x64xf32, #tpu.memory_space<vmem>>, vector<1x16xf32>,
      %swap3A_70 = vector.shape_cast %swap3A_69 : vector<1x16xf32> to vector<16xf32>
      %swap3A_71 = vector.shape_cast %broadcast_in_dim3A_0 : vector<16xf32> to vector<1x16xf32>
      tpu.vector_store %arg8[%swap3A, %swap3A_68], %swap3A_71 {strides = array<i32>} : memref<128x64xf32, #tpu.memory_space<vmem>>, vector<1x16xf32>,
      %swap3A_72 = arith.index_cast %scan3A_67 : i32 to index
      %swap3A_73 = arith.constant 16 : index
      %swap3A_74 = tpu.vector_load %arg8[%swap3A_72, %swap3A_73] {strides = array<i32>} : memref<128x64xf32, #tpu.memory_space<vmem>>, vector<1x16xf32>,
      %swap3A_75 = vector.shape_cast %swap3A_74 : vector<1x16xf32> to vector<16xf32>
      %swap3A_76 = vector.shape_cast %broadcast_in_dim3A_0 : vector<16xf32> to vector<1x16xf32>
      tpu.vector_store %arg8[%swap3A_72, %swap3A_73], %swap3A_76 {strides = array<i32>} : memref<128x64xf32, #tpu.memory_space<vmem>>, vector<1x16xf32>,
      %swap3A_77 = arith.index_cast %scan3A_67 : i32 to index
      %swap3A_78 = arith.constant 32 : index
      %swap3A_79 = tpu.vector_load %arg8[%swap3A_77, %swap3A_78] {strides = array<i32>} : memref<128x64xf32, #tpu.memory_space<vmem>>, vector<1x16xf32>,
      %swap3A_80 = vector.shape_cast %swap3A_79 : vector<1x16xf32> to vector<16xf32>
      %swap3A_81 = vector.shape_cast %broadcast_in_dim3A_0 : vector<16xf32> to vector<1x16xf32>
      tpu.vector_store %arg8[%swap3A_77, %swap3A_78], %swap3A_81 {strides = array<i32>} : memref<128x64xf32, #tpu.memory_space<vmem>>, vector<1x16xf32>,
      %swap3A_82 = arith.index_cast %scan3A_67 : i32 to index
      %swap3A_83 = arith.constant 48 : index
      %swap3A_84 = tpu.vector_load %arg8[%swap3A_82, %swap3A_83] {strides = array<i32>} : memref<128x64xf32, #tpu.memory_space<vmem>>, vector<1x16xf32>,
      %swap3A_85 = vector.shape_cast %swap3A_84 : vector<1x16xf32> to vector<16xf32>
      %swap3A_86 = vector.shape_cast %broadcast_in_dim3A_0 : vector<16xf32> to vector<1x16xf32>
      tpu.vector_store %arg8[%swap3A_82, %swap3A_83], %swap3A_86 {strides = array<i32>} : memref<128x64xf32, #tpu.memory_space<vmem>>, vector<1x16xf32>,
    }
    %scan3A_5 = arith.constant 128 : i32
    %mul3A = arith.constant 640 : i32
    %mul3A_6 = arith.muli %arg1, %mul3A : i32
    %add3A = arith.constant 0 : i32
    %add3A_7 = arith.addi %mul3A_6, %add3A : i32
    "tpu.region"() ({
      %run_scoped3A = tpu.sem_alloc : memref<!tpu.dma_semaphore, #tpu.memory_space<semaphore_mem>>
      %dma_start3A_67 = arith.constant 0 : i32
      %dma_start3A_68 = tpu.memref_slice %arg12[%add3A_7, %dma_start3A_67] : memref<10240x64xf32, #tpu.memory_space<vmem_shared>> -> memref<128x64xf32, #tpu.memory_space<vmem_shared>>
      %dma_start3A_69 = arith.constant 0 : i32
      %dma_start3A_70 = tpu.memref_slice %arg12[%add3A_7, %dma_start3A_69] : memref<10240x64xf32, #tpu.memory_space<vmem_shared>> -> memref<128x64xf32, #tpu.memory_space<vmem_shared>>
      tpu.enqueue_dma source(%arg8 : memref<128x64xf32, #tpu.memory_space<vmem>>) target(%dma_start3A_70 : memref<128x64xf32, #tpu.memory_space<vmem_shared>>) target_semaphore(%run_scoped3A : memref<!tpu.dma_semaphore, #tpu.memory_space<semaphore_mem>>)
      %dma_wait3A = arith.constant 0 : i32
      %dma_wait3A_71 = tpu.memref_slice %arg12[%add3A_7, %dma_wait3A] : memref<10240x64xf32, #tpu.memory_space<vmem_shared>> -> memref<128x64xf32, #tpu.memory_space<vmem_shared>>
      %dma_wait3A_72 = arith.constant 0 : i32
      %dma_wait3A_73 = tpu.memref_slice %arg12[%add3A_7, %dma_wait3A_72] : memref<10240x64xf32, #tpu.memory_space<vmem_shared>> -> memref<128x64xf32, #tpu.memory_space<vmem_shared>>
      tpu.wait_dma2 semaphore(%run_scoped3A : memref<!tpu.dma_semaphore, #tpu.memory_space<semaphore_mem>>) src(%arg8 : memref<128x64xf32, #tpu.memory_space<vmem>>) dst(%dma_wait3A_73 : memref<128x64xf32, #tpu.memory_space<vmem_shared>>)
      tpu.yield
    }) : () -> ()
    %mul3A_8 = arith.constant 640 : i32
    %mul3A_9 = arith.muli %arg1, %mul3A_8 : i32
    %add3A_10 = arith.constant 128 : i32
    %add3A_11 = arith.addi %mul3A_9, %add3A_10 : i32
    "tpu.region"() ({
      %run_scoped3A = tpu.sem_alloc : memref<!tpu.dma_semaphore, #tpu.memory_space<semaphore_mem>>
      %dma_start3A_67 = arith.constant 0 : i32
      %dma_start3A_68 = tpu.memref_slice %arg12[%add3A_11, %dma_start3A_67] : memref<10240x64xf32, #tpu.memory_space<vmem_shared>> -> memref<128x64xf32, #tpu.memory_space<vmem_shared>>
      %dma_start3A_69 = arith.constant 0 : i32
      %dma_start3A_70 = tpu.memref_slice %arg12[%add3A_11, %dma_start3A_69] : memref<10240x64xf32, #tpu.memory_space<vmem_shared>> -> memref<128x64xf32, #tpu.memory_space<vmem_shared>>
      tpu.enqueue_dma source(%arg8 : memref<128x64xf32, #tpu.memory_space<vmem>>) target(%dma_start3A_70 : memref<128x64xf32, #tpu.memory_space<vmem_shared>>) target_semaphore(%run_scoped3A : memref<!tpu.dma_semaphore, #tpu.memory_space<semaphore_mem>>)
      %dma_wait3A = arith.constant 0 : i32
      %dma_wait3A_71 = tpu.memref_slice %arg12[%add3A_11, %dma_wait3A] : memref<10240x64xf32, #tpu.memory_space<vmem_shared>> -> memref<128x64xf32, #tpu.memory_space<vmem_shared>>
      %dma_wait3A_72 = arith.constant 0 : i32
      %dma_wait3A_73 = tpu.memref_slice %arg12[%add3A_11, %dma_wait3A_72] : memref<10240x64xf32, #tpu.memory_space<vmem_shared>> -> memref<128x64xf32, #tpu.memory_space<vmem_shared>>
      tpu.wait_dma2 semaphore(%run_scoped3A : memref<!tpu.dma_semaphore, #tpu.memory_space<semaphore_mem>>) src(%arg8 : memref<128x64xf32, #tpu.memory_space<vmem>>) dst(%dma_wait3A_73 : memref<128x64xf32, #tpu.memory_space<vmem_shared>>)
      tpu.yield
    }) : () -> ()
    %mul3A_12 = arith.constant 640 : i32
    %mul3A_13 = arith.muli %arg1, %mul3A_12 : i32
    %add3A_14 = arith.constant 256 : i32
    %add3A_15 = arith.addi %mul3A_13, %add3A_14 : i32
    "tpu.region"() ({
      %run_scoped3A = tpu.sem_alloc : memref<!tpu.dma_semaphore, #tpu.memory_space<semaphore_mem>>
      %dma_start3A_67 = arith.constant 0 : i32
      %dma_start3A_68 = tpu.memref_slice %arg12[%add3A_15, %dma_start3A_67] : memref<10240x64xf32, #tpu.memory_space<vmem_shared>> -> memref<128x64xf32, #tpu.memory_space<vmem_shared>>
      %dma_start3A_69 = arith.constant 0 : i32
      %dma_start3A_70 = tpu.memref_slice %arg12[%add3A_15, %dma_start3A_69] : memref<10240x64xf32, #tpu.memory_space<vmem_shared>> -> memref<128x64xf32, #tpu.memory_space<vmem_shared>>
      tpu.enqueue_dma source(%arg8 : memref<128x64xf32, #tpu.memory_space<vmem>>) target(%dma_start3A_70 : memref<128x64xf32, #tpu.memory_space<vmem_shared>>) target_semaphore(%run_scoped3A : memref<!tpu.dma_semaphore, #tpu.memory_space<semaphore_mem>>)
      %dma_wait3A = arith.constant 0 : i32
      %dma_wait3A_71 = tpu.memref_slice %arg12[%add3A_15, %dma_wait3A] : memref<10240x64xf32, #tpu.memory_space<vmem_shared>> -> memref<128x64xf32, #tpu.memory_space<vmem_shared>>
      %dma_wait3A_72 = arith.constant 0 : i32
      %dma_wait3A_73 = tpu.memref_slice %arg12[%add3A_15, %dma_wait3A_72] : memref<10240x64xf32, #tpu.memory_space<vmem_shared>> -> memref<128x64xf32, #tpu.memory_space<vmem_shared>>
      tpu.wait_dma2 semaphore(%run_scoped3A : memref<!tpu.dma_semaphore, #tpu.memory_space<semaphore_mem>>) src(%arg8 : memref<128x64xf32, #tpu.memory_space<vmem>>) dst(%dma_wait3A_73 : memref<128x64xf32, #tpu.memory_space<vmem_shared>>)
      tpu.yield
    }) : () -> ()
    %mul3A_16 = arith.constant 640 : i32
    %mul3A_17 = arith.muli %arg1, %mul3A_16 : i32
    %add3A_18 = arith.constant 384 : i32
    %add3A_19 = arith.addi %mul3A_17, %add3A_18 : i32
    "tpu.region"() ({
      %run_scoped3A = tpu.sem_alloc : memref<!tpu.dma_semaphore, #tpu.memory_space<semaphore_mem>>
      %dma_start3A_67 = arith.constant 0 : i32
      %dma_start3A_68 = tpu.memref_slice %arg12[%add3A_19, %dma_start3A_67] : memref<10240x64xf32, #tpu.memory_space<vmem_shared>> -> memref<128x64xf32, #tpu.memory_space<vmem_shared>>
      %dma_start3A_69 = arith.constant 0 : i32
      %dma_start3A_70 = tpu.memref_slice %arg12[%add3A_19, %dma_start3A_69] : memref<10240x64xf32, #tpu.memory_space<vmem_shared>> -> memref<128x64xf32, #tpu.memory_space<vmem_shared>>
      tpu.enqueue_dma source(%arg8 : memref<128x64xf32, #tpu.memory_space<vmem>>) target(%dma_start3A_70 : memref<128x64xf32, #tpu.memory_space<vmem_shared>>) target_semaphore(%run_scoped3A : memref<!tpu.dma_semaphore, #tpu.memory_space<semaphore_mem>>)
      %dma_wait3A = arith.constant 0 : i32
      %dma_wait3A_71 = tpu.memref_slice %arg12[%add3A_19, %dma_wait3A] : memref<10240x64xf32, #tpu.memory_space<vmem_shared>> -> memref<128x64xf32, #tpu.memory_space<vmem_shared>>
      %dma_wait3A_72 = arith.constant 0 : i32
      %dma_wait3A_73 = tpu.memref_slice %arg12[%add3A_19, %dma_wait3A_72] : memref<10240x64xf32, #tpu.memory_space<vmem_shared>> -> memref<128x64xf32, #tpu.memory_space<vmem_shared>>
      tpu.wait_dma2 semaphore(%run_scoped3A : memref<!tpu.dma_semaphore, #tpu.memory_space<semaphore_mem>>) src(%arg8 : memref<128x64xf32, #tpu.memory_space<vmem>>) dst(%dma_wait3A_73 : memref<128x64xf32, #tpu.memory_space<vmem_shared>>)
      tpu.yield
    }) : () -> ()
    %mul3A_20 = arith.constant 640 : i32
    %mul3A_21 = arith.muli %arg1, %mul3A_20 : i32
    %add3A_22 = arith.constant 512 : i32
    %add3A_23 = arith.addi %mul3A_21, %add3A_22 : i32
    "tpu.region"() ({
      %run_scoped3A = tpu.sem_alloc : memref<!tpu.dma_semaphore, #tpu.memory_space<semaphore_mem>>
      %dma_start3A_67 = arith.constant 0 : i32
      %dma_start3A_68 = tpu.memref_slice %arg12[%add3A_23, %dma_start3A_67] : memref<10240x64xf32, #tpu.memory_space<vmem_shared>> -> memref<128x64xf32, #tpu.memory_space<vmem_shared>>
      %dma_start3A_69 = arith.constant 0 : i32
      %dma_start3A_70 = tpu.memref_slice %arg12[%add3A_23, %dma_start3A_69] : memref<10240x64xf32, #tpu.memory_space<vmem_shared>> -> memref<128x64xf32, #tpu.memory_space<vmem_shared>>
      tpu.enqueue_dma source(%arg8 : memref<128x64xf32, #tpu.memory_space<vmem>>) target(%dma_start3A_70 : memref<128x64xf32, #tpu.memory_space<vmem_shared>>) target_semaphore(%run_scoped3A : memref<!tpu.dma_semaphore, #tpu.memory_space<semaphore_mem>>)
      %dma_wait3A = arith.constant 0 : i32
      %dma_wait3A_71 = tpu.memref_slice %arg12[%add3A_23, %dma_wait3A] : memref<10240x64xf32, #tpu.memory_space<vmem_shared>> -> memref<128x64xf32, #tpu.memory_space<vmem_shared>>
      %dma_wait3A_72 = arith.constant 0 : i32
      %dma_wait3A_73 = tpu.memref_slice %arg12[%add3A_23, %dma_wait3A_72] : memref<10240x64xf32, #tpu.memory_space<vmem_shared>> -> memref<128x64xf32, #tpu.memory_space<vmem_shared>>
      tpu.wait_dma2 semaphore(%run_scoped3A : memref<!tpu.dma_semaphore, #tpu.memory_space<semaphore_mem>>) src(%arg8 : memref<128x64xf32, #tpu.memory_space<vmem>>) dst(%dma_wait3A_73 : memref<128x64xf32, #tpu.memory_space<vmem_shared>>)
      tpu.yield
    }) : () -> ()
    %mul3A_24 = arith.constant 16 : i32
    %mul3A_25 = arith.muli %arg0, %mul3A_24 : i32
    %add3A_26 = arith.addi %mul3A_25, %arg1 : i32
    %mul3A_27 = arith.constant 80 : i32
    %mul3A_28 = arith.muli %add3A_26, %mul3A_27 : i32
    "tpu.region"() ({
      %run_scoped3A = tpu.sem_alloc : memref<!tpu.dma_semaphore, #tpu.memory_space<semaphore_mem>>
      %dma_start3A_67 = arith.constant 0 : i32
      %dma_start3A_68 = tpu.memref_slice %arg2[%mul3A_28, %dma_start3A_67] : memref<2560x128xi32, #tpu.memory_space<hbm>> -> memref<80x128xi32, #tpu.memory_space<hbm>>
      %dma_start3A_69 = arith.constant 0 : i32
      %dma_start3A_70 = tpu.memref_slice %arg2[%mul3A_28, %dma_start3A_69] : memref<2560x128xi32, #tpu.memory_space<hbm>> -> memref<80x128xi32, #tpu.memory_space<hbm>>
      tpu.enqueue_dma source(%dma_start3A_70 : memref<80x128xi32, #tpu.memory_space<hbm>>) target(%arg6 : memref<80x128xi32, #tpu.memory_space<vmem>>) target_semaphore(%run_scoped3A : memref<!tpu.dma_semaphore, #tpu.memory_space<semaphore_mem>>)
      %dma_wait3A = arith.constant 0 : i32
      %dma_wait3A_71 = tpu.memref_slice %arg2[%mul3A_28, %dma_wait3A] : memref<2560x128xi32, #tpu.memory_space<hbm>> -> memref<80x128xi32, #tpu.memory_space<hbm>>
      %dma_wait3A_72 = arith.constant 0 : i32
      %dma_wait3A_73 = tpu.memref_slice %arg2[%mul3A_28, %dma_wait3A_72] : memref<2560x128xi32, #tpu.memory_space<hbm>> -> memref<80x128xi32, #tpu.memory_space<hbm>>
      tpu.wait_dma2 semaphore(%run_scoped3A : memref<!tpu.dma_semaphore, #tpu.memory_space<semaphore_mem>>) src(%dma_wait3A_73 : memref<80x128xi32, #tpu.memory_space<hbm>>) dst(%arg6 : memref<80x128xi32, #tpu.memory_space<vmem>>)
      tpu.yield
    }) : () -> ()
    "tpu.region"() ({
      %run_scoped3A = tpu.sem_alloc : memref<!tpu.dma_semaphore, #tpu.memory_space<semaphore_mem>>
      %dma_start3A_67 = arith.constant 0 : i32
      %dma_start3A_68 = tpu.memref_slice %arg3[%mul3A_28, %dma_start3A_67] : memref<2560x128xi32, #tpu.memory_space<hbm>> -> memref<80x128xi32, #tpu.memory_space<hbm>>
      %dma_start3A_69 = arith.constant 0 : i32
      %dma_start3A_70 = tpu.memref_slice %arg3[%mul3A_28, %dma_start3A_69] : memref<2560x128xi32, #tpu.memory_space<hbm>> -> memref<80x128xi32, #tpu.memory_space<hbm>>
      tpu.enqueue_dma source(%dma_start3A_70 : memref<80x128xi32, #tpu.memory_space<hbm>>) target(%arg7 : memref<80x128xi32, #tpu.memory_space<vmem>>) target_semaphore(%run_scoped3A : memref<!tpu.dma_semaphore, #tpu.memory_space<semaphore_mem>>)
      %dma_wait3A = arith.constant 0 : i32
      %dma_wait3A_71 = tpu.memref_slice %arg3[%mul3A_28, %dma_wait3A] : memref<2560x128xi32, #tpu.memory_space<hbm>> -> memref<80x128xi32, #tpu.memory_space<hbm>>
      %dma_wait3A_72 = arith.constant 0 : i32
      %dma_wait3A_73 = tpu.memref_slice %arg3[%mul3A_28, %dma_wait3A_72] : memref<2560x128xi32, #tpu.memory_space<hbm>> -> memref<80x128xi32, #tpu.memory_space<hbm>>
      tpu.wait_dma2 semaphore(%run_scoped3A : memref<!tpu.dma_semaphore, #tpu.memory_space<semaphore_mem>>) src(%dma_wait3A_73 : memref<80x128xi32, #tpu.memory_space<hbm>>) dst(%arg7 : memref<80x128xi32, #tpu.memory_space<vmem>>)
      tpu.yield
    }) : () -> ()
    %barrier3A = arith.constant 0 : index
    tpu.barrier barrier_id(%barrier3A)
    %dma_start3A = arith.constant 0 : i32
    %dma_start3A_29 = arith.constant 0 : i32
    %dma_start3A_30 = tpu.memref_slice %arg6[%dma_start3A, %dma_start3A_29] : memref<80x128xi32, #tpu.memory_space<vmem>> -> memref<1x128xi32, #tpu.memory_space<vmem>>
    %dma_start3A_31 = tpu.memref_squeeze %dma_start3A_30 : memref<1x128xi32, #tpu.memory_space<vmem>> -> memref<128xi32, #tpu.memory_space<vmem>>
    %dma_start3A_32 = arith.constant 0 : i32
    %dma_start3A_33 = arith.constant 0 : i32
    %dma_start3A_34 = tpu.memref_slice %arg4[%dma_start3A_32, %dma_start3A_33] : memref<20000x64xf32, #tpu.memory_space<hbm>> -> memref<20000x64xf32, #tpu.memory_space<hbm>>
    tpu.enqueue_indirect_dma source(%dma_start3A_34 : memref<20000x64xf32, #tpu.memory_space<hbm>>) target(%arg8 : memref<128x64xf32, #tpu.memory_space<vmem>>) offsets(%dma_start3A_31 : memref<128xi32, #tpu.memory_space<vmem>>) semaphore(%arg13 : memref<!tpu.dma_semaphore, #tpu.memory_space<semaphore_mem>>)
    %dma_start3A_35 = arith.constant 1 : i32
    %dma_start3A_36 = arith.constant 0 : i32
    %dma_start3A_37 = tpu.memref_slice %arg6[%dma_start3A_35, %dma_start3A_36] : memref<80x128xi32, #tpu.memory_space<vmem>> -> memref<1x128xi32, #tpu.memory_space<vmem>>
    %dma_start3A_38 = tpu.memref_squeeze %dma_start3A_37 : memref<1x128xi32, #tpu.memory_space<vmem>> -> memref<128xi32, #tpu.memory_space<vmem>>
    %dma_start3A_39 = arith.constant 0 : i32
    %dma_start3A_40 = arith.constant 0 : i32
    %dma_start3A_41 = tpu.memref_slice %arg4[%dma_start3A_39, %dma_start3A_40] : memref<20000x64xf32, #tpu.memory_space<hbm>> -> memref<20000x64xf32, #tpu.memory_space<hbm>>
    tpu.enqueue_indirect_dma source(%dma_start3A_41 : memref<20000x64xf32, #tpu.memory_space<hbm>>) target(%arg9 : memref<128x64xf32, #tpu.memory_space<vmem>>) offsets(%dma_start3A_38 : memref<128xi32, #tpu.memory_space<vmem>>) semaphore(%arg14 : memref<!tpu.dma_semaphore, #tpu.memory_space<semaphore_mem>>)
    %dma_start3A_42 = arith.constant 2 : i32
    %dma_start3A_43 = arith.constant 0 : i32
    %dma_start3A_44 = tpu.memref_slice %arg6[%dma_start3A_42, %dma_start3A_43] : memref<80x128xi32, #tpu.memory_space<vmem>> -> memref<1x128xi32, #tpu.memory_space<vmem>>
    %dma_start3A_45 = tpu.memref_squeeze %dma_start3A_44 : memref<1x128xi32, #tpu.memory_space<vmem>> -> memref<128xi32, #tpu.memory_space<vmem>>
    %dma_start3A_46 = arith.constant 0 : i32
    %dma_start3A_47 = arith.constant 0 : i32
    %dma_start3A_48 = tpu.memref_slice %arg4[%dma_start3A_46, %dma_start3A_47] : memref<20000x64xf32, #tpu.memory_space<hbm>> -> memref<20000x64xf32, #tpu.memory_space<hbm>>
    tpu.enqueue_indirect_dma source(%dma_start3A_48 : memref<20000x64xf32, #tpu.memory_space<hbm>>) target(%arg10 : memref<128x64xf32, #tpu.memory_space<vmem>>) offsets(%dma_start3A_45 : memref<128xi32, #tpu.memory_space<vmem>>) semaphore(%arg15 : memref<!tpu.dma_semaphore, #tpu.memory_space<semaphore_mem>>)
    %dma_start3A_49 = arith.constant 3 : i32
    %dma_start3A_50 = arith.constant 0 : i32
    %dma_start3A_51 = tpu.memref_slice %arg6[%dma_start3A_49, %dma_start3A_50] : memref<80x128xi32, #tpu.memory_space<vmem>> -> memref<1x128xi32, #tpu.memory_space<vmem>>
    %dma_start3A_52 = tpu.memref_squeeze %dma_start3A_51 : memref<1x128xi32, #tpu.memory_space<vmem>> -> memref<128xi32, #tpu.memory_space<vmem>>
    %dma_start3A_53 = arith.constant 0 : i32
    %dma_start3A_54 = arith.constant 0 : i32
    %dma_start3A_55 = tpu.memref_slice %arg4[%dma_start3A_53, %dma_start3A_54] : memref<20000x64xf32, #tpu.memory_space<hbm>> -> memref<20000x64xf32, #tpu.memory_space<hbm>>
    tpu.enqueue_indirect_dma source(%dma_start3A_55 : memref<20000x64xf32, #tpu.memory_space<hbm>>) target(%arg11 : memref<128x64xf32, #tpu.memory_space<vmem>>) offsets(%dma_start3A_52 : memref<128xi32, #tpu.memory_space<vmem>>) semaphore(%arg16 : memref<!tpu.dma_semaphore, #tpu.memory_space<semaphore_mem>>)
    %scan3A_56 = arith.constant 0 : i32
    %scan3A_57 = arith.constant 0 : i32
    %scan3A_58 = arith.constant 20 : i32
    %scan3A_59 = arith.addi %scan3A_57, %scan3A_58 : i32
    %scan3A_60 = arith.constant 1 : i32
    scf.for %scan3A_67 = %scan3A_57 to %scan3A_59 step %scan3A_60  : i32 {
      %mul3A_68 = arith.constant 4 : i32
      %mul3A_69 = arith.muli %scan3A_67, %mul3A_68 : i32
      %add3A_70 = arith.constant 0 : i32
      %add3A_71 = arith.addi %mul3A_69, %add3A_70 : i32
      %dma_wait3A = arith.constant 0 : i32
      %dma_wait3A_72 = tpu.memref_slice %arg6[%add3A_71, %dma_wait3A] : memref<80x128xi32, #tpu.memory_space<vmem>> -> memref<1x128xi32, #tpu.memory_space<vmem>>
      %dma_wait3A_73 = tpu.memref_squeeze %dma_wait3A_72 : memref<1x128xi32, #tpu.memory_space<vmem>> -> memref<128xi32, #tpu.memory_space<vmem>>
      %dma_wait3A_74 = arith.constant 0 : i32
      %dma_wait3A_75 = arith.constant 0 : i32
      %dma_wait3A_76 = tpu.memref_slice %arg4[%dma_wait3A_74, %dma_wait3A_75] : memref<20000x64xf32, #tpu.memory_space<hbm>> -> memref<20000x64xf32, #tpu.memory_space<hbm>>
      tpu.wait_indirect_dma semaphore(%arg13 : memref<!tpu.dma_semaphore, #tpu.memory_space<semaphore_mem>>) src(%dma_wait3A_76 : memref<20000x64xf32, #tpu.memory_space<hbm>>) dst(%arg8 : memref<128x64xf32, #tpu.memory_space<vmem>>)
      %add3A_77 = arith.constant 0 : i32
      %add3A_78 = arith.addi %mul3A_69, %add3A_77 : i32
      "tpu.region"() ({
        %run_scoped3A = tpu.sem_alloc : memref<!tpu.dma_semaphore, #tpu.memory_space<semaphore_mem>>
        %dma_start3A_142 = arith.constant 0 : i32
        %dma_start3A_143 = tpu.memref_slice %arg7[%add3A_78, %dma_start3A_142] : memref<80x128xi32, #tpu.memory_space<vmem>> -> memref<1x128xi32, #tpu.memory_space<vmem>>
        %dma_start3A_144 = tpu.memref_squeeze %dma_start3A_143 : memref<1x128xi32, #tpu.memory_space<vmem>> -> memref<128xi32, #tpu.memory_space<vmem>>
        %dma_start3A_145 = arith.constant 0 : i32
        %dma_start3A_146 = arith.constant 0 : i32
        %dma_start3A_147 = tpu.memref_slice %arg12[%dma_start3A_145, %dma_start3A_146] : memref<10240x64xf32, #tpu.memory_space<vmem_shared>> -> memref<10240x64xf32, #tpu.memory_space<vmem_shared>>
        tpu.enqueue_indirect_dma source(%arg8 : memref<128x64xf32, #tpu.memory_space<vmem>>) target(%dma_start3A_147 : memref<10240x64xf32, #tpu.memory_space<vmem_shared>>) offsets(%dma_start3A_144 : memref<128xi32, #tpu.memory_space<vmem>>) semaphore(%run_scoped3A : memref<!tpu.dma_semaphore, #tpu.memory_space<semaphore_mem>>) {add = true}
        %dma_wait3A_148 = arith.constant 0 : i32
        %dma_wait3A_149 = tpu.memref_slice %arg7[%add3A_78, %dma_wait3A_148] : memref<80x128xi32, #tpu.memory_space<vmem>> -> memref<1x128xi32, #tpu.memory_space<vmem>>
        %dma_wait3A_150 = tpu.memref_squeeze %dma_wait3A_149 : memref<1x128xi32, #tpu.memory_space<vmem>> -> memref<128xi32, #tpu.memory_space<vmem>>
        %dma_wait3A_151 = arith.constant 0 : i32
        %dma_wait3A_152 = arith.constant 0 : i32
        %dma_wait3A_153 = tpu.memref_slice %arg12[%dma_wait3A_151, %dma_wait3A_152] : memref<10240x64xf32, #tpu.memory_space<vmem_shared>> -> memref<10240x64xf32, #tpu.memory_space<vmem_shared>>
        tpu.wait_indirect_dma semaphore(%run_scoped3A : memref<!tpu.dma_semaphore, #tpu.memory_space<semaphore_mem>>) src(%arg8 : memref<128x64xf32, #tpu.memory_space<vmem>>) dst(%dma_wait3A_153 : memref<10240x64xf32, #tpu.memory_space<vmem_shared>>)
        tpu.yield
      }) : () -> ()
      %add3A_79 = arith.constant 0 : i32
      %add3A_80 = arith.addi %mul3A_69, %add3A_79 : i32
      %add3A_81 = arith.constant 4 : i32
      %add3A_82 = arith.addi %add3A_80, %add3A_81 : i32
      %lt3A = arith.constant 80 : i32
      %lt3A_83 = arith.cmpi slt, %add3A_82, %lt3A : i32
      %convert_element_type3A = arith.extui %lt3A_83 : i1 to i32
      %cond3A = arith.constant 0 : i32
      %cond3A_84 = arith.cmpi ne, %convert_element_type3A, %cond3A : i32
      scf.if %cond3A_84 {
        %add3A_142 = arith.constant 0 : i32
        %add3A_143 = arith.addi %mul3A_69, %add3A_142 : i32
        %add3A_144 = arith.constant 4 : i32
        %add3A_145 = arith.addi %add3A_143, %add3A_144 : i32
        %dma_start3A_146 = arith.constant 0 : i32
        %dma_start3A_147 = tpu.memref_slice %arg6[%add3A_145, %dma_start3A_146] : memref<80x128xi32, #tpu.memory_space<vmem>> -> memref<1x128xi32, #tpu.memory_space<vmem>>
        %dma_start3A_148 = tpu.memref_squeeze %dma_start3A_147 : memref<1x128xi32, #tpu.memory_space<vmem>> -> memref<128xi32, #tpu.memory_space<vmem>>
        %dma_start3A_149 = arith.constant 0 : i32
        %dma_start3A_150 = arith.constant 0 : i32
        %dma_start3A_151 = tpu.memref_slice %arg4[%dma_start3A_149, %dma_start3A_150] : memref<20000x64xf32, #tpu.memory_space<hbm>> -> memref<20000x64xf32, #tpu.memory_space<hbm>>
        tpu.enqueue_indirect_dma source(%dma_start3A_151 : memref<20000x64xf32, #tpu.memory_space<hbm>>) target(%arg8 : memref<128x64xf32, #tpu.memory_space<vmem>>) offsets(%dma_start3A_148 : memref<128xi32, #tpu.memory_space<vmem>>) semaphore(%arg13 : memref<!tpu.dma_semaphore, #tpu.memory_space<semaphore_mem>>)
      } else {
      }
      %add3A_85 = arith.constant 1 : i32
      %add3A_86 = arith.addi %mul3A_69, %add3A_85 : i32
      %dma_wait3A_87 = arith.constant 0 : i32
      %dma_wait3A_88 = tpu.memref_slice %arg6[%add3A_86, %dma_wait3A_87] : memref<80x128xi32, #tpu.memory_space<vmem>> -> memref<1x128xi32, #tpu.memory_space<vmem>>
      %dma_wait3A_89 = tpu.memref_squeeze %dma_wait3A_88 : memref<1x128xi32, #tpu.memory_space<vmem>> -> memref<128xi32, #tpu.memory_space<vmem>>
      %dma_wait3A_90 = arith.constant 0 : i32
      %dma_wait3A_91 = arith.constant 0 : i32
      %dma_wait3A_92 = tpu.memref_slice %arg4[%dma_wait3A_90, %dma_wait3A_91] : memref<20000x64xf32, #tpu.memory_space<hbm>> -> memref<20000x64xf32, #tpu.memory_space<hbm>>
      tpu.wait_indirect_dma semaphore(%arg14 : memref<!tpu.dma_semaphore, #tpu.memory_space<semaphore_mem>>) src(%dma_wait3A_92 : memref<20000x64xf32, #tpu.memory_space<hbm>>) dst(%arg9 : memref<128x64xf32, #tpu.memory_space<vmem>>)
      %add3A_93 = arith.constant 1 : i32
      %add3A_94 = arith.addi %mul3A_69, %add3A_93 : i32
      "tpu.region"() ({
        %run_scoped3A = tpu.sem_alloc : memref<!tpu.dma_semaphore, #tpu.memory_space<semaphore_mem>>
        %dma_start3A_142 = arith.constant 0 : i32
        %dma_start3A_143 = tpu.memref_slice %arg7[%add3A_94, %dma_start3A_142] : memref<80x128xi32, #tpu.memory_space<vmem>> -> memref<1x128xi32, #tpu.memory_space<vmem>>
        %dma_start3A_144 = tpu.memref_squeeze %dma_start3A_143 : memref<1x128xi32, #tpu.memory_space<vmem>> -> memref<128xi32, #tpu.memory_space<vmem>>
        %dma_start3A_145 = arith.constant 0 : i32
        %dma_start3A_146 = arith.constant 0 : i32
        %dma_start3A_147 = tpu.memref_slice %arg12[%dma_start3A_145, %dma_start3A_146] : memref<10240x64xf32, #tpu.memory_space<vmem_shared>> -> memref<10240x64xf32, #tpu.memory_space<vmem_shared>>
        tpu.enqueue_indirect_dma source(%arg9 : memref<128x64xf32, #tpu.memory_space<vmem>>) target(%dma_start3A_147 : memref<10240x64xf32, #tpu.memory_space<vmem_shared>>) offsets(%dma_start3A_144 : memref<128xi32, #tpu.memory_space<vmem>>) semaphore(%run_scoped3A : memref<!tpu.dma_semaphore, #tpu.memory_space<semaphore_mem>>) {add = true}
        %dma_wait3A_148 = arith.constant 0 : i32
        %dma_wait3A_149 = tpu.memref_slice %arg7[%add3A_94, %dma_wait3A_148] : memref<80x128xi32, #tpu.memory_space<vmem>> -> memref<1x128xi32, #tpu.memory_space<vmem>>
        %dma_wait3A_150 = tpu.memref_squeeze %dma_wait3A_149 : memref<1x128xi32, #tpu.memory_space<vmem>> -> memref<128xi32, #tpu.memory_space<vmem>>
        %dma_wait3A_151 = arith.constant 0 : i32
        %dma_wait3A_152 = arith.constant 0 : i32
        %dma_wait3A_153 = tpu.memref_slice %arg12[%dma_wait3A_151, %dma_wait3A_152] : memref<10240x64xf32, #tpu.memory_space<vmem_shared>> -> memref<10240x64xf32, #tpu.memory_space<vmem_shared>>
        tpu.wait_indirect_dma semaphore(%run_scoped3A : memref<!tpu.dma_semaphore, #tpu.memory_space<semaphore_mem>>) src(%arg9 : memref<128x64xf32, #tpu.memory_space<vmem>>) dst(%dma_wait3A_153 : memref<10240x64xf32, #tpu.memory_space<vmem_shared>>)
        tpu.yield
      }) : () -> ()
      %add3A_95 = arith.constant 1 : i32
      %add3A_96 = arith.addi %mul3A_69, %add3A_95 : i32
      %add3A_97 = arith.constant 4 : i32
      %add3A_98 = arith.addi %add3A_96, %add3A_97 : i32
      %lt3A_99 = arith.constant 80 : i32
      %lt3A_100 = arith.cmpi slt, %add3A_98, %lt3A_99 : i32
      %convert_element_type3A_101 = arith.extui %lt3A_100 : i1 to i32
      %cond3A_102 = arith.constant 0 : i32
      %cond3A_103 = arith.cmpi ne, %convert_element_type3A_101, %cond3A_102 : i32
      scf.if %cond3A_103 {
        %add3A_142 = arith.constant 1 : i32
        %add3A_143 = arith.addi %mul3A_69, %add3A_142 : i32
        %add3A_144 = arith.constant 4 : i32
        %add3A_145 = arith.addi %add3A_143, %add3A_144 : i32
        %dma_start3A_146 = arith.constant 0 : i32
        %dma_start3A_147 = tpu.memref_slice %arg6[%add3A_145, %dma_start3A_146] : memref<80x128xi32, #tpu.memory_space<vmem>> -> memref<1x128xi32, #tpu.memory_space<vmem>>
        %dma_start3A_148 = tpu.memref_squeeze %dma_start3A_147 : memref<1x128xi32, #tpu.memory_space<vmem>> -> memref<128xi32, #tpu.memory_space<vmem>>
        %dma_start3A_149 = arith.constant 0 : i32
        %dma_start3A_150 = arith.constant 0 : i32
        %dma_start3A_151 = tpu.memref_slice %arg4[%dma_start3A_149, %dma_start3A_150] : memref<20000x64xf32, #tpu.memory_space<hbm>> -> memref<20000x64xf32, #tpu.memory_space<hbm>>
        tpu.enqueue_indirect_dma source(%dma_start3A_151 : memref<20000x64xf32, #tpu.memory_space<hbm>>) target(%arg9 : memref<128x64xf32, #tpu.memory_space<vmem>>) offsets(%dma_start3A_148 : memref<128xi32, #tpu.memory_space<vmem>>) semaphore(%arg14 : memref<!tpu.dma_semaphore, #tpu.memory_space<semaphore_mem>>)
      } else {
      }
      %add3A_104 = arith.constant 2 : i32
      %add3A_105 = arith.addi %mul3A_69, %add3A_104 : i32
      %dma_wait3A_106 = arith.constant 0 : i32
      %dma_wait3A_107 = tpu.memref_slice %arg6[%add3A_105, %dma_wait3A_106] : memref<80x128xi32, #tpu.memory_space<vmem>> -> memref<1x128xi32, #tpu.memory_space<vmem>>
      %dma_wait3A_108 = tpu.memref_squeeze %dma_wait3A_107 : memref<1x128xi32, #tpu.memory_space<vmem>> -> memref<128xi32, #tpu.memory_space<vmem>>
      %dma_wait3A_109 = arith.constant 0 : i32
      %dma_wait3A_110 = arith.constant 0 : i32
      %dma_wait3A_111 = tpu.memref_slice %arg4[%dma_wait3A_109, %dma_wait3A_110] : memref<20000x64xf32, #tpu.memory_space<hbm>> -> memref<20000x64xf32, #tpu.memory_space<hbm>>
      tpu.wait_indirect_dma semaphore(%arg15 : memref<!tpu.dma_semaphore, #tpu.memory_space<semaphore_mem>>) src(%dma_wait3A_111 : memref<20000x64xf32, #tpu.memory_space<hbm>>) dst(%arg10 : memref<128x64xf32, #tpu.memory_space<vmem>>)
      %add3A_112 = arith.constant 2 : i32
      %add3A_113 = arith.addi %mul3A_69, %add3A_112 : i32
      "tpu.region"() ({
        %run_scoped3A = tpu.sem_alloc : memref<!tpu.dma_semaphore, #tpu.memory_space<semaphore_mem>>
        %dma_start3A_142 = arith.constant 0 : i32
        %dma_start3A_143 = tpu.memref_slice %arg7[%add3A_113, %dma_start3A_142] : memref<80x128xi32, #tpu.memory_space<vmem>> -> memref<1x128xi32, #tpu.memory_space<vmem>>
        %dma_start3A_144 = tpu.memref_squeeze %dma_start3A_143 : memref<1x128xi32, #tpu.memory_space<vmem>> -> memref<128xi32, #tpu.memory_space<vmem>>
        %dma_start3A_145 = arith.constant 0 : i32
        %dma_start3A_146 = arith.constant 0 : i32
        %dma_start3A_147 = tpu.memref_slice %arg12[%dma_start3A_145, %dma_start3A_146] : memref<10240x64xf32, #tpu.memory_space<vmem_shared>> -> memref<10240x64xf32, #tpu.memory_space<vmem_shared>>
        tpu.enqueue_indirect_dma source(%arg10 : memref<128x64xf32, #tpu.memory_space<vmem>>) target(%dma_start3A_147 : memref<10240x64xf32, #tpu.memory_space<vmem_shared>>) offsets(%dma_start3A_144 : memref<128xi32, #tpu.memory_space<vmem>>) semaphore(%run_scoped3A : memref<!tpu.dma_semaphore, #tpu.memory_space<semaphore_mem>>) {add = true}
        %dma_wait3A_148 = arith.constant 0 : i32
        %dma_wait3A_149 = tpu.memref_slice %arg7[%add3A_113, %dma_wait3A_148] : memref<80x128xi32, #tpu.memory_space<vmem>> -> memref<1x128xi32, #tpu.memory_space<vmem>>
        %dma_wait3A_150 = tpu.memref_squeeze %dma_wait3A_149 : memref<1x128xi32, #tpu.memory_space<vmem>> -> memref<128xi32, #tpu.memory_space<vmem>>
        %dma_wait3A_151 = arith.constant 0 : i32
        %dma_wait3A_152 = arith.constant 0 : i32
        %dma_wait3A_153 = tpu.memref_slice %arg12[%dma_wait3A_151, %dma_wait3A_152] : memref<10240x64xf32, #tpu.memory_space<vmem_shared>> -> memref<10240x64xf32, #tpu.memory_space<vmem_shared>>
        tpu.wait_indirect_dma semaphore(%run_scoped3A : memref<!tpu.dma_semaphore, #tpu.memory_space<semaphore_mem>>) src(%arg10 : memref<128x64xf32, #tpu.memory_space<vmem>>) dst(%dma_wait3A_153 : memref<10240x64xf32, #tpu.memory_space<vmem_shared>>)
        tpu.yield
      }) : () -> ()
      %add3A_114 = arith.constant 2 : i32
      %add3A_115 = arith.addi %mul3A_69, %add3A_114 : i32
      %add3A_116 = arith.constant 4 : i32
      %add3A_117 = arith.addi %add3A_115, %add3A_116 : i32
      %lt3A_118 = arith.constant 80 : i32
      %lt3A_119 = arith.cmpi slt, %add3A_117, %lt3A_118 : i32
      %convert_element_type3A_120 = arith.extui %lt3A_119 : i1 to i32
      %cond3A_121 = arith.constant 0 : i32
      %cond3A_122 = arith.cmpi ne, %convert_element_type3A_120, %cond3A_121 : i32
      scf.if %cond3A_122 {
        %add3A_142 = arith.constant 2 : i32
        %add3A_143 = arith.addi %mul3A_69, %add3A_142 : i32
        %add3A_144 = arith.constant 4 : i32
        %add3A_145 = arith.addi %add3A_143, %add3A_144 : i32
        %dma_start3A_146 = arith.constant 0 : i32
        %dma_start3A_147 = tpu.memref_slice %arg6[%add3A_145, %dma_start3A_146] : memref<80x128xi32, #tpu.memory_space<vmem>> -> memref<1x128xi32, #tpu.memory_space<vmem>>
        %dma_start3A_148 = tpu.memref_squeeze %dma_start3A_147 : memref<1x128xi32, #tpu.memory_space<vmem>> -> memref<128xi32, #tpu.memory_space<vmem>>
        %dma_start3A_149 = arith.constant 0 : i32
        %dma_start3A_150 = arith.constant 0 : i32
        %dma_start3A_151 = tpu.memref_slice %arg4[%dma_start3A_149, %dma_start3A_150] : memref<20000x64xf32, #tpu.memory_space<hbm>> -> memref<20000x64xf32, #tpu.memory_space<hbm>>
        tpu.enqueue_indirect_dma source(%dma_start3A_151 : memref<20000x64xf32, #tpu.memory_space<hbm>>) target(%arg10 : memref<128x64xf32, #tpu.memory_space<vmem>>) offsets(%dma_start3A_148 : memref<128xi32, #tpu.memory_space<vmem>>) semaphore(%arg15 : memref<!tpu.dma_semaphore, #tpu.memory_space<semaphore_mem>>)
      } else {
      }
      %add3A_123 = arith.constant 3 : i32
      %add3A_124 = arith.addi %mul3A_69, %add3A_123 : i32
      %dma_wait3A_125 = arith.constant 0 : i32
      %dma_wait3A_126 = tpu.memref_slice %arg6[%add3A_124, %dma_wait3A_125] : memref<80x128xi32, #tpu.memory_space<vmem>> -> memref<1x128xi32, #tpu.memory_space<vmem>>
      %dma_wait3A_127 = tpu.memref_squeeze %dma_wait3A_126 : memref<1x128xi32, #tpu.memory_space<vmem>> -> memref<128xi32, #tpu.memory_space<vmem>>
      %dma_wait3A_128 = arith.constant 0 : i32
      %dma_wait3A_129 = arith.constant 0 : i32
      %dma_wait3A_130 = tpu.memref_slice %arg4[%dma_wait3A_128, %dma_wait3A_129] : memref<20000x64xf32, #tpu.memory_space<hbm>> -> memref<20000x64xf32, #tpu.memory_space<hbm>>
      tpu.wait_indirect_dma semaphore(%arg16 : memref<!tpu.dma_semaphore, #tpu.memory_space<semaphore_mem>>) src(%dma_wait3A_130 : memref<20000x64xf32, #tpu.memory_space<hbm>>) dst(%arg11 : memref<128x64xf32, #tpu.memory_space<vmem>>)
      %add3A_131 = arith.constant 3 : i32
      %add3A_132 = arith.addi %mul3A_69, %add3A_131 : i32
      "tpu.region"() ({
        %run_scoped3A = tpu.sem_alloc : memref<!tpu.dma_semaphore, #tpu.memory_space<semaphore_mem>>
        %dma_start3A_142 = arith.constant 0 : i32
        %dma_start3A_143 = tpu.memref_slice %arg7[%add3A_132, %dma_start3A_142] : memref<80x128xi32, #tpu.memory_space<vmem>> -> memref<1x128xi32, #tpu.memory_space<vmem>>
        %dma_start3A_144 = tpu.memref_squeeze %dma_start3A_143 : memref<1x128xi32, #tpu.memory_space<vmem>> -> memref<128xi32, #tpu.memory_space<vmem>>
        %dma_start3A_145 = arith.constant 0 : i32
        %dma_start3A_146 = arith.constant 0 : i32
        %dma_start3A_147 = tpu.memref_slice %arg12[%dma_start3A_145, %dma_start3A_146] : memref<10240x64xf32, #tpu.memory_space<vmem_shared>> -> memref<10240x64xf32, #tpu.memory_space<vmem_shared>>
        tpu.enqueue_indirect_dma source(%arg11 : memref<128x64xf32, #tpu.memory_space<vmem>>) target(%dma_start3A_147 : memref<10240x64xf32, #tpu.memory_space<vmem_shared>>) offsets(%dma_start3A_144 : memref<128xi32, #tpu.memory_space<vmem>>) semaphore(%run_scoped3A : memref<!tpu.dma_semaphore, #tpu.memory_space<semaphore_mem>>) {add = true}
        %dma_wait3A_148 = arith.constant 0 : i32
        %dma_wait3A_149 = tpu.memref_slice %arg7[%add3A_132, %dma_wait3A_148] : memref<80x128xi32, #tpu.memory_space<vmem>> -> memref<1x128xi32, #tpu.memory_space<vmem>>
        %dma_wait3A_150 = tpu.memref_squeeze %dma_wait3A_149 : memref<1x128xi32, #tpu.memory_space<vmem>> -> memref<128xi32, #tpu.memory_space<vmem>>
        %dma_wait3A_151 = arith.constant 0 : i32
        %dma_wait3A_152 = arith.constant 0 : i32
        %dma_wait3A_153 = tpu.memref_slice %arg12[%dma_wait3A_151, %dma_wait3A_152] : memref<10240x64xf32, #tpu.memory_space<vmem_shared>> -> memref<10240x64xf32, #tpu.memory_space<vmem_shared>>
        tpu.wait_indirect_dma semaphore(%run_scoped3A : memref<!tpu.dma_semaphore, #tpu.memory_space<semaphore_mem>>) src(%arg11 : memref<128x64xf32, #tpu.memory_space<vmem>>) dst(%dma_wait3A_153 : memref<10240x64xf32, #tpu.memory_space<vmem_shared>>)
        tpu.yield
      }) : () -> ()
      %add3A_133 = arith.constant 3 : i32
      %add3A_134 = arith.addi %mul3A_69, %add3A_133 : i32
      %add3A_135 = arith.constant 4 : i32
      %add3A_136 = arith.addi %add3A_134, %add3A_135 : i32
      %lt3A_137 = arith.constant 80 : i32
      %lt3A_138 = arith.cmpi slt, %add3A_136, %lt3A_137 : i32
      %convert_element_type3A_139 = arith.extui %lt3A_138 : i1 to i32
      %cond3A_140 = arith.constant 0 : i32
      %cond3A_141 = arith.cmpi ne, %convert_element_type3A_139, %cond3A_140 : i32
      scf.if %cond3A_141 {
        %add3A_142 = arith.constant 3 : i32
        %add3A_143 = arith.addi %mul3A_69, %add3A_142 : i32
        %add3A_144 = arith.constant 4 : i32
        %add3A_145 = arith.addi %add3A_143, %add3A_144 : i32
        %dma_start3A_146 = arith.constant 0 : i32
        %dma_start3A_147 = tpu.memref_slice %arg6[%add3A_145, %dma_start3A_146] : memref<80x128xi32, #tpu.memory_space<vmem>> -> memref<1x128xi32, #tpu.memory_space<vmem>>
        %dma_start3A_148 = tpu.memref_squeeze %dma_start3A_147 : memref<1x128xi32, #tpu.memory_space<vmem>> -> memref<128xi32, #tpu.memory_space<vmem>>
        %dma_start3A_149 = arith.constant 0 : i32
        %dma_start3A_150 = arith.constant 0 : i32
        %dma_start3A_151 = tpu.memref_slice %arg4[%dma_start3A_149, %dma_start3A_150] : memref<20000x64xf32, #tpu.memory_space<hbm>> -> memref<20000x64xf32, #tpu.memory_space<hbm>>
        tpu.enqueue_indirect_dma source(%dma_start3A_151 : memref<20000x64xf32, #tpu.memory_space<hbm>>) target(%arg11 : memref<128x64xf32, #tpu.memory_space<vmem>>) offsets(%dma_start3A_148 : memref<128xi32, #tpu.memory_space<vmem>>) semaphore(%arg16 : memref<!tpu.dma_semaphore, #tpu.memory_space<semaphore_mem>>)
      } else {
      }
    }
    %scan3A_61 = arith.constant 20 : i32
    %barrier3A_62 = arith.constant 0 : index
    tpu.barrier barrier_id(%barrier3A_62)
    %mul3A_63 = arith.constant 640 : i32
    %mul3A_64 = arith.muli %arg1, %mul3A_63 : i32
    %mul3A_65 = arith.constant 640 : i32
    %mul3A_66 = arith.muli %arg1, %mul3A_65 : i32
    "tpu.region"() ({
      %run_scoped3A = tpu.sem_alloc : memref<!tpu.dma_semaphore, #tpu.memory_space<semaphore_mem>>
      %dma_start3A_67 = arith.constant 0 : i32
      %dma_start3A_68 = tpu.memref_slice %arg5[%arg0, %mul3A_66, %dma_start3A_67] : memref<2x10240x128xf32, #tpu.memory_space<hbm>> -> memref<1x640x64xf32, #tpu.memory_space<hbm>>
      %dma_start3A_69 = tpu.memref_squeeze %dma_start3A_68 : memref<1x640x64xf32, #tpu.memory_space<hbm>> -> memref<640x64xf32, #tpu.memory_space<hbm>>
      %dma_start3A_70 = arith.constant 0 : i32
      %dma_start3A_71 = tpu.memref_slice %arg12[%mul3A_64, %dma_start3A_70] : memref<10240x64xf32, #tpu.memory_space<vmem_shared>> -> memref<640x64xf32, #tpu.memory_space<vmem_shared>>
      tpu.enqueue_dma source(%dma_start3A_71 : memref<640x64xf32, #tpu.memory_space<vmem_shared>>) target(%dma_start3A_69 : memref<640x64xf32, #tpu.memory_space<hbm>>) target_semaphore(%run_scoped3A : memref<!tpu.dma_semaphore, #tpu.memory_space<semaphore_mem>>)
      %dma_wait3A = arith.constant 0 : i32
      %dma_wait3A_72 = tpu.memref_slice %arg5[%arg0, %mul3A_66, %dma_wait3A] : memref<2x10240x128xf32, #tpu.memory_space<hbm>> -> memref<1x640x64xf32, #tpu.memory_space<hbm>>
      %dma_wait3A_73 = tpu.memref_squeeze %dma_wait3A_72 : memref<1x640x64xf32, #tpu.memory_space<hbm>> -> memref<640x64xf32, #tpu.memory_space<hbm>>
      %dma_wait3A_74 = arith.constant 0 : i32
      %dma_wait3A_75 = tpu.memref_slice %arg12[%mul3A_64, %dma_wait3A_74] : memref<10240x64xf32, #tpu.memory_space<vmem_shared>> -> memref<640x64xf32, #tpu.memory_space<vmem_shared>>
      tpu.wait_dma2 semaphore(%run_scoped3A : memref<!tpu.dma_semaphore, #tpu.memory_space<semaphore_mem>>) src(%dma_wait3A_75 : memref<640x64xf32, #tpu.memory_space<vmem_shared>>) dst(%dma_wait3A_73 : memref<640x64xf32, #tpu.memory_space<hbm>>)
      tpu.yield
    }) : () -> ()
    return
  }
}

#map = affine_map<(d0, d1) -> (0, 0)>
#map1 = affine_map<(d0, d1) -> (0, 0, 0)>
module attributes {stable_mosaic.version = 14 : i64} {
  func.func @_scat_body(%arg0: i32, %arg1: i32, %arg2: memref<2560x128xi32, #tpu.memory_space<hbm>>, %arg3: memref<2560x128xi32, #tpu.memory_space<hbm>>, %arg4: memref<20000x64xf32, #tpu.memory_space<hbm>>, %arg5: memref<2x10240x128xf32, #tpu.memory_space<hbm>>, %arg6: memref<80x128xi32, #tpu.memory_space<vmem>>, %arg7: memref<80x128xi32, #tpu.memory_space<vmem>>, %arg8: memref<128x64xf32, #tpu.memory_space<vmem>>, %arg9: memref<128x64xf32, #tpu.memory_space<vmem>>, %arg10: memref<128x64xf32, #tpu.memory_space<vmem>>, %arg11: memref<128x64xf32, #tpu.memory_space<vmem>>, %arg12: memref<10240x64xf32, #tpu.memory_space<vmem_shared>>, %arg13: memref<!tpu.dma_semaphore, #tpu.memory_space<semaphore_mem>>, %arg14: memref<!tpu.dma_semaphore, #tpu.memory_space<semaphore_mem>>, %arg15: memref<!tpu.dma_semaphore, #tpu.memory_space<semaphore_mem>>, %arg16: memref<!tpu.dma_semaphore, #tpu.memory_space<semaphore_mem>>) attributes {dimension_semantics = [#tpu.dimension_semantics<core_parallel>, #tpu.dimension_semantics<subcore_parallel>], iteration_bounds = array<i64: 2, 16>, scalar_prefetch = 0 : i64, scratch_operands = 11 : i64, tpu.core_type = #tpu.core_type<sc_vector_subcore>, window_params = [{transform_indices = #map}, {transform_indices = #map}, {transform_indices = #map}, {transform_indices = #map1}]} {
    %broadcast_in_dim3A = arith.constant 0.000000e+00 : f32
    %broadcast_in_dim3A_0 = vector.broadcast %broadcast_in_dim3A : f32 to vector<16xf32>
    %scan3A = arith.constant 0 : i32
    %scan3A_1 = arith.constant 0 : i32
    %scan3A_2 = arith.constant 128 : i32
    %scan3A_3 = arith.addi %scan3A_1, %scan3A_2 : i32
    %scan3A_4 = arith.constant 1 : i32
    scf.for %scan3A_67 = %scan3A_1 to %scan3A_3 step %scan3A_4  : i32 {
      %swap3A = arith.index_cast %scan3A_67 : i32 to index
      %swap3A_68 = arith.constant 0 : index
      %swap3A_69 = tpu.vector_load %arg8[%swap3A, %swap3A_68] {strides = array<i32>} : memref<128x64xf32, #tpu.memory_space<vmem>>, vector<1x16xf32>,
      %swap3A_70 = vector.shape_cast %swap3A_69 : vector<1x16xf32> to vector<16xf32>
      %swap3A_71 = vector.shape_cast %broadcast_in_dim3A_0 : vector<16xf32> to vector<1x16xf32>
      tpu.vector_store %arg8[%swap3A, %swap3A_68], %swap3A_71 {strides = array<i32>} : memref<128x64xf32, #tpu.memory_space<vmem>>, vector<1x16xf32>,
      %swap3A_72 = arith.index_cast %scan3A_67 : i32 to index
      %swap3A_73 = arith.constant 16 : index
      %swap3A_74 = tpu.vector_load %arg8[%swap3A_72, %swap3A_73] {strides = array<i32>} : memref<128x64xf32, #tpu.memory_space<vmem>>, vector<1x16xf32>,
      %swap3A_75 = vector.shape_cast %swap3A_74 : vector<1x16xf32> to vector<16xf32>
      %swap3A_76 = vector.shape_cast %broadcast_in_dim3A_0 : vector<16xf32> to vector<1x16xf32>
      tpu.vector_store %arg8[%swap3A_72, %swap3A_73], %swap3A_76 {strides = array<i32>} : memref<128x64xf32, #tpu.memory_space<vmem>>, vector<1x16xf32>,
      %swap3A_77 = arith.index_cast %scan3A_67 : i32 to index
      %swap3A_78 = arith.constant 32 : index
      %swap3A_79 = tpu.vector_load %arg8[%swap3A_77, %swap3A_78] {strides = array<i32>} : memref<128x64xf32, #tpu.memory_space<vmem>>, vector<1x16xf32>,
      %swap3A_80 = vector.shape_cast %swap3A_79 : vector<1x16xf32> to vector<16xf32>
      %swap3A_81 = vector.shape_cast %broadcast_in_dim3A_0 : vector<16xf32> to vector<1x16xf32>
      tpu.vector_store %arg8[%swap3A_77, %swap3A_78], %swap3A_81 {strides = array<i32>} : memref<128x64xf32, #tpu.memory_space<vmem>>, vector<1x16xf32>,
      %swap3A_82 = arith.index_cast %scan3A_67 : i32 to index
      %swap3A_83 = arith.constant 48 : index
      %swap3A_84 = tpu.vector_load %arg8[%swap3A_82, %swap3A_83] {strides = array<i32>} : memref<128x64xf32, #tpu.memory_space<vmem>>, vector<1x16xf32>,
      %swap3A_85 = vector.shape_cast %swap3A_84 : vector<1x16xf32> to vector<16xf32>
      %swap3A_86 = vector.shape_cast %broadcast_in_dim3A_0 : vector<16xf32> to vector<1x16xf32>
      tpu.vector_store %arg8[%swap3A_82, %swap3A_83], %swap3A_86 {strides = array<i32>} : memref<128x64xf32, #tpu.memory_space<vmem>>, vector<1x16xf32>,
    }
    %scan3A_5 = arith.constant 128 : i32
    %mul3A = arith.constant 640 : i32
    %mul3A_6 = arith.muli %arg1, %mul3A : i32
    %add3A = arith.constant 0 : i32
    %add3A_7 = arith.addi %mul3A_6, %add3A : i32
    "tpu.region"() ({
      %run_scoped3A = tpu.sem_alloc : memref<!tpu.dma_semaphore, #tpu.memory_space<semaphore_mem>>
      %dma_start3A_67 = arith.constant 0 : i32
      %dma_start3A_68 = tpu.memref_slice %arg12[%add3A_7, %dma_start3A_67] : memref<10240x64xf32, #tpu.memory_space<vmem_shared>> -> memref<128x64xf32, #tpu.memory_space<vmem_shared>>
      %dma_start3A_69 = arith.constant 0 : i32
      %dma_start3A_70 = tpu.memref_slice %arg12[%add3A_7, %dma_start3A_69] : memref<10240x64xf32, #tpu.memory_space<vmem_shared>> -> memref<128x64xf32, #tpu.memory_space<vmem_shared>>
      tpu.enqueue_dma source(%arg8 : memref<128x64xf32, #tpu.memory_space<vmem>>) target(%dma_start3A_70 : memref<128x64xf32, #tpu.memory_space<vmem_shared>>) target_semaphore(%run_scoped3A : memref<!tpu.dma_semaphore, #tpu.memory_space<semaphore_mem>>)
      %dma_wait3A = arith.constant 0 : i32
      %dma_wait3A_71 = tpu.memref_slice %arg12[%add3A_7, %dma_wait3A] : memref<10240x64xf32, #tpu.memory_space<vmem_shared>> -> memref<128x64xf32, #tpu.memory_space<vmem_shared>>
      %dma_wait3A_72 = arith.constant 0 : i32
      %dma_wait3A_73 = tpu.memref_slice %arg12[%add3A_7, %dma_wait3A_72] : memref<10240x64xf32, #tpu.memory_space<vmem_shared>> -> memref<128x64xf32, #tpu.memory_space<vmem_shared>>
      tpu.wait_dma2 semaphore(%run_scoped3A : memref<!tpu.dma_semaphore, #tpu.memory_space<semaphore_mem>>) src(%arg8 : memref<128x64xf32, #tpu.memory_space<vmem>>) dst(%dma_wait3A_73 : memref<128x64xf32, #tpu.memory_space<vmem_shared>>)
      tpu.yield
    }) : () -> ()
    %mul3A_8 = arith.constant 640 : i32
    %mul3A_9 = arith.muli %arg1, %mul3A_8 : i32
    %add3A_10 = arith.constant 128 : i32
    %add3A_11 = arith.addi %mul3A_9, %add3A_10 : i32
    "tpu.region"() ({
      %run_scoped3A = tpu.sem_alloc : memref<!tpu.dma_semaphore, #tpu.memory_space<semaphore_mem>>
      %dma_start3A_67 = arith.constant 0 : i32
      %dma_start3A_68 = tpu.memref_slice %arg12[%add3A_11, %dma_start3A_67] : memref<10240x64xf32, #tpu.memory_space<vmem_shared>> -> memref<128x64xf32, #tpu.memory_space<vmem_shared>>
      %dma_start3A_69 = arith.constant 0 : i32
      %dma_start3A_70 = tpu.memref_slice %arg12[%add3A_11, %dma_start3A_69] : memref<10240x64xf32, #tpu.memory_space<vmem_shared>> -> memref<128x64xf32, #tpu.memory_space<vmem_shared>>
      tpu.enqueue_dma source(%arg8 : memref<128x64xf32, #tpu.memory_space<vmem>>) target(%dma_start3A_70 : memref<128x64xf32, #tpu.memory_space<vmem_shared>>) target_semaphore(%run_scoped3A : memref<!tpu.dma_semaphore, #tpu.memory_space<semaphore_mem>>)
      %dma_wait3A = arith.constant 0 : i32
      %dma_wait3A_71 = tpu.memref_slice %arg12[%add3A_11, %dma_wait3A] : memref<10240x64xf32, #tpu.memory_space<vmem_shared>> -> memref<128x64xf32, #tpu.memory_space<vmem_shared>>
      %dma_wait3A_72 = arith.constant 0 : i32
      %dma_wait3A_73 = tpu.memref_slice %arg12[%add3A_11, %dma_wait3A_72] : memref<10240x64xf32, #tpu.memory_space<vmem_shared>> -> memref<128x64xf32, #tpu.memory_space<vmem_shared>>
      tpu.wait_dma2 semaphore(%run_scoped3A : memref<!tpu.dma_semaphore, #tpu.memory_space<semaphore_mem>>) src(%arg8 : memref<128x64xf32, #tpu.memory_space<vmem>>) dst(%dma_wait3A_73 : memref<128x64xf32, #tpu.memory_space<vmem_shared>>)
      tpu.yield
    }) : () -> ()
    %mul3A_12 = arith.constant 640 : i32
    %mul3A_13 = arith.muli %arg1, %mul3A_12 : i32
    %add3A_14 = arith.constant 256 : i32
    %add3A_15 = arith.addi %mul3A_13, %add3A_14 : i32
    "tpu.region"() ({
      %run_scoped3A = tpu.sem_alloc : memref<!tpu.dma_semaphore, #tpu.memory_space<semaphore_mem>>
      %dma_start3A_67 = arith.constant 0 : i32
      %dma_start3A_68 = tpu.memref_slice %arg12[%add3A_15, %dma_start3A_67] : memref<10240x64xf32, #tpu.memory_space<vmem_shared>> -> memref<128x64xf32, #tpu.memory_space<vmem_shared>>
      %dma_start3A_69 = arith.constant 0 : i32
      %dma_start3A_70 = tpu.memref_slice %arg12[%add3A_15, %dma_start3A_69] : memref<10240x64xf32, #tpu.memory_space<vmem_shared>> -> memref<128x64xf32, #tpu.memory_space<vmem_shared>>
      tpu.enqueue_dma source(%arg8 : memref<128x64xf32, #tpu.memory_space<vmem>>) target(%dma_start3A_70 : memref<128x64xf32, #tpu.memory_space<vmem_shared>>) target_semaphore(%run_scoped3A : memref<!tpu.dma_semaphore, #tpu.memory_space<semaphore_mem>>)
      %dma_wait3A = arith.constant 0 : i32
      %dma_wait3A_71 = tpu.memref_slice %arg12[%add3A_15, %dma_wait3A] : memref<10240x64xf32, #tpu.memory_space<vmem_shared>> -> memref<128x64xf32, #tpu.memory_space<vmem_shared>>
      %dma_wait3A_72 = arith.constant 0 : i32
      %dma_wait3A_73 = tpu.memref_slice %arg12[%add3A_15, %dma_wait3A_72] : memref<10240x64xf32, #tpu.memory_space<vmem_shared>> -> memref<128x64xf32, #tpu.memory_space<vmem_shared>>
      tpu.wait_dma2 semaphore(%run_scoped3A : memref<!tpu.dma_semaphore, #tpu.memory_space<semaphore_mem>>) src(%arg8 : memref<128x64xf32, #tpu.memory_space<vmem>>) dst(%dma_wait3A_73 : memref<128x64xf32, #tpu.memory_space<vmem_shared>>)
      tpu.yield
    }) : () -> ()
    %mul3A_16 = arith.constant 640 : i32
    %mul3A_17 = arith.muli %arg1, %mul3A_16 : i32
    %add3A_18 = arith.constant 384 : i32
    %add3A_19 = arith.addi %mul3A_17, %add3A_18 : i32
    "tpu.region"() ({
      %run_scoped3A = tpu.sem_alloc : memref<!tpu.dma_semaphore, #tpu.memory_space<semaphore_mem>>
      %dma_start3A_67 = arith.constant 0 : i32
      %dma_start3A_68 = tpu.memref_slice %arg12[%add3A_19, %dma_start3A_67] : memref<10240x64xf32, #tpu.memory_space<vmem_shared>> -> memref<128x64xf32, #tpu.memory_space<vmem_shared>>
      %dma_start3A_69 = arith.constant 0 : i32
      %dma_start3A_70 = tpu.memref_slice %arg12[%add3A_19, %dma_start3A_69] : memref<10240x64xf32, #tpu.memory_space<vmem_shared>> -> memref<128x64xf32, #tpu.memory_space<vmem_shared>>
      tpu.enqueue_dma source(%arg8 : memref<128x64xf32, #tpu.memory_space<vmem>>) target(%dma_start3A_70 : memref<128x64xf32, #tpu.memory_space<vmem_shared>>) target_semaphore(%run_scoped3A : memref<!tpu.dma_semaphore, #tpu.memory_space<semaphore_mem>>)
      %dma_wait3A = arith.constant 0 : i32
      %dma_wait3A_71 = tpu.memref_slice %arg12[%add3A_19, %dma_wait3A] : memref<10240x64xf32, #tpu.memory_space<vmem_shared>> -> memref<128x64xf32, #tpu.memory_space<vmem_shared>>
      %dma_wait3A_72 = arith.constant 0 : i32
      %dma_wait3A_73 = tpu.memref_slice %arg12[%add3A_19, %dma_wait3A_72] : memref<10240x64xf32, #tpu.memory_space<vmem_shared>> -> memref<128x64xf32, #tpu.memory_space<vmem_shared>>
      tpu.wait_dma2 semaphore(%run_scoped3A : memref<!tpu.dma_semaphore, #tpu.memory_space<semaphore_mem>>) src(%arg8 : memref<128x64xf32, #tpu.memory_space<vmem>>) dst(%dma_wait3A_73 : memref<128x64xf32, #tpu.memory_space<vmem_shared>>)
      tpu.yield
    }) : () -> ()
    %mul3A_20 = arith.constant 640 : i32
    %mul3A_21 = arith.muli %arg1, %mul3A_20 : i32
    %add3A_22 = arith.constant 512 : i32
    %add3A_23 = arith.addi %mul3A_21, %add3A_22 : i32
    "tpu.region"() ({
      %run_scoped3A = tpu.sem_alloc : memref<!tpu.dma_semaphore, #tpu.memory_space<semaphore_mem>>
      %dma_start3A_67 = arith.constant 0 : i32
      %dma_start3A_68 = tpu.memref_slice %arg12[%add3A_23, %dma_start3A_67] : memref<10240x64xf32, #tpu.memory_space<vmem_shared>> -> memref<128x64xf32, #tpu.memory_space<vmem_shared>>
      %dma_start3A_69 = arith.constant 0 : i32
      %dma_start3A_70 = tpu.memref_slice %arg12[%add3A_23, %dma_start3A_69] : memref<10240x64xf32, #tpu.memory_space<vmem_shared>> -> memref<128x64xf32, #tpu.memory_space<vmem_shared>>
      tpu.enqueue_dma source(%arg8 : memref<128x64xf32, #tpu.memory_space<vmem>>) target(%dma_start3A_70 : memref<128x64xf32, #tpu.memory_space<vmem_shared>>) target_semaphore(%run_scoped3A : memref<!tpu.dma_semaphore, #tpu.memory_space<semaphore_mem>>)
      %dma_wait3A = arith.constant 0 : i32
      %dma_wait3A_71 = tpu.memref_slice %arg12[%add3A_23, %dma_wait3A] : memref<10240x64xf32, #tpu.memory_space<vmem_shared>> -> memref<128x64xf32, #tpu.memory_space<vmem_shared>>
      %dma_wait3A_72 = arith.constant 0 : i32
      %dma_wait3A_73 = tpu.memref_slice %arg12[%add3A_23, %dma_wait3A_72] : memref<10240x64xf32, #tpu.memory_space<vmem_shared>> -> memref<128x64xf32, #tpu.memory_space<vmem_shared>>
      tpu.wait_dma2 semaphore(%run_scoped3A : memref<!tpu.dma_semaphore, #tpu.memory_space<semaphore_mem>>) src(%arg8 : memref<128x64xf32, #tpu.memory_space<vmem>>) dst(%dma_wait3A_73 : memref<128x64xf32, #tpu.memory_space<vmem_shared>>)
      tpu.yield
    }) : () -> ()
    %mul3A_24 = arith.constant 16 : i32
    %mul3A_25 = arith.muli %arg0, %mul3A_24 : i32
    %add3A_26 = arith.addi %mul3A_25, %arg1 : i32
    %mul3A_27 = arith.constant 80 : i32
    %mul3A_28 = arith.muli %add3A_26, %mul3A_27 : i32
    "tpu.region"() ({
      %run_scoped3A = tpu.sem_alloc : memref<!tpu.dma_semaphore, #tpu.memory_space<semaphore_mem>>
      %dma_start3A_67 = arith.constant 0 : i32
      %dma_start3A_68 = tpu.memref_slice %arg2[%mul3A_28, %dma_start3A_67] : memref<2560x128xi32, #tpu.memory_space<hbm>> -> memref<80x128xi32, #tpu.memory_space<hbm>>
      %dma_start3A_69 = arith.constant 0 : i32
      %dma_start3A_70 = tpu.memref_slice %arg2[%mul3A_28, %dma_start3A_69] : memref<2560x128xi32, #tpu.memory_space<hbm>> -> memref<80x128xi32, #tpu.memory_space<hbm>>
      tpu.enqueue_dma source(%dma_start3A_70 : memref<80x128xi32, #tpu.memory_space<hbm>>) target(%arg6 : memref<80x128xi32, #tpu.memory_space<vmem>>) target_semaphore(%run_scoped3A : memref<!tpu.dma_semaphore, #tpu.memory_space<semaphore_mem>>)
      %dma_wait3A = arith.constant 0 : i32
      %dma_wait3A_71 = tpu.memref_slice %arg2[%mul3A_28, %dma_wait3A] : memref<2560x128xi32, #tpu.memory_space<hbm>> -> memref<80x128xi32, #tpu.memory_space<hbm>>
      %dma_wait3A_72 = arith.constant 0 : i32
      %dma_wait3A_73 = tpu.memref_slice %arg2[%mul3A_28, %dma_wait3A_72] : memref<2560x128xi32, #tpu.memory_space<hbm>> -> memref<80x128xi32, #tpu.memory_space<hbm>>
      tpu.wait_dma2 semaphore(%run_scoped3A : memref<!tpu.dma_semaphore, #tpu.memory_space<semaphore_mem>>) src(%dma_wait3A_73 : memref<80x128xi32, #tpu.memory_space<hbm>>) dst(%arg6 : memref<80x128xi32, #tpu.memory_space<vmem>>)
      tpu.yield
    }) : () -> ()
    "tpu.region"() ({
      %run_scoped3A = tpu.sem_alloc : memref<!tpu.dma_semaphore, #tpu.memory_space<semaphore_mem>>
      %dma_start3A_67 = arith.constant 0 : i32
      %dma_start3A_68 = tpu.memref_slice %arg3[%mul3A_28, %dma_start3A_67] : memref<2560x128xi32, #tpu.memory_space<hbm>> -> memref<80x128xi32, #tpu.memory_space<hbm>>
      %dma_start3A_69 = arith.constant 0 : i32
      %dma_start3A_70 = tpu.memref_slice %arg3[%mul3A_28, %dma_start3A_69] : memref<2560x128xi32, #tpu.memory_space<hbm>> -> memref<80x128xi32, #tpu.memory_space<hbm>>
      tpu.enqueue_dma source(%dma_start3A_70 : memref<80x128xi32, #tpu.memory_space<hbm>>) target(%arg7 : memref<80x128xi32, #tpu.memory_space<vmem>>) target_semaphore(%run_scoped3A : memref<!tpu.dma_semaphore, #tpu.memory_space<semaphore_mem>>)
      %dma_wait3A = arith.constant 0 : i32
      %dma_wait3A_71 = tpu.memref_slice %arg3[%mul3A_28, %dma_wait3A] : memref<2560x128xi32, #tpu.memory_space<hbm>> -> memref<80x128xi32, #tpu.memory_space<hbm>>
      %dma_wait3A_72 = arith.constant 0 : i32
      %dma_wait3A_73 = tpu.memref_slice %arg3[%mul3A_28, %dma_wait3A_72] : memref<2560x128xi32, #tpu.memory_space<hbm>> -> memref<80x128xi32, #tpu.memory_space<hbm>>
      tpu.wait_dma2 semaphore(%run_scoped3A : memref<!tpu.dma_semaphore, #tpu.memory_space<semaphore_mem>>) src(%dma_wait3A_73 : memref<80x128xi32, #tpu.memory_space<hbm>>) dst(%arg7 : memref<80x128xi32, #tpu.memory_space<vmem>>)
      tpu.yield
    }) : () -> ()
    %barrier3A = arith.constant 0 : index
    tpu.barrier barrier_id(%barrier3A)
    %dma_start3A = arith.constant 0 : i32
    %dma_start3A_29 = arith.constant 0 : i32
    %dma_start3A_30 = tpu.memref_slice %arg6[%dma_start3A, %dma_start3A_29] : memref<80x128xi32, #tpu.memory_space<vmem>> -> memref<1x128xi32, #tpu.memory_space<vmem>>
    %dma_start3A_31 = tpu.memref_squeeze %dma_start3A_30 : memref<1x128xi32, #tpu.memory_space<vmem>> -> memref<128xi32, #tpu.memory_space<vmem>>
    %dma_start3A_32 = arith.constant 0 : i32
    %dma_start3A_33 = arith.constant 0 : i32
    %dma_start3A_34 = tpu.memref_slice %arg4[%dma_start3A_32, %dma_start3A_33] : memref<20000x64xf32, #tpu.memory_space<hbm>> -> memref<20000x64xf32, #tpu.memory_space<hbm>>
    tpu.enqueue_indirect_dma source(%dma_start3A_34 : memref<20000x64xf32, #tpu.memory_space<hbm>>) target(%arg8 : memref<128x64xf32, #tpu.memory_space<vmem>>) offsets(%dma_start3A_31 : memref<128xi32, #tpu.memory_space<vmem>>) semaphore(%arg13 : memref<!tpu.dma_semaphore, #tpu.memory_space<semaphore_mem>>)
    %dma_start3A_35 = arith.constant 1 : i32
    %dma_start3A_36 = arith.constant 0 : i32
    %dma_start3A_37 = tpu.memref_slice %arg6[%dma_start3A_35, %dma_start3A_36] : memref<80x128xi32, #tpu.memory_space<vmem>> -> memref<1x128xi32, #tpu.memory_space<vmem>>
    %dma_start3A_38 = tpu.memref_squeeze %dma_start3A_37 : memref<1x128xi32, #tpu.memory_space<vmem>> -> memref<128xi32, #tpu.memory_space<vmem>>
    %dma_start3A_39 = arith.constant 0 : i32
    %dma_start3A_40 = arith.constant 0 : i32
    %dma_start3A_41 = tpu.memref_slice %arg4[%dma_start3A_39, %dma_start3A_40] : memref<20000x64xf32, #tpu.memory_space<hbm>> -> memref<20000x64xf32, #tpu.memory_space<hbm>>
    tpu.enqueue_indirect_dma source(%dma_start3A_41 : memref<20000x64xf32, #tpu.memory_space<hbm>>) target(%arg9 : memref<128x64xf32, #tpu.memory_space<vmem>>) offsets(%dma_start3A_38 : memref<128xi32, #tpu.memory_space<vmem>>) semaphore(%arg14 : memref<!tpu.dma_semaphore, #tpu.memory_space<semaphore_mem>>)
    %dma_start3A_42 = arith.constant 2 : i32
    %dma_start3A_43 = arith.constant 0 : i32
    %dma_start3A_44 = tpu.memref_slice %arg6[%dma_start3A_42, %dma_start3A_43] : memref<80x128xi32, #tpu.memory_space<vmem>> -> memref<1x128xi32, #tpu.memory_space<vmem>>
    %dma_start3A_45 = tpu.memref_squeeze %dma_start3A_44 : memref<1x128xi32, #tpu.memory_space<vmem>> -> memref<128xi32, #tpu.memory_space<vmem>>
    %dma_start3A_46 = arith.constant 0 : i32
    %dma_start3A_47 = arith.constant 0 : i32
    %dma_start3A_48 = tpu.memref_slice %arg4[%dma_start3A_46, %dma_start3A_47] : memref<20000x64xf32, #tpu.memory_space<hbm>> -> memref<20000x64xf32, #tpu.memory_space<hbm>>
    tpu.enqueue_indirect_dma source(%dma_start3A_48 : memref<20000x64xf32, #tpu.memory_space<hbm>>) target(%arg10 : memref<128x64xf32, #tpu.memory_space<vmem>>) offsets(%dma_start3A_45 : memref<128xi32, #tpu.memory_space<vmem>>) semaphore(%arg15 : memref<!tpu.dma_semaphore, #tpu.memory_space<semaphore_mem>>)
    %dma_start3A_49 = arith.constant 3 : i32
    %dma_start3A_50 = arith.constant 0 : i32
    %dma_start3A_51 = tpu.memref_slice %arg6[%dma_start3A_49, %dma_start3A_50] : memref<80x128xi32, #tpu.memory_space<vmem>> -> memref<1x128xi32, #tpu.memory_space<vmem>>
    %dma_start3A_52 = tpu.memref_squeeze %dma_start3A_51 : memref<1x128xi32, #tpu.memory_space<vmem>> -> memref<128xi32, #tpu.memory_space<vmem>>
    %dma_start3A_53 = arith.constant 0 : i32
    %dma_start3A_54 = arith.constant 0 : i32
    %dma_start3A_55 = tpu.memref_slice %arg4[%dma_start3A_53, %dma_start3A_54] : memref<20000x64xf32, #tpu.memory_space<hbm>> -> memref<20000x64xf32, #tpu.memory_space<hbm>>
    tpu.enqueue_indirect_dma source(%dma_start3A_55 : memref<20000x64xf32, #tpu.memory_space<hbm>>) target(%arg11 : memref<128x64xf32, #tpu.memory_space<vmem>>) offsets(%dma_start3A_52 : memref<128xi32, #tpu.memory_space<vmem>>) semaphore(%arg16 : memref<!tpu.dma_semaphore, #tpu.memory_space<semaphore_mem>>)
    %scan3A_56 = arith.constant 0 : i32
    %scan3A_57 = arith.constant 0 : i32
    %scan3A_58 = arith.constant 20 : i32
    %scan3A_59 = arith.addi %scan3A_57, %scan3A_58 : i32
    %scan3A_60 = arith.constant 1 : i32
    scf.for %scan3A_67 = %scan3A_57 to %scan3A_59 step %scan3A_60  : i32 {
      %mul3A_68 = arith.constant 4 : i32
      %mul3A_69 = arith.muli %scan3A_67, %mul3A_68 : i32
      %add3A_70 = arith.constant 0 : i32
      %add3A_71 = arith.addi %mul3A_69, %add3A_70 : i32
      %dma_wait3A = arith.constant 0 : i32
      %dma_wait3A_72 = tpu.memref_slice %arg6[%add3A_71, %dma_wait3A] : memref<80x128xi32, #tpu.memory_space<vmem>> -> memref<1x128xi32, #tpu.memory_space<vmem>>
      %dma_wait3A_73 = tpu.memref_squeeze %dma_wait3A_72 : memref<1x128xi32, #tpu.memory_space<vmem>> -> memref<128xi32, #tpu.memory_space<vmem>>
      %dma_wait3A_74 = arith.constant 0 : i32
      %dma_wait3A_75 = arith.constant 0 : i32
      %dma_wait3A_76 = tpu.memref_slice %arg4[%dma_wait3A_74, %dma_wait3A_75] : memref<20000x64xf32, #tpu.memory_space<hbm>> -> memref<20000x64xf32, #tpu.memory_space<hbm>>
      tpu.wait_indirect_dma semaphore(%arg13 : memref<!tpu.dma_semaphore, #tpu.memory_space<semaphore_mem>>) src(%dma_wait3A_76 : memref<20000x64xf32, #tpu.memory_space<hbm>>) dst(%arg8 : memref<128x64xf32, #tpu.memory_space<vmem>>)
      %add3A_77 = arith.constant 0 : i32
      %add3A_78 = arith.addi %mul3A_69, %add3A_77 : i32
      "tpu.region"() ({
        %run_scoped3A = tpu.sem_alloc : memref<!tpu.dma_semaphore, #tpu.memory_space<semaphore_mem>>
        %dma_start3A_142 = arith.constant 0 : i32
        %dma_start3A_143 = tpu.memref_slice %arg7[%add3A_78, %dma_start3A_142] : memref<80x128xi32, #tpu.memory_space<vmem>> -> memref<1x128xi32, #tpu.memory_space<vmem>>
        %dma_start3A_144 = tpu.memref_squeeze %dma_start3A_143 : memref<1x128xi32, #tpu.memory_space<vmem>> -> memref<128xi32, #tpu.memory_space<vmem>>
        %dma_start3A_145 = arith.constant 0 : i32
        %dma_start3A_146 = arith.constant 0 : i32
        %dma_start3A_147 = tpu.memref_slice %arg12[%dma_start3A_145, %dma_start3A_146] : memref<10240x64xf32, #tpu.memory_space<vmem_shared>> -> memref<10240x64xf32, #tpu.memory_space<vmem_shared>>
        tpu.enqueue_indirect_dma source(%arg8 : memref<128x64xf32, #tpu.memory_space<vmem>>) target(%dma_start3A_147 : memref<10240x64xf32, #tpu.memory_space<vmem_shared>>) offsets(%dma_start3A_144 : memref<128xi32, #tpu.memory_space<vmem>>) semaphore(%run_scoped3A : memref<!tpu.dma_semaphore, #tpu.memory_space<semaphore_mem>>) {add = true}
        %dma_wait3A_148 = arith.constant 0 : i32
        %dma_wait3A_149 = tpu.memref_slice %arg7[%add3A_78, %dma_wait3A_148] : memref<80x128xi32, #tpu.memory_space<vmem>> -> memref<1x128xi32, #tpu.memory_space<vmem>>
        %dma_wait3A_150 = tpu.memref_squeeze %dma_wait3A_149 : memref<1x128xi32, #tpu.memory_space<vmem>> -> memref<128xi32, #tpu.memory_space<vmem>>
        %dma_wait3A_151 = arith.constant 0 : i32
        %dma_wait3A_152 = arith.constant 0 : i32
        %dma_wait3A_153 = tpu.memref_slice %arg12[%dma_wait3A_151, %dma_wait3A_152] : memref<10240x64xf32, #tpu.memory_space<vmem_shared>> -> memref<10240x64xf32, #tpu.memory_space<vmem_shared>>
        tpu.wait_indirect_dma semaphore(%run_scoped3A : memref<!tpu.dma_semaphore, #tpu.memory_space<semaphore_mem>>) src(%arg8 : memref<128x64xf32, #tpu.memory_space<vmem>>) dst(%dma_wait3A_153 : memref<10240x64xf32, #tpu.memory_space<vmem_shared>>)
        tpu.yield
      }) : () -> ()
      %add3A_79 = arith.constant 0 : i32
      %add3A_80 = arith.addi %mul3A_69, %add3A_79 : i32
      %add3A_81 = arith.constant 4 : i32
      %add3A_82 = arith.addi %add3A_80, %add3A_81 : i32
      %lt3A = arith.constant 80 : i32
      %lt3A_83 = arith.cmpi slt, %add3A_82, %lt3A : i32
      %convert_element_type3A = arith.extui %lt3A_83 : i1 to i32
      %cond3A = arith.constant 0 : i32
      %cond3A_84 = arith.cmpi ne, %convert_element_type3A, %cond3A : i32
      scf.if %cond3A_84 {
        %add3A_142 = arith.constant 0 : i32
        %add3A_143 = arith.addi %mul3A_69, %add3A_142 : i32
        %add3A_144 = arith.constant 4 : i32
        %add3A_145 = arith.addi %add3A_143, %add3A_144 : i32
        %dma_start3A_146 = arith.constant 0 : i32
        %dma_start3A_147 = tpu.memref_slice %arg6[%add3A_145, %dma_start3A_146] : memref<80x128xi32, #tpu.memory_space<vmem>> -> memref<1x128xi32, #tpu.memory_space<vmem>>
        %dma_start3A_148 = tpu.memref_squeeze %dma_start3A_147 : memref<1x128xi32, #tpu.memory_space<vmem>> -> memref<128xi32, #tpu.memory_space<vmem>>
        %dma_start3A_149 = arith.constant 0 : i32
        %dma_start3A_150 = arith.constant 0 : i32
        %dma_start3A_151 = tpu.memref_slice %arg4[%dma_start3A_149, %dma_start3A_150] : memref<20000x64xf32, #tpu.memory_space<hbm>> -> memref<20000x64xf32, #tpu.memory_space<hbm>>
        tpu.enqueue_indirect_dma source(%dma_start3A_151 : memref<20000x64xf32, #tpu.memory_space<hbm>>) target(%arg8 : memref<128x64xf32, #tpu.memory_space<vmem>>) offsets(%dma_start3A_148 : memref<128xi32, #tpu.memory_space<vmem>>) semaphore(%arg13 : memref<!tpu.dma_semaphore, #tpu.memory_space<semaphore_mem>>)
      } else {
      }
      %add3A_85 = arith.constant 1 : i32
      %add3A_86 = arith.addi %mul3A_69, %add3A_85 : i32
      %dma_wait3A_87 = arith.constant 0 : i32
      %dma_wait3A_88 = tpu.memref_slice %arg6[%add3A_86, %dma_wait3A_87] : memref<80x128xi32, #tpu.memory_space<vmem>> -> memref<1x128xi32, #tpu.memory_space<vmem>>
      %dma_wait3A_89 = tpu.memref_squeeze %dma_wait3A_88 : memref<1x128xi32, #tpu.memory_space<vmem>> -> memref<128xi32, #tpu.memory_space<vmem>>
      %dma_wait3A_90 = arith.constant 0 : i32
      %dma_wait3A_91 = arith.constant 0 : i32
      %dma_wait3A_92 = tpu.memref_slice %arg4[%dma_wait3A_90, %dma_wait3A_91] : memref<20000x64xf32, #tpu.memory_space<hbm>> -> memref<20000x64xf32, #tpu.memory_space<hbm>>
      tpu.wait_indirect_dma semaphore(%arg14 : memref<!tpu.dma_semaphore, #tpu.memory_space<semaphore_mem>>) src(%dma_wait3A_92 : memref<20000x64xf32, #tpu.memory_space<hbm>>) dst(%arg9 : memref<128x64xf32, #tpu.memory_space<vmem>>)
      %add3A_93 = arith.constant 1 : i32
      %add3A_94 = arith.addi %mul3A_69, %add3A_93 : i32
      "tpu.region"() ({
        %run_scoped3A = tpu.sem_alloc : memref<!tpu.dma_semaphore, #tpu.memory_space<semaphore_mem>>
        %dma_start3A_142 = arith.constant 0 : i32
        %dma_start3A_143 = tpu.memref_slice %arg7[%add3A_94, %dma_start3A_142] : memref<80x128xi32, #tpu.memory_space<vmem>> -> memref<1x128xi32, #tpu.memory_space<vmem>>
        %dma_start3A_144 = tpu.memref_squeeze %dma_start3A_143 : memref<1x128xi32, #tpu.memory_space<vmem>> -> memref<128xi32, #tpu.memory_space<vmem>>
        %dma_start3A_145 = arith.constant 0 : i32
        %dma_start3A_146 = arith.constant 0 : i32
        %dma_start3A_147 = tpu.memref_slice %arg12[%dma_start3A_145, %dma_start3A_146] : memref<10240x64xf32, #tpu.memory_space<vmem_shared>> -> memref<10240x64xf32, #tpu.memory_space<vmem_shared>>
        tpu.enqueue_indirect_dma source(%arg9 : memref<128x64xf32, #tpu.memory_space<vmem>>) target(%dma_start3A_147 : memref<10240x64xf32, #tpu.memory_space<vmem_shared>>) offsets(%dma_start3A_144 : memref<128xi32, #tpu.memory_space<vmem>>) semaphore(%run_scoped3A : memref<!tpu.dma_semaphore, #tpu.memory_space<semaphore_mem>>) {add = true}
        %dma_wait3A_148 = arith.constant 0 : i32
        %dma_wait3A_149 = tpu.memref_slice %arg7[%add3A_94, %dma_wait3A_148] : memref<80x128xi32, #tpu.memory_space<vmem>> -> memref<1x128xi32, #tpu.memory_space<vmem>>
        %dma_wait3A_150 = tpu.memref_squeeze %dma_wait3A_149 : memref<1x128xi32, #tpu.memory_space<vmem>> -> memref<128xi32, #tpu.memory_space<vmem>>
        %dma_wait3A_151 = arith.constant 0 : i32
        %dma_wait3A_152 = arith.constant 0 : i32
        %dma_wait3A_153 = tpu.memref_slice %arg12[%dma_wait3A_151, %dma_wait3A_152] : memref<10240x64xf32, #tpu.memory_space<vmem_shared>> -> memref<10240x64xf32, #tpu.memory_space<vmem_shared>>
        tpu.wait_indirect_dma semaphore(%run_scoped3A : memref<!tpu.dma_semaphore, #tpu.memory_space<semaphore_mem>>) src(%arg9 : memref<128x64xf32, #tpu.memory_space<vmem>>) dst(%dma_wait3A_153 : memref<10240x64xf32, #tpu.memory_space<vmem_shared>>)
        tpu.yield
      }) : () -> ()
      %add3A_95 = arith.constant 1 : i32
      %add3A_96 = arith.addi %mul3A_69, %add3A_95 : i32
      %add3A_97 = arith.constant 4 : i32
      %add3A_98 = arith.addi %add3A_96, %add3A_97 : i32
      %lt3A_99 = arith.constant 80 : i32
      %lt3A_100 = arith.cmpi slt, %add3A_98, %lt3A_99 : i32
      %convert_element_type3A_101 = arith.extui %lt3A_100 : i1 to i32
      %cond3A_102 = arith.constant 0 : i32
      %cond3A_103 = arith.cmpi ne, %convert_element_type3A_101, %cond3A_102 : i32
      scf.if %cond3A_103 {
        %add3A_142 = arith.constant 1 : i32
        %add3A_143 = arith.addi %mul3A_69, %add3A_142 : i32
        %add3A_144 = arith.constant 4 : i32
        %add3A_145 = arith.addi %add3A_143, %add3A_144 : i32
        %dma_start3A_146 = arith.constant 0 : i32
        %dma_start3A_147 = tpu.memref_slice %arg6[%add3A_145, %dma_start3A_146] : memref<80x128xi32, #tpu.memory_space<vmem>> -> memref<1x128xi32, #tpu.memory_space<vmem>>
        %dma_start3A_148 = tpu.memref_squeeze %dma_start3A_147 : memref<1x128xi32, #tpu.memory_space<vmem>> -> memref<128xi32, #tpu.memory_space<vmem>>
        %dma_start3A_149 = arith.constant 0 : i32
        %dma_start3A_150 = arith.constant 0 : i32
        %dma_start3A_151 = tpu.memref_slice %arg4[%dma_start3A_149, %dma_start3A_150] : memref<20000x64xf32, #tpu.memory_space<hbm>> -> memref<20000x64xf32, #tpu.memory_space<hbm>>
        tpu.enqueue_indirect_dma source(%dma_start3A_151 : memref<20000x64xf32, #tpu.memory_space<hbm>>) target(%arg9 : memref<128x64xf32, #tpu.memory_space<vmem>>) offsets(%dma_start3A_148 : memref<128xi32, #tpu.memory_space<vmem>>) semaphore(%arg14 : memref<!tpu.dma_semaphore, #tpu.memory_space<semaphore_mem>>)
      } else {
      }
      %add3A_104 = arith.constant 2 : i32
      %add3A_105 = arith.addi %mul3A_69, %add3A_104 : i32
      %dma_wait3A_106 = arith.constant 0 : i32
      %dma_wait3A_107 = tpu.memref_slice %arg6[%add3A_105, %dma_wait3A_106] : memref<80x128xi32, #tpu.memory_space<vmem>> -> memref<1x128xi32, #tpu.memory_space<vmem>>
      %dma_wait3A_108 = tpu.memref_squeeze %dma_wait3A_107 : memref<1x128xi32, #tpu.memory_space<vmem>> -> memref<128xi32, #tpu.memory_space<vmem>>
      %dma_wait3A_109 = arith.constant 0 : i32
      %dma_wait3A_110 = arith.constant 0 : i32
      %dma_wait3A_111 = tpu.memref_slice %arg4[%dma_wait3A_109, %dma_wait3A_110] : memref<20000x64xf32, #tpu.memory_space<hbm>> -> memref<20000x64xf32, #tpu.memory_space<hbm>>
      tpu.wait_indirect_dma semaphore(%arg15 : memref<!tpu.dma_semaphore, #tpu.memory_space<semaphore_mem>>) src(%dma_wait3A_111 : memref<20000x64xf32, #tpu.memory_space<hbm>>) dst(%arg10 : memref<128x64xf32, #tpu.memory_space<vmem>>)
      %add3A_112 = arith.constant 2 : i32
      %add3A_113 = arith.addi %mul3A_69, %add3A_112 : i32
      "tpu.region"() ({
        %run_scoped3A = tpu.sem_alloc : memref<!tpu.dma_semaphore, #tpu.memory_space<semaphore_mem>>
        %dma_start3A_142 = arith.constant 0 : i32
        %dma_start3A_143 = tpu.memref_slice %arg7[%add3A_113, %dma_start3A_142] : memref<80x128xi32, #tpu.memory_space<vmem>> -> memref<1x128xi32, #tpu.memory_space<vmem>>
        %dma_start3A_144 = tpu.memref_squeeze %dma_start3A_143 : memref<1x128xi32, #tpu.memory_space<vmem>> -> memref<128xi32, #tpu.memory_space<vmem>>
        %dma_start3A_145 = arith.constant 0 : i32
        %dma_start3A_146 = arith.constant 0 : i32
        %dma_start3A_147 = tpu.memref_slice %arg12[%dma_start3A_145, %dma_start3A_146] : memref<10240x64xf32, #tpu.memory_space<vmem_shared>> -> memref<10240x64xf32, #tpu.memory_space<vmem_shared>>
        tpu.enqueue_indirect_dma source(%arg10 : memref<128x64xf32, #tpu.memory_space<vmem>>) target(%dma_start3A_147 : memref<10240x64xf32, #tpu.memory_space<vmem_shared>>) offsets(%dma_start3A_144 : memref<128xi32, #tpu.memory_space<vmem>>) semaphore(%run_scoped3A : memref<!tpu.dma_semaphore, #tpu.memory_space<semaphore_mem>>) {add = true}
        %dma_wait3A_148 = arith.constant 0 : i32
        %dma_wait3A_149 = tpu.memref_slice %arg7[%add3A_113, %dma_wait3A_148] : memref<80x128xi32, #tpu.memory_space<vmem>> -> memref<1x128xi32, #tpu.memory_space<vmem>>
        %dma_wait3A_150 = tpu.memref_squeeze %dma_wait3A_149 : memref<1x128xi32, #tpu.memory_space<vmem>> -> memref<128xi32, #tpu.memory_space<vmem>>
        %dma_wait3A_151 = arith.constant 0 : i32
        %dma_wait3A_152 = arith.constant 0 : i32
        %dma_wait3A_153 = tpu.memref_slice %arg12[%dma_wait3A_151, %dma_wait3A_152] : memref<10240x64xf32, #tpu.memory_space<vmem_shared>> -> memref<10240x64xf32, #tpu.memory_space<vmem_shared>>
        tpu.wait_indirect_dma semaphore(%run_scoped3A : memref<!tpu.dma_semaphore, #tpu.memory_space<semaphore_mem>>) src(%arg10 : memref<128x64xf32, #tpu.memory_space<vmem>>) dst(%dma_wait3A_153 : memref<10240x64xf32, #tpu.memory_space<vmem_shared>>)
        tpu.yield
      }) : () -> ()
      %add3A_114 = arith.constant 2 : i32
      %add3A_115 = arith.addi %mul3A_69, %add3A_114 : i32
      %add3A_116 = arith.constant 4 : i32
      %add3A_117 = arith.addi %add3A_115, %add3A_116 : i32
      %lt3A_118 = arith.constant 80 : i32
      %lt3A_119 = arith.cmpi slt, %add3A_117, %lt3A_118 : i32
      %convert_element_type3A_120 = arith.extui %lt3A_119 : i1 to i32
      %cond3A_121 = arith.constant 0 : i32
      %cond3A_122 = arith.cmpi ne, %convert_element_type3A_120, %cond3A_121 : i32
      scf.if %cond3A_122 {
        %add3A_142 = arith.constant 2 : i32
        %add3A_143 = arith.addi %mul3A_69, %add3A_142 : i32
        %add3A_144 = arith.constant 4 : i32
        %add3A_145 = arith.addi %add3A_143, %add3A_144 : i32
        %dma_start3A_146 = arith.constant 0 : i32
        %dma_start3A_147 = tpu.memref_slice %arg6[%add3A_145, %dma_start3A_146] : memref<80x128xi32, #tpu.memory_space<vmem>> -> memref<1x128xi32, #tpu.memory_space<vmem>>
        %dma_start3A_148 = tpu.memref_squeeze %dma_start3A_147 : memref<1x128xi32, #tpu.memory_space<vmem>> -> memref<128xi32, #tpu.memory_space<vmem>>
        %dma_start3A_149 = arith.constant 0 : i32
        %dma_start3A_150 = arith.constant 0 : i32
        %dma_start3A_151 = tpu.memref_slice %arg4[%dma_start3A_149, %dma_start3A_150] : memref<20000x64xf32, #tpu.memory_space<hbm>> -> memref<20000x64xf32, #tpu.memory_space<hbm>>
        tpu.enqueue_indirect_dma source(%dma_start3A_151 : memref<20000x64xf32, #tpu.memory_space<hbm>>) target(%arg10 : memref<128x64xf32, #tpu.memory_space<vmem>>) offsets(%dma_start3A_148 : memref<128xi32, #tpu.memory_space<vmem>>) semaphore(%arg15 : memref<!tpu.dma_semaphore, #tpu.memory_space<semaphore_mem>>)
      } else {
      }
      %add3A_123 = arith.constant 3 : i32
      %add3A_124 = arith.addi %mul3A_69, %add3A_123 : i32
      %dma_wait3A_125 = arith.constant 0 : i32
      %dma_wait3A_126 = tpu.memref_slice %arg6[%add3A_124, %dma_wait3A_125] : memref<80x128xi32, #tpu.memory_space<vmem>> -> memref<1x128xi32, #tpu.memory_space<vmem>>
      %dma_wait3A_127 = tpu.memref_squeeze %dma_wait3A_126 : memref<1x128xi32, #tpu.memory_space<vmem>> -> memref<128xi32, #tpu.memory_space<vmem>>
      %dma_wait3A_128 = arith.constant 0 : i32
      %dma_wait3A_129 = arith.constant 0 : i32
      %dma_wait3A_130 = tpu.memref_slice %arg4[%dma_wait3A_128, %dma_wait3A_129] : memref<20000x64xf32, #tpu.memory_space<hbm>> -> memref<20000x64xf32, #tpu.memory_space<hbm>>
      tpu.wait_indirect_dma semaphore(%arg16 : memref<!tpu.dma_semaphore, #tpu.memory_space<semaphore_mem>>) src(%dma_wait3A_130 : memref<20000x64xf32, #tpu.memory_space<hbm>>) dst(%arg11 : memref<128x64xf32, #tpu.memory_space<vmem>>)
      %add3A_131 = arith.constant 3 : i32
      %add3A_132 = arith.addi %mul3A_69, %add3A_131 : i32
      "tpu.region"() ({
        %run_scoped3A = tpu.sem_alloc : memref<!tpu.dma_semaphore, #tpu.memory_space<semaphore_mem>>
        %dma_start3A_142 = arith.constant 0 : i32
        %dma_start3A_143 = tpu.memref_slice %arg7[%add3A_132, %dma_start3A_142] : memref<80x128xi32, #tpu.memory_space<vmem>> -> memref<1x128xi32, #tpu.memory_space<vmem>>
        %dma_start3A_144 = tpu.memref_squeeze %dma_start3A_143 : memref<1x128xi32, #tpu.memory_space<vmem>> -> memref<128xi32, #tpu.memory_space<vmem>>
        %dma_start3A_145 = arith.constant 0 : i32
        %dma_start3A_146 = arith.constant 0 : i32
        %dma_start3A_147 = tpu.memref_slice %arg12[%dma_start3A_145, %dma_start3A_146] : memref<10240x64xf32, #tpu.memory_space<vmem_shared>> -> memref<10240x64xf32, #tpu.memory_space<vmem_shared>>
        tpu.enqueue_indirect_dma source(%arg11 : memref<128x64xf32, #tpu.memory_space<vmem>>) target(%dma_start3A_147 : memref<10240x64xf32, #tpu.memory_space<vmem_shared>>) offsets(%dma_start3A_144 : memref<128xi32, #tpu.memory_space<vmem>>) semaphore(%run_scoped3A : memref<!tpu.dma_semaphore, #tpu.memory_space<semaphore_mem>>) {add = true}
        %dma_wait3A_148 = arith.constant 0 : i32
        %dma_wait3A_149 = tpu.memref_slice %arg7[%add3A_132, %dma_wait3A_148] : memref<80x128xi32, #tpu.memory_space<vmem>> -> memref<1x128xi32, #tpu.memory_space<vmem>>
        %dma_wait3A_150 = tpu.memref_squeeze %dma_wait3A_149 : memref<1x128xi32, #tpu.memory_space<vmem>> -> memref<128xi32, #tpu.memory_space<vmem>>
        %dma_wait3A_151 = arith.constant 0 : i32
        %dma_wait3A_152 = arith.constant 0 : i32
        %dma_wait3A_153 = tpu.memref_slice %arg12[%dma_wait3A_151, %dma_wait3A_152] : memref<10240x64xf32, #tpu.memory_space<vmem_shared>> -> memref<10240x64xf32, #tpu.memory_space<vmem_shared>>
        tpu.wait_indirect_dma semaphore(%run_scoped3A : memref<!tpu.dma_semaphore, #tpu.memory_space<semaphore_mem>>) src(%arg11 : memref<128x64xf32, #tpu.memory_space<vmem>>) dst(%dma_wait3A_153 : memref<10240x64xf32, #tpu.memory_space<vmem_shared>>)
        tpu.yield
      }) : () -> ()
      %add3A_133 = arith.constant 3 : i32
      %add3A_134 = arith.addi %mul3A_69, %add3A_133 : i32
      %add3A_135 = arith.constant 4 : i32
      %add3A_136 = arith.addi %add3A_134, %add3A_135 : i32
      %lt3A_137 = arith.constant 80 : i32
      %lt3A_138 = arith.cmpi slt, %add3A_136, %lt3A_137 : i32
      %convert_element_type3A_139 = arith.extui %lt3A_138 : i1 to i32
      %cond3A_140 = arith.constant 0 : i32
      %cond3A_141 = arith.cmpi ne, %convert_element_type3A_139, %cond3A_140 : i32
      scf.if %cond3A_141 {
        %add3A_142 = arith.constant 3 : i32
        %add3A_143 = arith.addi %mul3A_69, %add3A_142 : i32
        %add3A_144 = arith.constant 4 : i32
        %add3A_145 = arith.addi %add3A_143, %add3A_144 : i32
        %dma_start3A_146 = arith.constant 0 : i32
        %dma_start3A_147 = tpu.memref_slice %arg6[%add3A_145, %dma_start3A_146] : memref<80x128xi32, #tpu.memory_space<vmem>> -> memref<1x128xi32, #tpu.memory_space<vmem>>
        %dma_start3A_148 = tpu.memref_squeeze %dma_start3A_147 : memref<1x128xi32, #tpu.memory_space<vmem>> -> memref<128xi32, #tpu.memory_space<vmem>>
        %dma_start3A_149 = arith.constant 0 : i32
        %dma_start3A_150 = arith.constant 0 : i32
        %dma_start3A_151 = tpu.memref_slice %arg4[%dma_start3A_149, %dma_start3A_150] : memref<20000x64xf32, #tpu.memory_space<hbm>> -> memref<20000x64xf32, #tpu.memory_space<hbm>>
        tpu.enqueue_indirect_dma source(%dma_start3A_151 : memref<20000x64xf32, #tpu.memory_space<hbm>>) target(%arg11 : memref<128x64xf32, #tpu.memory_space<vmem>>) offsets(%dma_start3A_148 : memref<128xi32, #tpu.memory_space<vmem>>) semaphore(%arg16 : memref<!tpu.dma_semaphore, #tpu.memory_space<semaphore_mem>>)
      } else {
      }
    }
    %scan3A_61 = arith.constant 20 : i32
    %barrier3A_62 = arith.constant 0 : index
    tpu.barrier barrier_id(%barrier3A_62)
    %mul3A_63 = arith.constant 640 : i32
    %mul3A_64 = arith.muli %arg1, %mul3A_63 : i32
    %mul3A_65 = arith.constant 640 : i32
    %mul3A_66 = arith.muli %arg1, %mul3A_65 : i32
    "tpu.region"() ({
      %run_scoped3A = tpu.sem_alloc : memref<!tpu.dma_semaphore, #tpu.memory_space<semaphore_mem>>
      %dma_start3A_67 = arith.constant 0 : i32
      %dma_start3A_68 = tpu.memref_slice %arg5[%arg0, %mul3A_66, %dma_start3A_67] : memref<2x10240x128xf32, #tpu.memory_space<hbm>> -> memref<1x640x64xf32, #tpu.memory_space<hbm>>
      %dma_start3A_69 = tpu.memref_squeeze %dma_start3A_68 : memref<1x640x64xf32, #tpu.memory_space<hbm>> -> memref<640x64xf32, #tpu.memory_space<hbm>>
      %dma_start3A_70 = arith.constant 0 : i32
      %dma_start3A_71 = tpu.memref_slice %arg12[%mul3A_64, %dma_start3A_70] : memref<10240x64xf32, #tpu.memory_space<vmem_shared>> -> memref<640x64xf32, #tpu.memory_space<vmem_shared>>
      tpu.enqueue_dma source(%dma_start3A_71 : memref<640x64xf32, #tpu.memory_space<vmem_shared>>) target(%dma_start3A_69 : memref<640x64xf32, #tpu.memory_space<hbm>>) target_semaphore(%run_scoped3A : memref<!tpu.dma_semaphore, #tpu.memory_space<semaphore_mem>>)
      %dma_wait3A = arith.constant 0 : i32
      %dma_wait3A_72 = tpu.memref_slice %arg5[%arg0, %mul3A_66, %dma_wait3A] : memref<2x10240x128xf32, #tpu.memory_space<hbm>> -> memref<1x640x64xf32, #tpu.memory_space<hbm>>
      %dma_wait3A_73 = tpu.memref_squeeze %dma_wait3A_72 : memref<1x640x64xf32, #tpu.memory_space<hbm>> -> memref<640x64xf32, #tpu.memory_space<hbm>>
      %dma_wait3A_74 = arith.constant 0 : i32
      %dma_wait3A_75 = tpu.memref_slice %arg12[%mul3A_64, %dma_wait3A_74] : memref<10240x64xf32, #tpu.memory_space<vmem_shared>> -> memref<640x64xf32, #tpu.memory_space<vmem_shared>>
      tpu.wait_dma2 semaphore(%run_scoped3A : memref<!tpu.dma_semaphore, #tpu.memory_space<semaphore_mem>>) src(%dma_wait3A_75 : memref<640x64xf32, #tpu.memory_space<vmem_shared>>) dst(%dma_wait3A_73 : memref<640x64xf32, #tpu.memory_space<hbm>>)
      tpu.yield
    }) : () -> ()
    return
  }
}

module attributes {stable_mosaic.version = 14 : i64} {
  func.func @_tc1_body(%arg0: memref<10000x128xf32, #tpu.memory_space<vmem>>, %arg1: memref<128x64xf32, #tpu.memory_space<vmem>>, %arg2: memref<1x64xf32, #tpu.memory_space<vmem>>, %arg3: memref<128x64xf32, #tpu.memory_space<vmem>>, %arg4: memref<10240x2xf32, #tpu.memory_space<vmem>>, %arg5: memref<10000x64xf32, #tpu.memory_space<vmem>>, %arg6: memref<10000x128xf32, #tpu.memory_space<vmem>>, %arg7: memref<10000x1xf32, #tpu.memory_space<vmem>>) attributes {dimension_semantics = [], scalar_prefetch = 0 : i64, scratch_operands = 0 : i64, tpu.core_type = #tpu.core_type<tc>} {
    %get3A = arith.constant 0 : index
    %get3A_0 = arith.constant 0 : index
    %get3A_1 = vector.load %arg0[%get3A, %get3A_0] : memref<10000x128xf32, #tpu.memory_space<vmem>>, vector<10000x128xf32>
    %get3A_2 = arith.constant 0 : index
    %get3A_3 = arith.constant 0 : index
    %get3A_4 = vector.load %arg4[%get3A_2, %get3A_3] : memref<10240x2xf32, #tpu.memory_space<vmem>>, vector<10000x1xf32>
    %get3A_5 = arith.constant 0 : index
    %get3A_6 = arith.constant 1 : index
    %get3A_7 = vector.load %arg4[%get3A_5, %get3A_6] : memref<10240x2xf32, #tpu.memory_space<vmem>>, vector<10000x1xf32>
    %add3A = arith.addf %get3A_4, %get3A_7 : vector<10000x1xf32>
    %add3A_8 = arith.constant 1.000000e+00 : f32
    %add3A_9 = vector.broadcast %add3A_8 : f32 to vector<10000x1xf32>
    %add3A_10 = arith.addf %add3A, %add3A_9 : vector<10000x1xf32>
    %rsqrt3A = math.rsqrt %add3A_10 : vector<10000x1xf32>
    %get3A_11 = arith.constant 0 : index
    %get3A_12 = arith.constant 0 : index
    %get3A_13 = vector.load %arg1[%get3A_11, %get3A_12] : memref<128x64xf32, #tpu.memory_space<vmem>>, vector<128x64xf32>
    %dot_general3A = arith.constant dense<0.000000e+00> : vector<10000x64xf32>
    %dot_general3A_14 = tpu.matmul %get3A_1, %get3A_13, %dot_general3A {dimension_numbers = #tpu.dot_dimension_numbers<[1], [0], [0], [1], [0, 0, 1, 1], [], []>, transpose_lhs_hint = false} : vector<10000x128xf32>, vector<128x64xf32>, vector<10000x64xf32> -> vector<10000x64xf32>
    %get3A_15 = arith.constant 0 : index
    %get3A_16 = arith.constant 0 : index
    %get3A_17 = vector.load %arg2[%get3A_15, %get3A_16] : memref<1x64xf32, #tpu.memory_space<vmem>>, vector<1x64xf32>
    %add3A_18 = vector.broadcast %get3A_17 : vector<1x64xf32> to vector<10000x64xf32>
    %add3A_19 = arith.addf %dot_general3A_14, %add3A_18 : vector<10000x64xf32>
    %swap3A = arith.constant 0 : index
    %swap3A_20 = arith.constant 0 : index
    %swap3A_21 = vector.load %arg5[%swap3A, %swap3A_20] : memref<10000x64xf32, #tpu.memory_space<vmem>>, vector<10000x64xf32>
    tpu.vector_store %arg5[%swap3A, %swap3A_20], %add3A_19 {strides = array<i32>} : memref<10000x64xf32, #tpu.memory_space<vmem>>, vector<10000x64xf32>,
    %get3A_22 = arith.constant 0 : index
    %get3A_23 = arith.constant 0 : index
    %get3A_24 = vector.load %arg3[%get3A_22, %get3A_23] : memref<128x64xf32, #tpu.memory_space<vmem>>, vector<128x64xf32>
    %dot_general3A_25 = arith.constant dense<0.000000e+00> : vector<10000x64xf32>
    %dot_general3A_26 = tpu.matmul %get3A_1, %get3A_24, %dot_general3A_25 {dimension_numbers = #tpu.dot_dimension_numbers<[1], [0], [0], [1], [0, 0, 1, 1], [], []>, transpose_lhs_hint = false} : vector<10000x128xf32>, vector<128x64xf32>, vector<10000x64xf32> -> vector<10000x64xf32>
    %mul3A = vector.broadcast %rsqrt3A : vector<10000x1xf32> to vector<10000x64xf32>
    %mul3A_27 = arith.mulf %dot_general3A_26, %mul3A : vector<10000x64xf32>
    %swap3A_28 = arith.constant 0 : index
    %swap3A_29 = arith.constant 0 : index
    %swap3A_30 = vector.load %arg6[%swap3A_28, %swap3A_29] : memref<10000x128xf32, #tpu.memory_space<vmem>>, vector<10000x64xf32>
    tpu.vector_store %arg6[%swap3A_28, %swap3A_29], %mul3A_27 {strides = array<i32>} : memref<10000x128xf32, #tpu.memory_space<vmem>>, vector<10000x64xf32>,
    %swap3A_31 = arith.constant 0 : index
    %swap3A_32 = arith.constant 64 : index
    %swap3A_33 = vector.load %arg6[%swap3A_31, %swap3A_32] : memref<10000x128xf32, #tpu.memory_space<vmem>>, vector<10000x64xf32>
    tpu.vector_store %arg6[%swap3A_31, %swap3A_32], %mul3A_27 {strides = array<i32>} : memref<10000x128xf32, #tpu.memory_space<vmem>>, vector<10000x64xf32>,
    %swap3A_34 = arith.constant 0 : index
    %swap3A_35 = arith.constant 0 : index
    %swap3A_36 = vector.load %arg7[%swap3A_34, %swap3A_35] : memref<10000x1xf32, #tpu.memory_space<vmem>>, vector<10000x1xf32>
    tpu.vector_store %arg7[%swap3A_34, %swap3A_35], %rsqrt3A {strides = array<i32>} : memref<10000x1xf32, #tpu.memory_space<vmem>>, vector<10000x1xf32>,
    return
  }
}

module attributes {stable_mosaic.version = 14 : i64} {
  func.func @_tc2_body(%arg0: memref<2x10240x128xf32, #tpu.memory_space<vmem>>, %arg1: memref<10000x128xf32, #tpu.memory_space<vmem>>, %arg2: memref<10000x1xf32, #tpu.memory_space<vmem>>, %arg3: memref<1x64xf32, #tpu.memory_space<vmem>>, %arg4: memref<1x64xf32, #tpu.memory_space<vmem>>, %arg5: memref<1x64xf32, #tpu.memory_space<vmem>>, %arg6: memref<10000x64xf32, #tpu.memory_space<vmem>>, %arg7: memref<64x64xf32, #tpu.memory_space<vmem>>, %arg8: memref<10000x64xf32, #tpu.memory_space<vmem>>, %arg9: memref<10000x128xf32, #tpu.memory_space<vmem>>) attributes {dimension_semantics = [], scalar_prefetch = 0 : i64, scratch_operands = 0 : i64, tpu.core_type = #tpu.core_type<tc>} {
    %get3A = arith.constant 0 : index
    %get3A_0 = arith.constant 0 : index
    %get3A_1 = vector.load %arg2[%get3A, %get3A_0] : memref<10000x1xf32, #tpu.memory_space<vmem>>, vector<10000x1xf32>
    %get3A_2 = arith.constant 0 : index
    %get3A_3 = arith.constant 0 : index
    %get3A_4 = arith.constant 0 : index
    %get3A_5 = vector.load %arg0[%get3A_2, %get3A_3, %get3A_4] : memref<2x10240x128xf32, #tpu.memory_space<vmem>>, vector<1x10000x64xf32>
    %get3A_6 = vector.shape_cast %get3A_5 : vector<1x10000x64xf32> to vector<10000x64xf32>
    %get3A_7 = arith.constant 1 : index
    %get3A_8 = arith.constant 0 : index
    %get3A_9 = arith.constant 0 : index
    %get3A_10 = vector.load %arg0[%get3A_7, %get3A_8, %get3A_9] : memref<2x10240x128xf32, #tpu.memory_space<vmem>>, vector<1x10000x64xf32>
    %get3A_11 = vector.shape_cast %get3A_10 : vector<1x10000x64xf32> to vector<10000x64xf32>
    %add3A = arith.addf %get3A_6, %get3A_11 : vector<10000x64xf32>
    %get3A_12 = arith.constant 0 : index
    %get3A_13 = arith.constant 0 : index
    %get3A_14 = vector.load %arg1[%get3A_12, %get3A_13] : memref<10000x128xf32, #tpu.memory_space<vmem>>, vector<10000x64xf32>
    %add3A_15 = arith.addf %add3A, %get3A_14 : vector<10000x64xf32>
    %mul3A = vector.broadcast %get3A_1 : vector<10000x1xf32> to vector<10000x64xf32>
    %mul3A_16 = arith.mulf %mul3A, %add3A_15 : vector<10000x64xf32>
    %get3A_17 = arith.constant 0 : index
    %get3A_18 = arith.constant 0 : index
    %get3A_19 = vector.load %arg3[%get3A_17, %get3A_18] : memref<1x64xf32, #tpu.memory_space<vmem>>, vector<1x64xf32>
    %add3A_20 = vector.broadcast %get3A_19 : vector<1x64xf32> to vector<10000x64xf32>
    %add3A_21 = arith.addf %mul3A_16, %add3A_20 : vector<10000x64xf32>
    %get3A_22 = arith.constant 0 : index
    %get3A_23 = arith.constant 0 : index
    %get3A_24 = vector.load %arg6[%get3A_22, %get3A_23] : memref<10000x64xf32, #tpu.memory_space<vmem>>, vector<10000x64xf32>
    %get3A_25 = arith.constant 0 : index
    %get3A_26 = arith.constant 0 : index
    %get3A_27 = vector.load %arg4[%get3A_25, %get3A_26] : memref<1x64xf32, #tpu.memory_space<vmem>>, vector<1x64xf32>
    %get3A_28 = arith.constant 0 : index
    %get3A_29 = arith.constant 0 : index
    %get3A_30 = vector.load %arg5[%get3A_28, %get3A_29] : memref<1x64xf32, #tpu.memory_space<vmem>>, vector<1x64xf32>
    %reduce_sum3A = arith.constant dense<0.000000e+00> : vector<64xf32>
    %reduce_sum3A_31 = vector.multi_reduction <add>, %add3A_21, %reduce_sum3A [0] : vector<10000x64xf32> to vector<64xf32>
    %broadcast_in_dim3A = vector.shape_cast %reduce_sum3A_31 : vector<64xf32> to vector<1x64xf32>
    %div3A = arith.constant 1.000000e+04 : f32
    %div3A_32 = vector.broadcast %div3A : f32 to vector<1x64xf32>
    %div3A_33 = arith.divf %broadcast_in_dim3A, %div3A_32 : vector<1x64xf32>
    %sub3A = vector.broadcast %div3A_33 : vector<1x64xf32> to vector<10000x64xf32>
    %sub3A_34 = arith.subf %add3A_21, %sub3A : vector<10000x64xf32>
    %mul3A_35 = arith.mulf %sub3A_34, %sub3A_34 : vector<10000x64xf32>
    %reduce_sum3A_36 = arith.constant dense<0.000000e+00> : vector<64xf32>
    %reduce_sum3A_37 = vector.multi_reduction <add>, %mul3A_35, %reduce_sum3A_36 [0] : vector<10000x64xf32> to vector<64xf32>
    %broadcast_in_dim3A_38 = vector.shape_cast %reduce_sum3A_37 : vector<64xf32> to vector<1x64xf32>
    %div3A_39 = arith.constant 1.000000e+04 : f32
    %div3A_40 = vector.broadcast %div3A_39 : f32 to vector<1x64xf32>
    %div3A_41 = arith.divf %broadcast_in_dim3A_38, %div3A_40 : vector<1x64xf32>
    %add3A_42 = arith.constant 9.99999974E-6 : f32
    %add3A_43 = vector.broadcast %add3A_42 : f32 to vector<1x64xf32>
    %add3A_44 = arith.addf %div3A_41, %add3A_43 : vector<1x64xf32>
    %rsqrt3A = math.rsqrt %add3A_44 : vector<1x64xf32>
    %mul3A_45 = vector.broadcast %rsqrt3A : vector<1x64xf32> to vector<10000x64xf32>
    %mul3A_46 = arith.mulf %sub3A_34, %mul3A_45 : vector<10000x64xf32>
    %mul3A_47 = vector.broadcast %get3A_27 : vector<1x64xf32> to vector<10000x64xf32>
    %mul3A_48 = arith.mulf %mul3A_46, %mul3A_47 : vector<10000x64xf32>
    %add3A_49 = vector.broadcast %get3A_30 : vector<1x64xf32> to vector<10000x64xf32>
    %add3A_50 = arith.addf %mul3A_48, %add3A_49 : vector<10000x64xf32>
    %add3A_51 = arith.addf %get3A_24, %add3A_50 : vector<10000x64xf32>
    %max3A = arith.constant 0.000000e+00 : f32
    %max3A_52 = vector.broadcast %max3A : f32 to vector<10000x64xf32>
    %max3A_53 = arith.maximumf %add3A_51, %max3A_52 : vector<10000x64xf32>
    %swap3A = arith.constant 0 : index
    %swap3A_54 = arith.constant 0 : index
    %swap3A_55 = vector.load %arg8[%swap3A, %swap3A_54] : memref<10000x64xf32, #tpu.memory_space<vmem>>, vector<10000x64xf32>
    tpu.vector_store %arg8[%swap3A, %swap3A_54], %max3A_53 {strides = array<i32>} : memref<10000x64xf32, #tpu.memory_space<vmem>>, vector<10000x64xf32>,
    %get3A_56 = arith.constant 0 : index
    %get3A_57 = arith.constant 0 : index
    %get3A_58 = vector.load %arg7[%get3A_56, %get3A_57] : memref<64x64xf32, #tpu.memory_space<vmem>>, vector<64x64xf32>
    %dot_general3A = arith.constant dense<0.000000e+00> : vector<10000x64xf32>
    %dot_general3A_59 = tpu.matmul %max3A_53, %get3A_58, %dot_general3A {dimension_numbers = #tpu.dot_dimension_numbers<[1], [0], [0], [1], [0, 0, 1, 1], [], []>, transpose_lhs_hint = false} : vector<10000x64xf32>, vector<64x64xf32>, vector<10000x64xf32> -> vector<10000x64xf32>
    %mul3A_60 = vector.broadcast %get3A_1 : vector<10000x1xf32> to vector<10000x64xf32>
    %mul3A_61 = arith.mulf %dot_general3A_59, %mul3A_60 : vector<10000x64xf32>
    %swap3A_62 = arith.constant 0 : index
    %swap3A_63 = arith.constant 0 : index
    %swap3A_64 = vector.load %arg9[%swap3A_62, %swap3A_63] : memref<10000x128xf32, #tpu.memory_space<vmem>>, vector<10000x64xf32>
    tpu.vector_store %arg9[%swap3A_62, %swap3A_63], %mul3A_61 {strides = array<i32>} : memref<10000x128xf32, #tpu.memory_space<vmem>>, vector<10000x64xf32>,
    %swap3A_65 = arith.constant 0 : index
    %swap3A_66 = arith.constant 64 : index
    %swap3A_67 = vector.load %arg9[%swap3A_65, %swap3A_66] : memref<10000x128xf32, #tpu.memory_space<vmem>>, vector<10000x64xf32>
    tpu.vector_store %arg9[%swap3A_65, %swap3A_66], %mul3A_61 {strides = array<i32>} : memref<10000x128xf32, #tpu.memory_space<vmem>>, vector<10000x64xf32>,
    return
  }
}

module attributes {stable_mosaic.version = 14 : i64} {
  func.func @_tc3_body(%arg0: memref<2x10240x128xf32, #tpu.memory_space<vmem>>, %arg1: memref<10000x128xf32, #tpu.memory_space<vmem>>, %arg2: memref<10000x1xf32, #tpu.memory_space<vmem>>, %arg3: memref<1x64xf32, #tpu.memory_space<vmem>>, %arg4: memref<1x64xf32, #tpu.memory_space<vmem>>, %arg5: memref<1x64xf32, #tpu.memory_space<vmem>>, %arg6: memref<10000x64xf32, #tpu.memory_space<vmem>>, %arg7: memref<64x128xf32, #tpu.memory_space<vmem>>, %arg8: memref<1x128xf32, #tpu.memory_space<vmem>>, %arg9: memref<64x128xf32, #tpu.memory_space<vmem>>, %arg10: memref<10000x128xf32, #tpu.memory_space<vmem>>, %arg11: memref<10000x128xf32, #tpu.memory_space<vmem>>) attributes {dimension_semantics = [], scalar_prefetch = 0 : i64, scratch_operands = 0 : i64, tpu.core_type = #tpu.core_type<tc>} {
    %get3A = arith.constant 0 : index
    %get3A_0 = arith.constant 0 : index
    %get3A_1 = vector.load %arg2[%get3A, %get3A_0] : memref<10000x1xf32, #tpu.memory_space<vmem>>, vector<10000x1xf32>
    %get3A_2 = arith.constant 0 : index
    %get3A_3 = arith.constant 0 : index
    %get3A_4 = arith.constant 0 : index
    %get3A_5 = vector.load %arg0[%get3A_2, %get3A_3, %get3A_4] : memref<2x10240x128xf32, #tpu.memory_space<vmem>>, vector<1x10000x64xf32>
    %get3A_6 = vector.shape_cast %get3A_5 : vector<1x10000x64xf32> to vector<10000x64xf32>
    %get3A_7 = arith.constant 1 : index
    %get3A_8 = arith.constant 0 : index
    %get3A_9 = arith.constant 0 : index
    %get3A_10 = vector.load %arg0[%get3A_7, %get3A_8, %get3A_9] : memref<2x10240x128xf32, #tpu.memory_space<vmem>>, vector<1x10000x64xf32>
    %get3A_11 = vector.shape_cast %get3A_10 : vector<1x10000x64xf32> to vector<10000x64xf32>
    %add3A = arith.addf %get3A_6, %get3A_11 : vector<10000x64xf32>
    %get3A_12 = arith.constant 0 : index
    %get3A_13 = arith.constant 0 : index
    %get3A_14 = vector.load %arg1[%get3A_12, %get3A_13] : memref<10000x128xf32, #tpu.memory_space<vmem>>, vector<10000x64xf32>
    %add3A_15 = arith.addf %add3A, %get3A_14 : vector<10000x64xf32>
    %mul3A = vector.broadcast %get3A_1 : vector<10000x1xf32> to vector<10000x64xf32>
    %mul3A_16 = arith.mulf %mul3A, %add3A_15 : vector<10000x64xf32>
    %get3A_17 = arith.constant 0 : index
    %get3A_18 = arith.constant 0 : index
    %get3A_19 = vector.load %arg3[%get3A_17, %get3A_18] : memref<1x64xf32, #tpu.memory_space<vmem>>, vector<1x64xf32>
    %add3A_20 = vector.broadcast %get3A_19 : vector<1x64xf32> to vector<10000x64xf32>
    %add3A_21 = arith.addf %mul3A_16, %add3A_20 : vector<10000x64xf32>
    %get3A_22 = arith.constant 0 : index
    %get3A_23 = arith.constant 0 : index
    %get3A_24 = vector.load %arg6[%get3A_22, %get3A_23] : memref<10000x64xf32, #tpu.memory_space<vmem>>, vector<10000x64xf32>
    %get3A_25 = arith.constant 0 : index
    %get3A_26 = arith.constant 0 : index
    %get3A_27 = vector.load %arg4[%get3A_25, %get3A_26] : memref<1x64xf32, #tpu.memory_space<vmem>>, vector<1x64xf32>
    %get3A_28 = arith.constant 0 : index
    %get3A_29 = arith.constant 0 : index
    %get3A_30 = vector.load %arg5[%get3A_28, %get3A_29] : memref<1x64xf32, #tpu.memory_space<vmem>>, vector<1x64xf32>
    %reduce_sum3A = arith.constant dense<0.000000e+00> : vector<64xf32>
    %reduce_sum3A_31 = vector.multi_reduction <add>, %add3A_21, %reduce_sum3A [0] : vector<10000x64xf32> to vector<64xf32>
    %broadcast_in_dim3A = vector.shape_cast %reduce_sum3A_31 : vector<64xf32> to vector<1x64xf32>
    %div3A = arith.constant 1.000000e+04 : f32
    %div3A_32 = vector.broadcast %div3A : f32 to vector<1x64xf32>
    %div3A_33 = arith.divf %broadcast_in_dim3A, %div3A_32 : vector<1x64xf32>
    %sub3A = vector.broadcast %div3A_33 : vector<1x64xf32> to vector<10000x64xf32>
    %sub3A_34 = arith.subf %add3A_21, %sub3A : vector<10000x64xf32>
    %mul3A_35 = arith.mulf %sub3A_34, %sub3A_34 : vector<10000x64xf32>
    %reduce_sum3A_36 = arith.constant dense<0.000000e+00> : vector<64xf32>
    %reduce_sum3A_37 = vector.multi_reduction <add>, %mul3A_35, %reduce_sum3A_36 [0] : vector<10000x64xf32> to vector<64xf32>
    %broadcast_in_dim3A_38 = vector.shape_cast %reduce_sum3A_37 : vector<64xf32> to vector<1x64xf32>
    %div3A_39 = arith.constant 1.000000e+04 : f32
    %div3A_40 = vector.broadcast %div3A_39 : f32 to vector<1x64xf32>
    %div3A_41 = arith.divf %broadcast_in_dim3A_38, %div3A_40 : vector<1x64xf32>
    %add3A_42 = arith.constant 9.99999974E-6 : f32
    %add3A_43 = vector.broadcast %add3A_42 : f32 to vector<1x64xf32>
    %add3A_44 = arith.addf %div3A_41, %add3A_43 : vector<1x64xf32>
    %rsqrt3A = math.rsqrt %add3A_44 : vector<1x64xf32>
    %mul3A_45 = vector.broadcast %rsqrt3A : vector<1x64xf32> to vector<10000x64xf32>
    %mul3A_46 = arith.mulf %sub3A_34, %mul3A_45 : vector<10000x64xf32>
    %mul3A_47 = vector.broadcast %get3A_27 : vector<1x64xf32> to vector<10000x64xf32>
    %mul3A_48 = arith.mulf %mul3A_46, %mul3A_47 : vector<10000x64xf32>
    %add3A_49 = vector.broadcast %get3A_30 : vector<1x64xf32> to vector<10000x64xf32>
    %add3A_50 = arith.addf %mul3A_48, %add3A_49 : vector<10000x64xf32>
    %add3A_51 = arith.addf %get3A_24, %add3A_50 : vector<10000x64xf32>
    %max3A = arith.constant 0.000000e+00 : f32
    %max3A_52 = vector.broadcast %max3A : f32 to vector<10000x64xf32>
    %max3A_53 = arith.maximumf %add3A_51, %max3A_52 : vector<10000x64xf32>
    %get3A_54 = arith.constant 0 : index
    %get3A_55 = arith.constant 0 : index
    %get3A_56 = vector.load %arg7[%get3A_54, %get3A_55] : memref<64x128xf32, #tpu.memory_space<vmem>>, vector<64x128xf32>
    %dot_general3A = arith.constant dense<0.000000e+00> : vector<10000x128xf32>
    %dot_general3A_57 = tpu.matmul %max3A_53, %get3A_56, %dot_general3A {dimension_numbers = #tpu.dot_dimension_numbers<[1], [0], [0], [1], [0, 0, 1, 1], [], []>, transpose_lhs_hint = false} : vector<10000x64xf32>, vector<64x128xf32>, vector<10000x128xf32> -> vector<10000x128xf32>
    %get3A_58 = arith.constant 0 : index
    %get3A_59 = arith.constant 0 : index
    %get3A_60 = vector.load %arg8[%get3A_58, %get3A_59] : memref<1x128xf32, #tpu.memory_space<vmem>>, vector<1x128xf32>
    %add3A_61 = vector.broadcast %get3A_60 : vector<1x128xf32> to vector<10000x128xf32>
    %add3A_62 = arith.addf %dot_general3A_57, %add3A_61 : vector<10000x128xf32>
    %swap3A = arith.constant 0 : index
    %swap3A_63 = arith.constant 0 : index
    %swap3A_64 = vector.load %arg10[%swap3A, %swap3A_63] : memref<10000x128xf32, #tpu.memory_space<vmem>>, vector<10000x128xf32>
    tpu.vector_store %arg10[%swap3A, %swap3A_63], %add3A_62 {strides = array<i32>} : memref<10000x128xf32, #tpu.memory_space<vmem>>, vector<10000x128xf32>,
    %get3A_65 = arith.constant 0 : index
    %get3A_66 = arith.constant 0 : index
    %get3A_67 = vector.load %arg9[%get3A_65, %get3A_66] : memref<64x128xf32, #tpu.memory_space<vmem>>, vector<64x128xf32>
    %dot_general3A_68 = arith.constant dense<0.000000e+00> : vector<10000x128xf32>
    %dot_general3A_69 = tpu.matmul %max3A_53, %get3A_67, %dot_general3A_68 {dimension_numbers = #tpu.dot_dimension_numbers<[1], [0], [0], [1], [0, 0, 1, 1], [], []>, transpose_lhs_hint = false} : vector<10000x64xf32>, vector<64x128xf32>, vector<10000x128xf32> -> vector<10000x128xf32>
    %mul3A_70 = vector.broadcast %get3A_1 : vector<10000x1xf32> to vector<10000x128xf32>
    %mul3A_71 = arith.mulf %dot_general3A_69, %mul3A_70 : vector<10000x128xf32>
    %swap3A_72 = arith.constant 0 : index
    %swap3A_73 = arith.constant 0 : index
    %swap3A_74 = vector.load %arg11[%swap3A_72, %swap3A_73] : memref<10000x128xf32, #tpu.memory_space<vmem>>, vector<10000x128xf32>
    tpu.vector_store %arg11[%swap3A_72, %swap3A_73], %mul3A_71 {strides = array<i32>} : memref<10000x128xf32, #tpu.memory_space<vmem>>, vector<10000x128xf32>,
    return
  }
}

module attributes {stable_mosaic.version = 14 : i64} {
  func.func @_tc4_body(%arg0: memref<2x10240x128xf32, #tpu.memory_space<vmem>>, %arg1: memref<10000x128xf32, #tpu.memory_space<vmem>>, %arg2: memref<10000x1xf32, #tpu.memory_space<vmem>>, %arg3: memref<1x128xf32, #tpu.memory_space<vmem>>, %arg4: memref<1x128xf32, #tpu.memory_space<vmem>>, %arg5: memref<1x128xf32, #tpu.memory_space<vmem>>, %arg6: memref<10000x128xf32, #tpu.memory_space<vmem>>, %arg7: memref<10000x128xf32, #tpu.memory_space<vmem>>) attributes {dimension_semantics = [], scalar_prefetch = 0 : i64, scratch_operands = 0 : i64, tpu.core_type = #tpu.core_type<tc>} {
    %get3A = arith.constant 0 : index
    %get3A_0 = arith.constant 0 : index
    %get3A_1 = vector.load %arg2[%get3A, %get3A_0] : memref<10000x1xf32, #tpu.memory_space<vmem>>, vector<10000x1xf32>
    %get3A_2 = arith.constant 0 : index
    %get3A_3 = arith.constant 0 : index
    %get3A_4 = arith.constant 0 : index
    %get3A_5 = vector.load %arg0[%get3A_2, %get3A_3, %get3A_4] : memref<2x10240x128xf32, #tpu.memory_space<vmem>>, vector<1x10000x64xf32>
    %get3A_6 = vector.shape_cast %get3A_5 : vector<1x10000x64xf32> to vector<10000x64xf32>
    %get3A_7 = arith.constant 0 : index
    %get3A_8 = arith.constant 0 : index
    %get3A_9 = vector.load %arg1[%get3A_7, %get3A_8] : memref<10000x128xf32, #tpu.memory_space<vmem>>, vector<10000x64xf32>
    %add3A = arith.addf %get3A_6, %get3A_9 : vector<10000x64xf32>
    %get3A_10 = arith.constant 1 : index
    %get3A_11 = arith.constant 0 : index
    %get3A_12 = arith.constant 0 : index
    %get3A_13 = vector.load %arg0[%get3A_10, %get3A_11, %get3A_12] : memref<2x10240x128xf32, #tpu.memory_space<vmem>>, vector<1x10000x64xf32>
    %get3A_14 = vector.shape_cast %get3A_13 : vector<1x10000x64xf32> to vector<10000x64xf32>
    %get3A_15 = arith.constant 0 : index
    %get3A_16 = arith.constant 64 : index
    %get3A_17 = vector.load %arg1[%get3A_15, %get3A_16] : memref<10000x128xf32, #tpu.memory_space<vmem>>, vector<10000x64xf32>
    %add3A_18 = arith.addf %get3A_14, %get3A_17 : vector<10000x64xf32>
    %concatenate3A = tpu.concatenate %add3A, %add3A_18 in 1 : vector<10000x64xf32>, vector<10000x64xf32> -> vector<10000x128xf32>
    %mul3A = vector.broadcast %get3A_1 : vector<10000x1xf32> to vector<10000x128xf32>
    %mul3A_19 = arith.mulf %mul3A, %concatenate3A : vector<10000x128xf32>
    %get3A_20 = arith.constant 0 : index
    %get3A_21 = arith.constant 0 : index
    %get3A_22 = vector.load %arg3[%get3A_20, %get3A_21] : memref<1x128xf32, #tpu.memory_space<vmem>>, vector<1x128xf32>
    %add3A_23 = vector.broadcast %get3A_22 : vector<1x128xf32> to vector<10000x128xf32>
    %add3A_24 = arith.addf %mul3A_19, %add3A_23 : vector<10000x128xf32>
    %get3A_25 = arith.constant 0 : index
    %get3A_26 = arith.constant 0 : index
    %get3A_27 = vector.load %arg6[%get3A_25, %get3A_26] : memref<10000x128xf32, #tpu.memory_space<vmem>>, vector<10000x128xf32>
    %get3A_28 = arith.constant 0 : index
    %get3A_29 = arith.constant 0 : index
    %get3A_30 = vector.load %arg4[%get3A_28, %get3A_29] : memref<1x128xf32, #tpu.memory_space<vmem>>, vector<1x128xf32>
    %get3A_31 = arith.constant 0 : index
    %get3A_32 = arith.constant 0 : index
    %get3A_33 = vector.load %arg5[%get3A_31, %get3A_32] : memref<1x128xf32, #tpu.memory_space<vmem>>, vector<1x128xf32>
    %reduce_sum3A = arith.constant dense<0.000000e+00> : vector<128xf32>
    %reduce_sum3A_34 = vector.multi_reduction <add>, %add3A_24, %reduce_sum3A [0] : vector<10000x128xf32> to vector<128xf32>
    %broadcast_in_dim3A = vector.shape_cast %reduce_sum3A_34 : vector<128xf32> to vector<1x128xf32>
    %div3A = arith.constant 1.000000e+04 : f32
    %div3A_35 = vector.broadcast %div3A : f32 to vector<1x128xf32>
    %div3A_36 = arith.divf %broadcast_in_dim3A, %div3A_35 : vector<1x128xf32>
    %sub3A = vector.broadcast %div3A_36 : vector<1x128xf32> to vector<10000x128xf32>
    %sub3A_37 = arith.subf %add3A_24, %sub3A : vector<10000x128xf32>
    %mul3A_38 = arith.mulf %sub3A_37, %sub3A_37 : vector<10000x128xf32>
    %reduce_sum3A_39 = arith.constant dense<0.000000e+00> : vector<128xf32>
    %reduce_sum3A_40 = vector.multi_reduction <add>, %mul3A_38, %reduce_sum3A_39 [0] : vector<10000x128xf32> to vector<128xf32>
    %broadcast_in_dim3A_41 = vector.shape_cast %reduce_sum3A_40 : vector<128xf32> to vector<1x128xf32>
    %div3A_42 = arith.constant 1.000000e+04 : f32
    %div3A_43 = vector.broadcast %div3A_42 : f32 to vector<1x128xf32>
    %div3A_44 = arith.divf %broadcast_in_dim3A_41, %div3A_43 : vector<1x128xf32>
    %add3A_45 = arith.constant 9.99999974E-6 : f32
    %add3A_46 = vector.broadcast %add3A_45 : f32 to vector<1x128xf32>
    %add3A_47 = arith.addf %div3A_44, %add3A_46 : vector<1x128xf32>
    %rsqrt3A = math.rsqrt %add3A_47 : vector<1x128xf32>
    %mul3A_48 = vector.broadcast %rsqrt3A : vector<1x128xf32> to vector<10000x128xf32>
    %mul3A_49 = arith.mulf %sub3A_37, %mul3A_48 : vector<10000x128xf32>
    %mul3A_50 = vector.broadcast %get3A_30 : vector<1x128xf32> to vector<10000x128xf32>
    %mul3A_51 = arith.mulf %mul3A_49, %mul3A_50 : vector<10000x128xf32>
    %add3A_52 = vector.broadcast %get3A_33 : vector<1x128xf32> to vector<10000x128xf32>
    %add3A_53 = arith.addf %mul3A_51, %add3A_52 : vector<10000x128xf32>
    %add3A_54 = arith.addf %get3A_27, %add3A_53 : vector<10000x128xf32>
    %reduce_max3A = arith.constant dense<0xFF800000> : vector<10000xf32>
    %reduce_max3A_55 = vector.multi_reduction <maximumf>, %add3A_54, %reduce_max3A [1] : vector<10000x128xf32> to vector<10000xf32>
    %broadcast_in_dim3A_56 = vector.shape_cast %reduce_max3A_55 : vector<10000xf32> to vector<10000x1xf32>
    %sub3A_57 = vector.broadcast %broadcast_in_dim3A_56 : vector<10000x1xf32> to vector<10000x128xf32>
    %sub3A_58 = arith.subf %add3A_54, %sub3A_57 : vector<10000x128xf32>
    %exp3A = math.exp %sub3A_58 : vector<10000x128xf32>
    %reduce_sum3A_59 = arith.constant dense<0.000000e+00> : vector<10000xf32>
    %reduce_sum3A_60 = vector.multi_reduction <add>, %exp3A, %reduce_sum3A_59 [1] : vector<10000x128xf32> to vector<10000xf32>
    %broadcast_in_dim3A_61 = vector.shape_cast %reduce_sum3A_60 : vector<10000xf32> to vector<10000x1xf32>
    %log3A = math.log %broadcast_in_dim3A_61 : vector<10000x1xf32>
    %sub3A_62 = vector.broadcast %log3A : vector<10000x1xf32> to vector<10000x128xf32>
    %sub3A_63 = arith.subf %sub3A_58, %sub3A_62 : vector<10000x128xf32>
    %swap3A = arith.constant 0 : index
    %swap3A_64 = arith.constant 0 : index
    %swap3A_65 = vector.load %arg7[%swap3A, %swap3A_64] : memref<10000x128xf32, #tpu.memory_space<vmem>>, vector<10000x128xf32>
    tpu.vector_store %arg7[%swap3A, %swap3A_64], %sub3A_63 {strides = array<i32>} : memref<10000x128xf32, #tpu.memory_space<vmem>>, vector<10000x128xf32>,
    return
  }
}

</mosaic_0001>

<sc_bundles>
// kernel: kernel.10.cloned.1.call-start
scs
__scs_entry_jumppad:
0x0: {  	(pc) =	sbr.rel $0x88, $3  }
0x1: {  	(tag) =	ssettag $0x0;
	lr =	simm.s32 $0x1  }
0x2: {  	[smem:$0x3F8F] =	sst lr;
	_ =	strace $0xD0000000  }
0x3: {  	_ = 	snop  }
0x4: {  	_ = 	snop  }
0x5: {  	_ = 	snop  }
0x6: {  	_ = 	snop  }
0x7: {  	_ = 	snop  }
__scs_overlays_trampoline_lowered:
0x8: {  	[smem:$0x3F9E] =	sst s0  }
0x9: {  	[smem:$0x3F9F] =	sst s1  }
0xa: {  	[smem:$0x3FA0] =	sst s2  }
0xb: {  	[smem:$0x3FA1] =	sst s3  }
0xc: {  	[smem:$0x3FA2] =	sst s4  }
0xd: {  	[smem:$0x3FA3] =	sst s5  }
0xe: {  	[smem:$0x3FA4] =	sst s6  }
0xf: {  	[smem:$0x3FA5] =	sst s7  }
0x10: {  	[smem:$0x3FA6] =	sst s8  }
0x11: {  	[smem:$0x3FA7] =	sst s9;
	s0 =	simm.s32 @!p0 $0x0  }
0x12: {  	s1 =	sld [smem:$0x3F8D];
	s0 =	simm.s32 @p0 $0x1  }
0x13: {  	[smem:$0x3FA8] =	sst s0;
	s0 =	simm.s32 @!p1 $0x0  }
0x14: {  	s2 =	sld [smem:$0x3F8C];
	s0 =	simm.s32 @p1 $0x1  }
0x15: {  	[smem:$0x3FA9] =	sst s0;
	s0 =	simm.s32 @!p2 $0x0  }
0x16: {  	s3 =	sld [smem:$0x3FDB];
	s0 =	simm.s32 @p2 $0x1  }
0x17: {  	s4 =	simm.s32 $0x1BF5;
	[smem:$0x3FAB] =	sst s0  }
0x18: {  	s0 =	sld [smem:$0x3F8E];
	_ =	swait.ge [sflag:s4], $0x0  }
0x19: {  	s7 =	sld [smem:$0x3F8F]  }
0x1a: {  	s8 =	sadd.s32 $0xFFFFE003, lr  }
0x1b: {  	s9 =	sadd.s32 $0xFFFFFEF7, lr;
	s5 =	simm.s32 $0xFFFFFFFF;
	p2 =	slt.u32 s8, $0xFFFFF086  }
0x1c: {  	p1 =	slt.u32 s9, $0xF7A;
	s5 =	simm.s32 @!p2 $0x0  }
0x1d: {  	s5 =	simm.s32 @p1 $0x1;
	p0 =	seq.s32 s7, s2  }
0x1e: {  	s7 =	smul.u32 @!p0 $0xF7A, s2;
	p2 =	seq.s32 @!p0 s5, $0x0  }
0x1f: {  	s9 =	smul.u32 $0xF7A, s1;
	s8 =	simm.s32 @!p0 $0x1BF5;
	p2 =	por !p2, p0  }
0x20: {  	[sflag:s8] =	ssyncset.s32 @!p0 $0xFFFFF086;
	s6 =	sadd.s32 @!p0 s3, s7;
	s7 =	simm.s32 @!p0 $0x108  }
0x21: {  	s3 =	sadd.s32 s3, s9;
	s6 =	sadd.s32 @!p0 $0x88, s6;
	s7 =	simm.s32 @p2 $0x1082  }
0x22: {  	[simem:s7], [sflag:s8] =	dma.local @!p0 [hbm:s6], $0xF7A  }
0x23: {  	s9 =	sor.u32 $0xD0000000, s2;
	s6 =	simm.s32 $0x108;
	_ =	swait.ge @!p0 [sflag:s8], $0x0  }
0x24: {  	s3 =	sadd.s32 $0x88, s3;
	s6 =	simm.s32 @!p1 $0x1082;
	[sflag:s4] =	ssyncset.s32 $0xFFFFF086  }
0x25: {  	[simem:s6], [sflag:s4] =	dma.local [hbm:s3], $0xF7A  }
0x26: {  	[smem:$0x3F8F] =	sst s1;
	(tag) =	ssettag s2;
	_ =	strace s9  }
0x27: {  	s1 =	sld [smem:$0x3F9F]  }
0x28: {  	s2 =	sld [smem:$0x3FA0]  }
0x29: {  	s4 =	sld [smem:$0x3FA2]  }
0x2a: {  	p0 =	seq.s32 s5, $0x0;
	s5 =	sld [smem:$0x3FA3]  }
0x2b: {  	s6 =	sld [smem:$0x3FA4]  }
0x2c: {  	s7 =	sld [smem:$0x3FA5]  }
0x2d: {  	s3 =	simm.s32 $0x108;
	s8 =	sld [smem:$0x3FA6]  }
0x2e: {  	s3 =	simm.s32 @!p0 $0x1082;
	s9 =	sld [smem:$0x3FA7]  }
0x2f: {  	lr =	sadd.s32 s0, s3;
	s0 =	sld [smem:$0x3F9E]  }
0x30: {  	s3 =	sld [smem:$0x3FA1]  }
0x31: {  	[smem:$0x3FAA] =	sst s10  }
0x32: {  	s10 =	sld [smem:$0x3FA8];
	_ =	sdelay $0x3  }
0x33: {  	p0 =	seq.s32 s10, $0x1;
	s10 =	sld [smem:$0x3FAA];
	_ =	sdelay $0x3  }
0x34: {  	[smem:$0x3FAA] =	sst s10  }
0x35: {  	s10 =	sld [smem:$0x3FA9];
	_ =	sdelay $0x3  }
0x36: {  	p1 =	seq.s32 s10, $0x1;
	s10 =	sld [smem:$0x3FAA];
	_ =	sdelay $0x3  }
0x37: {  	[smem:$0x3FAA] =	sst s10  }
0x38: {  	s10 =	sld [smem:$0x3FAB]  }
0x39: {  	_ = 	snop;
	(pc) =	sbr.ind lr, $3  }
0x3a: {  	_ = 	snop  }
0x3b: {  	_ = 	snop  }
0x3c: {  	p2 =	seq.s32 s10, $0x1;
	s10 =	sld [smem:$0x3FAA]  }
0x3d: {  	_ =	shalt  }
0x3e: {  	_ =	shalt  }
0x3f: {  	_ =	shalt  }
0x40: {  	_ =	shalt  }
0x41: {  	_ =	shalt  }
0x42: {  	_ =	shalt  }
0x43: {  	_ =	shalt  }
0x44: {  	_ =	shalt  }
0x45: {  	_ =	shalt  }
0x46: {  	_ =	shalt  }
0x47: {  	_ =	shalt  }
0x48: {  	_ =	shalt  }
0x49: {  	_ =	shalt  }
0x4a: {  	_ =	shalt  }
0x4b: {  	_ =	shalt  }
0x4c: {  	_ =	shalt  }
0x4d: {  	_ =	shalt  }
0x4e: {  	_ =	shalt  }
0x4f: {  	_ =	shalt  }
0x50: {  	_ =	shalt  }
0x51: {  	_ =	shalt  }
0x52: {  	_ =	shalt  }
0x53: {  	_ =	shalt  }
0x54: {  	_ =	shalt  }
0x55: {  	_ =	shalt  }
0x56: {  	_ =	shalt  }
0x57: {  	_ =	shalt  }
0x58: {  	_ =	shalt  }
0x59: {  	_ =	shalt  }
0x5a: {  	_ =	shalt  }
0x5b: {  	_ =	shalt  }
0x5c: {  	_ =	shalt  }
0x5d: {  	_ =	shalt  }
0x5e: {  	_ =	shalt  }
0x5f: {  	_ =	shalt  }
0x60: {  	_ =	shalt  }
0x61: {  	_ =	shalt  }
0x62: {  	_ =	shalt  }
0x63: {  	_ =	shalt  }
0x64: {  	_ =	shalt  }
0x65: {  	_ =	shalt  }
0x66: {  	_ =	shalt  }
0x67: {  	_ =	shalt  }
0x68: {  	_ =	shalt  }
0x69: {  	_ =	shalt  }
0x6a: {  	_ =	shalt  }
0x6b: {  	_ =	shalt  }
0x6c: {  	_ =	shalt  }
0x6d: {  	_ =	shalt  }
0x6e: {  	_ =	shalt  }
0x6f: {  	_ =	shalt  }
0x70: {  	_ =	shalt  }
0x71: {  	_ =	shalt  }
0x72: {  	_ =	shalt  }
0x73: {  	_ =	shalt  }
0x74: {  	_ =	shalt  }
0x75: {  	_ =	shalt  }
0x76: {  	_ =	shalt  }
0x77: {  	_ =	shalt  }
0x78: {  	_ =	shalt  }
0x79: {  	_ =	shalt  }
0x7a: {  	_ =	shalt  }
0x7b: {  	_ =	shalt  }
0x7c: {  	_ =	shalt  }
0x7d: {  	_ =	shalt  }
0x7e: {  	_ =	shalt  }
0x7f: {  	_ =	shalt  }
0x80: {  	_ =	shalt  }
0x81: {  	_ =	shalt  }
0x82: {  	_ =	shalt  }
0x83: {  	_ =	shalt  }
0x84: {  	_ =	shalt  }
0x85: {  	_ =	shalt  }
0x86: {  	_ =	shalt  }
0x87: {  	_ =	shalt  }
.Lfunc_end0:
.L_simem_size_0:
called_computation_lowered:
.L_overlay_start_0:
0x88: {  	s2 =	sld [smem:$0x3FD9]  }
0x89: {  	s3 =	sld [smem:$0x3FFE];
	_ =	sdelay $0x1  }
0x8a: {  	s1 =	srdreg.scid  }
0x8b: {  	s0 =	sand.u32 $0x1, s1  }
0x8c: {  	s17 =	sshll.u32 s0, $0xA;
	s2 =	sadd.s32 s3, s2  }
0x8d: {  	s2 =	sadd.s32 s2, s17  }
0x8e: {  	[smem:$0x3FB6] =	sst s2  }
0x8f: {  	_ = 	snop  }
0x90: {  	s2 =	sld [smem:$0x3FD0];
	(tm) =	ssettm $0x1  }
0x91: {  	s18 =	sld [smem:$0x3FFB];
	_ =	sdelay $0x3  }
0x92: {  	_ =	strace s18  }
0x93: {  	s3 =	sld [smem:$0x3FFC];
	_ =	sdelay $0x3  }
0x94: {  	_ =	strace s3  }
0x95: {  	s3 =	sld [smem:$0x3FFD];
	_ =	sdelay $0x3  }
0x96: {  	_ =	strace s3  }
0x97: {  	_ =	strace $0x8FFFFFFF  }
0x98: {  	s19 =	sld [smem:$0x3FDB];
	_ =	sdelay $0x1  }
0x99: {  	s4 =	simm.s32 $_scs_section_size  }
0x9a: {  	s5 =	simm.s32 $_size__tile_overlayer_lowered;
	s6 =	simm.s32 $_tile_overlayer_lowered  }
0x9b: {  	s22 =	simm.s32 $0x1BFF;
	s21 =	sshll.u32 s6, $0x1;
	s3 =	sadd.s32 s4, s19  }
0x9c: {  	s7 =	simm.s32 $0x0;
	s20 =	sshll.u32 s5, $0x1;
	s5 =	sadd.s32 s21, s3  }
0x9d: {  	[timem:s7], [sflag:s22] =	dma.local [hbm:s5], s20  }
0x9e: {  	_ =	swait.ge [sflag:s22], s20  }
0x9f: {  	s4 =	ssub.s32 $0x0, s20;
	[sflag:s22] =	ssyncset.done $0x0  }
0xa0: {  	[sflag:s22] =	ssyncadd.s32 s4;
	_ =	sdelay $0x1  }
0xa1: {  	s23 =	simm.s32 $0x1B8B  }
0xa2: {  	_ =	swait.ge [sflag:s23], $0x1  }
0xa3: {  	[sflag:s23] =	ssyncset.done $0x0  }
0xa4: {  	s25 =	simm.s32 $0x1B8E;
	s24 =	sld [smem:$0x3FFE];
	[sflag:s23] =	ssyncadd.s32 $0xFFFFFFFF  }
0xa5: {  	s26 =	simm.s32 $execute0_lowered;
	[smem:$0x3FD2] =	sst s25  }
0xa6: {  	s5 =	sshll.u32 s26, $0x1;
	_ =	strace $0x80000046;
	[dreg:$0x1] =	wrdreg $0xFFFFFFFF  }
0xa7: {  	s28 =	simm.s32 $_size_execute0_lowered;
	s3 =	sadd.s32 s3, s5;
	[dreg:$0x0] =	wrdreg $0x0  }
0xa8: {  	s5 =	sshll.u32 s28, $0x1;
	[dreg:$0x2] =	wrdreg s3  }
0xa9: {  	[dreg:$0x3] =	wrdreg s5  }
0xaa: {  	[dreg:$0x4] =	wrdreg $0xC0  }
0xab: {  	_ =	task [dreg:s7], $0x5FFFF  }
0xac: {  	[dreg:$0x1] =	wrdreg $0xFFFFFFFF  }
0xad: {  	[dreg:$0x0] =	wrdreg $0x60  }
0xae: {  	[dreg:$0x2] =	wrdreg s2  }
0xaf: {  	[dreg:$0x3] =	wrdreg s24  }
0xb0: {  	[dreg:$0x4] =	wrdreg $0x7A800  }
0xb1: {  	[dreg:$0x5] =	wrdreg $0x9  }
0xb2: {  	_ =	task.clear_ibuf [dreg:s7], $0x6FFFF;
	_ =	strace $0x90000046  }
0xb3: {  	s29 =	simm.s32 $0x9;
	_ =	strace $0x80000048  }
0xb4: {  	_ =	swait.ge [sflag:s29], $0x1  }
0xb5: {  	[sflag:s29] =	ssyncadd.s32 $0xFFFFFFFF  }
0xb6: {  	_ =	strace $0x90000048  }
0xb7: {  	_ =	sfence  }
0xb8: {  	s30 =	sld [smem:$0x0];
	_ =	sdelay $0x2  }
0xb9: {  	s31 =	sshll.u32 s1, $0xD;
	s1 =	sshrl.u32 s1, $0x2  }
0xba: {  	s3 =	sand.u32 $0x4000, s31;
	s1 =	sadd.s32 s1, s30  }
0xbb: {  	s0 =	sor.u32 s3, s0;
	s1 =	sshll.u32 s1, $0x11  }
0xbc: {  	s0 =	sor.u32 s1, s0  }
0xbd: {  	s0 =	sadd.s32 $0x8F2B, s0  }
0xbe: {  	[sflag:s0] =	ssyncadd.remote.s32 $0x1  }
0xbf: {  	_ =	sfence.sel $0xFFFF  }
0xc0: {  	[dreg:$0x0] =	wrdreg $0xFFFFFFFF;
	(pc) =	sbr.abs _section_cstart, $3  }
0xc1: {  	[dreg:$0x1] =	wrdreg $0xFFFFFFFF  }
0xc2: {  	_ =	task.clear_ibuf [dreg:s7], $0x2FFFF;
	_ =	strace $0x9FFFFFFF  }
0xc3: {  	(tm) =	ssettm $0x7FFFFFFF  }
tec
execute0_lowered:
.L_overlay_start_1:
0x0: {  	(tag) =	ssettag $0x1  }
0x1: {  	s0 =	rddreg [dreg:$0x0]  }
0x2: {  	s1 =	rddreg [dreg:$0x1]  }
0x3: {  	s2 =	rddreg [dreg:$0x2]  }
0x4: {  	s3 =	srdreg.scid;
	s8 =	stileid.u32;
	s7 =	simm.s32 $0x0  }
0x5: {  	s3 =	sand.u32 $0x1, s3;
	s4 =	smul.u32 $0x500, s8;
	[smem:$0x7FF] =	sst s7  }
0x6: {  	s9 =	sshrl.u32 s8, $0x3;
	s10 =	sshll.u32 s8, $0x7;
	s6 =	sshll.u32 s3, $0x4  }
0x7: {  	s5 =	sshll.u32 s3, $0x7;
	s3 =	ssub.s32 $0x2, s3;
	s25 =	sor.u32 s8, s6  }
0x8: {  	s4 =	sor.u32 s5, s4;
	s8 =	smul.u32 $0x5000, s8;
	s5 =	sshrl.u32 s25, $0x3  }
0x9: {  	_ =	strace $0x80000047;
	s11 =	sshrl.u32 s3, $0x1;
	s26 =	smul.u32 $0x14000, s5  }
0xa: {  	s6 =	sand.u32 $0x380, s10;
	s4 =	sshrl.u32 s4, $0x3;
	s5 =	smul.u32 $0x50000, s9  }
0xb: {  	s3 =	ssub.s32 s3, s11;
	s1 =	sadd.s32 s4, s1;
	s4 =	sor.u32 s6, s26  }
0xc: {  	s7 =	smax.u32 s3, $0x1;
	s5 =	sshrl.u32 s5, $0x2;
	s4 =	sshrl.u32 s4, $0x3  }
0xd: {  	[dreg:$0x16] =	wrdreg s7;
	s5 =	sadd.s32 s5, s2;
	s0 =	sadd.s32 s0, s4  }
0xe: {  	s12 =	sshrl.u32 s8, $0x2;
	s13 =	sadd.s32 s6, s5;
	[dreg:$0x4] =	wrdreg s0  }
0xf: {  	s5 =	sadd.s32 s12, s2;
	s6 =	sadd.s32 $0xFE00, s1;
	[dreg:$0x5] =	wrdreg s13  }
0x10: {  	s14 =	sadd.s32 $0x80, s5;
	[dreg:$0x15] =	wrdreg s6  }
0x11: {  	s15 =	sadd.s32 $0x100, s5;
	[dreg:$0x6] =	wrdreg s14  }
0x12: {  	s16 =	sadd.s32 $0x180, s5;
	[dreg:$0x7] =	wrdreg s15  }
0x13: {  	s17 =	sadd.s32 $0x200, s5;
	[dreg:$0x8] =	wrdreg s16  }
0x14: {  	s18 =	sadd.s32 $0x280, s5;
	[dreg:$0x9] =	wrdreg s17  }
0x15: {  	s19 =	sadd.s32 $0x300, s5;
	[dreg:$0xa] =	wrdreg s18  }
0x16: {  	s20 =	sadd.s32 $0x380, s5;
	[dreg:$0xb] =	wrdreg s19  }
0x17: {  	s21 =	sadd.s32 $0x14000, s5;
	[dreg:$0xc] =	wrdreg s20  }
0x18: {  	s22 =	sadd.s32 $0x14080, s5;
	[dreg:$0xd] =	wrdreg s21  }
0x19: {  	s23 =	sadd.s32 $0x14100, s5;
	[dreg:$0xe] =	wrdreg s22  }
0x1a: {  	s24 =	sadd.s32 $0x14180, s5;
	[dreg:$0xf] =	wrdreg s23  }
0x1b: {  	s25 =	sadd.s32 $0x14200, s5;
	[dreg:$0x10] =	wrdreg s24  }
0x1c: {  	s26 =	sadd.s32 $0x14280, s5;
	[dreg:$0x11] =	wrdreg s25  }
0x1d: {  	s2 =	sadd.s32 $0x14300, s5;
	[dreg:$0x12] =	wrdreg s26  }
0x1e: {  	s4 =	sadd.s32 $0x14380, s5;
	[dreg:$0x13] =	wrdreg s2  }
0x1f: {  	s8 =	sadd.s32 $0x400, s5;
	[dreg:$0x14] =	wrdreg s4  }
0x20: {  	s9 =	sadd.s32 $0x800, s5;
	[dreg:$0x17] =	wrdreg s8  }
0x21: {  	s10 =	sadd.s32 $0xC00, s5;
	[dreg:$0x18] =	wrdreg s9  }
0x22: {  	s11 =	sadd.s32 $0x1000, s5;
	[dreg:$0x19] =	wrdreg s10  }
0x23: {  	s12 =	sadd.s32 $0x480, s5;
	[dreg:$0x1a] =	wrdreg s11  }
0x24: {  	s13 =	sadd.s32 $0x880, s5;
	[dreg:$0x1b] =	wrdreg s12  }
0x25: {  	s1 =	sadd.s32 $0x1200, s5;
	[dreg:$0x1c] =	wrdreg s13  }
0x26: {  	s3 =	sadd.s32 $0xA80, s5;
	[smem:$0x7E5] =	sst s1  }
0x27: {  	s6 =	sadd.s32 $0x1280, s5;
	[smem:$0x7E7] =	sst s3  }
0x28: {  	s7 =	sadd.s32 $0x700, s5;
	[smem:$0x7E9] =	sst s6  }
0x29: {  	s14 =	sadd.s32 $0xC80, s5;
	[smem:$0x7EA] =	sst s7  }
0x2a: {  	s15 =	sadd.s32 $0x1080, s5;
	[dreg:$0x1d] =	wrdreg s14  }
0x2b: {  	s16 =	sadd.s32 $0x500, s5;
	[dreg:$0x1e] =	wrdreg s15  }
0x2c: {  	s17 =	sadd.s32 $0x900, s5;
	[dreg:$0x1f] =	wrdreg s16  }
0x2d: {  	s18 =	sadd.s32 $0xD00, s5;
	[smem:$0x7DB] =	sst s17  }
0x2e: {  	s19 =	sadd.s32 $0x1100, s5;
	[smem:$0x7DC] =	sst s18  }
0x2f: {  	s20 =	sadd.s32 $0x580, s5;
	[smem:$0x7DD] =	sst s19  }
0x30: {  	s21 =	sadd.s32 $0x980, s5;
	[smem:$0x7DE] =	sst s20  }
0x31: {  	s22 =	sadd.s32 $0xD80, s5;
	[smem:$0x7DF] =	sst s21  }
0x32: {  	s23 =	sadd.s32 $0x1180, s5;
	[smem:$0x7E0] =	sst s22  }
0x33: {  	s24 =	sadd.s32 $0x600, s5;
	[smem:$0x7E1] =	sst s23  }
0x34: {  	s25 =	sadd.s32 $0xA00, s5;
	[smem:$0x7E2] =	sst s24  }
0x35: {  	s26 =	sadd.s32 $0xE00, s5;
	[smem:$0x7E3] =	sst s25  }
0x36: {  	s2 =	sadd.s32 $0x680, s5;
	[smem:$0x7E4] =	sst s26  }
0x37: {  	s4 =	sadd.s32 $0xE80, s5;
	[smem:$0x7E6] =	sst s2  }
0x38: {  	s8 =	sadd.s32 $0xB00, s5;
	[smem:$0x7E8] =	sst s4  }
0x39: {  	s9 =	sadd.s32 $0xF00, s5;
	[smem:$0x7EB] =	sst s8  }
0x3a: {  	s10 =	sadd.s32 $0x1300, s5;
	[smem:$0x7EC] =	sst s9  }
0x3b: {  	s11 =	sadd.s32 $0x780, s5;
	[smem:$0x7ED] =	sst s10  }
0x3c: {  	s12 =	sadd.s32 $0xB80, s5;
	[smem:$0x7EE] =	sst s11  }
0x3d: {  	s13 =	sadd.s32 $0xF80, s5;
	[smem:$0x7EF] =	sst s12  }
0x3e: {  	[smem:$0x7F0] =	sst s13;
	s14 =	sadd.s32 $0x1380, s5  }
0x3f: {  	s15 =	sadd.s32 $0x14400, s5;
	[smem:$0x7F1] =	sst s14  }
0x40: {  	s28 =	simm.s32 $0x80;
	s16 =	sadd.s32 $0x14800, s5;
	[smem:$0x7F2] =	sst s15  }
0x41: {  	s29 =	simm.s32 $0x400;
	s17 =	sadd.s32 $0x14C00, s5;
	[smem:$0x7F3] =	sst s16  }
0x42: {  	s30 =	simm.s32 $0x1;
	s18 =	sadd.s32 $0x15000, s5;
	[smem:$0x7F4] =	sst s17  }
0x43: {  	s31 =	simm.s32 $0x2800;
	s19 =	sadd.s32 $0x14480, s5;
	[smem:$0x7F5] =	sst s18  }
0x44: {  	s0 =	simm.s32 $0x0;
	s20 =	sadd.s32 $0x14880, s5;
	[smem:$0x7F6] =	sst s19  }
0x45: {  	s7 =	sadd.s32 $0x14580, s5;
	s21 =	sadd.s32 $0x14C80, s5;
	[smem:$0x7F7] =	sst s20  }
0x46: {  	s22 =	sadd.s32 $0x15080, s5;
	s23 =	sadd.s32 $0x14500, s5;
	[smem:$0x7F8] =	sst s21  }
0x47: {  	s24 =	sadd.s32 $0x14900, s5;
	s25 =	sadd.s32 $0x14D00, s5;
	[smem:$0x7F9] =	sst s22  }
0x48: {  	s26 =	sadd.s32 $0x15100, s5;
	s8 =	sadd.s32 $0x14980, s5;
	[smem:$0x7FA] =	sst s23  }
0x49: {  	s9 =	sadd.s32 $0x14D80, s5;
	s10 =	sadd.s32 $0x15180, s5;
	[smem:$0x7FB] =	sst s24  }
0x4a: {  	s11 =	sadd.s32 $0x14600, s5;
	s12 =	sadd.s32 $0x14A00, s5;
	[smem:$0x7FC] =	sst s25  }
0x4b: {  	s13 =	sadd.s32 $0x14E00, s5;
	[smem:$0x7FD] =	sst s26;
	s14 =	sadd.s32 $0x15200, s5  }
0x4c: {  	s15 =	sadd.s32 $0x14680, s5;
	s16 =	sadd.s32 $0x14A80, s5;
	s17 =	sadd.s32 $0x14E80, s5  }
0x4d: {  	s18 =	sadd.s32 $0x15280, s5;
	s19 =	sadd.s32 $0x14700, s5;
	s20 =	sadd.s32 $0x14B00, s5  }
0x4e: {  	s21 =	sadd.s32 $0x14F00, s5;
	s22 =	sadd.s32 $0x15300, s5;
	s23 =	sadd.s32 $0x14780, s5  }
0x4f: {  	v0 =	vimm.f32 $0.0e+00;
	v1 =	vimm.f32 $1.000000000e+00;
	s24 =	sadd.s32 $0x14B80, s5;
	s25 =	sadd.s32 $0x14F80, s5;
	s26 =	sadd.s32 $0x15380, s5  }
.LBB2_1:
0x50: {  	s1 =	simm.s32 $0x0;
	s2 =	rddreg [dreg:$0x4]  }
0x51: {  	[tilespmem:s1], [sflag:$0x1] =	stream.strided.gather [hbm4b:s2+s28], $0x2800, s29, s28, $0x38;
	[tilespmem:$0xA280] =	vst v63  }
0x52: {  	_ =	swait.ge [sflag:s30], $0x2800  }
0x53: {  	[sflag:s30] =	ssyncset.done $0x0  }
0x54: {  	s1 =	simm.s32 $0x0;
	[sflag:s30] =	ssyncadd.s32 $0xFFFFD800  }
.LBB2_2:
0x55: {  	p0 =	sne.s32 s1, $0x9FC0  }
.Ltmp0:
0x56: {  	_ = 	snop;
	(pc) =	sbr.rel @p0 .LBB2_2-.Ltmp0, $3  }
0x57: {  	_ =	sdelay $0x1  }
0x58: {  	s2 =	sshra.s32 s1, $0x2  }
0x59: {  	s1 =	sadd.s32 $0x40, s1;
	[tilespmem:s2+$0x2800] =	vst v0  }
0x5a: {  	s2 =	simm.s32 $0x0;
	s1 =	simm.s32 $0x40  }
.LBB2_4:
0x5b: {  	p0 =	sne.s32 s1, $0x9FC0;
	v2 =	vld [tilespmem:s2+$0x0];
	_ =	sdelay $0x3  }
.Ltmp1:
0x5c: {  	(pc) =	sbr.rel @p0 .LBB2_4-.Ltmp1, $2  }
0x5d: {  	_ =	sdelay $0x2  }
0x5e: {  	s2 =	sshra.s32 s1, $0x2;
	s1 =	sadd.s32 $0x40, s1;
	[tilespmem:v2+s31+$0x0] =	vst.idx.add.f32.msk $0xffff, v1  }
0x5f: {  	v2 =	vld [tilespmem:s2+$0x0];
	_ =	sdelay $0x7  }
0x60: {  	s1 =	rddreg [dreg:$0x5];
	[tilespmem:v2+s31+$0x0] =	vst.idx.add.f32.msk $0xffff, v1  }
0x61: {  	[spmem:s1] =	stream.strided.scatter [tilespmem:s31], [sflag:$0x1], $0x2800, s29, s28, $0x38;
	[tilespmem:$0xA280] =	vst v63  }
0x62: {  	_ =	swait.ge [sflag:s30], $0x2800  }
0x63: {  	[sflag:s30] =	ssyncset.done $0x0  }
0x64: {  	[sflag:s30] =	ssyncadd.s32 $0xFFFFD800  }
0x65: {  	s3 =	simm.s32 $0x5000;
	[bflag:$0x0] =	sbarrier.arrive $0xFFFF  }
0x66: {  	[tilespmem:s3], [sflag:$0x1] =	stream.linear.gather [spmem:s5], $0x80, $0x38;
	[tilespmem:$0xA280] =	vst v63  }
0x67: {  	s6 =	simm.s32 $0x5400;
	s4 =	rddreg [dreg:$0x17]  }
0x68: {  	[tilespmem:s6], [sflag:$0x1] =	stream.linear.gather [spmem:s4], $0x80, $0x38;
	[tilespmem:$0xA280] =	vst v63  }
0x69: {  	s2 =	rddreg [dreg:$0x18];
	s3 =	simm.s32 $0x5800  }
0x6a: {  	[tilespmem:s3], [sflag:$0x1] =	stream.linear.gather [spmem:s2], $0x80, $0x38;
	[tilespmem:$0xA280] =	vst v63  }
0x6b: {  	s4 =	rddreg [dreg:$0x19];
	s6 =	simm.s32 $0x5C00  }
0x6c: {  	[tilespmem:s6], [sflag:$0x1] =	stream.linear.gather [spmem:s4], $0x80, $0x38;
	[tilespmem:$0xA280] =	vst v63  }
0x6d: {  	s2 =	rddreg [dreg:$0x1a];
	s3 =	simm.s32 $0x6000  }
0x6e: {  	[tilespmem:s3], [sflag:$0x1] =	stream.linear.gather [spmem:s2], $0x80, $0x38;
	[tilespmem:$0xA280] =	vst v63  }
0x6f: {  	_ =	swait.ge [sflag:s30], $0x280  }
0x70: {  	[sflag:s30] =	ssyncset.done $0x0  }
0x71: {  	s6 =	simm.s32 $0x5080;
	s4 =	rddreg [dreg:$0x6];
	[sflag:s30] =	ssyncadd.s32 $0xFFFFFD80  }
0x72: {  	[tilespmem:s6], [sflag:$0x1] =	stream.linear.gather [spmem:s4], $0x80, $0x38;
	[tilespmem:$0xA280] =	vst v63  }
0x73: {  	s3 =	simm.s32 $0x5480;
	s2 =	rddreg [dreg:$0x1b]  }
0x74: {  	[tilespmem:s3], [sflag:$0x1] =	stream.linear.gather [spmem:s2], $0x80, $0x38;
	[tilespmem:$0xA280] =	vst v63  }
0x75: {  	s4 =	rddreg [dreg:$0x1c];
	s6 =	simm.s32 $0x5880  }
0x76: {  	[tilespmem:s6], [sflag:$0x1] =	stream.linear.gather [spmem:s4], $0x80, $0x38;
	[tilespmem:$0xA280] =	vst v63  }
0x77: {  	s2 =	rddreg [dreg:$0x1d];
	s3 =	simm.s32 $0x5C80  }
0x78: {  	[tilespmem:s3], [sflag:$0x1] =	stream.linear.gather [spmem:s2], $0x80, $0x38;
	[tilespmem:$0xA280] =	vst v63  }
0x79: {  	s4 =	rddreg [dreg:$0x1e];
	s6 =	simm.s32 $0x6080  }
0x7a: {  	[tilespmem:s6], [sflag:$0x1] =	stream.linear.gather [spmem:s4], $0x80, $0x38;
	[tilespmem:$0xA280] =	vst v63  }
0x7b: {  	_ =	swait.ge [sflag:s30], $0x280  }
0x7c: {  	[sflag:s30] =	ssyncset.done $0x0;
	s2 =	rddreg [dreg:$0x7]  }
0x7d: {  	s3 =	simm.s32 $0x5100;
	s4 =	rddreg [dreg:$0x1f];
	[sflag:s30] =	ssyncadd.s32 $0xFFFFFD80  }
0x7e: {  	[tilespmem:s3], [sflag:$0x1] =	stream.linear.gather [spmem:s2], $0x80, $0x38;
	[tilespmem:$0xA280] =	vst v63  }
0x7f: {  	s6 =	simm.s32 $0x5500;
	s2 =	sld [smem:$0x7DB]  }
0x80: {  	[tilespmem:s6], [sflag:$0x1] =	stream.linear.gather [spmem:s4], $0x80, $0x38;
	[tilespmem:$0xA280] =	vst v63  }
0x81: {  	s3 =	simm.s32 $0x5900;
	s4 =	sld [smem:$0x7DC]  }
0x82: {  	[tilespmem:s3], [sflag:$0x1] =	stream.linear.gather [spmem:s2], $0x80, $0x38;
	[tilespmem:$0xA280] =	vst v63  }
0x83: {  	s6 =	simm.s32 $0x5D00;
	s2 =	sld [smem:$0x7DD]  }
0x84: {  	[tilespmem:s6], [sflag:$0x1] =	stream.linear.gather [spmem:s4], $0x80, $0x38;
	[tilespmem:$0xA280] =	vst v63  }
0x85: {  	s3 =	simm.s32 $0x6100  }
0x86: {  	[tilespmem:s3], [sflag:$0x1] =	stream.linear.gather [spmem:s2], $0x80, $0x38;
	[tilespmem:$0xA280] =	vst v63  }
0x87: {  	_ =	swait.ge [sflag:s30], $0x280  }
0x88: {  	[sflag:s30] =	ssyncset.done $0x0;
	s4 =	rddreg [dreg:$0x8]  }
0x89: {  	s6 =	simm.s32 $0x5180;
	s2 =	sld [smem:$0x7DE];
	[sflag:s30] =	ssyncadd.s32 $0xFFFFFD80  }
0x8a: {  	[tilespmem:s6], [sflag:$0x1] =	stream.linear.gather [spmem:s4], $0x80, $0x38;
	[tilespmem:$0xA280] =	vst v63  }
0x8b: {  	s3 =	simm.s32 $0x5580;
	s4 =	sld [smem:$0x7DF]  }
0x8c: {  	[tilespmem:s3], [sflag:$0x1] =	stream.linear.gather [spmem:s2], $0x80, $0x38;
	[tilespmem:$0xA280] =	vst v63  }
0x8d: {  	s6 =	simm.s32 $0x5980;
	s2 =	sld [smem:$0x7E0]  }
0x8e: {  	[tilespmem:s6], [sflag:$0x1] =	stream.linear.gather [spmem:s4], $0x80, $0x38;
	[tilespmem:$0xA280] =	vst v63  }
0x8f: {  	s3 =	simm.s32 $0x5D80;
	s4 =	sld [smem:$0x7E1]  }
0x90: {  	[tilespmem:s3], [sflag:$0x1] =	stream.linear.gather [spmem:s2], $0x80, $0x38;
	[tilespmem:$0xA280] =	vst v63  }
0x91: {  	s6 =	simm.s32 $0x6180  }
0x92: {  	[tilespmem:s6], [sflag:$0x1] =	stream.linear.gather [spmem:s4], $0x80, $0x38;
	[tilespmem:$0xA280] =	vst v63  }
0x93: {  	_ =	swait.ge [sflag:s30], $0x280  }
0x94: {  	[sflag:s30] =	ssyncset.done $0x0;
	s2 =	rddreg [dreg:$0x9]  }
0x95: {  	s3 =	simm.s32 $0x5200;
	s4 =	sld [smem:$0x7E2];
	[sflag:s30] =	ssyncadd.s32 $0xFFFFFD80  }
0x96: {  	[tilespmem:s3], [sflag:$0x1] =	stream.linear.gather [spmem:s2], $0x80, $0x38;
	[tilespmem:$0xA280] =	vst v63  }
0x97: {  	s6 =	simm.s32 $0x5600;
	s2 =	sld [smem:$0x7E3]  }
0x98: {  	[tilespmem:s6], [sflag:$0x1] =	stream.linear.gather [spmem:s4], $0x80, $0x38;
	[tilespmem:$0xA280] =	vst v63  }
0x99: {  	s3 =	simm.s32 $0x5A00;
	s4 =	sld [smem:$0x7E4]  }
0x9a: {  	[tilespmem:s3], [sflag:$0x1] =	stream.linear.gather [spmem:s2], $0x80, $0x38;
	[tilespmem:$0xA280] =	vst v63  }
0x9b: {  	s6 =	simm.s32 $0x5E00;
	s2 =	sld [smem:$0x7E5]  }
0x9c: {  	[tilespmem:s6], [sflag:$0x1] =	stream.linear.gather [spmem:s4], $0x80, $0x38;
	[tilespmem:$0xA280] =	vst v63  }
0x9d: {  	s3 =	simm.s32 $0x6200  }
0x9e: {  	[tilespmem:s3], [sflag:$0x1] =	stream.linear.gather [spmem:s2], $0x80, $0x38;
	[tilespmem:$0xA280] =	vst v63  }
0x9f: {  	_ =	swait.ge [sflag:s30], $0x280  }
0xa0: {  	[sflag:s30] =	ssyncset.done $0x0;
	s4 =	rddreg [dreg:$0xa]  }
0xa1: {  	s6 =	simm.s32 $0x5280;
	s2 =	sld [smem:$0x7E6];
	[sflag:s30] =	ssyncadd.s32 $0xFFFFFD80  }
0xa2: {  	[tilespmem:s6], [sflag:$0x1] =	stream.linear.gather [spmem:s4], $0x80, $0x38;
	[tilespmem:$0xA280] =	vst v63  }
0xa3: {  	s3 =	simm.s32 $0x5680;
	s4 =	sld [smem:$0x7E7]  }
0xa4: {  	[tilespmem:s3], [sflag:$0x1] =	stream.linear.gather [spmem:s2], $0x80, $0x38;
	[tilespmem:$0xA280] =	vst v63  }
0xa5: {  	s6 =	simm.s32 $0x5A80;
	s2 =	sld [smem:$0x7E8]  }
0xa6: {  	[tilespmem:s6], [sflag:$0x1] =	stream.linear.gather [spmem:s4], $0x80, $0x38;
	[tilespmem:$0xA280] =	vst v63  }
0xa7: {  	s3 =	simm.s32 $0x5E80;
	s4 =	sld [smem:$0x7E9]  }
0xa8: {  	[tilespmem:s3], [sflag:$0x1] =	stream.linear.gather [spmem:s2], $0x80, $0x38;
	[tilespmem:$0xA280] =	vst v63  }
0xa9: {  	s6 =	simm.s32 $0x6280  }
0xaa: {  	[tilespmem:s6], [sflag:$0x1] =	stream.linear.gather [spmem:s4], $0x80, $0x38;
	[tilespmem:$0xA280] =	vst v63  }
0xab: {  	_ =	swait.ge [sflag:s30], $0x280  }
0xac: {  	[sflag:s30] =	ssyncset.done $0x0;
	s2 =	rddreg [dreg:$0xb]  }
0xad: {  	s3 =	simm.s32 $0x5300;
	s4 =	sld [smem:$0x7EA];
	[sflag:s30] =	ssyncadd.s32 $0xFFFFFD80  }
0xae: {  	[tilespmem:s3], [sflag:$0x1] =	stream.linear.gather [spmem:s2], $0x80, $0x38;
	[tilespmem:$0xA280] =	vst v63  }
0xaf: {  	s6 =	simm.s32 $0x5700;
	s2 =	sld [smem:$0x7EB]  }
0xb0: {  	[tilespmem:s6], [sflag:$0x1] =	stream.linear.gather [spmem:s4], $0x80, $0x38;
	[tilespmem:$0xA280] =	vst v63  }
0xb1: {  	s3 =	simm.s32 $0x5B00;
	s4 =	sld [smem:$0x7EC]  }
0xb2: {  	[tilespmem:s3], [sflag:$0x1] =	stream.linear.gather [spmem:s2], $0x80, $0x38;
	[tilespmem:$0xA280] =	vst v63  }
0xb3: {  	s6 =	simm.s32 $0x5F00;
	s2 =	sld [smem:$0x7ED]  }
0xb4: {  	[tilespmem:s6], [sflag:$0x1] =	stream.linear.gather [spmem:s4], $0x80, $0x38;
	[tilespmem:$0xA280] =	vst v63  }
0xb5: {  	s3 =	simm.s32 $0x6300  }
0xb6: {  	[tilespmem:s3], [sflag:$0x1] =	stream.linear.gather [spmem:s2], $0x80, $0x38;
	[tilespmem:$0xA280] =	vst v63  }
0xb7: {  	_ =	swait.ge [sflag:s30], $0x280  }
0xb8: {  	[sflag:s30] =	ssyncset.done $0x0;
	s4 =	rddreg [dreg:$0xc]  }
0xb9: {  	s6 =	simm.s32 $0x5380;
	s2 =	sld [smem:$0x7EE];
	[sflag:s30] =	ssyncadd.s32 $0xFFFFFD80  }
0xba: {  	[tilespmem:s6], [sflag:$0x1] =	stream.linear.gather [spmem:s4], $0x80, $0x38;
	[tilespmem:$0xA280] =	vst v63  }
0xbb: {  	s3 =	simm.s32 $0x5780;
	s4 =	sld [smem:$0x7EF]  }
0xbc: {  	[tilespmem:s3], [sflag:$0x1] =	stream.linear.gather [spmem:s2], $0x80, $0x38;
	[tilespmem:$0xA280] =	vst v63  }
0xbd: {  	s6 =	simm.s32 $0x5B80;
	s2 =	sld [smem:$0x7F0]  }
0xbe: {  	[tilespmem:s6], [sflag:$0x1] =	stream.linear.gather [spmem:s4], $0x80, $0x38;
	[tilespmem:$0xA280] =	vst v63  }
0xbf: {  	s3 =	simm.s32 $0x5F80;
	s4 =	sld [smem:$0x7F1]  }
0xc0: {  	[tilespmem:s3], [sflag:$0x1] =	stream.linear.gather [spmem:s2], $0x80, $0x38;
	[tilespmem:$0xA280] =	vst v63  }
0xc1: {  	s6 =	simm.s32 $0x6380  }
0xc2: {  	[tilespmem:s6], [sflag:$0x1] =	stream.linear.gather [spmem:s4], $0x80, $0x38;
	[tilespmem:$0xA280] =	vst v63  }
0xc3: {  	_ =	swait.ge [sflag:s30], $0x280  }
0xc4: {  	[sflag:s30] =	ssyncset.done $0x0;
	s2 =	rddreg [dreg:$0xd]  }
0xc5: {  	s3 =	simm.s32 $0x6400;
	s4 =	sld [smem:$0x7F2];
	[sflag:s30] =	ssyncadd.s32 $0xFFFFFD80  }
0xc6: {  	[tilespmem:s3], [sflag:$0x1] =	stream.linear.gather [spmem:s2], $0x80, $0x38;
	[tilespmem:$0xA280] =	vst v63  }
0xc7: {  	s6 =	simm.s32 $0x6800;
	s2 =	sld [smem:$0x7F3]  }
0xc8: {  	[tilespmem:s6], [sflag:$0x1] =	stream.linear.gather [spmem:s4], $0x80, $0x38;
	[tilespmem:$0xA280] =	vst v63  }
0xc9: {  	s3 =	simm.s32 $0x6C00;
	s4 =	sld [smem:$0x7F4]  }
0xca: {  	[tilespmem:s3], [sflag:$0x1] =	stream.linear.gather [spmem:s2], $0x80, $0x38;
	[tilespmem:$0xA280] =	vst v63  }
0xcb: {  	s6 =	simm.s32 $0x7000;
	s2 =	sld [smem:$0x7F5]  }
0xcc: {  	[tilespmem:s6], [sflag:$0x1] =	stream.linear.gather [spmem:s4], $0x80, $0x38;
	[tilespmem:$0xA280] =	vst v63  }
0xcd: {  	s3 =	simm.s32 $0x7400  }
0xce: {  	[tilespmem:s3], [sflag:$0x1] =	stream.linear.gather [spmem:s2], $0x80, $0x38;
	[tilespmem:$0xA280] =	vst v63  }
0xcf: {  	_ =	swait.ge [sflag:s30], $0x280  }
0xd0: {  	[sflag:s30] =	ssyncset.done $0x0;
	s4 =	rddreg [dreg:$0xe]  }
0xd1: {  	s6 =	simm.s32 $0x6480;
	s2 =	sld [smem:$0x7F6];
	[sflag:s30] =	ssyncadd.s32 $0xFFFFFD80  }
0xd2: {  	[tilespmem:s6], [sflag:$0x1] =	stream.linear.gather [spmem:s4], $0x80, $0x38;
	[tilespmem:$0xA280] =	vst v63  }
0xd3: {  	s3 =	simm.s32 $0x6880;
	s4 =	sld [smem:$0x7F7]  }
0xd4: {  	[tilespmem:s3], [sflag:$0x1] =	stream.linear.gather [spmem:s2], $0x80, $0x38;
	[tilespmem:$0xA280] =	vst v63  }
0xd5: {  	s6 =	simm.s32 $0x6C80;
	s2 =	sld [smem:$0x7F8]  }
0xd6: {  	[tilespmem:s6], [sflag:$0x1] =	stream.linear.gather [spmem:s4], $0x80, $0x38;
	[tilespmem:$0xA280] =	vst v63  }
0xd7: {  	s3 =	simm.s32 $0x7080;
	s4 =	sld [smem:$0x7F9]  }
0xd8: {  	[tilespmem:s3], [sflag:$0x1] =	stream.linear.gather [spmem:s2], $0x80, $0x38;
	[tilespmem:$0xA280] =	vst v63  }
0xd9: {  	s6 =	simm.s32 $0x7480  }
0xda: {  	[tilespmem:s6], [sflag:$0x1] =	stream.linear.gather [spmem:s4], $0x80, $0x38;
	[tilespmem:$0xA280] =	vst v63  }
0xdb: {  	_ =	swait.ge [sflag:s30], $0x280  }
0xdc: {  	[sflag:s30] =	ssyncset.done $0x0;
	s2 =	rddreg [dreg:$0xf]  }
0xdd: {  	s3 =	simm.s32 $0x6500;
	s4 =	sld [smem:$0x7FA];
	[sflag:s30] =	ssyncadd.s32 $0xFFFFFD80  }
0xde: {  	[tilespmem:s3], [sflag:$0x1] =	stream.linear.gather [spmem:s2], $0x80, $0x38;
	[tilespmem:$0xA280] =	vst v63  }
0xdf: {  	s6 =	simm.s32 $0x6900;
	s2 =	sld [smem:$0x7FB]  }
0xe0: {  	[tilespmem:s6], [sflag:$0x1] =	stream.linear.gather [spmem:s4], $0x80, $0x38;
	[tilespmem:$0xA280] =	vst v63  }
0xe1: {  	s3 =	simm.s32 $0x6D00;
	s4 =	sld [smem:$0x7FC]  }
0xe2: {  	[tilespmem:s3], [sflag:$0x1] =	stream.linear.gather [spmem:s2], $0x80, $0x38;
	[tilespmem:$0xA280] =	vst v63  }
0xe3: {  	s6 =	simm.s32 $0x7100;
	s2 =	sld [smem:$0x7FD]  }
0xe4: {  	[tilespmem:s6], [sflag:$0x1] =	stream.linear.gather [spmem:s4], $0x80, $0x38;
	[tilespmem:$0xA280] =	vst v63  }
0xe5: {  	s3 =	simm.s32 $0x7500  }
0xe6: {  	[tilespmem:s3], [sflag:$0x1] =	stream.linear.gather [spmem:s2], $0x80, $0x38;
	[tilespmem:$0xA280] =	vst v63  }
0xe7: {  	_ =	swait.ge [sflag:s30], $0x280  }
0xe8: {  	[sflag:s30] =	ssyncset.done $0x0  }
0xe9: {  	s6 =	simm.s32 $0x6580;
	s4 =	rddreg [dreg:$0x10];
	[sflag:s30] =	ssyncadd.s32 $0xFFFFFD80  }
0xea: {  	[tilespmem:s6], [sflag:$0x1] =	stream.linear.gather [spmem:s4], $0x80, $0x38;
	[tilespmem:$0xA280] =	vst v63  }
0xeb: {  	s2 =	simm.s32 $0x6980  }
0xec: {  	[tilespmem:s2], [sflag:$0x1] =	stream.linear.gather [spmem:s7], $0x80, $0x38;
	[tilespmem:$0xA280] =	vst v63  }
0xed: {  	s3 =	simm.s32 $0x6D80  }
0xee: {  	[tilespmem:s3], [sflag:$0x1] =	stream.linear.gather [spmem:s8], $0x80, $0x38;
	[tilespmem:$0xA280] =	vst v63  }
0xef: {  	s4 =	simm.s32 $0x7180  }
0xf0: {  	[tilespmem:s4], [sflag:$0x1] =	stream.linear.gather [spmem:s9], $0x80, $0x38;
	[tilespmem:$0xA280] =	vst v63  }
0xf1: {  	s6 =	simm.s32 $0x7580  }
0xf2: {  	[tilespmem:s6], [sflag:$0x1] =	stream.linear.gather [spmem:s10], $0x80, $0x38;
	[tilespmem:$0xA280] =	vst v63  }
0xf3: {  	_ =	swait.ge [sflag:s30], $0x280  }
0xf4: {  	[sflag:s30] =	ssyncset.done $0x0  }
0xf5: {  	s3 =	simm.s32 $0x6600;
	s2 =	rddreg [dreg:$0x11];
	[sflag:s30] =	ssyncadd.s32 $0xFFFFFD80  }
0xf6: {  	[tilespmem:s3], [sflag:$0x1] =	stream.linear.gather [spmem:s2], $0x80, $0x38;
	[tilespmem:$0xA280] =	vst v63  }
0xf7: {  	s4 =	simm.s32 $0x6A00  }
0xf8: {  	[tilespmem:s4], [sflag:$0x1] =	stream.linear.gather [spmem:s11], $0x80, $0x38;
	[tilespmem:$0xA280] =	vst v63  }
0xf9: {  	s6 =	simm.s32 $0x6E00  }
0xfa: {  	[tilespmem:s6], [sflag:$0x1] =	stream.linear.gather [spmem:s12], $0x80, $0x38;
	[tilespmem:$0xA280] =	vst v63  }
0xfb: {  	s2 =	simm.s32 $0x7200  }
0xfc: {  	[tilespmem:s2], [sflag:$0x1] =	stream.linear.gather [spmem:s13], $0x80, $0x38;
	[tilespmem:$0xA280] =	vst v63  }
0xfd: {  	s3 =	simm.s32 $0x7600  }
0xfe: {  	[tilespmem:s3], [sflag:$0x1] =	stream.linear.gather [spmem:s14], $0x80, $0x38;
	[tilespmem:$0xA280] =	vst v63  }
0xff: {  	_ =	swait.ge [sflag:s30], $0x280  }
0x100: {  	[sflag:s30] =	ssyncset.done $0x0  }
0x101: {  	s6 =	simm.s32 $0x6680;
	s4 =	rddreg [dreg:$0x12];
	[sflag:s30] =	ssyncadd.s32 $0xFFFFFD80  }
0x102: {  	[tilespmem:s6], [sflag:$0x1] =	stream.linear.gather [spmem:s4], $0x80, $0x38;
	[tilespmem:$0xA280] =	vst v63  }
0x103: {  	s2 =	simm.s32 $0x6A80  }
0x104: {  	[tilespmem:s2], [sflag:$0x1] =	stream.linear.gather [spmem:s15], $0x80, $0x38;
	[tilespmem:$0xA280] =	vst v63  }
0x105: {  	s3 =	simm.s32 $0x6E80  }
0x106: {  	[tilespmem:s3], [sflag:$0x1] =	stream.linear.gather [spmem:s16], $0x80, $0x38;
	[tilespmem:$0xA280] =	vst v63  }
0x107: {  	s4 =	simm.s32 $0x7280  }
0x108: {  	[tilespmem:s4], [sflag:$0x1] =	stream.linear.gather [spmem:s17], $0x80, $0x38;
	[tilespmem:$0xA280] =	vst v63  }
0x109: {  	s6 =	simm.s32 $0x7680  }
0x10a: {  	[tilespmem:s6], [sflag:$0x1] =	stream.linear.gather [spmem:s18], $0x80, $0x38;
	[tilespmem:$0xA280] =	vst v63  }
0x10b: {  	_ =	swait.ge [sflag:s30], $0x280  }
0x10c: {  	[sflag:s30] =	ssyncset.done $0x0  }
0x10d: {  	s3 =	simm.s32 $0x6700;
	s2 =	rddreg [dreg:$0x13];
	[sflag:s30] =	ssyncadd.s32 $0xFFFFFD80  }
0x10e: {  	[tilespmem:s3], [sflag:$0x1] =	stream.linear.gather [spmem:s2], $0x80, $0x38;
	[tilespmem:$0xA280] =	vst v63  }
0x10f: {  	s4 =	simm.s32 $0x6B00  }
0x110: {  	[tilespmem:s4], [sflag:$0x1] =	stream.linear.gather [spmem:s19], $0x80, $0x38;
	[tilespmem:$0xA280] =	vst v63  }
0x111: {  	s6 =	simm.s32 $0x6F00  }
0x112: {  	[tilespmem:s6], [sflag:$0x1] =	stream.linear.gather [spmem:s20], $0x80, $0x38;
	[tilespmem:$0xA280] =	vst v63  }
0x113: {  	s2 =	simm.s32 $0x7300  }
0x114: {  	[tilespmem:s2], [sflag:$0x1] =	stream.linear.gather [spmem:s21], $0x80, $0x38;
	[tilespmem:$0xA280] =	vst v63  }
0x115: {  	s3 =	simm.s32 $0x7700  }
0x116: {  	[tilespmem:s3], [sflag:$0x1] =	stream.linear.gather [spmem:s22], $0x80, $0x38;
	[tilespmem:$0xA280] =	vst v63  }
0x117: {  	_ =	swait.ge [sflag:s30], $0x280  }
0x118: {  	[sflag:s30] =	ssyncset.done $0x0  }
0x119: {  	s6 =	simm.s32 $0x6780;
	s4 =	rddreg [dreg:$0x14];
	[sflag:s30] =	ssyncadd.s32 $0xFFFFFD80  }
0x11a: {  	[tilespmem:s6], [sflag:$0x1] =	stream.linear.gather [spmem:s4], $0x80, $0x38;
	[tilespmem:$0xA280] =	vst v63  }
0x11b: {  	s3 =	simm.s32 $0x6B80  }
0x11c: {  	[tilespmem:s3], [sflag:$0x1] =	stream.linear.gather [spmem:s23], $0x80, $0x38;
	[tilespmem:$0xA280] =	vst v63  }
0x11d: {  	s4 =	simm.s32 $0x6F80  }
0x11e: {  	[tilespmem:s4], [sflag:$0x1] =	stream.linear.gather [spmem:s24], $0x80, $0x38;
	[tilespmem:$0xA280] =	vst v63  }
0x11f: {  	s6 =	simm.s32 $0x7380  }
0x120: {  	[tilespmem:s6], [sflag:$0x1] =	stream.linear.gather [spmem:s25], $0x80, $0x38;
	[tilespmem:$0xA280] =	vst v63  }
0x121: {  	s2 =	simm.s32 $0x7780  }
0x122: {  	[tilespmem:s2], [sflag:$0x1] =	stream.linear.gather [spmem:s26], $0x80, $0x38;
	[tilespmem:$0xA280] =	vst v63  }
0x123: {  	s3 =	simm.s32 $0x0;
	_ =	swait.ge [sflag:s30], $0x280  }
0x124: {  	s1 =	sand.u32 $0x1C00, s3;
	s4 =	sand.u32 $0x70, s3;
	[sflag:s30] =	ssyncset.done $0x0  }
0x125: {  	s1 =	sor.u32 s4, s1;
	[sflag:s30] =	ssyncadd.s32 $0xFFFFFD80  }
0x126: {  	v2 =	vld [tilespmem:s1+$0x5080]  }
0x127: {  	v3 =	vld [tilespmem:s1+$0x5000];
	_ =	sdelay $0x1  }
0x128: {  	v4 =	vld [tilespmem:s1+$0x5100];
	_ =	sdelay $0x1  }
0x129: {  	v5 =	vld [tilespmem:s1+$0x5180]  }
0x12a: {  	v2 =	vadd.f32 v2, v3  }
0x12b: {  	v3 =	vld [tilespmem:s1+$0x5200]  }
0x12c: {  	v2 =	vadd.f32 v4, v2  }
0x12d: {  	v56 =	vld [tilespmem:s1+$0x5280]  }
0x12e: {  	v2 =	vadd.f32 v5, v2  }
0x12f: {  	v57 =	vld [tilespmem:s1+$0x5300]  }
0x130: {  	v2 =	vadd.f32 v3, v2  }
0x131: {  	v3 =	vld [tilespmem:s1+$0x5380]  }
0x132: {  	v2 =	vadd.f32 v56, v2  }
0x133: {  	v58 =	vld [tilespmem:s1+$0x6400]  }
0x134: {  	v2 =	vadd.f32 v57, v2  }
0x135: {  	v59 =	vld [tilespmem:s1+$0x6480]  }
0x136: {  	v2 =	vadd.f32 v3, v2  }
0x137: {  	v3 =	vld [tilespmem:s1+$0x6500]  }
0x138: {  	v2 =	vadd.f32 v58, v2  }
0x139: {  	v60 =	vld [tilespmem:s1+$0x6580]  }
0x13a: {  	v2 =	vadd.f32 v59, v2  }
0x13b: {  	v61 =	vld [tilespmem:s1+$0x6600]  }
0x13c: {  	v2 =	vadd.f32 v3, v2  }
0x13d: {  	v3 =	vld [tilespmem:s1+$0x6680]  }
0x13e: {  	v2 =	vadd.f32 v60, v2  }
0x13f: {  	v62 =	vld [tilespmem:s1+$0x6700]  }
0x140: {  	v2 =	vadd.f32 v61, v2  }
0x141: {  	v63 =	vld [tilespmem:s1+$0x6780]  }
0x142: {  	v2 =	vadd.f32 v3, v2;
	_ =	sdelay $0x1  }
0x143: {  	v2 =	vadd.f32 v62, v2;
	_ =	sdelay $0x1  }
0x144: {  	s3 =	simm.s32 $0x80;
	s6 =	simm.s32 $0x10;
	v2 =	vadd.f32 v63, v2  }
0x145: {  	s4 =	sand.u32 $0x1C00, s3;
	s2 =	sand.u32 $0x70, s6;
	s1 =	simm.s32 $0x7800  }
0x146: {  	s2 =	sor.u32 s2, s4;
	s4 =	simm.s32 $0x20;
	[tilespmem:s1+$0x0] =	vst v2  }
.LBB2_6:
0x147: {  	p0 =	sne.s32 s4, $0x270;
	v2 =	vld [tilespmem:s2+$0x5080]  }
0x148: {  	v3 =	vld [tilespmem:s2+$0x5000];
	_ =	sdelay $0x1  }
0x149: {  	v4 =	vld [tilespmem:s2+$0x5100];
	_ =	sdelay $0x1  }
0x14a: {  	v5 =	vld [tilespmem:s2+$0x5180]  }
0x14b: {  	v2 =	vadd.f32 v2, v3  }
0x14c: {  	v3 =	vld [tilespmem:s2+$0x5200]  }
0x14d: {  	v2 =	vadd.f32 v4, v2  }
0x14e: {  	v4 =	vld [tilespmem:s2+$0x5280]  }
0x14f: {  	v2 =	vadd.f32 v5, v2  }
0x150: {  	v5 =	vld [tilespmem:s2+$0x5300]  }
0x151: {  	v2 =	vadd.f32 v3, v2  }
0x152: {  	v3 =	vld [tilespmem:s2+$0x5380]  }
0x153: {  	v2 =	vadd.f32 v4, v2  }
0x154: {  	v4 =	vld [tilespmem:s2+$0x6400]  }
0x155: {  	v2 =	vadd.f32 v5, v2  }
0x156: {  	v5 =	vld [tilespmem:s2+$0x6480]  }
0x157: {  	v2 =	vadd.f32 v3, v2  }
0x158: {  	v3 =	vld [tilespmem:s2+$0x6500]  }
0x159: {  	v2 =	vadd.f32 v4, v2  }
0x15a: {  	v4 =	vld [tilespmem:s2+$0x6580]  }
0x15b: {  	v2 =	vadd.f32 v5, v2  }
0x15c: {  	v5 =	vld [tilespmem:s2+$0x6600]  }
0x15d: {  	v2 =	vadd.f32 v3, v2  }
0x15e: {  	v3 =	vld [tilespmem:s2+$0x6680]  }
0x15f: {  	v2 =	vadd.f32 v4, v2  }
0x160: {  	v4 =	vld [tilespmem:s2+$0x6700]  }
0x161: {  	v2 =	vadd.f32 v5, v2  }
0x162: {  	v5 =	vld [tilespmem:s2+$0x6780]  }
0x163: {  	v2 =	vadd.f32 v3, v2;
	_ =	sdelay $0x1  }
.Ltmp2:
0x164: {  	v2 =	vadd.f32 v4, v2;
	(pc) =	sbr.rel @p0 .LBB2_6-.Ltmp2, $4  }
0x165: {  	_ = 	snop  }
0x166: {  	s3 =	sadd.s32 $0x80, s3;
	v2 =	vadd.f32 v5, v2  }
0x167: {  	s1 =	sadd.s32 $0x10, s1;
	s6 =	sand.u32 $0x1C00, s3;
	s2 =	sand.u32 $0x70, s4  }
0x168: {  	s4 =	sadd.s32 $0x10, s4;
	s2 =	sor.u32 s2, s6;
	[tilespmem:s1+$0x0] =	vst v2  }
0x169: {  	v2 =	vld [tilespmem:s2+$0x5080]  }
0x16a: {  	v3 =	vld [tilespmem:s2+$0x5000];
	_ =	sdelay $0x1  }
0x16b: {  	v4 =	vld [tilespmem:s2+$0x5100];
	_ =	sdelay $0x1  }
0x16c: {  	v5 =	vld [tilespmem:s2+$0x5180]  }
0x16d: {  	v2 =	vadd.f32 v2, v3  }
0x16e: {  	v3 =	vld [tilespmem:s2+$0x5200]  }
0x16f: {  	v2 =	vadd.f32 v4, v2  }
0x170: {  	v56 =	vld [tilespmem:s2+$0x5280]  }
0x171: {  	v2 =	vadd.f32 v5, v2  }
0x172: {  	v57 =	vld [tilespmem:s2+$0x5300]  }
0x173: {  	v2 =	vadd.f32 v3, v2  }
0x174: {  	v3 =	vld [tilespmem:s2+$0x5380]  }
0x175: {  	v2 =	vadd.f32 v56, v2  }
0x176: {  	v58 =	vld [tilespmem:s2+$0x6400]  }
0x177: {  	v2 =	vadd.f32 v57, v2  }
0x178: {  	v59 =	vld [tilespmem:s2+$0x6480]  }
0x179: {  	v2 =	vadd.f32 v3, v2  }
0x17a: {  	v3 =	vld [tilespmem:s2+$0x6500]  }
0x17b: {  	v2 =	vadd.f32 v58, v2  }
0x17c: {  	v60 =	vld [tilespmem:s2+$0x6580]  }
0x17d: {  	v2 =	vadd.f32 v59, v2  }
0x17e: {  	v61 =	vld [tilespmem:s2+$0x6600]  }
0x17f: {  	v2 =	vadd.f32 v3, v2  }
0x180: {  	v3 =	vld [tilespmem:s2+$0x6680]  }
0x181: {  	v2 =	vadd.f32 v60, v2  }
0x182: {  	v62 =	vld [tilespmem:s2+$0x6700]  }
0x183: {  	v2 =	vadd.f32 v61, v2  }
0x184: {  	v63 =	vld [tilespmem:s2+$0x6780]  }
0x185: {  	v2 =	vadd.f32 v3, v2;
	_ =	sdelay $0x1  }
0x186: {  	v2 =	vadd.f32 v62, v2;
	_ =	sdelay $0x1  }
0x187: {  	v2 =	vadd.f32 v63, v2  }
0x188: {  	s1 =	sadd.s32 $0x10, s1  }
0x189: {  	s4 =	simm.s32 $0x100;
	s3 =	simm.s32 $0x7800;
	s2 =	rddreg [dreg:$0x15];
	[tilespmem:s1+$0x0] =	vst v2  }
0x18a: {  	[hbm4b:s2+s28] =	stream.strided.scatter [tilespmem:s3], [sflag:$0x1], $0x280, s4, s28, $0x38;
	[tilespmem:$0xA280] =	vst v63  }
0x18b: {  	_ =	swait.ge [sflag:s30], $0x280  }
0x18c: {  	s0 =	sadd.s32 $0x1, s0;
	s6 =	rddreg [dreg:$0x16]  }
0x18d: {  	p0 =	sne.s32 s0, s6  }
.Ltmp3:
0x18e: {  	_ = 	snop;
	(pc) =	sbr.rel @p0 .LBB2_1-.Ltmp3, $3  }
0x18f: {  	_ =	sdelay $0x1  }
0x190: {  	[sflag:s30] =	ssyncset.done $0x0  }
0x191: {  	[sflag:s30] =	ssyncadd.s32 $0xFFFFFD80  }
0x192: {  	_ =	sfence.sel $0x180000  }
0x193: {  	[bflag:$0x0] =	sbarrier.arrive $0xFFFF  }
0x194: {  	_ =	strace $0x90000047  }
0x195: {  	s0 =	stileid.u32;
	[bflag:$0x2] =	sbarrier.arrive $0xFFFF  }
0x196: {  	p0 =	sne.s32 s0, $0x0;
	s0 =	rddreg [dreg:$0x3]  }
0x197: {  	s0 =	sadd.s32 @!p0 $0x100000, s0  }
0x198: {  	[sflag:s0] =	ssyncadd.tile.s32 @!p0 $0x1;
	_ =	shalt  }
.Lfunc_end2:
_tile_overlayer_lowered:
.L_overlay_start_2:
0x199: {  	(tag) =	ssettag $0x2  }
0x19a: {  	s0 =	rddreg [dreg:$0x0];
	s2 =	stileid.u32  }
0x19b: {  	s1 =	rddreg [dreg:$0x1];
	p0 =	sne.s32 s2, $0x0  }
0x19c: {  	s3 =	rddreg [dreg:$0x2];
	[bflag:$0x3] =	sbarrier.arrive $0xFFFF;
	s2 =	simm.s32 @!p0 $0x1C01  }
0x19d: {  	[timem:s3], [sflag:s2] =	dma.local @!p0 [hbm:s0], s1  }
0x19e: {  	s0 =	simm.s32 @!p0 $0x1  }
0x19f: {  	_ =	swait.ge @!p0 [sflag:s0], s1  }
0x1a0: {  	s1 =	ssub.s32 @!p0 $0x0, s1;
	[sflag:s0] =	ssyncset.done @!p0 $0x0  }
0x1a1: {  	[sflag:s0] =	ssyncadd.s32 @!p0 s1  }
0x1a2: {  	[bflag:$0x3] =	sbarrier.arrive $0xFFFF  }
0x1a3: {  	_ =	shalt  }

// kernel: kernel.13.cloned.1.call-start
scs
__scs_entry_jumppad:
0x0: {  	(pc) =	sbr.rel $0x88, $3  }
0x1: {  	(tag) =	ssettag $0x0;
	lr =	simm.s32 $0x1  }
0x2: {  	[smem:$0x3F8F] =	sst lr;
	_ =	strace $0xD0000000  }
0x3: {  	_ = 	snop  }
0x4: {  	_ = 	snop  }
0x5: {  	_ = 	snop  }
0x6: {  	_ = 	snop  }
0x7: {  	_ = 	snop  }
__scs_overlays_trampoline_lowered:
0x8: {  	[smem:$0x3F9E] =	sst s0  }
0x9: {  	[smem:$0x3F9F] =	sst s1  }
0xa: {  	[smem:$0x3FA0] =	sst s2  }
0xb: {  	[smem:$0x3FA1] =	sst s3  }
0xc: {  	[smem:$0x3FA2] =	sst s4  }
0xd: {  	[smem:$0x3FA3] =	sst s5  }
0xe: {  	[smem:$0x3FA4] =	sst s6  }
0xf: {  	[smem:$0x3FA5] =	sst s7  }
0x10: {  	[smem:$0x3FA6] =	sst s8  }
0x11: {  	[smem:$0x3FA7] =	sst s9;
	s0 =	simm.s32 @!p0 $0x0  }
0x12: {  	s1 =	sld [smem:$0x3F8D];
	s0 =	simm.s32 @p0 $0x1  }
0x13: {  	[smem:$0x3FA8] =	sst s0;
	s0 =	simm.s32 @!p1 $0x0  }
0x14: {  	s2 =	sld [smem:$0x3F8C];
	s0 =	simm.s32 @p1 $0x1  }
0x15: {  	[smem:$0x3FA9] =	sst s0;
	s0 =	simm.s32 @!p2 $0x0  }
0x16: {  	s3 =	sld [smem:$0x3FDB];
	s0 =	simm.s32 @p2 $0x1  }
0x17: {  	s4 =	simm.s32 $0x1BF5;
	[smem:$0x3FAB] =	sst s0  }
0x18: {  	s0 =	sld [smem:$0x3F8E];
	_ =	swait.ge [sflag:s4], $0x0  }
0x19: {  	s7 =	sld [smem:$0x3F8F]  }
0x1a: {  	s8 =	sadd.s32 $0xFFFFE003, lr  }
0x1b: {  	s9 =	sadd.s32 $0xFFFFFEF7, lr;
	s5 =	simm.s32 $0xFFFFFFFF;
	p2 =	slt.u32 s8, $0xFFFFF086  }
0x1c: {  	p1 =	slt.u32 s9, $0xF7A;
	s5 =	simm.s32 @!p2 $0x0  }
0x1d: {  	s5 =	simm.s32 @p1 $0x1;
	p0 =	seq.s32 s7, s2  }
0x1e: {  	s7 =	smul.u32 @!p0 $0xF7A, s2;
	p2 =	seq.s32 @!p0 s5, $0x0  }
0x1f: {  	s9 =	smul.u32 $0xF7A, s1;
	s8 =	simm.s32 @!p0 $0x1BF5;
	p2 =	por !p2, p0  }
0x20: {  	[sflag:s8] =	ssyncset.s32 @!p0 $0xFFFFF086;
	s6 =	sadd.s32 @!p0 s3, s7;
	s7 =	simm.s32 @!p0 $0x108  }
0x21: {  	s3 =	sadd.s32 s3, s9;
	s6 =	sadd.s32 @!p0 $0x88, s6;
	s7 =	simm.s32 @p2 $0x1082  }
0x22: {  	[simem:s7], [sflag:s8] =	dma.local @!p0 [hbm:s6], $0xF7A  }
0x23: {  	s9 =	sor.u32 $0xD0000000, s2;
	s6 =	simm.s32 $0x108;
	_ =	swait.ge @!p0 [sflag:s8], $0x0  }
0x24: {  	s3 =	sadd.s32 $0x88, s3;
	s6 =	simm.s32 @!p1 $0x1082;
	[sflag:s4] =	ssyncset.s32 $0xFFFFF086  }
0x25: {  	[simem:s6], [sflag:s4] =	dma.local [hbm:s3], $0xF7A  }
0x26: {  	[smem:$0x3F8F] =	sst s1;
	(tag) =	ssettag s2;
	_ =	strace s9  }
0x27: {  	s1 =	sld [smem:$0x3F9F]  }
0x28: {  	s2 =	sld [smem:$0x3FA0]  }
0x29: {  	s4 =	sld [smem:$0x3FA2]  }
0x2a: {  	p0 =	seq.s32 s5, $0x0;
	s5 =	sld [smem:$0x3FA3]  }
0x2b: {  	s6 =	sld [smem:$0x3FA4]  }
0x2c: {  	s7 =	sld [smem:$0x3FA5]  }
0x2d: {  	s3 =	simm.s32 $0x108;
	s8 =	sld [smem:$0x3FA6]  }
0x2e: {  	s3 =	simm.s32 @!p0 $0x1082;
	s9 =	sld [smem:$0x3FA7]  }
0x2f: {  	lr =	sadd.s32 s0, s3;
	s0 =	sld [smem:$0x3F9E]  }
0x30: {  	s3 =	sld [smem:$0x3FA1]  }
0x31: {  	[smem:$0x3FAA] =	sst s10  }
0x32: {  	s10 =	sld [smem:$0x3FA8];
	_ =	sdelay $0x3  }
0x33: {  	p0 =	seq.s32 s10, $0x1;
	s10 =	sld [smem:$0x3FAA];
	_ =	sdelay $0x3  }
0x34: {  	[smem:$0x3FAA] =	sst s10  }
0x35: {  	s10 =	sld [smem:$0x3FA9];
	_ =	sdelay $0x3  }
0x36: {  	p1 =	seq.s32 s10, $0x1;
	s10 =	sld [smem:$0x3FAA];
	_ =	sdelay $0x3  }
0x37: {  	[smem:$0x3FAA] =	sst s10  }
0x38: {  	s10 =	sld [smem:$0x3FAB]  }
0x39: {  	_ = 	snop;
	(pc) =	sbr.ind lr, $3  }
0x3a: {  	_ = 	snop  }
0x3b: {  	_ = 	snop  }
0x3c: {  	p2 =	seq.s32 s10, $0x1;
	s10 =	sld [smem:$0x3FAA]  }
0x3d: {  	_ =	shalt  }
0x3e: {  	_ =	shalt  }
0x3f: {  	_ =	shalt  }
0x40: {  	_ =	shalt  }
0x41: {  	_ =	shalt  }
0x42: {  	_ =	shalt  }
0x43: {  	_ =	shalt  }
0x44: {  	_ =	shalt  }
0x45: {  	_ =	shalt  }
0x46: {  	_ =	shalt  }
0x47: {  	_ =	shalt  }
0x48: {  	_ =	shalt  }
0x49: {  	_ =	shalt  }
0x4a: {  	_ =	shalt  }
0x4b: {  	_ =	shalt  }
0x4c: {  	_ =	shalt  }
0x4d: {  	_ =	shalt  }
0x4e: {  	_ =	shalt  }
0x4f: {  	_ =	shalt  }
0x50: {  	_ =	shalt  }
0x51: {  	_ =	shalt  }
0x52: {  	_ =	shalt  }
0x53: {  	_ =	shalt  }
0x54: {  	_ =	shalt  }
0x55: {  	_ =	shalt  }
0x56: {  	_ =	shalt  }
0x57: {  	_ =	shalt  }
0x58: {  	_ =	shalt  }
0x59: {  	_ =	shalt  }
0x5a: {  	_ =	shalt  }
0x5b: {  	_ =	shalt  }
0x5c: {  	_ =	shalt  }
0x5d: {  	_ =	shalt  }
0x5e: {  	_ =	shalt  }
0x5f: {  	_ =	shalt  }
0x60: {  	_ =	shalt  }
0x61: {  	_ =	shalt  }
0x62: {  	_ =	shalt  }
0x63: {  	_ =	shalt  }
0x64: {  	_ =	shalt  }
0x65: {  	_ =	shalt  }
0x66: {  	_ =	shalt  }
0x67: {  	_ =	shalt  }
0x68: {  	_ =	shalt  }
0x69: {  	_ =	shalt  }
0x6a: {  	_ =	shalt  }
0x6b: {  	_ =	shalt  }
0x6c: {  	_ =	shalt  }
0x6d: {  	_ =	shalt  }
0x6e: {  	_ =	shalt  }
0x6f: {  	_ =	shalt  }
0x70: {  	_ =	shalt  }
0x71: {  	_ =	shalt  }
0x72: {  	_ =	shalt  }
0x73: {  	_ =	shalt  }
0x74: {  	_ =	shalt  }
0x75: {  	_ =	shalt  }
0x76: {  	_ =	shalt  }
0x77: {  	_ =	shalt  }
0x78: {  	_ =	shalt  }
0x79: {  	_ =	shalt  }
0x7a: {  	_ =	shalt  }
0x7b: {  	_ =	shalt  }
0x7c: {  	_ =	shalt  }
0x7d: {  	_ =	shalt  }
0x7e: {  	_ =	shalt  }
0x7f: {  	_ =	shalt  }
0x80: {  	_ =	shalt  }
0x81: {  	_ =	shalt  }
0x82: {  	_ =	shalt  }
0x83: {  	_ =	shalt  }
0x84: {  	_ =	shalt  }
0x85: {  	_ =	shalt  }
0x86: {  	_ =	shalt  }
0x87: {  	_ =	shalt  }
.Lfunc_end0:
.L_simem_size_0:
called_computation.1_lowered:
.L_overlay_start_0:
0x88: {  	s2 =	sld [smem:$0x3FD9]  }
0x89: {  	s3 =	sld [smem:$0x3FFE];
	_ =	sdelay $0x1  }
0x8a: {  	s1 =	srdreg.scid  }
0x8b: {  	s0 =	sand.u32 $0x1, s1  }
0x8c: {  	s17 =	sshll.u32 s0, $0xA;
	s2 =	sadd.s32 s3, s2  }
0x8d: {  	s2 =	sadd.s32 s2, s17  }
0x8e: {  	[smem:$0x3FB6] =	sst s2  }
0x8f: {  	_ = 	snop  }
0x90: {  	s2 =	sld [smem:$0x3FD0];
	(tm) =	ssettm $0x1  }
0x91: {  	s18 =	sld [smem:$0x3FFB];
	_ =	sdelay $0x3  }
0x92: {  	_ =	strace s18  }
0x93: {  	s3 =	sld [smem:$0x3FFC];
	_ =	sdelay $0x3  }
0x94: {  	_ =	strace s3  }
0x95: {  	s3 =	sld [smem:$0x3FFD];
	_ =	sdelay $0x3  }
0x96: {  	_ =	strace s3  }
0x97: {  	_ =	strace $0x8FFFFFFF  }
0x98: {  	s19 =	sld [smem:$0x3FDB];
	_ =	sdelay $0x1  }
0x99: {  	s4 =	simm.s32 $_scs_section_size  }
0x9a: {  	s5 =	simm.s32 $_size__tile_overlayer_lowered;
	s6 =	simm.s32 $_tile_overlayer_lowered  }
0x9b: {  	s22 =	simm.s32 $0x1BFF;
	s21 =	sshll.u32 s6, $0x1;
	s3 =	sadd.s32 s4, s19  }
0x9c: {  	s7 =	simm.s32 $0x0;
	s20 =	sshll.u32 s5, $0x1;
	s5 =	sadd.s32 s21, s3  }
0x9d: {  	[timem:s7], [sflag:s22] =	dma.local [hbm:s5], s20  }
0x9e: {  	_ =	swait.ge [sflag:s22], s20  }
0x9f: {  	s4 =	ssub.s32 $0x0, s20;
	[sflag:s22] =	ssyncset.done $0x0  }
0xa0: {  	[sflag:s22] =	ssyncadd.s32 s4;
	_ =	sdelay $0x1  }
0xa1: {  	s23 =	simm.s32 $0x1B8B  }
0xa2: {  	_ =	swait.ge [sflag:s23], $0x1  }
0xa3: {  	[sflag:s23] =	ssyncset.done $0x0  }
0xa4: {  	s25 =	simm.s32 $0x1B8E;
	s24 =	sld [smem:$0x3FFE];
	[sflag:s23] =	ssyncadd.s32 $0xFFFFFFFF  }
0xa5: {  	s26 =	simm.s32 $execute0_lowered;
	[smem:$0x3FD2] =	sst s25  }
0xa6: {  	s5 =	sshll.u32 s26, $0x1;
	_ =	strace $0x80000049;
	[dreg:$0x1] =	wrdreg $0xFFFFFFFF  }
0xa7: {  	s28 =	simm.s32 $_size_execute0_lowered;
	s3 =	sadd.s32 s3, s5;
	[dreg:$0x0] =	wrdreg $0x0  }
0xa8: {  	s5 =	sshll.u32 s28, $0x1;
	[dreg:$0x2] =	wrdreg s3  }
0xa9: {  	[dreg:$0x3] =	wrdreg s5  }
0xaa: {  	[dreg:$0x4] =	wrdreg $0xC0  }
0xab: {  	_ =	task [dreg:s7], $0x5FFFF  }
0xac: {  	[dreg:$0x1] =	wrdreg $0xFFFFFFFF  }
0xad: {  	[dreg:$0x0] =	wrdreg $0x60  }
0xae: {  	[dreg:$0x2] =	wrdreg s24  }
0xaf: {  	[dreg:$0x3] =	wrdreg s2  }
0xb0: {  	[dreg:$0x4] =	wrdreg $0xD0000  }
0xb1: {  	[dreg:$0x5] =	wrdreg $0x9  }
0xb2: {  	_ =	task.clear_ibuf [dreg:s7], $0x6FFFF;
	_ =	strace $0x90000049  }
0xb3: {  	s29 =	simm.s32 $0x9;
	_ =	strace $0x8000004B  }
0xb4: {  	_ =	swait.ge [sflag:s29], $0x1  }
0xb5: {  	[sflag:s29] =	ssyncadd.s32 $0xFFFFFFFF  }
0xb6: {  	_ =	strace $0x9000004B  }
0xb7: {  	_ =	sfence  }
0xb8: {  	s30 =	sld [smem:$0x0];
	_ =	sdelay $0x2  }
0xb9: {  	s31 =	sshll.u32 s1, $0xD;
	s1 =	sshrl.u32 s1, $0x2  }
0xba: {  	s3 =	sand.u32 $0x4000, s31;
	s1 =	sadd.s32 s1, s30  }
0xbb: {  	s0 =	sor.u32 s3, s0;
	s1 =	sshll.u32 s1, $0x11  }
0xbc: {  	s0 =	sor.u32 s1, s0  }
0xbd: {  	s0 =	sadd.s32 $0x8F2B, s0  }
0xbe: {  	[sflag:s0] =	ssyncadd.remote.s32 $0x1  }
0xbf: {  	_ =	sfence.sel $0xFFFF  }
0xc0: {  	[dreg:$0x0] =	wrdreg $0xFFFFFFFF;
	(pc) =	sbr.abs _section_cstart, $3  }
0xc1: {  	[dreg:$0x1] =	wrdreg $0xFFFFFFFF  }
0xc2: {  	_ =	task.clear_ibuf [dreg:s7], $0x2FFFF;
	_ =	strace $0x9FFFFFFF  }
0xc3: {  	(tm) =	ssettm $0x7FFFFFFF  }
tec
execute0_lowered:
.L_overlay_start_1:
0x0: {  	(tag) =	ssettag $0x1  }
0x1: {  	s0 =	srdreg.scid  }
0x2: {  	s1 =	rddreg [dreg:$0x0];
	s8 =	stileid.u32  }
0x3: {  	s2 =	rddreg [dreg:$0x1];
	s14 =	simm.s32 $0x5000;
	s15 =	simm.s32 $0x5  }
0x4: {  	s17 =	simm.s32 $0x80;
	s18 =	simm.s32 $0x7000;
	s20 =	simm.s32 $0x9000  }
0x5: {  	s22 =	simm.s32 $0xB000;
	s23 =	simm.s32 $0x1;
	s28 =	simm.s32 $0x4E00  }
0x6: {  	s29 =	simm.s32 $0x4E80;
	s30 =	simm.s32 $0x4F00;
	s0 =	sand.u32 $0x1, s0  }
0x7: {  	s31 =	simm.s32 $0x4F80;
	s7 =	smul.u32 $0x14000, s8;
	s3 =	sshll.u32 s0, $0x4  }
0x8: {  	s6 =	smul.u32 $0x140000, s0;
	s0 =	ssub.s32 $0x2, s0;
	s4 =	sor.u32 s8, s3  }
0x9: {  	s3 =	rddreg [dreg:$0x2];
	s8 =	smul.u32 $0x28000, s8;
	s25 =	sshrl.u32 s0, $0x1  }
0xa: {  	s5 =	smul.u32 $0x500, s4;
	s4 =	simm.s32 $0x0;
	s24 =	sadd.s32 s7, s6  }
0xb: {  	s0 =	ssub.s32 s0, s25;
	s25 =	simm.s32 $0x3;
	[smem:$0x7FF] =	sst s4  }
0xc: {  	s26 =	sshrl.u32 s8, $0x2;
	s13 =	smax.u32 s0, $0x1;
	s0 =	simm.s32 $0x8  }
0xd: {  	_ =	strace $0x8000004A;
	s11 =	sadd.s32 s5, s1;
	s5 =	sshrl.u32 s24, $0x3  }
0xe: {  	s24 =	simm.s32 $0x2;
	s1 =	sadd.s32 s5, s1;
	s5 =	sadd.s32 s26, s3  }
0xf: {  	s10 =	sadd.s32 $0x1A800, s11;
	s11 =	sadd.s32 $0x5E00, s11;
	s26 =	simm.s32 $0x4  }
0x10: {  	s6 =	sadd.s32 $0x2000, s5;
	s7 =	sadd.s32 $0x4000, s5;
	s8 =	sadd.s32 $0x6000, s5  }
0x11: {  	v0 =	vimm.f32 $0.0e+00;
	s9 =	sadd.s32 $0x8000, s5;
	s12 =	sadd.s32 $0x4BA00, s1;
	s1 =	simm.s32 $0x10  }
.LBB2_1:
0x12: {  	s19 =	simm.s32 $0x100;
	s16 =	simm.s32 $0x0  }
.LBB2_2:
0x13: {  	p0 =	sne.s32 s19, $0x7F00;
	[tilespmem:s16+$0x5030] =	vst v0;
	s21 =	smov.u32 s19;
	s19 =	sadd.s32 $0x100, s19  }
.Ltmp0:
0x14: {  	[tilespmem:s16+$0x5020] =	vst v0;
	(pc) =	sbr.rel @p0 .LBB2_2-.Ltmp0, $3  }
0x15: {  	[tilespmem:s16+$0x5000] =	vst v0  }
0x16: {  	[tilespmem:s16+$0x5010] =	vst v0;
	_ =	sdelay $0x1  }
0x17: {  	s16 =	sshra.s32 s21, $0x2  }
0x18: {  	[tilespmem:s16+$0x5030] =	vst v0  }
0x19: {  	[tilespmem:s16+$0x5020] =	vst v0  }
0x1a: {  	[tilespmem:s16+$0x5000] =	vst v0  }
0x1b: {  	[tilespmem:s16+$0x5010] =	vst v0  }
0x1c: {  	[spmem:s5] =	stream.linear.scatter [tilespmem:s14], [sflag:$0x5], $0x2000, $0x38;
	[tilespmem:$0x17000] =	vst v63  }
0x1d: {  	_ =	swait.ge [sflag:s15], $0x2000  }
0x1e: {  	[sflag:s15] =	ssyncset.done $0x0  }
0x1f: {  	[sflag:s15] =	ssyncadd.s32 $0xFFFFE000  }
0x20: {  	[spmem:s6] =	stream.linear.scatter [tilespmem:s14], [sflag:$0x5], $0x2000, $0x38;
	[tilespmem:$0x17000] =	vst v63  }
0x21: {  	_ =	swait.ge [sflag:s15], $0x2000  }
0x22: {  	[sflag:s15] =	ssyncset.done $0x0  }
0x23: {  	[sflag:s15] =	ssyncadd.s32 $0xFFFFE000  }
0x24: {  	[spmem:s7] =	stream.linear.scatter [tilespmem:s14], [sflag:$0x5], $0x2000, $0x38;
	[tilespmem:$0x17000] =	vst v63  }
0x25: {  	_ =	swait.ge [sflag:s15], $0x2000  }
0x26: {  	[sflag:s15] =	ssyncset.done $0x0  }
0x27: {  	[sflag:s15] =	ssyncadd.s32 $0xFFFFE000  }
0x28: {  	[spmem:s8] =	stream.linear.scatter [tilespmem:s14], [sflag:$0x5], $0x2000, $0x38;
	[tilespmem:$0x17000] =	vst v63  }
0x29: {  	_ =	swait.ge [sflag:s15], $0x2000  }
0x2a: {  	[sflag:s15] =	ssyncset.done $0x0  }
0x2b: {  	[sflag:s15] =	ssyncadd.s32 $0xFFFFE000  }
0x2c: {  	[spmem:s9] =	stream.linear.scatter [tilespmem:s14], [sflag:$0x5], $0x2000, $0x38;
	[tilespmem:$0x17000] =	vst v63  }
0x2d: {  	_ =	swait.ge [sflag:s15], $0x2000  }
0x2e: {  	[sflag:s15] =	ssyncset.done $0x0  }
0x2f: {  	s21 =	simm.s32 $0x0;
	[sflag:s15] =	ssyncadd.s32 $0xFFFFE000  }
0x30: {  	[tilespmem:s21], [sflag:$0x5] =	stream.linear.gather [hbm4b:s10+s21], $0x2800, $0x38;
	[tilespmem:$0x17000] =	vst v63  }
0x31: {  	_ =	swait.ge [sflag:s15], $0x2800  }
0x32: {  	[sflag:s15] =	ssyncset.done $0x0  }
0x33: {  	s19 =	simm.s32 $0x2800;
	[sflag:s15] =	ssyncadd.s32 $0xFFFFD800  }
0x34: {  	[tilespmem:s19], [sflag:$0x5] =	stream.linear.gather [hbm4b:s11+s21], $0x2800, $0x38;
	[tilespmem:$0x17000] =	vst v63  }
0x35: {  	_ =	swait.ge [sflag:s15], $0x2800  }
0x36: {  	[sflag:s15] =	ssyncset.done $0x0  }
0x37: {  	[sflag:s15] =	ssyncadd.s32 $0xFFFFD800  }
0x38: {  	[bflag:$0x0] =	sbarrier.arrive $0xFFFF  }
0x39: {  	[tilespmem:s14], [sflag:$0x1] =	stream.indirect.gather [hbm4b:s2+s17], $0x40, s21, s17, $0xb8;
	[tilespmem:$0x17000] =	vst v63  }
0x3a: {  	_ = 	snop  }
0x3b: {  	[tilespmem:s18], [sflag:$0x2] =	stream.indirect.gather [hbm4b:s2+s17], $0x40, s17, s17, $0xb8;
	[tilespmem:$0x17000] =	vst v63  }
0x3c: {  	s21 =	simm.s32 $0x100  }
0x3d: {  	[tilespmem:s20], [sflag:$0x3] =	stream.indirect.gather [hbm4b:s2+s17], $0x40, s21, s17, $0xb8;
	[tilespmem:$0x17000] =	vst v63  }
0x3e: {  	s19 =	simm.s32 $0x180  }
0x3f: {  	[tilespmem:s22], [sflag:$0x4] =	stream.indirect.gather [hbm4b:s2+s17], $0x40, s19, s17, $0xb8;
	[tilespmem:$0x17000] =	vst v63  }
0x40: {  	_ =	swait.ge [sflag:s23], $0x2000  }
0x41: {  	[sflag:s23] =	ssyncset.done $0x0  }
0x42: {  	s21 =	simm.s32 $0x2800;
	[sflag:s23] =	ssyncadd.s32 $0xFFFFE000  }
0x43: {  	[spmem:s3] =	stream.indirect.scatter.add.f32 [tilespmem:s14], [sflag:$0x5], $0x40, s21, s17, $0xb8;
	[tilespmem:$0x17000] =	vst v63  }
0x44: {  	_ =	swait.ge [sflag:s15], $0x2000  }
0x45: {  	[sflag:s15] =	ssyncset.done $0x0  }
0x46: {  	s19 =	simm.s32 $0x200;
	[sflag:s15] =	ssyncadd.s32 $0xFFFFE000  }
0x47: {  	[tilespmem:s14], [sflag:$0x1] =	stream.indirect.gather [hbm4b:s2+s17], $0x40, s19, s17, $0xb8;
	[tilespmem:$0x17000] =	vst v63  }
0x48: {  	_ =	swait.ge [sflag:s24], $0x2000  }
0x49: {  	[sflag:s24] =	ssyncset.done $0x0  }
0x4a: {  	s21 =	simm.s32 $0x2880;
	[sflag:s24] =	ssyncadd.s32 $0xFFFFE000  }
0x4b: {  	[spmem:s3] =	stream.indirect.scatter.add.f32 [tilespmem:s18], [sflag:$0x5], $0x40, s21, s17, $0xb8;
	[tilespmem:$0x17000] =	vst v63  }
0x4c: {  	_ =	swait.ge [sflag:s15], $0x2000  }
0x4d: {  	[sflag:s15] =	ssyncset.done $0x0  }
0x4e: {  	s19 =	simm.s32 $0x280;
	[sflag:s15] =	ssyncadd.s32 $0xFFFFE000  }
0x4f: {  	[tilespmem:s18], [sflag:$0x2] =	stream.indirect.gather [hbm4b:s2+s17], $0x40, s19, s17, $0xb8;
	[tilespmem:$0x17000] =	vst v63  }
0x50: {  	_ =	swait.ge [sflag:s25], $0x2000  }
0x51: {  	[sflag:s25] =	ssyncset.done $0x0  }
0x52: {  	s21 =	simm.s32 $0x2900;
	[sflag:s25] =	ssyncadd.s32 $0xFFFFE000  }
0x53: {  	[spmem:s3] =	stream.indirect.scatter.add.f32 [tilespmem:s20], [sflag:$0x5], $0x40, s21, s17, $0xb8;
	[tilespmem:$0x17000] =	vst v63  }
0x54: {  	_ =	swait.ge [sflag:s15], $0x2000  }
0x55: {  	[sflag:s15] =	ssyncset.done $0x0  }
0x56: {  	s19 =	simm.s32 $0x300;
	[sflag:s15] =	ssyncadd.s32 $0xFFFFE000  }
0x57: {  	[tilespmem:s20], [sflag:$0x3] =	stream.indirect.gather [hbm4b:s2+s17], $0x40, s19, s17, $0xb8;
	[tilespmem:$0x17000] =	vst v63  }
0x58: {  	_ =	swait.ge [sflag:s26], $0x2000  }
0x59: {  	[sflag:s26] =	ssyncset.done $0x0  }
0x5a: {  	s21 =	simm.s32 $0x2980;
	[sflag:s26] =	ssyncadd.s32 $0xFFFFE000  }
0x5b: {  	[spmem:s3] =	stream.indirect.scatter.add.f32 [tilespmem:s22], [sflag:$0x5], $0x40, s21, s17, $0xb8;
	[tilespmem:$0x17000] =	vst v63  }
0x5c: {  	_ =	swait.ge [sflag:s15], $0x2000  }
0x5d: {  	[sflag:s15] =	ssyncset.done $0x0  }
0x5e: {  	s16 =	simm.s32 $0x800;
	s19 =	simm.s32 $0x380;
	[sflag:s15] =	ssyncadd.s32 $0xFFFFE000  }
.LBB2_4:
0x5f: {  	[tilespmem:s22], [sflag:$0x4] =	stream.indirect.gather [hbm4b:s2+s17], $0x40, s19, s17, $0xb8;
	[tilespmem:$0x17000] =	vst v63  }
0x60: {  	s19 =	smov.u32 s16  }
0x61: {  	p0 =	sne.s32 s16, $0x9000;
	s16 =	sadd.s32 $0x800, s16;
	_ =	swait.ge [sflag:s23], $0x2000  }
0x62: {  	s19 =	sshra.s32 s19, $0x2;
	[sflag:s23] =	ssyncset.done $0x0  }
0x63: {  	s21 =	sadd.s32 $0x2800, s19;
	[sflag:s23] =	ssyncadd.s32 $0xFFFFE000  }
0x64: {  	[spmem:s3] =	stream.indirect.scatter.add.f32 [tilespmem:s14], [sflag:$0x5], $0x40, s21, s17, $0xb8;
	[tilespmem:$0x17000] =	vst v63  }
0x65: {  	_ =	swait.ge [sflag:s15], $0x2000  }
0x66: {  	[sflag:s15] =	ssyncset.done $0x0  }
0x67: {  	s21 =	sadd.s32 $0x200, s19;
	[sflag:s15] =	ssyncadd.s32 $0xFFFFE000  }
0x68: {  	[tilespmem:s14], [sflag:$0x1] =	stream.indirect.gather [hbm4b:s2+s17], $0x40, s21, s17, $0xb8;
	[tilespmem:$0x17000] =	vst v63  }
0x69: {  	_ =	swait.ge [sflag:s24], $0x2000  }
0x6a: {  	[sflag:s24] =	ssyncset.done $0x0  }
0x6b: {  	s21 =	sadd.s32 $0x2880, s19;
	[sflag:s24] =	ssyncadd.s32 $0xFFFFE000  }
0x6c: {  	[spmem:s3] =	stream.indirect.scatter.add.f32 [tilespmem:s18], [sflag:$0x5], $0x40, s21, s17, $0xb8;
	[tilespmem:$0x17000] =	vst v63  }
0x6d: {  	_ =	swait.ge [sflag:s15], $0x2000  }
0x6e: {  	[sflag:s15] =	ssyncset.done $0x0  }
0x6f: {  	s21 =	sadd.s32 $0x280, s19;
	[sflag:s15] =	ssyncadd.s32 $0xFFFFE000  }
0x70: {  	[tilespmem:s18], [sflag:$0x2] =	stream.indirect.gather [hbm4b:s2+s17], $0x40, s21, s17, $0xb8;
	[tilespmem:$0x17000] =	vst v63  }
0x71: {  	_ =	swait.ge [sflag:s25], $0x2000  }
0x72: {  	[sflag:s25] =	ssyncset.done $0x0  }
0x73: {  	s21 =	sadd.s32 $0x2900, s19;
	[sflag:s25] =	ssyncadd.s32 $0xFFFFE000  }
0x74: {  	[spmem:s3] =	stream.indirect.scatter.add.f32 [tilespmem:s20], [sflag:$0x5], $0x40, s21, s17, $0xb8;
	[tilespmem:$0x17000] =	vst v63  }
0x75: {  	_ =	swait.ge [sflag:s15], $0x2000  }
0x76: {  	[sflag:s15] =	ssyncset.done $0x0  }
0x77: {  	s21 =	sadd.s32 $0x300, s19;
	[sflag:s15] =	ssyncadd.s32 $0xFFFFE000  }
0x78: {  	[tilespmem:s20], [sflag:$0x3] =	stream.indirect.gather [hbm4b:s2+s17], $0x40, s21, s17, $0xb8;
	[tilespmem:$0x17000] =	vst v63  }
0x79: {  	_ =	swait.ge [sflag:s26], $0x2000  }
0x7a: {  	[sflag:s26] =	ssyncset.done $0x0  }
.Ltmp1:
0x7b: {  	s21 =	sadd.s32 $0x2980, s19;
	[sflag:s26] =	ssyncadd.s32 $0xFFFFE000;
	(pc) =	sbr.rel @p0 .LBB2_4-.Ltmp1, $4  }
0x7c: {  	[spmem:s3] =	stream.indirect.scatter.add.f32 [tilespmem:s22], [sflag:$0x5], $0x40, s21, s17, $0xb8;
	[tilespmem:$0x17000] =	vst v63  }
0x7d: {  	_ =	swait.ge [sflag:s15], $0x2000  }
0x7e: {  	[sflag:s15] =	ssyncset.done $0x0  }
0x7f: {  	s19 =	sadd.s32 $0x380, s19;
	[sflag:s15] =	ssyncadd.s32 $0xFFFFE000  }
0x80: {  	[tilespmem:s22], [sflag:$0x4] =	stream.indirect.gather [hbm4b:s2+s17], $0x40, s19, s17, $0xb8;
	[tilespmem:$0x17000] =	vst v63  }
0x81: {  	_ =	swait.ge [sflag:s23], $0x2000  }
0x82: {  	[sflag:s23] =	ssyncset.done $0x0  }
0x83: {  	[sflag:s23] =	ssyncadd.s32 $0xFFFFE000  }
0x84: {  	[spmem:s3] =	stream.indirect.scatter.add.f32 [tilespmem:s14], [sflag:$0x5], $0x40, s28, s17, $0xb8;
	[tilespmem:$0x17000] =	vst v63  }
0x85: {  	_ =	swait.ge [sflag:s15], $0x2000  }
0x86: {  	[sflag:s15] =	ssyncset.done $0x0  }
0x87: {  	[sflag:s15] =	ssyncadd.s32 $0xFFFFE000  }
0x88: {  	_ =	swait.ge [sflag:s24], $0x2000  }
0x89: {  	[sflag:s24] =	ssyncset.done $0x0  }
0x8a: {  	[sflag:s24] =	ssyncadd.s32 $0xFFFFE000  }
0x8b: {  	[spmem:s3] =	stream.indirect.scatter.add.f32 [tilespmem:s18], [sflag:$0x5], $0x40, s29, s17, $0xb8;
	[tilespmem:$0x17000] =	vst v63  }
0x8c: {  	_ =	swait.ge [sflag:s15], $0x2000  }
0x8d: {  	[sflag:s15] =	ssyncset.done $0x0  }
0x8e: {  	[sflag:s15] =	ssyncadd.s32 $0xFFFFE000  }
0x8f: {  	_ =	swait.ge [sflag:s25], $0x2000  }
0x90: {  	[sflag:s25] =	ssyncset.done $0x0  }
0x91: {  	[sflag:s25] =	ssyncadd.s32 $0xFFFFE000  }
0x92: {  	[spmem:s3] =	stream.indirect.scatter.add.f32 [tilespmem:s20], [sflag:$0x5], $0x40, s30, s17, $0xb8;
	[tilespmem:$0x17000] =	vst v63  }
0x93: {  	_ =	swait.ge [sflag:s15], $0x2000  }
0x94: {  	[sflag:s15] =	ssyncset.done $0x0  }
0x95: {  	[sflag:s15] =	ssyncadd.s32 $0xFFFFE000  }
0x96: {  	_ =	swait.ge [sflag:s26], $0x2000  }
0x97: {  	[sflag:s26] =	ssyncset.done $0x0  }
0x98: {  	[sflag:s26] =	ssyncadd.s32 $0xFFFFE000  }
0x99: {  	[spmem:s3] =	stream.indirect.scatter.add.f32 [tilespmem:s22], [sflag:$0x5], $0x40, s31, s17, $0xb8;
	[tilespmem:$0x17000] =	vst v63  }
0x9a: {  	s16 =	stileid.u32;
	_ =	swait.ge [sflag:s15], $0x2000  }
0x9b: {  	s21 =	sshrl.u32 s5, $0x3;
	s4 =	sadd.s32 $0x1, s4;
	[sflag:s15] =	ssyncset.done $0x0  }
0x9c: {  	s16 =	sshll.u32 s16, $0x6;
	p0 =	sne.s32 s4, s13;
	[sflag:s15] =	ssyncadd.s32 $0xFFFFE000  }
.Ltmp2:
0x9d: {  	s16 =	sor.u32 $0x1C05, s16;
	[bflag:$0x0] =	sbarrier.arrive $0xFFFF;
	(pc) =	sbr.rel @p0 .LBB2_1-.Ltmp2, $4  }
0x9e: {  	[hbm:s12@s1], [sflag:s16] =	dma.strided [spmem:s21@s0], $0x1400, s23, $0x8   }
0x9f: {  	_ =	swait.ge [sflag:s15], $0x1400  }
0xa0: {  	[sflag:s15] =	ssyncset.done $0x0  }
0xa1: {  	[sflag:s15] =	ssyncadd.s32 $0xFFFFEC00  }
0xa2: {  	_ =	sfence.sel $0x180000  }
0xa3: {  	[bflag:$0x0] =	sbarrier.arrive $0xFFFF  }
0xa4: {  	_ =	strace $0x9000004A  }
0xa5: {  	s0 =	stileid.u32;
	[bflag:$0x2] =	sbarrier.arrive $0xFFFF  }
0xa6: {  	p0 =	sne.s32 s0, $0x0;
	s0 =	rddreg [dreg:$0x3]  }
0xa7: {  	s0 =	sadd.s32 @!p0 $0x100000, s0  }
0xa8: {  	[sflag:s0] =	ssyncadd.tile.s32 @!p0 $0x1;
	_ =	shalt  }
.Lfunc_end2:
_tile_overlayer_lowered:
.L_overlay_start_2:
0xa9: {  	(tag) =	ssettag $0x2  }
0xaa: {  	s0 =	rddreg [dreg:$0x0];
	s2 =	stileid.u32  }
0xab: {  	s1 =	rddreg [dreg:$0x1];
	p0 =	sne.s32 s2, $0x0  }
0xac: {  	s3 =	rddreg [dreg:$0x2];
	[bflag:$0x3] =	sbarrier.arrive $0xFFFF;
	s2 =	simm.s32 @!p0 $0x1C05  }
0xad: {  	[timem:s3], [sflag:s2] =	dma.local @!p0 [hbm:s0], s1  }
0xae: {  	s0 =	simm.s32 @!p0 $0x5  }
0xaf: {  	_ =	swait.ge @!p0 [sflag:s0], s1  }
0xb0: {  	s1 =	ssub.s32 @!p0 $0x0, s1;
	[sflag:s0] =	ssyncset.done @!p0 $0x0  }
0xb1: {  	[sflag:s0] =	ssyncadd.s32 @!p0 s1  }
0xb2: {  	[bflag:$0x3] =	sbarrier.arrive $0xFFFF  }
0xb3: {  	_ =	shalt  }

// kernel: kernel.16.cloned.1.call-start
scs
__scs_entry_jumppad:
0x0: {  	(pc) =	sbr.rel $0x88, $3  }
0x1: {  	(tag) =	ssettag $0x0;
	lr =	simm.s32 $0x1  }
0x2: {  	[smem:$0x3F8F] =	sst lr;
	_ =	strace $0xD0000000  }
0x3: {  	_ = 	snop  }
0x4: {  	_ = 	snop  }
0x5: {  	_ = 	snop  }
0x6: {  	_ = 	snop  }
0x7: {  	_ = 	snop  }
__scs_overlays_trampoline_lowered:
0x8: {  	[smem:$0x3F9E] =	sst s0  }
0x9: {  	[smem:$0x3F9F] =	sst s1  }
0xa: {  	[smem:$0x3FA0] =	sst s2  }
0xb: {  	[smem:$0x3FA1] =	sst s3  }
0xc: {  	[smem:$0x3FA2] =	sst s4  }
0xd: {  	[smem:$0x3FA3] =	sst s5  }
0xe: {  	[smem:$0x3FA4] =	sst s6  }
0xf: {  	[smem:$0x3FA5] =	sst s7  }
0x10: {  	[smem:$0x3FA6] =	sst s8  }
0x11: {  	[smem:$0x3FA7] =	sst s9;
	s0 =	simm.s32 @!p0 $0x0  }
0x12: {  	s1 =	sld [smem:$0x3F8D];
	s0 =	simm.s32 @p0 $0x1  }
0x13: {  	[smem:$0x3FA8] =	sst s0;
	s0 =	simm.s32 @!p1 $0x0  }
0x14: {  	s2 =	sld [smem:$0x3F8C];
	s0 =	simm.s32 @p1 $0x1  }
0x15: {  	[smem:$0x3FA9] =	sst s0;
	s0 =	simm.s32 @!p2 $0x0  }
0x16: {  	s3 =	sld [smem:$0x3FDB];
	s0 =	simm.s32 @p2 $0x1  }
0x17: {  	s4 =	simm.s32 $0x1BF5;
	[smem:$0x3FAB] =	sst s0  }
0x18: {  	s0 =	sld [smem:$0x3F8E];
	_ =	swait.ge [sflag:s4], $0x0  }
0x19: {  	s7 =	sld [smem:$0x3F8F]  }
0x1a: {  	s8 =	sadd.s32 $0xFFFFE003, lr  }
0x1b: {  	s9 =	sadd.s32 $0xFFFFFEF7, lr;
	s5 =	simm.s32 $0xFFFFFFFF;
	p2 =	slt.u32 s8, $0xFFFFF086  }
0x1c: {  	p1 =	slt.u32 s9, $0xF7A;
	s5 =	simm.s32 @!p2 $0x0  }
0x1d: {  	s5 =	simm.s32 @p1 $0x1;
	p0 =	seq.s32 s7, s2  }
0x1e: {  	s7 =	smul.u32 @!p0 $0xF7A, s2;
	p2 =	seq.s32 @!p0 s5, $0x0  }
0x1f: {  	s9 =	smul.u32 $0xF7A, s1;
	s8 =	simm.s32 @!p0 $0x1BF5;
	p2 =	por !p2, p0  }
0x20: {  	[sflag:s8] =	ssyncset.s32 @!p0 $0xFFFFF086;
	s6 =	sadd.s32 @!p0 s3, s7;
	s7 =	simm.s32 @!p0 $0x108  }
0x21: {  	s3 =	sadd.s32 s3, s9;
	s6 =	sadd.s32 @!p0 $0x88, s6;
	s7 =	simm.s32 @p2 $0x1082  }
0x22: {  	[simem:s7], [sflag:s8] =	dma.local @!p0 [hbm:s6], $0xF7A  }
0x23: {  	s9 =	sor.u32 $0xD0000000, s2;
	s6 =	simm.s32 $0x108;
	_ =	swait.ge @!p0 [sflag:s8], $0x0  }
0x24: {  	s3 =	sadd.s32 $0x88, s3;
	s6 =	simm.s32 @!p1 $0x1082;
	[sflag:s4] =	ssyncset.s32 $0xFFFFF086  }
0x25: {  	[simem:s6], [sflag:s4] =	dma.local [hbm:s3], $0xF7A  }
0x26: {  	[smem:$0x3F8F] =	sst s1;
	(tag) =	ssettag s2;
	_ =	strace s9  }
0x27: {  	s1 =	sld [smem:$0x3F9F]  }
0x28: {  	s2 =	sld [smem:$0x3FA0]  }
0x29: {  	s4 =	sld [smem:$0x3FA2]  }
0x2a: {  	p0 =	seq.s32 s5, $0x0;
	s5 =	sld [smem:$0x3FA3]  }
0x2b: {  	s6 =	sld [smem:$0x3FA4]  }
0x2c: {  	s7 =	sld [smem:$0x3FA5]  }
0x2d: {  	s3 =	simm.s32 $0x108;
	s8 =	sld [smem:$0x3FA6]  }
0x2e: {  	s3 =	simm.s32 @!p0 $0x1082;
	s9 =	sld [smem:$0x3FA7]  }
0x2f: {  	lr =	sadd.s32 s0, s3;
	s0 =	sld [smem:$0x3F9E]  }
0x30: {  	s3 =	sld [smem:$0x3FA1]  }
0x31: {  	[smem:$0x3FAA] =	sst s10  }
0x32: {  	s10 =	sld [smem:$0x3FA8];
	_ =	sdelay $0x3  }
0x33: {  	p0 =	seq.s32 s10, $0x1;
	s10 =	sld [smem:$0x3FAA];
	_ =	sdelay $0x3  }
0x34: {  	[smem:$0x3FAA] =	sst s10  }
0x35: {  	s10 =	sld [smem:$0x3FA9];
	_ =	sdelay $0x3  }
0x36: {  	p1 =	seq.s32 s10, $0x1;
	s10 =	sld [smem:$0x3FAA];
	_ =	sdelay $0x3  }
0x37: {  	[smem:$0x3FAA] =	sst s10  }
0x38: {  	s10 =	sld [smem:$0x3FAB]  }
0x39: {  	_ = 	snop;
	(pc) =	sbr.ind lr, $3  }
0x3a: {  	_ = 	snop  }
0x3b: {  	_ = 	snop  }
0x3c: {  	p2 =	seq.s32 s10, $0x1;
	s10 =	sld [smem:$0x3FAA]  }
0x3d: {  	_ =	shalt  }
0x3e: {  	_ =	shalt  }
0x3f: {  	_ =	shalt  }
0x40: {  	_ =	shalt  }
0x41: {  	_ =	shalt  }
0x42: {  	_ =	shalt  }
0x43: {  	_ =	shalt  }
0x44: {  	_ =	shalt  }
0x45: {  	_ =	shalt  }
0x46: {  	_ =	shalt  }
0x47: {  	_ =	shalt  }
0x48: {  	_ =	shalt  }
0x49: {  	_ =	shalt  }
0x4a: {  	_ =	shalt  }
0x4b: {  	_ =	shalt  }
0x4c: {  	_ =	shalt  }
0x4d: {  	_ =	shalt  }
0x4e: {  	_ =	shalt  }
0x4f: {  	_ =	shalt  }
0x50: {  	_ =	shalt  }
0x51: {  	_ =	shalt  }
0x52: {  	_ =	shalt  }
0x53: {  	_ =	shalt  }
0x54: {  	_ =	shalt  }
0x55: {  	_ =	shalt  }
0x56: {  	_ =	shalt  }
0x57: {  	_ =	shalt  }
0x58: {  	_ =	shalt  }
0x59: {  	_ =	shalt  }
0x5a: {  	_ =	shalt  }
0x5b: {  	_ =	shalt  }
0x5c: {  	_ =	shalt  }
0x5d: {  	_ =	shalt  }
0x5e: {  	_ =	shalt  }
0x5f: {  	_ =	shalt  }
0x60: {  	_ =	shalt  }
0x61: {  	_ =	shalt  }
0x62: {  	_ =	shalt  }
0x63: {  	_ =	shalt  }
0x64: {  	_ =	shalt  }
0x65: {  	_ =	shalt  }
0x66: {  	_ =	shalt  }
0x67: {  	_ =	shalt  }
0x68: {  	_ =	shalt  }
0x69: {  	_ =	shalt  }
0x6a: {  	_ =	shalt  }
0x6b: {  	_ =	shalt  }
0x6c: {  	_ =	shalt  }
0x6d: {  	_ =	shalt  }
0x6e: {  	_ =	shalt  }
0x6f: {  	_ =	shalt  }
0x70: {  	_ =	shalt  }
0x71: {  	_ =	shalt  }
0x72: {  	_ =	shalt  }
0x73: {  	_ =	shalt  }
0x74: {  	_ =	shalt  }
0x75: {  	_ =	shalt  }
0x76: {  	_ =	shalt  }
0x77: {  	_ =	shalt  }
0x78: {  	_ =	shalt  }
0x79: {  	_ =	shalt  }
0x7a: {  	_ =	shalt  }
0x7b: {  	_ =	shalt  }
0x7c: {  	_ =	shalt  }
0x7d: {  	_ =	shalt  }
0x7e: {  	_ =	shalt  }
0x7f: {  	_ =	shalt  }
0x80: {  	_ =	shalt  }
0x81: {  	_ =	shalt  }
0x82: {  	_ =	shalt  }
0x83: {  	_ =	shalt  }
0x84: {  	_ =	shalt  }
0x85: {  	_ =	shalt  }
0x86: {  	_ =	shalt  }
0x87: {  	_ =	shalt  }
.Lfunc_end0:
.L_simem_size_0:
called_computation.2_lowered:
.L_overlay_start_0:
0x88: {  	s2 =	sld [smem:$0x3FD9]  }
0x89: {  	s3 =	sld [smem:$0x3FFE];
	_ =	sdelay $0x1  }
0x8a: {  	s1 =	srdreg.scid  }
0x8b: {  	s0 =	sand.u32 $0x1, s1  }
0x8c: {  	s17 =	sshll.u32 s0, $0xA;
	s2 =	sadd.s32 s3, s2  }
0x8d: {  	s2 =	sadd.s32 s2, s17  }
0x8e: {  	[smem:$0x3FB6] =	sst s2  }
0x8f: {  	_ = 	snop  }
0x90: {  	s2 =	sld [smem:$0x3FD0];
	(tm) =	ssettm $0x1  }
0x91: {  	s18 =	sld [smem:$0x3FFB];
	_ =	sdelay $0x3  }
0x92: {  	_ =	strace s18  }
0x93: {  	s3 =	sld [smem:$0x3FFC];
	_ =	sdelay $0x3  }
0x94: {  	_ =	strace s3  }
0x95: {  	s3 =	sld [smem:$0x3FFD];
	_ =	sdelay $0x3  }
0x96: {  	_ =	strace s3  }
0x97: {  	_ =	strace $0x8FFFFFFF  }
0x98: {  	s19 =	sld [smem:$0x3FDB];
	_ =	sdelay $0x1  }
0x99: {  	s4 =	simm.s32 $_scs_section_size  }
0x9a: {  	s5 =	simm.s32 $_size__tile_overlayer_lowered;
	s6 =	simm.s32 $_tile_overlayer_lowered  }
0x9b: {  	s22 =	simm.s32 $0x1BFF;
	s21 =	sshll.u32 s6, $0x1;
	s3 =	sadd.s32 s4, s19  }
0x9c: {  	s7 =	simm.s32 $0x0;
	s20 =	sshll.u32 s5, $0x1;
	s5 =	sadd.s32 s21, s3  }
0x9d: {  	[timem:s7], [sflag:s22] =	dma.local [hbm:s5], s20  }
0x9e: {  	_ =	swait.ge [sflag:s22], s20  }
0x9f: {  	s4 =	ssub.s32 $0x0, s20;
	[sflag:s22] =	ssyncset.done $0x0  }
0xa0: {  	[sflag:s22] =	ssyncadd.s32 s4;
	_ =	sdelay $0x1  }
0xa1: {  	s23 =	simm.s32 $0x1B8B  }
0xa2: {  	_ =	swait.ge [sflag:s23], $0x1  }
0xa3: {  	[sflag:s23] =	ssyncset.done $0x0  }
0xa4: {  	s25 =	simm.s32 $0x1B8E;
	s24 =	sld [smem:$0x3FFE];
	[sflag:s23] =	ssyncadd.s32 $0xFFFFFFFF  }
0xa5: {  	s26 =	simm.s32 $execute0_lowered;
	[smem:$0x3FD2] =	sst s25  }
0xa6: {  	s5 =	sshll.u32 s26, $0x1;
	_ =	strace $0x8000004C;
	[dreg:$0x1] =	wrdreg $0xFFFFFFFF  }
0xa7: {  	s28 =	simm.s32 $_size_execute0_lowered;
	s3 =	sadd.s32 s3, s5;
	[dreg:$0x0] =	wrdreg $0x0  }
0xa8: {  	s5 =	sshll.u32 s28, $0x1;
	[dreg:$0x2] =	wrdreg s3  }
0xa9: {  	[dreg:$0x3] =	wrdreg s5  }
0xaa: {  	[dreg:$0x4] =	wrdreg $0xC0  }
0xab: {  	_ =	task [dreg:s7], $0x5FFFF  }
0xac: {  	[dreg:$0x1] =	wrdreg $0xFFFFFFFF  }
0xad: {  	[dreg:$0x0] =	wrdreg $0x60  }
0xae: {  	[dreg:$0x2] =	wrdreg s24  }
0xaf: {  	[dreg:$0x3] =	wrdreg s2  }
0xb0: {  	[dreg:$0x4] =	wrdreg $0xD0000  }
0xb1: {  	[dreg:$0x5] =	wrdreg $0x9  }
0xb2: {  	_ =	task.clear_ibuf [dreg:s7], $0x6FFFF;
	_ =	strace $0x9000004C  }
0xb3: {  	s29 =	simm.s32 $0x9;
	_ =	strace $0x8000004E  }
0xb4: {  	_ =	swait.ge [sflag:s29], $0x1  }
0xb5: {  	[sflag:s29] =	ssyncadd.s32 $0xFFFFFFFF  }
0xb6: {  	_ =	strace $0x9000004E  }
0xb7: {  	_ =	sfence  }
0xb8: {  	s30 =	sld [smem:$0x0];
	_ =	sdelay $0x2  }
0xb9: {  	s31 =	sshll.u32 s1, $0xD;
	s1 =	sshrl.u32 s1, $0x2  }
0xba: {  	s3 =	sand.u32 $0x4000, s31;
	s1 =	sadd.s32 s1, s30  }
0xbb: {  	s0 =	sor.u32 s3, s0;
	s1 =	sshll.u32 s1, $0x11  }
0xbc: {  	s0 =	sor.u32 s1, s0  }
0xbd: {  	s0 =	sadd.s32 $0x8F2B, s0  }
0xbe: {  	[sflag:s0] =	ssyncadd.remote.s32 $0x1  }
0xbf: {  	_ =	sfence.sel $0xFFFF  }
0xc0: {  	[dreg:$0x0] =	wrdreg $0xFFFFFFFF;
	(pc) =	sbr.abs _section_cstart, $3  }
0xc1: {  	[dreg:$0x1] =	wrdreg $0xFFFFFFFF  }
0xc2: {  	_ =	task.clear_ibuf [dreg:s7], $0x2FFFF;
	_ =	strace $0x9FFFFFFF  }
0xc3: {  	(tm) =	ssettm $0x7FFFFFFF  }
tec
execute0_lowered:
.L_overlay_start_1:
0x0: {  	(tag) =	ssettag $0x1  }
0x1: {  	s0 =	srdreg.scid  }
0x2: {  	s1 =	rddreg [dreg:$0x0];
	s8 =	stileid.u32  }
0x3: {  	s2 =	rddreg [dreg:$0x1];
	s14 =	simm.s32 $0x5000;
	s15 =	simm.s32 $0x5  }
0x4: {  	s17 =	simm.s32 $0x80;
	s18 =	simm.s32 $0x7000;
	s20 =	simm.s32 $0x9000  }
0x5: {  	s22 =	simm.s32 $0xB000;
	s23 =	simm.s32 $0x1;
	s28 =	simm.s32 $0x4E00  }
0x6: {  	s29 =	simm.s32 $0x4E80;
	s30 =	simm.s32 $0x4F00;
	s0 =	sand.u32 $0x1, s0  }
0x7: {  	s31 =	simm.s32 $0x4F80;
	s7 =	smul.u32 $0x14000, s8;
	s3 =	sshll.u32 s0, $0x4  }
0x8: {  	s6 =	smul.u32 $0x140000, s0;
	s0 =	ssub.s32 $0x2, s0;
	s4 =	sor.u32 s8, s3  }
0x9: {  	s3 =	rddreg [dreg:$0x2];
	s8 =	smul.u32 $0x28000, s8;
	s25 =	sshrl.u32 s0, $0x1  }
0xa: {  	s5 =	smul.u32 $0x500, s4;
	s4 =	simm.s32 $0x0;
	s24 =	sadd.s32 s7, s6  }
0xb: {  	s0 =	ssub.s32 s0, s25;
	s25 =	simm.s32 $0x3;
	[smem:$0x7FF] =	sst s4  }
0xc: {  	s26 =	sshrl.u32 s8, $0x2;
	s13 =	smax.u32 s0, $0x1;
	s0 =	simm.s32 $0x8  }
0xd: {  	_ =	strace $0x8000004D;
	s11 =	sadd.s32 s5, s1;
	s5 =	sshrl.u32 s24, $0x3  }
0xe: {  	s24 =	simm.s32 $0x2;
	s1 =	sadd.s32 s5, s1;
	s5 =	sadd.s32 s26, s3  }
0xf: {  	s10 =	sadd.s32 $0x1A800, s11;
	s11 =	sadd.s32 $0x5E00, s11;
	s26 =	simm.s32 $0x4  }
0x10: {  	s6 =	sadd.s32 $0x2000, s5;
	s7 =	sadd.s32 $0x4000, s5;
	s8 =	sadd.s32 $0x6000, s5  }
0x11: {  	v0 =	vimm.f32 $0.0e+00;
	s9 =	sadd.s32 $0x8000, s5;
	s12 =	sadd.s32 $0x4BA00, s1;
	s1 =	simm.s32 $0x10  }
.LBB2_1:
0x12: {  	s19 =	simm.s32 $0x100;
	s16 =	simm.s32 $0x0  }
.LBB2_2:
0x13: {  	p0 =	sne.s32 s19, $0x7F00;
	[tilespmem:s16+$0x5030] =	vst v0;
	s21 =	smov.u32 s19;
	s19 =	sadd.s32 $0x100, s19  }
.Ltmp0:
0x14: {  	[tilespmem:s16+$0x5020] =	vst v0;
	(pc) =	sbr.rel @p0 .LBB2_2-.Ltmp0, $3  }
0x15: {  	[tilespmem:s16+$0x5000] =	vst v0  }
0x16: {  	[tilespmem:s16+$0x5010] =	vst v0;
	_ =	sdelay $0x1  }
0x17: {  	s16 =	sshra.s32 s21, $0x2  }
0x18: {  	[tilespmem:s16+$0x5030] =	vst v0  }
0x19: {  	[tilespmem:s16+$0x5020] =	vst v0  }
0x1a: {  	[tilespmem:s16+$0x5000] =	vst v0  }
0x1b: {  	[tilespmem:s16+$0x5010] =	vst v0  }
0x1c: {  	[spmem:s5] =	stream.linear.scatter [tilespmem:s14], [sflag:$0x5], $0x2000, $0x38;
	[tilespmem:$0x17000] =	vst v63  }
0x1d: {  	_ =	swait.ge [sflag:s15], $0x2000  }
0x1e: {  	[sflag:s15] =	ssyncset.done $0x0  }
0x1f: {  	[sflag:s15] =	ssyncadd.s32 $0xFFFFE000  }
0x20: {  	[spmem:s6] =	stream.linear.scatter [tilespmem:s14], [sflag:$0x5], $0x2000, $0x38;
	[tilespmem:$0x17000] =	vst v63  }
0x21: {  	_ =	swait.ge [sflag:s15], $0x2000  }
0x22: {  	[sflag:s15] =	ssyncset.done $0x0  }
0x23: {  	[sflag:s15] =	ssyncadd.s32 $0xFFFFE000  }
0x24: {  	[spmem:s7] =	stream.linear.scatter [tilespmem:s14], [sflag:$0x5], $0x2000, $0x38;
	[tilespmem:$0x17000] =	vst v63  }
0x25: {  	_ =	swait.ge [sflag:s15], $0x2000  }
0x26: {  	[sflag:s15] =	ssyncset.done $0x0  }
0x27: {  	[sflag:s15] =	ssyncadd.s32 $0xFFFFE000  }
0x28: {  	[spmem:s8] =	stream.linear.scatter [tilespmem:s14], [sflag:$0x5], $0x2000, $0x38;
	[tilespmem:$0x17000] =	vst v63  }
0x29: {  	_ =	swait.ge [sflag:s15], $0x2000  }
0x2a: {  	[sflag:s15] =	ssyncset.done $0x0  }
0x2b: {  	[sflag:s15] =	ssyncadd.s32 $0xFFFFE000  }
0x2c: {  	[spmem:s9] =	stream.linear.scatter [tilespmem:s14], [sflag:$0x5], $0x2000, $0x38;
	[tilespmem:$0x17000] =	vst v63  }
0x2d: {  	_ =	swait.ge [sflag:s15], $0x2000  }
0x2e: {  	[sflag:s15] =	ssyncset.done $0x0  }
0x2f: {  	s21 =	simm.s32 $0x0;
	[sflag:s15] =	ssyncadd.s32 $0xFFFFE000  }
0x30: {  	[tilespmem:s21], [sflag:$0x5] =	stream.linear.gather [hbm4b:s10+s21], $0x2800, $0x38;
	[tilespmem:$0x17000] =	vst v63  }
0x31: {  	_ =	swait.ge [sflag:s15], $0x2800  }
0x32: {  	[sflag:s15] =	ssyncset.done $0x0  }
0x33: {  	s19 =	simm.s32 $0x2800;
	[sflag:s15] =	ssyncadd.s32 $0xFFFFD800  }
0x34: {  	[tilespmem:s19], [sflag:$0x5] =	stream.linear.gather [hbm4b:s11+s21], $0x2800, $0x38;
	[tilespmem:$0x17000] =	vst v63  }
0x35: {  	_ =	swait.ge [sflag:s15], $0x2800  }
0x36: {  	[sflag:s15] =	ssyncset.done $0x0  }
0x37: {  	[sflag:s15] =	ssyncadd.s32 $0xFFFFD800  }
0x38: {  	[bflag:$0x0] =	sbarrier.arrive $0xFFFF  }
0x39: {  	[tilespmem:s14], [sflag:$0x1] =	stream.indirect.gather [hbm4b:s2+s17], $0x40, s21, s17, $0xb8;
	[tilespmem:$0x17000] =	vst v63  }
0x3a: {  	_ = 	snop  }
0x3b: {  	[tilespmem:s18], [sflag:$0x2] =	stream.indirect.gather [hbm4b:s2+s17], $0x40, s17, s17, $0xb8;
	[tilespmem:$0x17000] =	vst v63  }
0x3c: {  	s21 =	simm.s32 $0x100  }
0x3d: {  	[tilespmem:s20], [sflag:$0x3] =	stream.indirect.gather [hbm4b:s2+s17], $0x40, s21, s17, $0xb8;
	[tilespmem:$0x17000] =	vst v63  }
0x3e: {  	s19 =	simm.s32 $0x180  }
0x3f: {  	[tilespmem:s22], [sflag:$0x4] =	stream.indirect.gather [hbm4b:s2+s17], $0x40, s19, s17, $0xb8;
	[tilespmem:$0x17000] =	vst v63  }
0x40: {  	_ =	swait.ge [sflag:s23], $0x2000  }
0x41: {  	[sflag:s23] =	ssyncset.done $0x0  }
0x42: {  	s21 =	simm.s32 $0x2800;
	[sflag:s23] =	ssyncadd.s32 $0xFFFFE000  }
0x43: {  	[spmem:s3] =	stream.indirect.scatter.add.f32 [tilespmem:s14], [sflag:$0x5], $0x40, s21, s17, $0xb8;
	[tilespmem:$0x17000] =	vst v63  }
0x44: {  	_ =	swait.ge [sflag:s15], $0x2000  }
0x45: {  	[sflag:s15] =	ssyncset.done $0x0  }
0x46: {  	s19 =	simm.s32 $0x200;
	[sflag:s15] =	ssyncadd.s32 $0xFFFFE000  }
0x47: {  	[tilespmem:s14], [sflag:$0x1] =	stream.indirect.gather [hbm4b:s2+s17], $0x40, s19, s17, $0xb8;
	[tilespmem:$0x17000] =	vst v63  }
0x48: {  	_ =	swait.ge [sflag:s24], $0x2000  }
0x49: {  	[sflag:s24] =	ssyncset.done $0x0  }
0x4a: {  	s21 =	simm.s32 $0x2880;
	[sflag:s24] =	ssyncadd.s32 $0xFFFFE000  }
0x4b: {  	[spmem:s3] =	stream.indirect.scatter.add.f32 [tilespmem:s18], [sflag:$0x5], $0x40, s21, s17, $0xb8;
	[tilespmem:$0x17000] =	vst v63  }
0x4c: {  	_ =	swait.ge [sflag:s15], $0x2000  }
0x4d: {  	[sflag:s15] =	ssyncset.done $0x0  }
0x4e: {  	s19 =	simm.s32 $0x280;
	[sflag:s15] =	ssyncadd.s32 $0xFFFFE000  }
0x4f: {  	[tilespmem:s18], [sflag:$0x2] =	stream.indirect.gather [hbm4b:s2+s17], $0x40, s19, s17, $0xb8;
	[tilespmem:$0x17000] =	vst v63  }
0x50: {  	_ =	swait.ge [sflag:s25], $0x2000  }
0x51: {  	[sflag:s25] =	ssyncset.done $0x0  }
0x52: {  	s21 =	simm.s32 $0x2900;
	[sflag:s25] =	ssyncadd.s32 $0xFFFFE000  }
0x53: {  	[spmem:s3] =	stream.indirect.scatter.add.f32 [tilespmem:s20], [sflag:$0x5], $0x40, s21, s17, $0xb8;
	[tilespmem:$0x17000] =	vst v63  }
0x54: {  	_ =	swait.ge [sflag:s15], $0x2000  }
0x55: {  	[sflag:s15] =	ssyncset.done $0x0  }
0x56: {  	s19 =	simm.s32 $0x300;
	[sflag:s15] =	ssyncadd.s32 $0xFFFFE000  }
0x57: {  	[tilespmem:s20], [sflag:$0x3] =	stream.indirect.gather [hbm4b:s2+s17], $0x40, s19, s17, $0xb8;
	[tilespmem:$0x17000] =	vst v63  }
0x58: {  	_ =	swait.ge [sflag:s26], $0x2000  }
0x59: {  	[sflag:s26] =	ssyncset.done $0x0  }
0x5a: {  	s21 =	simm.s32 $0x2980;
	[sflag:s26] =	ssyncadd.s32 $0xFFFFE000  }
0x5b: {  	[spmem:s3] =	stream.indirect.scatter.add.f32 [tilespmem:s22], [sflag:$0x5], $0x40, s21, s17, $0xb8;
	[tilespmem:$0x17000] =	vst v63  }
0x5c: {  	_ =	swait.ge [sflag:s15], $0x2000  }
0x5d: {  	[sflag:s15] =	ssyncset.done $0x0  }
0x5e: {  	s16 =	simm.s32 $0x800;
	s19 =	simm.s32 $0x380;
	[sflag:s15] =	ssyncadd.s32 $0xFFFFE000  }
.LBB2_4:
0x5f: {  	[tilespmem:s22], [sflag:$0x4] =	stream.indirect.gather [hbm4b:s2+s17], $0x40, s19, s17, $0xb8;
	[tilespmem:$0x17000] =	vst v63  }
0x60: {  	s19 =	smov.u32 s16  }
0x61: {  	p0 =	sne.s32 s16, $0x9000;
	s16 =	sadd.s32 $0x800, s16;
	_ =	swait.ge [sflag:s23], $0x2000  }
0x62: {  	s19 =	sshra.s32 s19, $0x2;
	[sflag:s23] =	ssyncset.done $0x0  }
0x63: {  	s21 =	sadd.s32 $0x2800, s19;
	[sflag:s23] =	ssyncadd.s32 $0xFFFFE000  }
0x64: {  	[spmem:s3] =	stream.indirect.scatter.add.f32 [tilespmem:s14], [sflag:$0x5], $0x40, s21, s17, $0xb8;
	[tilespmem:$0x17000] =	vst v63  }
0x65: {  	_ =	swait.ge [sflag:s15], $0x2000  }
0x66: {  	[sflag:s15] =	ssyncset.done $0x0  }
0x67: {  	s21 =	sadd.s32 $0x200, s19;
	[sflag:s15] =	ssyncadd.s32 $0xFFFFE000  }
0x68: {  	[tilespmem:s14], [sflag:$0x1] =	stream.indirect.gather [hbm4b:s2+s17], $0x40, s21, s17, $0xb8;
	[tilespmem:$0x17000] =	vst v63  }
0x69: {  	_ =	swait.ge [sflag:s24], $0x2000  }
0x6a: {  	[sflag:s24] =	ssyncset.done $0x0  }
0x6b: {  	s21 =	sadd.s32 $0x2880, s19;
	[sflag:s24] =	ssyncadd.s32 $0xFFFFE000  }
0x6c: {  	[spmem:s3] =	stream.indirect.scatter.add.f32 [tilespmem:s18], [sflag:$0x5], $0x40, s21, s17, $0xb8;
	[tilespmem:$0x17000] =	vst v63  }
0x6d: {  	_ =	swait.ge [sflag:s15], $0x2000  }
0x6e: {  	[sflag:s15] =	ssyncset.done $0x0  }
0x6f: {  	s21 =	sadd.s32 $0x280, s19;
	[sflag:s15] =	ssyncadd.s32 $0xFFFFE000  }
0x70: {  	[tilespmem:s18], [sflag:$0x2] =	stream.indirect.gather [hbm4b:s2+s17], $0x40, s21, s17, $0xb8;
	[tilespmem:$0x17000] =	vst v63  }
0x71: {  	_ =	swait.ge [sflag:s25], $0x2000  }
0x72: {  	[sflag:s25] =	ssyncset.done $0x0  }
0x73: {  	s21 =	sadd.s32 $0x2900, s19;
	[sflag:s25] =	ssyncadd.s32 $0xFFFFE000  }
0x74: {  	[spmem:s3] =	stream.indirect.scatter.add.f32 [tilespmem:s20], [sflag:$0x5], $0x40, s21, s17, $0xb8;
	[tilespmem:$0x17000] =	vst v63  }
0x75: {  	_ =	swait.ge [sflag:s15], $0x2000  }
0x76: {  	[sflag:s15] =	ssyncset.done $0x0  }
0x77: {  	s21 =	sadd.s32 $0x300, s19;
	[sflag:s15] =	ssyncadd.s32 $0xFFFFE000  }
0x78: {  	[tilespmem:s20], [sflag:$0x3] =	stream.indirect.gather [hbm4b:s2+s17], $0x40, s21, s17, $0xb8;
	[tilespmem:$0x17000] =	vst v63  }
0x79: {  	_ =	swait.ge [sflag:s26], $0x2000  }
0x7a: {  	[sflag:s26] =	ssyncset.done $0x0  }
.Ltmp1:
0x7b: {  	s21 =	sadd.s32 $0x2980, s19;
	[sflag:s26] =	ssyncadd.s32 $0xFFFFE000;
	(pc) =	sbr.rel @p0 .LBB2_4-.Ltmp1, $4  }
0x7c: {  	[spmem:s3] =	stream.indirect.scatter.add.f32 [tilespmem:s22], [sflag:$0x5], $0x40, s21, s17, $0xb8;
	[tilespmem:$0x17000] =	vst v63  }
0x7d: {  	_ =	swait.ge [sflag:s15], $0x2000  }
0x7e: {  	[sflag:s15] =	ssyncset.done $0x0  }
0x7f: {  	s19 =	sadd.s32 $0x380, s19;
	[sflag:s15] =	ssyncadd.s32 $0xFFFFE000  }
0x80: {  	[tilespmem:s22], [sflag:$0x4] =	stream.indirect.gather [hbm4b:s2+s17], $0x40, s19, s17, $0xb8;
	[tilespmem:$0x17000] =	vst v63  }
0x81: {  	_ =	swait.ge [sflag:s23], $0x2000  }
0x82: {  	[sflag:s23] =	ssyncset.done $0x0  }
0x83: {  	[sflag:s23] =	ssyncadd.s32 $0xFFFFE000  }
0x84: {  	[spmem:s3] =	stream.indirect.scatter.add.f32 [tilespmem:s14], [sflag:$0x5], $0x40, s28, s17, $0xb8;
	[tilespmem:$0x17000] =	vst v63  }
0x85: {  	_ =	swait.ge [sflag:s15], $0x2000  }
0x86: {  	[sflag:s15] =	ssyncset.done $0x0  }
0x87: {  	[sflag:s15] =	ssyncadd.s32 $0xFFFFE000  }
0x88: {  	_ =	swait.ge [sflag:s24], $0x2000  }
0x89: {  	[sflag:s24] =	ssyncset.done $0x0  }
0x8a: {  	[sflag:s24] =	ssyncadd.s32 $0xFFFFE000  }
0x8b: {  	[spmem:s3] =	stream.indirect.scatter.add.f32 [tilespmem:s18], [sflag:$0x5], $0x40, s29, s17, $0xb8;
	[tilespmem:$0x17000] =	vst v63  }
0x8c: {  	_ =	swait.ge [sflag:s15], $0x2000  }
0x8d: {  	[sflag:s15] =	ssyncset.done $0x0  }
0x8e: {  	[sflag:s15] =	ssyncadd.s32 $0xFFFFE000  }
0x8f: {  	_ =	swait.ge [sflag:s25], $0x2000  }
0x90: {  	[sflag:s25] =	ssyncset.done $0x0  }
0x91: {  	[sflag:s25] =	ssyncadd.s32 $0xFFFFE000  }
0x92: {  	[spmem:s3] =	stream.indirect.scatter.add.f32 [tilespmem:s20], [sflag:$0x5], $0x40, s30, s17, $0xb8;
	[tilespmem:$0x17000] =	vst v63  }
0x93: {  	_ =	swait.ge [sflag:s15], $0x2000  }
0x94: {  	[sflag:s15] =	ssyncset.done $0x0  }
0x95: {  	[sflag:s15] =	ssyncadd.s32 $0xFFFFE000  }
0x96: {  	_ =	swait.ge [sflag:s26], $0x2000  }
0x97: {  	[sflag:s26] =	ssyncset.done $0x0  }
0x98: {  	[sflag:s26] =	ssyncadd.s32 $0xFFFFE000  }
0x99: {  	[spmem:s3] =	stream.indirect.scatter.add.f32 [tilespmem:s22], [sflag:$0x5], $0x40, s31, s17, $0xb8;
	[tilespmem:$0x17000] =	vst v63  }
0x9a: {  	s16 =	stileid.u32;
	_ =	swait.ge [sflag:s15], $0x2000  }
0x9b: {  	s21 =	sshrl.u32 s5, $0x3;
	s4 =	sadd.s32 $0x1, s4;
	[sflag:s15] =	ssyncset.done $0x0  }
0x9c: {  	s16 =	sshll.u32 s16, $0x6;
	p0 =	sne.s32 s4, s13;
	[sflag:s15] =	ssyncadd.s32 $0xFFFFE000  }
.Ltmp2:
0x9d: {  	s16 =	sor.u32 $0x1C05, s16;
	[bflag:$0x0] =	sbarrier.arrive $0xFFFF;
	(pc) =	sbr.rel @p0 .LBB2_1-.Ltmp2, $4  }
0x9e: {  	[hbm:s12@s1], [sflag:s16] =	dma.strided [spmem:s21@s0], $0x1400, s23, $0x8   }
0x9f: {  	_ =	swait.ge [sflag:s15], $0x1400  }
0xa0: {  	[sflag:s15] =	ssyncset.done $0x0  }
0xa1: {  	[sflag:s15] =	ssyncadd.s32 $0xFFFFEC00  }
0xa2: {  	_ =	sfence.sel $0x180000  }
0xa3: {  	[bflag:$0x0] =	sbarrier.arrive $0xFFFF  }
0xa4: {  	_ =	strace $0x9000004D  }
0xa5: {  	s0 =	stileid.u32;
	[bflag:$0x2] =	sbarrier.arrive $0xFFFF  }
0xa6: {  	p0 =	sne.s32 s0, $0x0;
	s0 =	rddreg [dreg:$0x3]  }
0xa7: {  	s0 =	sadd.s32 @!p0 $0x100000, s0  }
0xa8: {  	[sflag:s0] =	ssyncadd.tile.s32 @!p0 $0x1;
	_ =	shalt  }
.Lfunc_end2:
_tile_overlayer_lowered:
.L_overlay_start_2:
0xa9: {  	(tag) =	ssettag $0x2  }
0xaa: {  	s0 =	rddreg [dreg:$0x0];
	s2 =	stileid.u32  }
0xab: {  	s1 =	rddreg [dreg:$0x1];
	p0 =	sne.s32 s2, $0x0  }
0xac: {  	s3 =	rddreg [dreg:$0x2];
	[bflag:$0x3] =	sbarrier.arrive $0xFFFF;
	s2 =	simm.s32 @!p0 $0x1C05  }
0xad: {  	[timem:s3], [sflag:s2] =	dma.local @!p0 [hbm:s0], s1  }
0xae: {  	s0 =	simm.s32 @!p0 $0x5  }
0xaf: {  	_ =	swait.ge @!p0 [sflag:s0], s1  }
0xb0: {  	s1 =	ssub.s32 @!p0 $0x0, s1;
	[sflag:s0] =	ssyncset.done @!p0 $0x0  }
0xb1: {  	[sflag:s0] =	ssyncadd.s32 @!p0 s1  }
0xb2: {  	[bflag:$0x3] =	sbarrier.arrive $0xFFFF  }
0xb3: {  	_ =	shalt  }

// kernel: kernel.19.cloned.1.call-start
scs
__scs_entry_jumppad:
0x0: {  	(pc) =	sbr.rel $0x88, $3  }
0x1: {  	(tag) =	ssettag $0x0;
	lr =	simm.s32 $0x1  }
0x2: {  	[smem:$0x3F8F] =	sst lr;
	_ =	strace $0xD0000000  }
0x3: {  	_ = 	snop  }
0x4: {  	_ = 	snop  }
0x5: {  	_ = 	snop  }
0x6: {  	_ = 	snop  }
0x7: {  	_ = 	snop  }
__scs_overlays_trampoline_lowered:
0x8: {  	[smem:$0x3F9E] =	sst s0  }
0x9: {  	[smem:$0x3F9F] =	sst s1  }
0xa: {  	[smem:$0x3FA0] =	sst s2  }
0xb: {  	[smem:$0x3FA1] =	sst s3  }
0xc: {  	[smem:$0x3FA2] =	sst s4  }
0xd: {  	[smem:$0x3FA3] =	sst s5  }
0xe: {  	[smem:$0x3FA4] =	sst s6  }
0xf: {  	[smem:$0x3FA5] =	sst s7  }
0x10: {  	[smem:$0x3FA6] =	sst s8  }
0x11: {  	[smem:$0x3FA7] =	sst s9;
	s0 =	simm.s32 @!p0 $0x0  }
0x12: {  	s1 =	sld [smem:$0x3F8D];
	s0 =	simm.s32 @p0 $0x1  }
0x13: {  	[smem:$0x3FA8] =	sst s0;
	s0 =	simm.s32 @!p1 $0x0  }
0x14: {  	s2 =	sld [smem:$0x3F8C];
	s0 =	simm.s32 @p1 $0x1  }
0x15: {  	[smem:$0x3FA9] =	sst s0;
	s0 =	simm.s32 @!p2 $0x0  }
0x16: {  	s3 =	sld [smem:$0x3FDB];
	s0 =	simm.s32 @p2 $0x1  }
0x17: {  	s4 =	simm.s32 $0x1BF5;
	[smem:$0x3FAB] =	sst s0  }
0x18: {  	s0 =	sld [smem:$0x3F8E];
	_ =	swait.ge [sflag:s4], $0x0  }
0x19: {  	s7 =	sld [smem:$0x3F8F]  }
0x1a: {  	s8 =	sadd.s32 $0xFFFFE003, lr  }
0x1b: {  	s9 =	sadd.s32 $0xFFFFFEF7, lr;
	s5 =	simm.s32 $0xFFFFFFFF;
	p2 =	slt.u32 s8, $0xFFFFF086  }
0x1c: {  	p1 =	slt.u32 s9, $0xF7A;
	s5 =	simm.s32 @!p2 $0x0  }
0x1d: {  	s5 =	simm.s32 @p1 $0x1;
	p0 =	seq.s32 s7, s2  }
0x1e: {  	s7 =	smul.u32 @!p0 $0xF7A, s2;
	p2 =	seq.s32 @!p0 s5, $0x0  }
0x1f: {  	s9 =	smul.u32 $0xF7A, s1;
	s8 =	simm.s32 @!p0 $0x1BF5;
	p2 =	por !p2, p0  }
0x20: {  	[sflag:s8] =	ssyncset.s32 @!p0 $0xFFFFF086;
	s6 =	sadd.s32 @!p0 s3, s7;
	s7 =	simm.s32 @!p0 $0x108  }
0x21: {  	s3 =	sadd.s32 s3, s9;
	s6 =	sadd.s32 @!p0 $0x88, s6;
	s7 =	simm.s32 @p2 $0x1082  }
0x22: {  	[simem:s7], [sflag:s8] =	dma.local @!p0 [hbm:s6], $0xF7A  }
0x23: {  	s9 =	sor.u32 $0xD0000000, s2;
	s6 =	simm.s32 $0x108;
	_ =	swait.ge @!p0 [sflag:s8], $0x0  }
0x24: {  	s3 =	sadd.s32 $0x88, s3;
	s6 =	simm.s32 @!p1 $0x1082;
	[sflag:s4] =	ssyncset.s32 $0xFFFFF086  }
0x25: {  	[simem:s6], [sflag:s4] =	dma.local [hbm:s3], $0xF7A  }
0x26: {  	[smem:$0x3F8F] =	sst s1;
	(tag) =	ssettag s2;
	_ =	strace s9  }
0x27: {  	s1 =	sld [smem:$0x3F9F]  }
0x28: {  	s2 =	sld [smem:$0x3FA0]  }
0x29: {  	s4 =	sld [smem:$0x3FA2]  }
0x2a: {  	p0 =	seq.s32 s5, $0x0;
	s5 =	sld [smem:$0x3FA3]  }
0x2b: {  	s6 =	sld [smem:$0x3FA4]  }
0x2c: {  	s7 =	sld [smem:$0x3FA5]  }
0x2d: {  	s3 =	simm.s32 $0x108;
	s8 =	sld [smem:$0x3FA6]  }
0x2e: {  	s3 =	simm.s32 @!p0 $0x1082;
	s9 =	sld [smem:$0x3FA7]  }
0x2f: {  	lr =	sadd.s32 s0, s3;
	s0 =	sld [smem:$0x3F9E]  }
0x30: {  	s3 =	sld [smem:$0x3FA1]  }
0x31: {  	[smem:$0x3FAA] =	sst s10  }
0x32: {  	s10 =	sld [smem:$0x3FA8];
	_ =	sdelay $0x3  }
0x33: {  	p0 =	seq.s32 s10, $0x1;
	s10 =	sld [smem:$0x3FAA];
	_ =	sdelay $0x3  }
0x34: {  	[smem:$0x3FAA] =	sst s10  }
0x35: {  	s10 =	sld [smem:$0x3FA9];
	_ =	sdelay $0x3  }
0x36: {  	p1 =	seq.s32 s10, $0x1;
	s10 =	sld [smem:$0x3FAA];
	_ =	sdelay $0x3  }
0x37: {  	[smem:$0x3FAA] =	sst s10  }
0x38: {  	s10 =	sld [smem:$0x3FAB]  }
0x39: {  	_ = 	snop;
	(pc) =	sbr.ind lr, $3  }
0x3a: {  	_ = 	snop  }
0x3b: {  	_ = 	snop  }
0x3c: {  	p2 =	seq.s32 s10, $0x1;
	s10 =	sld [smem:$0x3FAA]  }
0x3d: {  	_ =	shalt  }
0x3e: {  	_ =	shalt  }
0x3f: {  	_ =	shalt  }
0x40: {  	_ =	shalt  }
0x41: {  	_ =	shalt  }
0x42: {  	_ =	shalt  }
0x43: {  	_ =	shalt  }
0x44: {  	_ =	shalt  }
0x45: {  	_ =	shalt  }
0x46: {  	_ =	shalt  }
0x47: {  	_ =	shalt  }
0x48: {  	_ =	shalt  }
0x49: {  	_ =	shalt  }
0x4a: {  	_ =	shalt  }
0x4b: {  	_ =	shalt  }
0x4c: {  	_ =	shalt  }
0x4d: {  	_ =	shalt  }
0x4e: {  	_ =	shalt  }
0x4f: {  	_ =	shalt  }
0x50: {  	_ =	shalt  }
0x51: {  	_ =	shalt  }
0x52: {  	_ =	shalt  }
0x53: {  	_ =	shalt  }
0x54: {  	_ =	shalt  }
0x55: {  	_ =	shalt  }
0x56: {  	_ =	shalt  }
0x57: {  	_ =	shalt  }
0x58: {  	_ =	shalt  }
0x59: {  	_ =	shalt  }
0x5a: {  	_ =	shalt  }
0x5b: {  	_ =	shalt  }
0x5c: {  	_ =	shalt  }
0x5d: {  	_ =	shalt  }
0x5e: {  	_ =	shalt  }
0x5f: {  	_ =	shalt  }
0x60: {  	_ =	shalt  }
0x61: {  	_ =	shalt  }
0x62: {  	_ =	shalt  }
0x63: {  	_ =	shalt  }
0x64: {  	_ =	shalt  }
0x65: {  	_ =	shalt  }
0x66: {  	_ =	shalt  }
0x67: {  	_ =	shalt  }
0x68: {  	_ =	shalt  }
0x69: {  	_ =	shalt  }
0x6a: {  	_ =	shalt  }
0x6b: {  	_ =	shalt  }
0x6c: {  	_ =	shalt  }
0x6d: {  	_ =	shalt  }
0x6e: {  	_ =	shalt  }
0x6f: {  	_ =	shalt  }
0x70: {  	_ =	shalt  }
0x71: {  	_ =	shalt  }
0x72: {  	_ =	shalt  }
0x73: {  	_ =	shalt  }
0x74: {  	_ =	shalt  }
0x75: {  	_ =	shalt  }
0x76: {  	_ =	shalt  }
0x77: {  	_ =	shalt  }
0x78: {  	_ =	shalt  }
0x79: {  	_ =	shalt  }
0x7a: {  	_ =	shalt  }
0x7b: {  	_ =	shalt  }
0x7c: {  	_ =	shalt  }
0x7d: {  	_ =	shalt  }
0x7e: {  	_ =	shalt  }
0x7f: {  	_ =	shalt  }
0x80: {  	_ =	shalt  }
0x81: {  	_ =	shalt  }
0x82: {  	_ =	shalt  }
0x83: {  	_ =	shalt  }
0x84: {  	_ =	shalt  }
0x85: {  	_ =	shalt  }
0x86: {  	_ =	shalt  }
0x87: {  	_ =	shalt  }
.Lfunc_end0:
.L_simem_size_0:
called_computation.3_lowered:
.L_overlay_start_0:
0x88: {  	s2 =	sld [smem:$0x3FD9]  }
0x89: {  	s3 =	sld [smem:$0x3FFE];
	_ =	sdelay $0x1  }
0x8a: {  	s1 =	srdreg.scid  }
0x8b: {  	s0 =	sand.u32 $0x1, s1  }
0x8c: {  	s17 =	sshll.u32 s0, $0xA;
	s2 =	sadd.s32 s3, s2  }
0x8d: {  	s2 =	sadd.s32 s2, s17  }
0x8e: {  	[smem:$0x3FB6] =	sst s2  }
0x8f: {  	_ = 	snop  }
0x90: {  	s2 =	sld [smem:$0x3FD0];
	(tm) =	ssettm $0x1  }
0x91: {  	s18 =	sld [smem:$0x3FFB];
	_ =	sdelay $0x3  }
0x92: {  	_ =	strace s18  }
0x93: {  	s3 =	sld [smem:$0x3FFC];
	_ =	sdelay $0x3  }
0x94: {  	_ =	strace s3  }
0x95: {  	s3 =	sld [smem:$0x3FFD];
	_ =	sdelay $0x3  }
0x96: {  	_ =	strace s3  }
0x97: {  	_ =	strace $0x8FFFFFFF  }
0x98: {  	s19 =	sld [smem:$0x3FDB];
	_ =	sdelay $0x1  }
0x99: {  	s4 =	simm.s32 $_scs_section_size  }
0x9a: {  	s5 =	simm.s32 $_size__tile_overlayer_lowered;
	s6 =	simm.s32 $_tile_overlayer_lowered  }
0x9b: {  	s22 =	simm.s32 $0x1BFF;
	s21 =	sshll.u32 s6, $0x1;
	s3 =	sadd.s32 s4, s19  }
0x9c: {  	s7 =	simm.s32 $0x0;
	s20 =	sshll.u32 s5, $0x1;
	s5 =	sadd.s32 s21, s3  }
0x9d: {  	[timem:s7], [sflag:s22] =	dma.local [hbm:s5], s20  }
0x9e: {  	_ =	swait.ge [sflag:s22], s20  }
0x9f: {  	s4 =	ssub.s32 $0x0, s20;
	[sflag:s22] =	ssyncset.done $0x0  }
0xa0: {  	[sflag:s22] =	ssyncadd.s32 s4;
	_ =	sdelay $0x1  }
0xa1: {  	s23 =	simm.s32 $0x1B8B  }
0xa2: {  	_ =	swait.ge [sflag:s23], $0x1  }
0xa3: {  	[sflag:s23] =	ssyncset.done $0x0  }
0xa4: {  	s25 =	simm.s32 $0x1B8E;
	s24 =	sld [smem:$0x3FFE];
	[sflag:s23] =	ssyncadd.s32 $0xFFFFFFFF  }
0xa5: {  	s26 =	simm.s32 $execute0_lowered;
	[smem:$0x3FD2] =	sst s25  }
0xa6: {  	s5 =	sshll.u32 s26, $0x1;
	_ =	strace $0x8000004F;
	[dreg:$0x1] =	wrdreg $0xFFFFFFFF  }
0xa7: {  	s28 =	simm.s32 $_size_execute0_lowered;
	s3 =	sadd.s32 s3, s5;
	[dreg:$0x0] =	wrdreg $0x0  }
0xa8: {  	s5 =	sshll.u32 s28, $0x1;
	[dreg:$0x2] =	wrdreg s3  }
0xa9: {  	[dreg:$0x3] =	wrdreg s5  }
0xaa: {  	[dreg:$0x4] =	wrdreg $0xC0  }
0xab: {  	_ =	task [dreg:s7], $0x5FFFF  }
0xac: {  	[dreg:$0x1] =	wrdreg $0xFFFFFFFF  }
0xad: {  	[dreg:$0x0] =	wrdreg $0x60  }
0xae: {  	[dreg:$0x2] =	wrdreg s24  }
0xaf: {  	[dreg:$0x3] =	wrdreg s2  }
0xb0: {  	[dreg:$0x4] =	wrdreg $0x120000  }
0xb1: {  	[dreg:$0x5] =	wrdreg $0x9  }
0xb2: {  	_ =	task.clear_ibuf [dreg:s7], $0x6FFFF;
	_ =	strace $0x9000004F  }
0xb3: {  	s29 =	simm.s32 $0x9;
	_ =	strace $0x80000051  }
0xb4: {  	_ =	swait.ge [sflag:s29], $0x1  }
0xb5: {  	[sflag:s29] =	ssyncadd.s32 $0xFFFFFFFF  }
0xb6: {  	_ =	strace $0x90000051  }
0xb7: {  	_ =	sfence  }
0xb8: {  	s30 =	sld [smem:$0x0];
	_ =	sdelay $0x2  }
0xb9: {  	s31 =	sshll.u32 s1, $0xD;
	s1 =	sshrl.u32 s1, $0x2  }
0xba: {  	s3 =	sand.u32 $0x4000, s31;
	s1 =	sadd.s32 s1, s30  }
0xbb: {  	s0 =	sor.u32 s3, s0;
	s1 =	sshll.u32 s1, $0x11  }
0xbc: {  	s0 =	sor.u32 s1, s0  }
0xbd: {  	s0 =	sadd.s32 $0x8F2B, s0  }
0xbe: {  	[sflag:s0] =	ssyncadd.remote.s32 $0x1  }
0xbf: {  	_ =	sfence.sel $0xFFFF  }
0xc0: {  	[dreg:$0x0] =	wrdreg $0xFFFFFFFF;
	(pc) =	sbr.abs _section_cstart, $3  }
0xc1: {  	[dreg:$0x1] =	wrdreg $0xFFFFFFFF  }
0xc2: {  	_ =	task.clear_ibuf [dreg:s7], $0x2FFFF;
	_ =	strace $0x9FFFFFFF  }
0xc3: {  	(tm) =	ssettm $0x7FFFFFFF  }
tec
execute0_lowered:
.L_overlay_start_1:
0x0: {  	(tag) =	ssettag $0x1  }
0x1: {  	s0 =	rddreg [dreg:$0x0]  }
0x2: {  	s2 =	rddreg [dreg:$0x1]  }
0x3: {  	s8 =	stileid.u32;
	s1 =	srdreg.scid  }
0x4: {  	s3 =	rddreg [dreg:$0x2];
	s4 =	simm.s32 $0x0;
	s14 =	simm.s32 $0xA000  }
0x5: {  	s15 =	simm.s32 $0x5;
	s17 =	simm.s32 $0x80;
	s18 =	simm.s32 $0xC000  }
0x6: {  	s20 =	simm.s32 $0xE000;
	s22 =	simm.s32 $0x10000;
	s23 =	simm.s32 $0x1  }
0x7: {  	s28 =	simm.s32 $0x9E00;
	s29 =	simm.s32 $0x9E80;
	s5 =	smul.u32 $0xA00, s8  }
0x8: {  	s30 =	simm.s32 $0x9F00;
	s31 =	simm.s32 $0x9F80;
	s7 =	smul.u32 $0x14000, s8  }
0x9: {  	s1 =	sand.u32 $0x1, s1;
	[smem:$0x7FF] =	sst s4;
	s8 =	smul.u32 $0x28000, s8  }
0xa: {  	s6 =	smul.u32 $0x140000, s1;
	_ =	strace $0x80000050;
	s25 =	ssub.s32 $0x2, s1  }
0xb: {  	p0 =	seq.s32 s1, $0x1;
	s1 =	simm.s32 $0x10800;
	s13 =	sadd.s32 s5, s0  }
0xc: {  	s26 =	sshrl.u32 s25, $0x1;
	s8 =	sshrl.u32 s8, $0x2;
	s1 =	simm.s32 @!p0 $0x1A800  }
0xd: {  	s24 =	sadd.s32 s7, s6;
	s12 =	ssub.s32 s25, s26;
	s10 =	sadd.s32 $0x5E00, s13  }
0xe: {  	s13 =	sadd.s32 s1, s13;
	s25 =	simm.s32 $0x3;
	s26 =	simm.s32 $0x4  }
0xf: {  	s1 =	simm.s32 $0x10;
	s5 =	sshrl.u32 s24, $0x3;
	s12 =	smax.u32 s12, $0x1  }
0x10: {  	s24 =	simm.s32 $0x2;
	s0 =	sadd.s32 s5, s0;
	s5 =	sadd.s32 s8, s3  }
0x11: {  	s6 =	sadd.s32 $0x2000, s5;
	s7 =	sadd.s32 $0x4000, s5;
	s8 =	sadd.s32 $0x6000, s5  }
0x12: {  	v0 =	vimm.f32 $0.0e+00;
	s9 =	sadd.s32 $0x8000, s5;
	s11 =	sadd.s32 $0x24800, s0;
	s0 =	simm.s32 $0x8  }
.LBB2_1:
0x13: {  	s19 =	simm.s32 $0x100;
	s16 =	simm.s32 $0x0  }
.LBB2_2:
0x14: {  	p0 =	sne.s32 s19, $0x7F00;
	[tilespmem:s16+$0xA030] =	vst v0;
	s21 =	smov.u32 s19;
	s19 =	sadd.s32 $0x100, s19  }
.Ltmp0:
0x15: {  	[tilespmem:s16+$0xA020] =	vst v0;
	(pc) =	sbr.rel @p0 .LBB2_2-.Ltmp0, $3  }
0x16: {  	[tilespmem:s16+$0xA000] =	vst v0  }
0x17: {  	[tilespmem:s16+$0xA010] =	vst v0;
	_ =	sdelay $0x1  }
0x18: {  	s16 =	sshra.s32 s21, $0x2  }
0x19: {  	[tilespmem:s16+$0xA030] =	vst v0  }
0x1a: {  	[tilespmem:s16+$0xA020] =	vst v0  }
0x1b: {  	[tilespmem:s16+$0xA000] =	vst v0  }
0x1c: {  	[tilespmem:s16+$0xA010] =	vst v0  }
0x1d: {  	[spmem:s5] =	stream.linear.scatter [tilespmem:s14], [sflag:$0x5], $0x2000, $0x38;
	[tilespmem:$0x1C000] =	vst v63  }
0x1e: {  	_ =	swait.ge [sflag:s15], $0x2000  }
0x1f: {  	[sflag:s15] =	ssyncset.done $0x0  }
0x20: {  	[sflag:s15] =	ssyncadd.s32 $0xFFFFE000  }
0x21: {  	[spmem:s6] =	stream.linear.scatter [tilespmem:s14], [sflag:$0x5], $0x2000, $0x38;
	[tilespmem:$0x1C000] =	vst v63  }
0x22: {  	_ =	swait.ge [sflag:s15], $0x2000  }
0x23: {  	[sflag:s15] =	ssyncset.done $0x0  }
0x24: {  	[sflag:s15] =	ssyncadd.s32 $0xFFFFE000  }
0x25: {  	[spmem:s7] =	stream.linear.scatter [tilespmem:s14], [sflag:$0x5], $0x2000, $0x38;
	[tilespmem:$0x1C000] =	vst v63  }
0x26: {  	_ =	swait.ge [sflag:s15], $0x2000  }
0x27: {  	[sflag:s15] =	ssyncset.done $0x0  }
0x28: {  	[sflag:s15] =	ssyncadd.s32 $0xFFFFE000  }
0x29: {  	[spmem:s8] =	stream.linear.scatter [tilespmem:s14], [sflag:$0x5], $0x2000, $0x38;
	[tilespmem:$0x1C000] =	vst v63  }
0x2a: {  	_ =	swait.ge [sflag:s15], $0x2000  }
0x2b: {  	[sflag:s15] =	ssyncset.done $0x0  }
0x2c: {  	[sflag:s15] =	ssyncadd.s32 $0xFFFFE000  }
0x2d: {  	[spmem:s9] =	stream.linear.scatter [tilespmem:s14], [sflag:$0x5], $0x2000, $0x38;
	[tilespmem:$0x1C000] =	vst v63  }
0x2e: {  	_ =	swait.ge [sflag:s15], $0x2000  }
0x2f: {  	[sflag:s15] =	ssyncset.done $0x0  }
0x30: {  	s21 =	simm.s32 $0x0;
	[sflag:s15] =	ssyncadd.s32 $0xFFFFE000  }
0x31: {  	[tilespmem:s21], [sflag:$0x5] =	stream.linear.gather [hbm4b:s13+s21], $0x5000, $0x38;
	[tilespmem:$0x1C000] =	vst v63  }
0x32: {  	_ =	swait.ge [sflag:s15], $0x5000  }
0x33: {  	[sflag:s15] =	ssyncset.done $0x0  }
0x34: {  	s19 =	simm.s32 $0x5000;
	[sflag:s15] =	ssyncadd.s32 $0xFFFFB000  }
0x35: {  	[tilespmem:s19], [sflag:$0x5] =	stream.linear.gather [hbm4b:s10+s21], $0x5000, $0x38;
	[tilespmem:$0x1C000] =	vst v63  }
0x36: {  	_ =	swait.ge [sflag:s15], $0x5000  }
0x37: {  	[sflag:s15] =	ssyncset.done $0x0  }
0x38: {  	[sflag:s15] =	ssyncadd.s32 $0xFFFFB000  }
0x39: {  	[bflag:$0x0] =	sbarrier.arrive $0xFFFF  }
0x3a: {  	[tilespmem:s14], [sflag:$0x1] =	stream.indirect.gather [hbm4b:s2+s17], $0x40, s21, s17, $0xb8;
	[tilespmem:$0x1C000] =	vst v63  }
0x3b: {  	_ = 	snop  }
0x3c: {  	[tilespmem:s18], [sflag:$0x2] =	stream.indirect.gather [hbm4b:s2+s17], $0x40, s17, s17, $0xb8;
	[tilespmem:$0x1C000] =	vst v63  }
0x3d: {  	s21 =	simm.s32 $0x100  }
0x3e: {  	[tilespmem:s20], [sflag:$0x3] =	stream.indirect.gather [hbm4b:s2+s17], $0x40, s21, s17, $0xb8;
	[tilespmem:$0x1C000] =	vst v63  }
0x3f: {  	s19 =	simm.s32 $0x180  }
0x40: {  	[tilespmem:s22], [sflag:$0x4] =	stream.indirect.gather [hbm4b:s2+s17], $0x40, s19, s17, $0xb8;
	[tilespmem:$0x1C000] =	vst v63  }
0x41: {  	_ =	swait.ge [sflag:s23], $0x2000  }
0x42: {  	[sflag:s23] =	ssyncset.done $0x0  }
0x43: {  	s21 =	simm.s32 $0x5000;
	[sflag:s23] =	ssyncadd.s32 $0xFFFFE000  }
0x44: {  	[spmem:s3] =	stream.indirect.scatter.add.f32 [tilespmem:s14], [sflag:$0x5], $0x40, s21, s17, $0xb8;
	[tilespmem:$0x1C000] =	vst v63  }
0x45: {  	_ =	swait.ge [sflag:s15], $0x2000  }
0x46: {  	[sflag:s15] =	ssyncset.done $0x0  }
0x47: {  	s19 =	simm.s32 $0x200;
	[sflag:s15] =	ssyncadd.s32 $0xFFFFE000  }
0x48: {  	[tilespmem:s14], [sflag:$0x1] =	stream.indirect.gather [hbm4b:s2+s17], $0x40, s19, s17, $0xb8;
	[tilespmem:$0x1C000] =	vst v63  }
0x49: {  	_ =	swait.ge [sflag:s24], $0x2000  }
0x4a: {  	[sflag:s24] =	ssyncset.done $0x0  }
0x4b: {  	s21 =	simm.s32 $0x5080;
	[sflag:s24] =	ssyncadd.s32 $0xFFFFE000  }
0x4c: {  	[spmem:s3] =	stream.indirect.scatter.add.f32 [tilespmem:s18], [sflag:$0x5], $0x40, s21, s17, $0xb8;
	[tilespmem:$0x1C000] =	vst v63  }
0x4d: {  	_ =	swait.ge [sflag:s15], $0x2000  }
0x4e: {  	[sflag:s15] =	ssyncset.done $0x0  }
0x4f: {  	s19 =	simm.s32 $0x280;
	[sflag:s15] =	ssyncadd.s32 $0xFFFFE000  }
0x50: {  	[tilespmem:s18], [sflag:$0x2] =	stream.indirect.gather [hbm4b:s2+s17], $0x40, s19, s17, $0xb8;
	[tilespmem:$0x1C000] =	vst v63  }
0x51: {  	_ =	swait.ge [sflag:s25], $0x2000  }
0x52: {  	[sflag:s25] =	ssyncset.done $0x0  }
0x53: {  	s21 =	simm.s32 $0x5100;
	[sflag:s25] =	ssyncadd.s32 $0xFFFFE000  }
0x54: {  	[spmem:s3] =	stream.indirect.scatter.add.f32 [tilespmem:s20], [sflag:$0x5], $0x40, s21, s17, $0xb8;
	[tilespmem:$0x1C000] =	vst v63  }
0x55: {  	_ =	swait.ge [sflag:s15], $0x2000  }
0x56: {  	[sflag:s15] =	ssyncset.done $0x0  }
0x57: {  	s19 =	simm.s32 $0x300;
	[sflag:s15] =	ssyncadd.s32 $0xFFFFE000  }
0x58: {  	[tilespmem:s20], [sflag:$0x3] =	stream.indirect.gather [hbm4b:s2+s17], $0x40, s19, s17, $0xb8;
	[tilespmem:$0x1C000] =	vst v63  }
0x59: {  	_ =	swait.ge [sflag:s26], $0x2000  }
0x5a: {  	[sflag:s26] =	ssyncset.done $0x0  }
0x5b: {  	s21 =	simm.s32 $0x5180;
	[sflag:s26] =	ssyncadd.s32 $0xFFFFE000  }
0x5c: {  	[spmem:s3] =	stream.indirect.scatter.add.f32 [tilespmem:s22], [sflag:$0x5], $0x40, s21, s17, $0xb8;
	[tilespmem:$0x1C000] =	vst v63  }
0x5d: {  	_ =	swait.ge [sflag:s15], $0x2000  }
0x5e: {  	[sflag:s15] =	ssyncset.done $0x0  }
0x5f: {  	s16 =	simm.s32 $0x800;
	s19 =	simm.s32 $0x380;
	[sflag:s15] =	ssyncadd.s32 $0xFFFFE000  }
.LBB2_4:
0x60: {  	[tilespmem:s22], [sflag:$0x4] =	stream.indirect.gather [hbm4b:s2+s17], $0x40, s19, s17, $0xb8;
	[tilespmem:$0x1C000] =	vst v63  }
0x61: {  	s19 =	smov.u32 s16  }
0x62: {  	p0 =	sne.s32 s16, $0x13000;
	s16 =	sadd.s32 $0x800, s16;
	_ =	swait.ge [sflag:s23], $0x2000  }
0x63: {  	s19 =	sshra.s32 s19, $0x2;
	[sflag:s23] =	ssyncset.done $0x0  }
0x64: {  	s21 =	sadd.s32 $0x5000, s19;
	[sflag:s23] =	ssyncadd.s32 $0xFFFFE000  }
0x65: {  	[spmem:s3] =	stream.indirect.scatter.add.f32 [tilespmem:s14], [sflag:$0x5], $0x40, s21, s17, $0xb8;
	[tilespmem:$0x1C000] =	vst v63  }
0x66: {  	_ =	swait.ge [sflag:s15], $0x2000  }
0x67: {  	[sflag:s15] =	ssyncset.done $0x0  }
0x68: {  	s21 =	sadd.s32 $0x200, s19;
	[sflag:s15] =	ssyncadd.s32 $0xFFFFE000  }
0x69: {  	[tilespmem:s14], [sflag:$0x1] =	stream.indirect.gather [hbm4b:s2+s17], $0x40, s21, s17, $0xb8;
	[tilespmem:$0x1C000] =	vst v63  }
0x6a: {  	_ =	swait.ge [sflag:s24], $0x2000  }
0x6b: {  	[sflag:s24] =	ssyncset.done $0x0  }
0x6c: {  	s21 =	sadd.s32 $0x5080, s19;
	[sflag:s24] =	ssyncadd.s32 $0xFFFFE000  }
0x6d: {  	[spmem:s3] =	stream.indirect.scatter.add.f32 [tilespmem:s18], [sflag:$0x5], $0x40, s21, s17, $0xb8;
	[tilespmem:$0x1C000] =	vst v63  }
0x6e: {  	_ =	swait.ge [sflag:s15], $0x2000  }
0x6f: {  	[sflag:s15] =	ssyncset.done $0x0  }
0x70: {  	s21 =	sadd.s32 $0x280, s19;
	[sflag:s15] =	ssyncadd.s32 $0xFFFFE000  }
0x71: {  	[tilespmem:s18], [sflag:$0x2] =	stream.indirect.gather [hbm4b:s2+s17], $0x40, s21, s17, $0xb8;
	[tilespmem:$0x1C000] =	vst v63  }
0x72: {  	_ =	swait.ge [sflag:s25], $0x2000  }
0x73: {  	[sflag:s25] =	ssyncset.done $0x0  }
0x74: {  	s21 =	sadd.s32 $0x5100, s19;
	[sflag:s25] =	ssyncadd.s32 $0xFFFFE000  }
0x75: {  	[spmem:s3] =	stream.indirect.scatter.add.f32 [tilespmem:s20], [sflag:$0x5], $0x40, s21, s17, $0xb8;
	[tilespmem:$0x1C000] =	vst v63  }
0x76: {  	_ =	swait.ge [sflag:s15], $0x2000  }
0x77: {  	[sflag:s15] =	ssyncset.done $0x0  }
0x78: {  	s21 =	sadd.s32 $0x300, s19;
	[sflag:s15] =	ssyncadd.s32 $0xFFFFE000  }
0x79: {  	[tilespmem:s20], [sflag:$0x3] =	stream.indirect.gather [hbm4b:s2+s17], $0x40, s21, s17, $0xb8;
	[tilespmem:$0x1C000] =	vst v63  }
0x7a: {  	_ =	swait.ge [sflag:s26], $0x2000  }
0x7b: {  	[sflag:s26] =	ssyncset.done $0x0  }
.Ltmp1:
0x7c: {  	s21 =	sadd.s32 $0x5180, s19;
	[sflag:s26] =	ssyncadd.s32 $0xFFFFE000;
	(pc) =	sbr.rel @p0 .LBB2_4-.Ltmp1, $4  }
0x7d: {  	[spmem:s3] =	stream.indirect.scatter.add.f32 [tilespmem:s22], [sflag:$0x5], $0x40, s21, s17, $0xb8;
	[tilespmem:$0x1C000] =	vst v63  }
0x7e: {  	_ =	swait.ge [sflag:s15], $0x2000  }
0x7f: {  	[sflag:s15] =	ssyncset.done $0x0  }
0x80: {  	s19 =	sadd.s32 $0x380, s19;
	[sflag:s15] =	ssyncadd.s32 $0xFFFFE000  }
0x81: {  	[tilespmem:s22], [sflag:$0x4] =	stream.indirect.gather [hbm4b:s2+s17], $0x40, s19, s17, $0xb8;
	[tilespmem:$0x1C000] =	vst v63  }
0x82: {  	_ =	swait.ge [sflag:s23], $0x2000  }
0x83: {  	[sflag:s23] =	ssyncset.done $0x0  }
0x84: {  	[sflag:s23] =	ssyncadd.s32 $0xFFFFE000  }
0x85: {  	[spmem:s3] =	stream.indirect.scatter.add.f32 [tilespmem:s14], [sflag:$0x5], $0x40, s28, s17, $0xb8;
	[tilespmem:$0x1C000] =	vst v63  }
0x86: {  	_ =	swait.ge [sflag:s15], $0x2000  }
0x87: {  	[sflag:s15] =	ssyncset.done $0x0  }
0x88: {  	[sflag:s15] =	ssyncadd.s32 $0xFFFFE000  }
0x89: {  	_ =	swait.ge [sflag:s24], $0x2000  }
0x8a: {  	[sflag:s24] =	ssyncset.done $0x0  }
0x8b: {  	[sflag:s24] =	ssyncadd.s32 $0xFFFFE000  }
0x8c: {  	[spmem:s3] =	stream.indirect.scatter.add.f32 [tilespmem:s18], [sflag:$0x5], $0x40, s29, s17, $0xb8;
	[tilespmem:$0x1C000] =	vst v63  }
0x8d: {  	_ =	swait.ge [sflag:s15], $0x2000  }
0x8e: {  	[sflag:s15] =	ssyncset.done $0x0  }
0x8f: {  	[sflag:s15] =	ssyncadd.s32 $0xFFFFE000  }
0x90: {  	_ =	swait.ge [sflag:s25], $0x2000  }
0x91: {  	[sflag:s25] =	ssyncset.done $0x0  }
0x92: {  	[sflag:s25] =	ssyncadd.s32 $0xFFFFE000  }
0x93: {  	[spmem:s3] =	stream.indirect.scatter.add.f32 [tilespmem:s20], [sflag:$0x5], $0x40, s30, s17, $0xb8;
	[tilespmem:$0x1C000] =	vst v63  }
0x94: {  	_ =	swait.ge [sflag:s15], $0x2000  }
0x95: {  	[sflag:s15] =	ssyncset.done $0x0  }
0x96: {  	[sflag:s15] =	ssyncadd.s32 $0xFFFFE000  }
0x97: {  	_ =	swait.ge [sflag:s26], $0x2000  }
0x98: {  	[sflag:s26] =	ssyncset.done $0x0  }
0x99: {  	[sflag:s26] =	ssyncadd.s32 $0xFFFFE000  }
0x9a: {  	[spmem:s3] =	stream.indirect.scatter.add.f32 [tilespmem:s22], [sflag:$0x5], $0x40, s31, s17, $0xb8;
	[tilespmem:$0x1C000] =	vst v63  }
0x9b: {  	s16 =	stileid.u32;
	_ =	swait.ge [sflag:s15], $0x2000  }
0x9c: {  	s21 =	sshrl.u32 s5, $0x3;
	s4 =	sadd.s32 $0x1, s4;
	[sflag:s15] =	ssyncset.done $0x0  }
0x9d: {  	s16 =	sshll.u32 s16, $0x6;
	p0 =	sne.s32 s4, s12;
	[sflag:s15] =	ssyncadd.s32 $0xFFFFE000  }
.Ltmp2:
0x9e: {  	s16 =	sor.u32 $0x1C05, s16;
	[bflag:$0x0] =	sbarrier.arrive $0xFFFF;
	(pc) =	sbr.rel @p0 .LBB2_1-.Ltmp2, $4  }
0x9f: {  	[hbm:s11@s1], [sflag:s16] =	dma.strided [spmem:s21@s0], $0x1400, s23, $0x8   }
0xa0: {  	_ =	swait.ge [sflag:s15], $0x1400  }
0xa1: {  	[sflag:s15] =	ssyncset.done $0x0  }
0xa2: {  	[sflag:s15] =	ssyncadd.s32 $0xFFFFEC00  }
0xa3: {  	_ =	sfence.sel $0x180000  }
0xa4: {  	[bflag:$0x0] =	sbarrier.arrive $0xFFFF  }
0xa5: {  	_ =	strace $0x90000050  }
0xa6: {  	s0 =	stileid.u32;
	[bflag:$0x2] =	sbarrier.arrive $0xFFFF  }
0xa7: {  	p0 =	sne.s32 s0, $0x0;
	s0 =	rddreg [dreg:$0x3]  }
0xa8: {  	s0 =	sadd.s32 @!p0 $0x100000, s0  }
0xa9: {  	[sflag:s0] =	ssyncadd.tile.s32 @!p0 $0x1;
	_ =	shalt  }
.Lfunc_end2:
_tile_overlayer_lowered:
.L_overlay_start_2:
0xaa: {  	(tag) =	ssettag $0x2  }
0xab: {  	s0 =	rddreg [dreg:$0x0];
	s2 =	stileid.u32  }
0xac: {  	s1 =	rddreg [dreg:$0x1];
	p0 =	sne.s32 s2, $0x0  }
0xad: {  	s3 =	rddreg [dreg:$0x2];
	[bflag:$0x3] =	sbarrier.arrive $0xFFFF;
	s2 =	simm.s32 @!p0 $0x1C05  }
0xae: {  	[timem:s3], [sflag:s2] =	dma.local @!p0 [hbm:s0], s1  }
0xaf: {  	s0 =	simm.s32 @!p0 $0x5  }
0xb0: {  	_ =	swait.ge @!p0 [sflag:s0], s1  }
0xb1: {  	s1 =	ssub.s32 @!p0 $0x0, s1;
	[sflag:s0] =	ssyncset.done @!p0 $0x0  }
0xb2: {  	[sflag:s0] =	ssyncadd.s32 @!p0 s1  }
0xb3: {  	[bflag:$0x3] =	sbarrier.arrive $0xFFFF  }
0xb4: {  	_ =	shalt  }

</sc_bundles>
